<compile_context>
chip_gen: v7x
topology: tpu7x:2x2x1
jax: 0.10.2.dev20260603
libtpu: 0.0.44.dev20260713+nightly
codegen_flags: <defaults>
</compile_context>

<pallas_src>
import functools

import jax
import jax.numpy as jnp
from jax import lax
from jax.experimental import pallas as pl
from jax.experimental.pallas import tpu as pltpu
from jax.experimental.pallas import tpu_sc as plsc

N = 10000
E = 320000
D = 128
H = 8
F = 16
HF = H * F
TBL = HF + 2 * H
NPAD = 10240
RB = 1280
NTC = NPAD // RB
NS = 16
C = 64
IBLK = 20
NIB = 16
KCH = NIB * IBLK
EPW = KCH * C
EPAD = NS * EPW
RPS = NPAD // NS

_HIGH = jax.lax.Precision.HIGHEST


def _dot(a, b):
    return jnp.dot(a, b, precision=_HIGH, preferred_element_type=jnp.float32)


def _prologue_body(x_ref, p_ref, w0_ref, a0_ref, w1_ref, a1_ref,
                   f0_ref, el0_ref, er0_ref, f1_ref, el1_ref, er1_ref):
    xb = x_ref[...]
    perm = p_ref[...]
    z8 = jnp.zeros((RB, H), jnp.float32)
    for w_ref, a_ref, f_ref, el_ref, er_ref in (
            (w0_ref, a0_ref, f0_ref, el0_ref, er0_ref),
            (w1_ref, a1_ref, f1_ref, el1_ref, er1_ref)):
        feat = _dot(xb, w_ref[...])
        elr = _dot(feat, a_ref[...])
        f_ref[...] = _dot(feat, perm).astype(jnp.bfloat16)
        el_ref[...] = jnp.concatenate([elr[:, :H], z8], axis=1)
        er_ref[...] = jnp.concatenate([elr[:, H:], z8], axis=1)


def _prologue(x_pad, P, W0, A0, W1, A1):
    full = lambda s: pl.BlockSpec(s, lambda i: (0, 0))
    return pl.pallas_call(
        _prologue_body,
        grid=(NTC,),
        in_specs=[
            pl.BlockSpec((RB, D), lambda i: (i, 0)),
            full((HF, HF)),
            full((D, HF)), full((D, 2 * H)),
            full((D, HF)), full((D, 2 * H)),
        ],
        out_specs=[
            pl.BlockSpec((RB, HF), lambda i: (i, 0)),
            pl.BlockSpec((RB, 16), lambda i: (i, 0)),
            pl.BlockSpec((RB, 16), lambda i: (i, 0)),
            pl.BlockSpec((RB, HF), lambda i: (i, 0)),
            pl.BlockSpec((RB, 16), lambda i: (i, 0)),
            pl.BlockSpec((RB, 16), lambda i: (i, 0)),
        ],
        out_shape=[
            jax.ShapeDtypeStruct((NPAD, HF), jnp.bfloat16),
            jax.ShapeDtypeStruct((NPAD, 16), jnp.float32),
            jax.ShapeDtypeStruct((NPAD, 16), jnp.float32),
            jax.ShapeDtypeStruct((NPAD, HF), jnp.bfloat16),
            jax.ShapeDtypeStruct((NPAD, 16), jnp.float32),
            jax.ShapeDtypeStruct((NPAD, 16), jnp.float32),
        ],
    )(x_pad, P, W0, A0, W1, A1)


def _bcast16(v, h):
    idx = jnp.full((16, 1), h, dtype=jnp.int32)
    dn = lax.GatherDimensionNumbers(
        offset_dims=(), collapsed_slice_dims=(0,), start_index_map=(0,))
    return lax.gather(v, idx, dn, slice_sizes=(1,),
                      mode=lax.GatherScatterMode.PROMISE_IN_BOUNDS)


def _edge_chunk(fb_v, els_v, erd_v, out_v):
    @plsc.parallel_loop(0, C, unroll=2)
    def _edge(i):
        v = els_v[i, :]
        w = erd_v[i, :]
        e = v + w
        e = jnp.maximum(e, 0.2 * e)
        p = jnp.exp(e)
        out_v[i, pl.ds(HF, 16)] = p
        for g in range(4):
            fb = fb_v[i, pl.ds(32 * g, 32)]
            a, b = plsc.unpack(fb, format=plsc.PackFormat.INTERLEAVED,
                               preferred_element_type=jnp.float32)
            out_v[i, pl.ds(32 * g, 16)] = a * _bcast16(p, 2 * g)
            out_v[i, pl.ds(32 * g + 16, 16)] = b * _bcast16(p, 2 * g + 1)


def _run_metapath(feat_hbm, el_hbm, er_hbm, src_hbm, dst_hbm, zeros_hbm, sid,
                  srcs_v, dsts_v, fb_v, els_v, erd_v, out_v,
                  gsems, ssems, isems, acc):
    def _issue(b, sl, dsl, j):
        pltpu.async_copy(feat_hbm.at[srcs_v.at[sl, j]], fb_v.at[b],
                         gsems[3 * b])
        pltpu.async_copy(el_hbm.at[srcs_v.at[sl, j]], els_v.at[b],
                         gsems[3 * b + 1])
        pltpu.async_copy(er_hbm.at[dsts_v.at[dsl, j]], erd_v.at[b],
                         gsems[3 * b + 2])

    def _await_gather(b):
        pltpu.make_async_copy(feat_hbm.at[srcs_v.at[0, 0]], fb_v.at[b],
                              gsems[3 * b]).wait()
        pltpu.make_async_copy(el_hbm.at[srcs_v.at[0, 0]], els_v.at[b],
                              gsems[3 * b + 1]).wait()
        pltpu.make_async_copy(er_hbm.at[dsts_v.at[0, 0]], erd_v.at[b],
                              gsems[3 * b + 2]).wait()

    def _issue_scatter(b, dsl, j):
        pltpu.async_copy(out_v.at[b], acc.at[dsts_v.at[dsl, j]], ssems[b],
                         add=True)

    def _await_scatter(b):
        pltpu.make_async_copy(out_v.at[b], acc.at[dsts_v.at[0, 0]],
                              ssems[b]).wait()

    pltpu.sync_copy(src_hbm.at[sid, 0], srcs_v.at[0])
    pltpu.sync_copy(dst_hbm.at[sid, 0], dsts_v.at[0])

    for b in range(2):
        pltpu.sync_copy(zeros_hbm.at[pl.ds(0, C)], out_v.at[b])
        _issue_scatter(b, 0, b)
    _issue(0, 0, 0, 0)
    _issue(1, 0, 0, 1)

    @pl.loop(0, NIB)
    def _block(ib):
        sl = ib % 2
        dsl = ib % 3
        nsl = (ib + 1) % 2
        ndsl = (ib + 1) % 3

        @pl.when(ib + 1 < NIB)
        def _():
            pltpu.async_copy(src_hbm.at[sid, ib + 1], srcs_v.at[nsl],
                             isems[0])
            pltpu.async_copy(dst_hbm.at[sid, ib + 1], dsts_v.at[ndsl],
                             isems[1])

        @pl.loop(0, IBLK, step=2)
        def _chunk(l):
            for b in range(2):
                ll = l + b
                _await_gather(b)
                _await_scatter(b)
                _edge_chunk(fb_v.at[b], els_v.at[b], erd_v.at[b], out_v.at[b])
                _issue_scatter(b, dsl, ll)

                @pl.when(ll + 2 < IBLK)
                def _():
                    _issue(b, sl, dsl, ll + 2)

        @pl.when(ib + 1 < NIB)
        def _():
            pltpu.make_async_copy(src_hbm.at[sid, 0], srcs_v.at[0],
                                  isems[0]).wait()
            pltpu.make_async_copy(dst_hbm.at[sid, 0], dsts_v.at[0],
                                  isems[1]).wait()
            _issue(0, nsl, ndsl, 0)
            _issue(1, nsl, ndsl, 1)

    _await_scatter(0)
    _await_scatter(1)


def _sc_edge_body(f0_hbm, el0_hbm, er0_hbm, f1_hbm, el1_hbm, er1_hbm,
                  src0_hbm, dst0_hbm, src1_hbm, dst1_hbm, zeros_hbm, out_hbm,
                  srcs_v, dsts_v, fb_v, els_v, erd_v, out_v,
                  g0, g1, g2, g3, g4, g5, s0, s1, i0, i1, acc):
    cid = lax.axis_index("c")
    sid = lax.axis_index("s")
    r0 = sid * RPS
    pltpu.sync_copy(zeros_hbm.at[pl.ds(r0, RPS)], acc.at[pl.ds(r0, RPS)])
    plsc.subcore_barrier()

    gsems = (g0, g1, g2, g3, g4, g5)
    ssems = (s0, s1)
    isems = (i0, i1)

    @pl.when(cid == 0)
    def _():
        _run_metapath(f0_hbm, el0_hbm, er0_hbm, src0_hbm, dst0_hbm,
                      zeros_hbm, sid, srcs_v, dsts_v, fb_v, els_v, erd_v,
                      out_v, gsems, ssems, isems, acc)

    @pl.when(cid == 1)
    def _():
        _run_metapath(f1_hbm, el1_hbm, er1_hbm, src1_hbm, dst1_hbm,
                      zeros_hbm, sid, srcs_v, dsts_v, fb_v, els_v, erd_v,
                      out_v, gsems, ssems, isems, acc)

    plsc.subcore_barrier()
    pltpu.sync_copy(acc.at[pl.ds(r0, RPS)], out_hbm.at[cid, pl.ds(r0, RPS)])


_sc_edge_pass = pl.kernel(
    _sc_edge_body,
    out_type=jax.ShapeDtypeStruct((2, NPAD, TBL), jnp.float32),
    mesh=plsc.VectorSubcoreMesh(core_axis_name="c", subcore_axis_name="s"),
    compiler_params=pltpu.CompilerParams(use_tc_tiling_on_sc=False,
                                         needs_layout_passes=False),
    scratch_types=[
        pltpu.VMEM((2, IBLK, C), jnp.int32),
        pltpu.VMEM((3, IBLK, C), jnp.int32),
        pltpu.VMEM((2, C, HF), jnp.bfloat16),
        pltpu.VMEM((2, C, 16), jnp.float32),
        pltpu.VMEM((2, C, 16), jnp.float32),
        pltpu.VMEM((2, C, TBL), jnp.float32),
        pltpu.SemaphoreType.DMA,
        pltpu.SemaphoreType.DMA,
        pltpu.SemaphoreType.DMA,
        pltpu.SemaphoreType.DMA,
        pltpu.SemaphoreType.DMA,
        pltpu.SemaphoreType.DMA,
        pltpu.SemaphoreType.DMA,
        pltpu.SemaphoreType.DMA,
        pltpu.SemaphoreType.DMA,
        pltpu.SemaphoreType.DMA,
        pltpu.VMEM_SHARED((NPAD, TBL), jnp.float32),
    ],
)


def _elu(x):
    return jnp.where(x > 0, x, jnp.exp(jnp.minimum(x, 0.0)) - 1.0)


def _merge_body(p_ref, b0_ref, b1_ref, ws1_ref, bs1_ref, ws2_ref,
                brd_ref, z0_ref, z1_ref, sums_ref):
    i = pl.program_id(0)
    brd = brd_ref[...]
    zs = []
    for k, b_ref in ((0, b0_ref), (1, b1_ref)):
        m = p_ref[k]
        num = m[:, :HF]
        den = m[:, HF:HF + H]
        rec = 1.0 / (den + 1e-9)
        recb = _dot(rec, brd)
        zs.append(_elu(num * recb + b_ref[...]))
    z0_ref[...] = zs[0]
    z1_ref[...] = zs[1]
    rows = i * RB + lax.broadcasted_iota(jnp.int32, (RB, 1), 0)
    mask = rows < N
    lane = lax.broadcasted_iota(jnp.int32, (1, HF), 1)
    acc = jnp.zeros((1, HF), jnp.float32)
    for k, z in enumerate(zs):
        t = _dot(jnp.tanh(_dot(z, ws1_ref[...]) + bs1_ref[...]), ws2_ref[...])
        s = jnp.sum(jnp.where(mask, t, 0.0))
        acc = acc + jnp.where(lane == k, s, 0.0)
    sums_ref[pl.ds(i, 1), :] = acc


def _merge(parts, b0, b1, Ws1, bs1, Ws2, Brd):
    full = lambda s: pl.BlockSpec(s, lambda i: (0, 0))
    return pl.pallas_call(
        _merge_body,
        grid=(NTC,),
        in_specs=[
            pl.BlockSpec((2, RB, TBL), lambda i: (0, i, 0)),
            full((1, HF)), full((1, HF)),
            full((HF, HF)), full((1, HF)), full((HF, 1)),
            full((H, HF)),
        ],
        out_specs=[
            pl.BlockSpec((RB, HF), lambda i: (i, 0)),
            pl.BlockSpec((RB, HF), lambda i: (i, 0)),
            pl.BlockSpec((NTC, HF), lambda i: (0, 0)),
        ],
        out_shape=[
            jax.ShapeDtypeStruct((NPAD, HF), jnp.float32),
            jax.ShapeDtypeStruct((NPAD, HF), jnp.float32),
            jax.ShapeDtypeStruct((NTC, HF), jnp.float32),
        ],
    )(parts, b0, b1, Ws1, bs1, Ws2, Brd)


FB = 2000


def _final_body(z0_ref, z1_ref, sums_ref, o_ref):
    s = sums_ref[...]
    w0 = jnp.sum(s[:, 0]) / N
    w1 = jnp.sum(s[:, 1]) / N
    m = jnp.maximum(w0, w1)
    e0 = jnp.exp(w0 - m)
    e1 = jnp.exp(w1 - m)
    beta0 = e0 / (e0 + e1)
    beta1 = e1 / (e0 + e1)
    o_ref[...] = beta0 * z0_ref[...] + beta1 * z1_ref[...]


def _final(z0, z1, sums):
    return pl.pallas_call(
        _final_body,
        grid=(N // FB,),
        in_specs=[
            pl.BlockSpec((FB, HF), lambda i: (i, 0)),
            pl.BlockSpec((FB, HF), lambda i: (i, 0)),
            pl.BlockSpec((NTC, HF), lambda i: (0, 0)),
        ],
        out_specs=pl.BlockSpec((FB, HF), lambda i: (i, 0)),
        out_shape=jax.ShapeDtypeStruct((N, HF), jnp.float32),
    )(z0, z1, sums)


def _attn_mat(attn_l, attn_r):
    eye = jnp.eye(H, dtype=jnp.float32)
    al = (attn_l[:, :, None] * eye[:, None, :]).reshape(HF, H)
    ar = (attn_r[:, :, None] * eye[:, None, :]).reshape(HF, H)
    return jnp.concatenate([al, ar], axis=1)


def _perm_mat():
    j = jnp.arange(HF)
    g = j // 32
    r = j % 32
    src = 32 * g + (r % 2) * 16 + r // 2
    return (jnp.arange(HF)[:, None] == src[None, :]).astype(jnp.float32)


def _pad_edges(ei):
    src = jnp.concatenate(
        [ei[0], jnp.full((EPAD - E,), N, jnp.int32)]).reshape(NS, NIB, IBLK, C)
    dst = jnp.concatenate(
        [ei[1],
         jnp.full((EPAD - E,), NPAD - 1, jnp.int32)]).reshape(NS, NIB, IBLK, C)
    return src, dst


def kernel(x, edge_index_0, edge_index_1, W_g0, attn_l0, attn_r0, bias0,
           W_g1, attn_l1, attn_r1, bias1, W_s1, b_s1, W_s2):
    x_pad = jnp.zeros((NPAD, D), jnp.float32).at[:N].set(x)
    A0 = _attn_mat(attn_l0, attn_r0)
    A1 = _attn_mat(attn_l1, attn_r1)
    P = _perm_mat()
    eye = jnp.eye(H, dtype=jnp.float32)
    Brd = (eye[:, :, None] * jnp.ones((1, 1, F), jnp.float32)).reshape(H, HF)
    zeros_tbl = jnp.zeros((NPAD, TBL), jnp.float32)

    f0, el0, er0, f1, el1, er1 = _prologue(x_pad, P, W_g0, A0, W_g1, A1)

    src0, dst0 = _pad_edges(edge_index_0)
    src1, dst1 = _pad_edges(edge_index_1)
    parts = _sc_edge_pass(f0, el0, er0, f1, el1, er1,
                          src0, dst0, src1, dst1, zeros_tbl)

    z0, z1, sums = _merge(parts,
                          bias0.reshape(1, HF), bias1.reshape(1, HF),
                          W_s1, b_s1.reshape(1, HF), W_s2, Brd)
    return _final(z0, z1, sums)

# --- scband reference (transcript-rebuilt; emitter-appended) ---
"""Pipeline reference for scband-hanvul-classifier-2499670966293 (READ-ONLY COPY).

The authoritative reference and input builder live on the scoring server;
editing this copy changes nothing except your own understanding.
"""

import jax, jax.numpy as jnp
import numpy as np

N = 10000
E = 320000
D = 128
H = 8
F = 16
HID = 128


def setup_inputs(seed: int = 0) -> dict:
    key = jax.random.key(seed)
    ks = jax.random.split(key, 16)
    inp = {}
    inp["x"] = jax.random.normal(ks[0], (N, D), dtype=jnp.float32)
    inp["edge_index_0"] = jax.random.randint(ks[1], (2, E), 0, N, dtype=jnp.int32)
    inp["edge_index_1"] = jax.random.randint(ks[2], (2, E), 0, N, dtype=jnp.int32)
    # GAT layer 0 params (metapath 0)
    inp["W_g0"] = jax.random.normal(ks[3], (D, H * F), dtype=jnp.float32) * 0.1
    inp["attn_l0"] = jax.random.normal(ks[4], (H, F), dtype=jnp.float32) * 0.1
    inp["attn_r0"] = jax.random.normal(ks[5], (H, F), dtype=jnp.float32) * 0.1
    inp["bias0"] = jnp.zeros((H * F,), dtype=jnp.float32)
    # GAT layer 1 params (metapath 1)
    inp["W_g1"] = jax.random.normal(ks[6], (D, H * F), dtype=jnp.float32) * 0.1
    inp["attn_l1"] = jax.random.normal(ks[7], (H, F), dtype=jnp.float32) * 0.1
    inp["attn_r1"] = jax.random.normal(ks[8], (H, F), dtype=jnp.float32) * 0.1
    inp["bias1"] = jnp.zeros((H * F,), dtype=jnp.float32)
    # SemanticAttention params: in_size = H*F = 128, hidden = 128
    inp["W_s1"] = jax.random.normal(ks[9], (H * F, HID), dtype=jnp.float32) * 0.1
    inp["b_s1"] = jnp.zeros((HID,), dtype=jnp.float32)
    inp["W_s2"] = jax.random.normal(ks[10], (HID, 1), dtype=jnp.float32) * 0.1
    return inp


def _elu(x):
    return jnp.where(x > 0, x, jnp.exp(jnp.minimum(x, 0.0)) - 1.0)


def _gat_forward(x, ei, W, attn_l, attn_r, bias):
    feat = (x @ W).reshape(-1, H, F)           # [N, H, F]
    el = jnp.sum(feat * attn_l[None], axis=-1)  # [N, H]
    er = jnp.sum(feat * attn_r[None], axis=-1)  # [N, H]
    src = ei[0]
    dst = ei[1]
    e = el[src] + er[dst]                       # [E, H]
    e = jnp.where(e > 0, e, 0.2 * e)            # leaky_relu(0.2)
    emax = jax.ops.segment_max(e, dst, num_segments=N)
    emax = jnp.where(jnp.isfinite(emax), emax, 0.0)
    ex = jnp.exp(e - emax[dst])
    denom = jax.ops.segment_sum(ex, dst, num_segments=N)
    alpha = ex / (denom[dst] + 1e-9)            # edge softmax over dst
    msg = feat[src] * alpha[:, :, None]         # [E, H, F]
    out = jax.ops.segment_sum(msg, dst, num_segments=N)  # [N, H, F]
    out = out + bias.reshape(1, H, F)
    out = _elu(out)
    return out.reshape(N, H * F)


def _semantic_attention(z, W_s1, b_s1, W_s2):
    # z: [N, P, H*F]
    proj = jnp.tanh(z @ W_s1 + b_s1) @ W_s2     # [N, P, 1]
    w = proj.mean(axis=0)                       # [P, 1]
    beta = jax.nn.softmax(w, axis=0)            # [P, 1]
    return (beta[None, :, :] * z).sum(axis=1)   # [N, H*F]


def reference(x, edge_index_0, edge_index_1, W_g0, attn_l0, attn_r0, bias0, W_g1, attn_l1, attn_r1, bias1, W_s1, b_s1, W_s2):
    z0 = _gat_forward(x, edge_index_0, W_g0, attn_l0, attn_r0, bias0)
    z1 = _gat_forward(x, edge_index_1, W_g1, attn_l1, attn_r1, bias1)
    z = jnp.stack([z0, z1], axis=1)             # [N, 2, H*F]
    return _semantic_attention(z, W_s1, b_s1, W_s2)

if __name__ == "__main__":
    import jax
    _d = setup_inputs()
    print(jax.jit(kernel)(*tuple(_d.values())))

</pallas_src>

<mosaic_0001>
#map = affine_map<(d0, d1) -> (0, 0)>
#map1 = affine_map<(d0, d1) -> (0, 0, 0, 0)>
#map2 = affine_map<(d0, d1) -> (0, 0, 0)>
module attributes {stable_mosaic.version = 14 : i64} {
  func.func @_sc_edge_body(%arg0: i32, %arg1: i32, %arg2: memref<10240x128xbf16, #tpu.memory_space<hbm>>, %arg3: memref<10240x16xf32, #tpu.memory_space<hbm>>, %arg4: memref<10240x16xf32, #tpu.memory_space<hbm>>, %arg5: memref<10240x128xbf16, #tpu.memory_space<hbm>>, %arg6: memref<10240x16xf32, #tpu.memory_space<hbm>>, %arg7: memref<10240x16xf32, #tpu.memory_space<hbm>>, %arg8: memref<16x16x20x64xi32, #tpu.memory_space<hbm>>, %arg9: memref<16x16x20x64xi32, #tpu.memory_space<hbm>>, %arg10: memref<16x16x20x64xi32, #tpu.memory_space<hbm>>, %arg11: memref<16x16x20x64xi32, #tpu.memory_space<hbm>>, %arg12: memref<10240x144xf32, #tpu.memory_space<hbm>>, %arg13: memref<2x10240x144xf32, #tpu.memory_space<hbm>>, %arg14: memref<2x20x64xi32, #tpu.memory_space<vmem>>, %arg15: memref<3x20x64xi32, #tpu.memory_space<vmem>>, %arg16: memref<2x64x128xbf16, #tpu.memory_space<vmem>>, %arg17: memref<2x64x16xf32, #tpu.memory_space<vmem>>, %arg18: memref<2x64x16xf32, #tpu.memory_space<vmem>>, %arg19: memref<2x64x144xf32, #tpu.memory_space<vmem>>, %arg20: memref<!tpu.dma_semaphore, #tpu.memory_space<semaphore_mem>>, %arg21: memref<!tpu.dma_semaphore, #tpu.memory_space<semaphore_mem>>, %arg22: memref<!tpu.dma_semaphore, #tpu.memory_space<semaphore_mem>>, %arg23: memref<!tpu.dma_semaphore, #tpu.memory_space<semaphore_mem>>, %arg24: memref<!tpu.dma_semaphore, #tpu.memory_space<semaphore_mem>>, %arg25: memref<!tpu.dma_semaphore, #tpu.memory_space<semaphore_mem>>, %arg26: memref<!tpu.dma_semaphore, #tpu.memory_space<semaphore_mem>>, %arg27: memref<!tpu.dma_semaphore, #tpu.memory_space<semaphore_mem>>, %arg28: memref<!tpu.dma_semaphore, #tpu.memory_space<semaphore_mem>>, %arg29: memref<!tpu.dma_semaphore, #tpu.memory_space<semaphore_mem>>, %arg30: memref<10240x144xf32, #tpu.memory_space<vmem_shared>>) attributes {dimension_semantics = [#tpu.dimension_semantics<core_parallel>, #tpu.dimension_semantics<subcore_parallel>], iteration_bounds = array<i64: 2, 16>, scalar_prefetch = 0 : i64, scratch_operands = 17 : i64, tpu.core_type = #tpu.core_type<sc_vector_subcore>, window_params = [{transform_indices = #map}, {transform_indices = #map}, {transform_indices = #map}, {transform_indices = #map}, {transform_indices = #map}, {transform_indices = #map}, {transform_indices = #map1}, {transform_indices = #map1}, {transform_indices = #map1}, {transform_indices = #map1}, {transform_indices = #map}, {transform_indices = #map2}]} {
    %mul3A = arith.constant 640 : i32
    %mul3A_0 = arith.muli %arg1, %mul3A : i32
    "tpu.region"() ({
      %run_scoped3A = tpu.sem_alloc : memref<!tpu.dma_semaphore, #tpu.memory_space<semaphore_mem>>
      %dma_start3A = arith.constant 0 : i32
      %dma_start3A_9 = tpu.memref_slice %arg30[%mul3A_0, %dma_start3A] : memref<10240x144xf32, #tpu.memory_space<vmem_shared>> -> memref<640x144xf32, #tpu.memory_space<vmem_shared>>
      %dma_start3A_10 = arith.constant 0 : i32
      %dma_start3A_11 = tpu.memref_slice %arg12[%mul3A_0, %dma_start3A_10] : memref<10240x144xf32, #tpu.memory_space<hbm>> -> memref<640x144xf32, #tpu.memory_space<hbm>>
      tpu.enqueue_dma source(%dma_start3A_11 : memref<640x144xf32, #tpu.memory_space<hbm>>) target(%dma_start3A_9 : memref<640x144xf32, #tpu.memory_space<vmem_shared>>) target_semaphore(%run_scoped3A : memref<!tpu.dma_semaphore, #tpu.memory_space<semaphore_mem>>)
      %dma_wait3A = arith.constant 0 : i32
      %dma_wait3A_12 = tpu.memref_slice %arg30[%mul3A_0, %dma_wait3A] : memref<10240x144xf32, #tpu.memory_space<vmem_shared>> -> memref<640x144xf32, #tpu.memory_space<vmem_shared>>
      %dma_wait3A_13 = arith.constant 0 : i32
      %dma_wait3A_14 = tpu.memref_slice %arg12[%mul3A_0, %dma_wait3A_13] : memref<10240x144xf32, #tpu.memory_space<hbm>> -> memref<640x144xf32, #tpu.memory_space<hbm>>
      tpu.wait_dma2 semaphore(%run_scoped3A : memref<!tpu.dma_semaphore, #tpu.memory_space<semaphore_mem>>) src(%dma_wait3A_14 : memref<640x144xf32, #tpu.memory_space<hbm>>) dst(%dma_wait3A_12 : memref<640x144xf32, #tpu.memory_space<vmem_shared>>)
      tpu.yield
    }) : () -> ()
    %barrier3A = arith.constant 0 : index
    tpu.barrier barrier_id(%barrier3A)
    %eq3A = arith.constant 0 : i32
    %eq3A_1 = arith.cmpi eq, %arg0, %eq3A : i32
    %convert_element_type3A = arith.extui %eq3A_1 : i1 to i32
    %cond3A = arith.constant 0 : i32
    %cond3A_2 = arith.cmpi ne, %convert_element_type3A, %cond3A : i32
    scf.if %cond3A_2 {
      %run_scoped3A = arith.constant 0 : i32
      %run_scoped3A_9 = arith.constant 0 : i32
      "tpu.region"() ({
        %run_scoped3A_146 = tpu.sem_alloc : memref<!tpu.dma_semaphore, #tpu.memory_space<semaphore_mem>>
        %dma_start3A_147 = arith.constant 0 : i32
        %dma_start3A_148 = arith.constant 0 : i32
        %dma_start3A_149 = tpu.memref_slice %arg14[%run_scoped3A_9, %dma_start3A_147, %dma_start3A_148] : memref<2x20x64xi32, #tpu.memory_space<vmem>> -> memref<1x20x64xi32, #tpu.memory_space<vmem>>
        %dma_start3A_150 = tpu.memref_squeeze %dma_start3A_149 : memref<1x20x64xi32, #tpu.memory_space<vmem>> -> memref<20x64xi32, #tpu.memory_space<vmem>>
        %dma_start3A_151 = arith.constant 0 : i32
        %dma_start3A_152 = arith.constant 0 : i32
        %dma_start3A_153 = tpu.memref_slice %arg8[%arg1, %run_scoped3A, %dma_start3A_151, %dma_start3A_152] : memref<16x16x20x64xi32, #tpu.memory_space<hbm>> -> memref<1x1x20x64xi32, #tpu.memory_space<hbm>>
        %dma_start3A_154 = tpu.memref_squeeze %dma_start3A_153 : memref<1x1x20x64xi32, #tpu.memory_space<hbm>> -> memref<20x64xi32, #tpu.memory_space<hbm>>
        %dma_start3A_155 = arith.constant 0 : i32
        %dma_start3A_156 = arith.constant 0 : i32
        %dma_start3A_157 = tpu.memref_slice %arg14[%run_scoped3A_9, %dma_start3A_155, %dma_start3A_156] : memref<2x20x64xi32, #tpu.memory_space<vmem>> -> memref<1x20x64xi32, #tpu.memory_space<vmem>>
        %dma_start3A_158 = tpu.memref_squeeze %dma_start3A_157 : memref<1x20x64xi32, #tpu.memory_space<vmem>> -> memref<20x64xi32, #tpu.memory_space<vmem>>
        %dma_start3A_159 = arith.constant 0 : i32
        %dma_start3A_160 = arith.constant 0 : i32
        %dma_start3A_161 = tpu.memref_slice %arg8[%arg1, %run_scoped3A, %dma_start3A_159, %dma_start3A_160] : memref<16x16x20x64xi32, #tpu.memory_space<hbm>> -> memref<1x1x20x64xi32, #tpu.memory_space<hbm>>
        %dma_start3A_162 = tpu.memref_squeeze %dma_start3A_161 : memref<1x1x20x64xi32, #tpu.memory_space<hbm>> -> memref<20x64xi32, #tpu.memory_space<hbm>>
        tpu.enqueue_dma source(%dma_start3A_162 : memref<20x64xi32, #tpu.memory_space<hbm>>) target(%dma_start3A_158 : memref<20x64xi32, #tpu.memory_space<vmem>>) target_semaphore(%run_scoped3A_146 : memref<!tpu.dma_semaphore, #tpu.memory_space<semaphore_mem>>)
        %dma_wait3A_163 = arith.constant 0 : i32
        %dma_wait3A_164 = arith.constant 0 : i32
        %dma_wait3A_165 = tpu.memref_slice %arg14[%run_scoped3A_9, %dma_wait3A_163, %dma_wait3A_164] : memref<2x20x64xi32, #tpu.memory_space<vmem>> -> memref<1x20x64xi32, #tpu.memory_space<vmem>>
        %dma_wait3A_166 = tpu.memref_squeeze %dma_wait3A_165 : memref<1x20x64xi32, #tpu.memory_space<vmem>> -> memref<20x64xi32, #tpu.memory_space<vmem>>
        %dma_wait3A_167 = arith.constant 0 : i32
        %dma_wait3A_168 = arith.constant 0 : i32
        %dma_wait3A_169 = tpu.memref_slice %arg8[%arg1, %run_scoped3A, %dma_wait3A_167, %dma_wait3A_168] : memref<16x16x20x64xi32, #tpu.memory_space<hbm>> -> memref<1x1x20x64xi32, #tpu.memory_space<hbm>>
        %dma_wait3A_170 = tpu.memref_squeeze %dma_wait3A_169 : memref<1x1x20x64xi32, #tpu.memory_space<hbm>> -> memref<20x64xi32, #tpu.memory_space<hbm>>
        %dma_wait3A_171 = arith.constant 0 : i32
        %dma_wait3A_172 = arith.constant 0 : i32
        %dma_wait3A_173 = tpu.memref_slice %arg14[%run_scoped3A_9, %dma_wait3A_171, %dma_wait3A_172] : memref<2x20x64xi32, #tpu.memory_space<vmem>> -> memref<1x20x64xi32, #tpu.memory_space<vmem>>
        %dma_wait3A_174 = tpu.memref_squeeze %dma_wait3A_173 : memref<1x20x64xi32, #tpu.memory_space<vmem>> -> memref<20x64xi32, #tpu.memory_space<vmem>>
        %dma_wait3A_175 = arith.constant 0 : i32
        %dma_wait3A_176 = arith.constant 0 : i32
        %dma_wait3A_177 = tpu.memref_slice %arg8[%arg1, %run_scoped3A, %dma_wait3A_175, %dma_wait3A_176] : memref<16x16x20x64xi32, #tpu.memory_space<hbm>> -> memref<1x1x20x64xi32, #tpu.memory_space<hbm>>
        %dma_wait3A_178 = tpu.memref_squeeze %dma_wait3A_177 : memref<1x1x20x64xi32, #tpu.memory_space<hbm>> -> memref<20x64xi32, #tpu.memory_space<hbm>>
        tpu.wait_dma2 semaphore(%run_scoped3A_146 : memref<!tpu.dma_semaphore, #tpu.memory_space<semaphore_mem>>) src(%dma_wait3A_178 : memref<20x64xi32, #tpu.memory_space<hbm>>) dst(%dma_wait3A_174 : memref<20x64xi32, #tpu.memory_space<vmem>>)
        tpu.yield
      }) : () -> ()
      %run_scoped3A_10 = arith.constant 0 : i32
      %run_scoped3A_11 = arith.constant 0 : i32
      "tpu.region"() ({
        %run_scoped3A_146 = tpu.sem_alloc : memref<!tpu.dma_semaphore, #tpu.memory_space<semaphore_mem>>
        %dma_start3A_147 = arith.constant 0 : i32
        %dma_start3A_148 = arith.constant 0 : i32
        %dma_start3A_149 = tpu.memref_slice %arg15[%run_scoped3A_11, %dma_start3A_147, %dma_start3A_148] : memref<3x20x64xi32, #tpu.memory_space<vmem>> -> memref<1x20x64xi32, #tpu.memory_space<vmem>>
        %dma_start3A_150 = tpu.memref_squeeze %dma_start3A_149 : memref<1x20x64xi32, #tpu.memory_space<vmem>> -> memref<20x64xi32, #tpu.memory_space<vmem>>
        %dma_start3A_151 = arith.constant 0 : i32
        %dma_start3A_152 = arith.constant 0 : i32
        %dma_start3A_153 = tpu.memref_slice %arg9[%arg1, %run_scoped3A_10, %dma_start3A_151, %dma_start3A_152] : memref<16x16x20x64xi32, #tpu.memory_space<hbm>> -> memref<1x1x20x64xi32, #tpu.memory_space<hbm>>
        %dma_start3A_154 = tpu.memref_squeeze %dma_start3A_153 : memref<1x1x20x64xi32, #tpu.memory_space<hbm>> -> memref<20x64xi32, #tpu.memory_space<hbm>>
        %dma_start3A_155 = arith.constant 0 : i32
        %dma_start3A_156 = arith.constant 0 : i32
        %dma_start3A_157 = tpu.memref_slice %arg15[%run_scoped3A_11, %dma_start3A_155, %dma_start3A_156] : memref<3x20x64xi32, #tpu.memory_space<vmem>> -> memref<1x20x64xi32, #tpu.memory_space<vmem>>
        %dma_start3A_158 = tpu.memref_squeeze %dma_start3A_157 : memref<1x20x64xi32, #tpu.memory_space<vmem>> -> memref<20x64xi32, #tpu.memory_space<vmem>>
        %dma_start3A_159 = arith.constant 0 : i32
        %dma_start3A_160 = arith.constant 0 : i32
        %dma_start3A_161 = tpu.memref_slice %arg9[%arg1, %run_scoped3A_10, %dma_start3A_159, %dma_start3A_160] : memref<16x16x20x64xi32, #tpu.memory_space<hbm>> -> memref<1x1x20x64xi32, #tpu.memory_space<hbm>>
        %dma_start3A_162 = tpu.memref_squeeze %dma_start3A_161 : memref<1x1x20x64xi32, #tpu.memory_space<hbm>> -> memref<20x64xi32, #tpu.memory_space<hbm>>
        tpu.enqueue_dma source(%dma_start3A_162 : memref<20x64xi32, #tpu.memory_space<hbm>>) target(%dma_start3A_158 : memref<20x64xi32, #tpu.memory_space<vmem>>) target_semaphore(%run_scoped3A_146 : memref<!tpu.dma_semaphore, #tpu.memory_space<semaphore_mem>>)
        %dma_wait3A_163 = arith.constant 0 : i32
        %dma_wait3A_164 = arith.constant 0 : i32
        %dma_wait3A_165 = tpu.memref_slice %arg15[%run_scoped3A_11, %dma_wait3A_163, %dma_wait3A_164] : memref<3x20x64xi32, #tpu.memory_space<vmem>> -> memref<1x20x64xi32, #tpu.memory_space<vmem>>
        %dma_wait3A_166 = tpu.memref_squeeze %dma_wait3A_165 : memref<1x20x64xi32, #tpu.memory_space<vmem>> -> memref<20x64xi32, #tpu.memory_space<vmem>>
        %dma_wait3A_167 = arith.constant 0 : i32
        %dma_wait3A_168 = arith.constant 0 : i32
        %dma_wait3A_169 = tpu.memref_slice %arg9[%arg1, %run_scoped3A_10, %dma_wait3A_167, %dma_wait3A_168] : memref<16x16x20x64xi32, #tpu.memory_space<hbm>> -> memref<1x1x20x64xi32, #tpu.memory_space<hbm>>
        %dma_wait3A_170 = tpu.memref_squeeze %dma_wait3A_169 : memref<1x1x20x64xi32, #tpu.memory_space<hbm>> -> memref<20x64xi32, #tpu.memory_space<hbm>>
        %dma_wait3A_171 = arith.constant 0 : i32
        %dma_wait3A_172 = arith.constant 0 : i32
        %dma_wait3A_173 = tpu.memref_slice %arg15[%run_scoped3A_11, %dma_wait3A_171, %dma_wait3A_172] : memref<3x20x64xi32, #tpu.memory_space<vmem>> -> memref<1x20x64xi32, #tpu.memory_space<vmem>>
        %dma_wait3A_174 = tpu.memref_squeeze %dma_wait3A_173 : memref<1x20x64xi32, #tpu.memory_space<vmem>> -> memref<20x64xi32, #tpu.memory_space<vmem>>
        %dma_wait3A_175 = arith.constant 0 : i32
        %dma_wait3A_176 = arith.constant 0 : i32
        %dma_wait3A_177 = tpu.memref_slice %arg9[%arg1, %run_scoped3A_10, %dma_wait3A_175, %dma_wait3A_176] : memref<16x16x20x64xi32, #tpu.memory_space<hbm>> -> memref<1x1x20x64xi32, #tpu.memory_space<hbm>>
        %dma_wait3A_178 = tpu.memref_squeeze %dma_wait3A_177 : memref<1x1x20x64xi32, #tpu.memory_space<hbm>> -> memref<20x64xi32, #tpu.memory_space<hbm>>
        tpu.wait_dma2 semaphore(%run_scoped3A_146 : memref<!tpu.dma_semaphore, #tpu.memory_space<semaphore_mem>>) src(%dma_wait3A_178 : memref<20x64xi32, #tpu.memory_space<hbm>>) dst(%dma_wait3A_174 : memref<20x64xi32, #tpu.memory_space<vmem>>)
        tpu.yield
      }) : () -> ()
      %run_scoped3A_12 = arith.constant 0 : i32
      "tpu.region"() ({
        %run_scoped3A_146 = tpu.sem_alloc : memref<!tpu.dma_semaphore, #tpu.memory_space<semaphore_mem>>
        %dma_start3A_147 = arith.constant 0 : i32
        %dma_start3A_148 = arith.constant 0 : i32
        %dma_start3A_149 = tpu.memref_slice %arg19[%run_scoped3A_12, %dma_start3A_147, %dma_start3A_148] : memref<2x64x144xf32, #tpu.memory_space<vmem>> -> memref<1x64x144xf32, #tpu.memory_space<vmem>>
        %dma_start3A_150 = tpu.memref_squeeze %dma_start3A_149 : memref<1x64x144xf32, #tpu.memory_space<vmem>> -> memref<64x144xf32, #tpu.memory_space<vmem>>
        %dma_start3A_151 = arith.constant 0 : i32
        %dma_start3A_152 = arith.constant 0 : i32
        %dma_start3A_153 = tpu.memref_slice %arg12[%dma_start3A_151, %dma_start3A_152] : memref<10240x144xf32, #tpu.memory_space<hbm>> -> memref<64x144xf32, #tpu.memory_space<hbm>>
        %dma_start3A_154 = arith.constant 0 : i32
        %dma_start3A_155 = arith.constant 0 : i32
        %dma_start3A_156 = tpu.memref_slice %arg19[%run_scoped3A_12, %dma_start3A_154, %dma_start3A_155] : memref<2x64x144xf32, #tpu.memory_space<vmem>> -> memref<1x64x144xf32, #tpu.memory_space<vmem>>
        %dma_start3A_157 = tpu.memref_squeeze %dma_start3A_156 : memref<1x64x144xf32, #tpu.memory_space<vmem>> -> memref<64x144xf32, #tpu.memory_space<vmem>>
        %dma_start3A_158 = arith.constant 0 : i32
        %dma_start3A_159 = arith.constant 0 : i32
        %dma_start3A_160 = tpu.memref_slice %arg12[%dma_start3A_158, %dma_start3A_159] : memref<10240x144xf32, #tpu.memory_space<hbm>> -> memref<64x144xf32, #tpu.memory_space<hbm>>
        tpu.enqueue_dma source(%dma_start3A_160 : memref<64x144xf32, #tpu.memory_space<hbm>>) target(%dma_start3A_157 : memref<64x144xf32, #tpu.memory_space<vmem>>) target_semaphore(%run_scoped3A_146 : memref<!tpu.dma_semaphore, #tpu.memory_space<semaphore_mem>>)
        %dma_wait3A_161 = arith.constant 0 : i32
        %dma_wait3A_162 = arith.constant 0 : i32
        %dma_wait3A_163 = tpu.memref_slice %arg19[%run_scoped3A_12, %dma_wait3A_161, %dma_wait3A_162] : memref<2x64x144xf32, #tpu.memory_space<vmem>> -> memref<1x64x144xf32, #tpu.memory_space<vmem>>
        %dma_wait3A_164 = tpu.memref_squeeze %dma_wait3A_163 : memref<1x64x144xf32, #tpu.memory_space<vmem>> -> memref<64x144xf32, #tpu.memory_space<vmem>>
        %dma_wait3A_165 = arith.constant 0 : i32
        %dma_wait3A_166 = arith.constant 0 : i32
        %dma_wait3A_167 = tpu.memref_slice %arg12[%dma_wait3A_165, %dma_wait3A_166] : memref<10240x144xf32, #tpu.memory_space<hbm>> -> memref<64x144xf32, #tpu.memory_space<hbm>>
        %dma_wait3A_168 = arith.constant 0 : i32
        %dma_wait3A_169 = arith.constant 0 : i32
        %dma_wait3A_170 = tpu.memref_slice %arg19[%run_scoped3A_12, %dma_wait3A_168, %dma_wait3A_169] : memref<2x64x144xf32, #tpu.memory_space<vmem>> -> memref<1x64x144xf32, #tpu.memory_space<vmem>>
        %dma_wait3A_171 = tpu.memref_squeeze %dma_wait3A_170 : memref<1x64x144xf32, #tpu.memory_space<vmem>> -> memref<64x144xf32, #tpu.memory_space<vmem>>
        %dma_wait3A_172 = arith.constant 0 : i32
        %dma_wait3A_173 = arith.constant 0 : i32
        %dma_wait3A_174 = tpu.memref_slice %arg12[%dma_wait3A_172, %dma_wait3A_173] : memref<10240x144xf32, #tpu.memory_space<hbm>> -> memref<64x144xf32, #tpu.memory_space<hbm>>
        tpu.wait_dma2 semaphore(%run_scoped3A_146 : memref<!tpu.dma_semaphore, #tpu.memory_space<semaphore_mem>>) src(%dma_wait3A_174 : memref<64x144xf32, #tpu.memory_space<hbm>>) dst(%dma_wait3A_171 : memref<64x144xf32, #tpu.memory_space<vmem>>)
        tpu.yield
      }) : () -> ()
      %dma_start3A = arith.constant 0 : i32
      %dma_start3A_13 = arith.constant 0 : i32
      %dma_start3A_14 = arith.constant 0 : i32
      %dma_start3A_15 = arith.constant 0 : i32
      %dma_start3A_16 = arith.constant 0 : i32
      %dma_start3A_17 = tpu.memref_slice %arg19[%dma_start3A, %dma_start3A_15, %dma_start3A_16] : memref<2x64x144xf32, #tpu.memory_space<vmem>> -> memref<1x64x144xf32, #tpu.memory_space<vmem>>
      %dma_start3A_18 = tpu.memref_squeeze %dma_start3A_17 : memref<1x64x144xf32, #tpu.memory_space<vmem>> -> memref<64x144xf32, #tpu.memory_space<vmem>>
      %dma_start3A_19 = arith.constant 0 : i32
      %dma_start3A_20 = tpu.memref_slice %arg15[%dma_start3A_13, %dma_start3A_14, %dma_start3A_19] : memref<3x20x64xi32, #tpu.memory_space<vmem>> -> memref<1x1x64xi32, #tpu.memory_space<vmem>>
      %dma_start3A_21 = tpu.memref_squeeze %dma_start3A_20 : memref<1x1x64xi32, #tpu.memory_space<vmem>> -> memref<64xi32, #tpu.memory_space<vmem>>
      %dma_start3A_22 = arith.constant 0 : i32
      %dma_start3A_23 = arith.constant 0 : i32
      %dma_start3A_24 = tpu.memref_slice %arg30[%dma_start3A_22, %dma_start3A_23] : memref<10240x144xf32, #tpu.memory_space<vmem_shared>> -> memref<10240x144xf32, #tpu.memory_space<vmem_shared>>
      tpu.enqueue_indirect_dma source(%dma_start3A_18 : memref<64x144xf32, #tpu.memory_space<vmem>>) target(%dma_start3A_24 : memref<10240x144xf32, #tpu.memory_space<vmem_shared>>) offsets(%dma_start3A_21 : memref<64xi32, #tpu.memory_space<vmem>>) semaphore(%arg26 : memref<!tpu.dma_semaphore, #tpu.memory_space<semaphore_mem>>) {add = true}
      %run_scoped3A_25 = arith.constant 1 : i32
      "tpu.region"() ({
        %run_scoped3A_146 = tpu.sem_alloc : memref<!tpu.dma_semaphore, #tpu.memory_space<semaphore_mem>>
        %dma_start3A_147 = arith.constant 0 : i32
        %dma_start3A_148 = arith.constant 0 : i32
        %dma_start3A_149 = tpu.memref_slice %arg19[%run_scoped3A_25, %dma_start3A_147, %dma_start3A_148] : memref<2x64x144xf32, #tpu.memory_space<vmem>> -> memref<1x64x144xf32, #tpu.memory_space<vmem>>
        %dma_start3A_150 = tpu.memref_squeeze %dma_start3A_149 : memref<1x64x144xf32, #tpu.memory_space<vmem>> -> memref<64x144xf32, #tpu.memory_space<vmem>>
        %dma_start3A_151 = arith.constant 0 : i32
        %dma_start3A_152 = arith.constant 0 : i32
        %dma_start3A_153 = tpu.memref_slice %arg12[%dma_start3A_151, %dma_start3A_152] : memref<10240x144xf32, #tpu.memory_space<hbm>> -> memref<64x144xf32, #tpu.memory_space<hbm>>
        %dma_start3A_154 = arith.constant 0 : i32
        %dma_start3A_155 = arith.constant 0 : i32
        %dma_start3A_156 = tpu.memref_slice %arg19[%run_scoped3A_25, %dma_start3A_154, %dma_start3A_155] : memref<2x64x144xf32, #tpu.memory_space<vmem>> -> memref<1x64x144xf32, #tpu.memory_space<vmem>>
        %dma_start3A_157 = tpu.memref_squeeze %dma_start3A_156 : memref<1x64x144xf32, #tpu.memory_space<vmem>> -> memref<64x144xf32, #tpu.memory_space<vmem>>
        %dma_start3A_158 = arith.constant 0 : i32
        %dma_start3A_159 = arith.constant 0 : i32
        %dma_start3A_160 = tpu.memref_slice %arg12[%dma_start3A_158, %dma_start3A_159] : memref<10240x144xf32, #tpu.memory_space<hbm>> -> memref<64x144xf32, #tpu.memory_space<hbm>>
        tpu.enqueue_dma source(%dma_start3A_160 : memref<64x144xf32, #tpu.memory_space<hbm>>) target(%dma_start3A_157 : memref<64x144xf32, #tpu.memory_space<vmem>>) target_semaphore(%run_scoped3A_146 : memref<!tpu.dma_semaphore, #tpu.memory_space<semaphore_mem>>)
        %dma_wait3A_161 = arith.constant 0 : i32
        %dma_wait3A_162 = arith.constant 0 : i32
        %dma_wait3A_163 = tpu.memref_slice %arg19[%run_scoped3A_25, %dma_wait3A_161, %dma_wait3A_162] : memref<2x64x144xf32, #tpu.memory_space<vmem>> -> memref<1x64x144xf32, #tpu.memory_space<vmem>>
        %dma_wait3A_164 = tpu.memref_squeeze %dma_wait3A_163 : memref<1x64x144xf32, #tpu.memory_space<vmem>> -> memref<64x144xf32, #tpu.memory_space<vmem>>
        %dma_wait3A_165 = arith.constant 0 : i32
        %dma_wait3A_166 = arith.constant 0 : i32
        %dma_wait3A_167 = tpu.memref_slice %arg12[%dma_wait3A_165, %dma_wait3A_166] : memref<10240x144xf32, #tpu.memory_space<hbm>> -> memref<64x144xf32, #tpu.memory_space<hbm>>
        %dma_wait3A_168 = arith.constant 0 : i32
        %dma_wait3A_169 = arith.constant 0 : i32
        %dma_wait3A_170 = tpu.memref_slice %arg19[%run_scoped3A_25, %dma_wait3A_168, %dma_wait3A_169] : memref<2x64x144xf32, #tpu.memory_space<vmem>> -> memref<1x64x144xf32, #tpu.memory_space<vmem>>
        %dma_wait3A_171 = tpu.memref_squeeze %dma_wait3A_170 : memref<1x64x144xf32, #tpu.memory_space<vmem>> -> memref<64x144xf32, #tpu.memory_space<vmem>>
        %dma_wait3A_172 = arith.constant 0 : i32
        %dma_wait3A_173 = arith.constant 0 : i32
        %dma_wait3A_174 = tpu.memref_slice %arg12[%dma_wait3A_172, %dma_wait3A_173] : memref<10240x144xf32, #tpu.memory_space<hbm>> -> memref<64x144xf32, #tpu.memory_space<hbm>>
        tpu.wait_dma2 semaphore(%run_scoped3A_146 : memref<!tpu.dma_semaphore, #tpu.memory_space<semaphore_mem>>) src(%dma_wait3A_174 : memref<64x144xf32, #tpu.memory_space<hbm>>) dst(%dma_wait3A_171 : memref<64x144xf32, #tpu.memory_space<vmem>>)
        tpu.yield
      }) : () -> ()
      %dma_start3A_26 = arith.constant 1 : i32
      %dma_start3A_27 = arith.constant 0 : i32
      %dma_start3A_28 = arith.constant 1 : i32
      %dma_start3A_29 = arith.constant 0 : i32
      %dma_start3A_30 = arith.constant 0 : i32
      %dma_start3A_31 = tpu.memref_slice %arg19[%dma_start3A_26, %dma_start3A_29, %dma_start3A_30] : memref<2x64x144xf32, #tpu.memory_space<vmem>> -> memref<1x64x144xf32, #tpu.memory_space<vmem>>
      %dma_start3A_32 = tpu.memref_squeeze %dma_start3A_31 : memref<1x64x144xf32, #tpu.memory_space<vmem>> -> memref<64x144xf32, #tpu.memory_space<vmem>>
      %dma_start3A_33 = arith.constant 0 : i32
      %dma_start3A_34 = tpu.memref_slice %arg15[%dma_start3A_27, %dma_start3A_28, %dma_start3A_33] : memref<3x20x64xi32, #tpu.memory_space<vmem>> -> memref<1x1x64xi32, #tpu.memory_space<vmem>>
      %dma_start3A_35 = tpu.memref_squeeze %dma_start3A_34 : memref<1x1x64xi32, #tpu.memory_space<vmem>> -> memref<64xi32, #tpu.memory_space<vmem>>
      %dma_start3A_36 = arith.constant 0 : i32
      %dma_start3A_37 = arith.constant 0 : i32
      %dma_start3A_38 = tpu.memref_slice %arg30[%dma_start3A_36, %dma_start3A_37] : memref<10240x144xf32, #tpu.memory_space<vmem_shared>> -> memref<10240x144xf32, #tpu.memory_space<vmem_shared>>
      tpu.enqueue_indirect_dma source(%dma_start3A_32 : memref<64x144xf32, #tpu.memory_space<vmem>>) target(%dma_start3A_38 : memref<10240x144xf32, #tpu.memory_space<vmem_shared>>) offsets(%dma_start3A_35 : memref<64xi32, #tpu.memory_space<vmem>>) semaphore(%arg27 : memref<!tpu.dma_semaphore, #tpu.memory_space<semaphore_mem>>) {add = true}
      %dma_start3A_39 = arith.constant 0 : i32
      %dma_start3A_40 = arith.constant 0 : i32
      %dma_start3A_41 = arith.constant 0 : i32
      %dma_start3A_42 = arith.constant 0 : i32
      %dma_start3A_43 = arith.constant 0 : i32
      %dma_start3A_44 = tpu.memref_slice %arg16[%dma_start3A_41, %dma_start3A_42, %dma_start3A_43] : memref<2x64x128xbf16, #tpu.memory_space<vmem>> -> memref<1x64x128xbf16, #tpu.memory_space<vmem>>
      %dma_start3A_45 = tpu.memref_squeeze %dma_start3A_44 : memref<1x64x128xbf16, #tpu.memory_space<vmem>> -> memref<64x128xbf16, #tpu.memory_space<vmem>>
      %dma_start3A_46 = arith.constant 0 : i32
      %dma_start3A_47 = tpu.memref_slice %arg14[%dma_start3A_39, %dma_start3A_40, %dma_start3A_46] : memref<2x20x64xi32, #tpu.memory_space<vmem>> -> memref<1x1x64xi32, #tpu.memory_space<vmem>>
      %dma_start3A_48 = tpu.memref_squeeze %dma_start3A_47 : memref<1x1x64xi32, #tpu.memory_space<vmem>> -> memref<64xi32, #tpu.memory_space<vmem>>
      %dma_start3A_49 = arith.constant 0 : i32
      %dma_start3A_50 = arith.constant 0 : i32
      %dma_start3A_51 = tpu.memref_slice %arg2[%dma_start3A_49, %dma_start3A_50] : memref<10240x128xbf16, #tpu.memory_space<hbm>> -> memref<10240x128xbf16, #tpu.memory_space<hbm>>
      tpu.enqueue_indirect_dma source(%dma_start3A_51 : memref<10240x128xbf16, #tpu.memory_space<hbm>>) target(%dma_start3A_45 : memref<64x128xbf16, #tpu.memory_space<vmem>>) offsets(%dma_start3A_48 : memref<64xi32, #tpu.memory_space<vmem>>) semaphore(%arg20 : memref<!tpu.dma_semaphore, #tpu.memory_space<semaphore_mem>>)
      %dma_start3A_52 = arith.constant 0 : i32
      %dma_start3A_53 = arith.constant 0 : i32
      %dma_start3A_54 = arith.constant 0 : i32
      %dma_start3A_55 = arith.constant 0 : i32
      %dma_start3A_56 = arith.constant 0 : i32
      %dma_start3A_57 = tpu.memref_slice %arg17[%dma_start3A_54, %dma_start3A_55, %dma_start3A_56] : memref<2x64x16xf32, #tpu.memory_space<vmem>> -> memref<1x64x16xf32, #tpu.memory_space<vmem>>
      %dma_start3A_58 = tpu.memref_squeeze %dma_start3A_57 : memref<1x64x16xf32, #tpu.memory_space<vmem>> -> memref<64x16xf32, #tpu.memory_space<vmem>>
      %dma_start3A_59 = arith.constant 0 : i32
      %dma_start3A_60 = tpu.memref_slice %arg14[%dma_start3A_52, %dma_start3A_53, %dma_start3A_59] : memref<2x20x64xi32, #tpu.memory_space<vmem>> -> memref<1x1x64xi32, #tpu.memory_space<vmem>>
      %dma_start3A_61 = tpu.memref_squeeze %dma_start3A_60 : memref<1x1x64xi32, #tpu.memory_space<vmem>> -> memref<64xi32, #tpu.memory_space<vmem>>
      %dma_start3A_62 = arith.constant 0 : i32
      %dma_start3A_63 = arith.constant 0 : i32
      %dma_start3A_64 = tpu.memref_slice %arg3[%dma_start3A_62, %dma_start3A_63] : memref<10240x16xf32, #tpu.memory_space<hbm>> -> memref<10240x16xf32, #tpu.memory_space<hbm>>
      tpu.enqueue_indirect_dma source(%dma_start3A_64 : memref<10240x16xf32, #tpu.memory_space<hbm>>) target(%dma_start3A_58 : memref<64x16xf32, #tpu.memory_space<vmem>>) offsets(%dma_start3A_61 : memref<64xi32, #tpu.memory_space<vmem>>) semaphore(%arg21 : memref<!tpu.dma_semaphore, #tpu.memory_space<semaphore_mem>>)
      %dma_start3A_65 = arith.constant 0 : i32
      %dma_start3A_66 = arith.constant 0 : i32
      %dma_start3A_67 = arith.constant 0 : i32
      %dma_start3A_68 = arith.constant 0 : i32
      %dma_start3A_69 = arith.constant 0 : i32
      %dma_start3A_70 = tpu.memref_slice %arg18[%dma_start3A_67, %dma_start3A_68, %dma_start3A_69] : memref<2x64x16xf32, #tpu.memory_space<vmem>> -> memref<1x64x16xf32, #tpu.memory_space<vmem>>
      %dma_start3A_71 = tpu.memref_squeeze %dma_start3A_70 : memref<1x64x16xf32, #tpu.memory_space<vmem>> -> memref<64x16xf32, #tpu.memory_space<vmem>>
      %dma_start3A_72 = arith.constant 0 : i32
      %dma_start3A_73 = tpu.memref_slice %arg15[%dma_start3A_65, %dma_start3A_66, %dma_start3A_72] : memref<3x20x64xi32, #tpu.memory_space<vmem>> -> memref<1x1x64xi32, #tpu.memory_space<vmem>>
      %dma_start3A_74 = tpu.memref_squeeze %dma_start3A_73 : memref<1x1x64xi32, #tpu.memory_space<vmem>> -> memref<64xi32, #tpu.memory_space<vmem>>
      %dma_start3A_75 = arith.constant 0 : i32
      %dma_start3A_76 = arith.constant 0 : i32
      %dma_start3A_77 = tpu.memref_slice %arg4[%dma_start3A_75, %dma_start3A_76] : memref<10240x16xf32, #tpu.memory_space<hbm>> -> memref<10240x16xf32, #tpu.memory_space<hbm>>
      tpu.enqueue_indirect_dma source(%dma_start3A_77 : memref<10240x16xf32, #tpu.memory_space<hbm>>) target(%dma_start3A_71 : memref<64x16xf32, #tpu.memory_space<vmem>>) offsets(%dma_start3A_74 : memref<64xi32, #tpu.memory_space<vmem>>) semaphore(%arg22 : memref<!tpu.dma_semaphore, #tpu.memory_space<semaphore_mem>>)
      %dma_start3A_78 = arith.constant 0 : i32
      %dma_start3A_79 = arith.constant 1 : i32
      %dma_start3A_80 = arith.constant 1 : i32
      %dma_start3A_81 = arith.constant 0 : i32
      %dma_start3A_82 = arith.constant 0 : i32
      %dma_start3A_83 = tpu.memref_slice %arg16[%dma_start3A_80, %dma_start3A_81, %dma_start3A_82] : memref<2x64x128xbf16, #tpu.memory_space<vmem>> -> memref<1x64x128xbf16, #tpu.memory_space<vmem>>
      %dma_start3A_84 = tpu.memref_squeeze %dma_start3A_83 : memref<1x64x128xbf16, #tpu.memory_space<vmem>> -> memref<64x128xbf16, #tpu.memory_space<vmem>>
      %dma_start3A_85 = arith.constant 0 : i32
      %dma_start3A_86 = tpu.memref_slice %arg14[%dma_start3A_78, %dma_start3A_79, %dma_start3A_85] : memref<2x20x64xi32, #tpu.memory_space<vmem>> -> memref<1x1x64xi32, #tpu.memory_space<vmem>>
      %dma_start3A_87 = tpu.memref_squeeze %dma_start3A_86 : memref<1x1x64xi32, #tpu.memory_space<vmem>> -> memref<64xi32, #tpu.memory_space<vmem>>
      %dma_start3A_88 = arith.constant 0 : i32
      %dma_start3A_89 = arith.constant 0 : i32
      %dma_start3A_90 = tpu.memref_slice %arg2[%dma_start3A_88, %dma_start3A_89] : memref<10240x128xbf16, #tpu.memory_space<hbm>> -> memref<10240x128xbf16, #tpu.memory_space<hbm>>
      tpu.enqueue_indirect_dma source(%dma_start3A_90 : memref<10240x128xbf16, #tpu.memory_space<hbm>>) target(%dma_start3A_84 : memref<64x128xbf16, #tpu.memory_space<vmem>>) offsets(%dma_start3A_87 : memref<64xi32, #tpu.memory_space<vmem>>) semaphore(%arg23 : memref<!tpu.dma_semaphore, #tpu.memory_space<semaphore_mem>>)
      %dma_start3A_91 = arith.constant 0 : i32
      %dma_start3A_92 = arith.constant 1 : i32
      %dma_start3A_93 = arith.constant 1 : i32
      %dma_start3A_94 = arith.constant 0 : i32
      %dma_start3A_95 = arith.constant 0 : i32
      %dma_start3A_96 = tpu.memref_slice %arg17[%dma_start3A_93, %dma_start3A_94, %dma_start3A_95] : memref<2x64x16xf32, #tpu.memory_space<vmem>> -> memref<1x64x16xf32, #tpu.memory_space<vmem>>
      %dma_start3A_97 = tpu.memref_squeeze %dma_start3A_96 : memref<1x64x16xf32, #tpu.memory_space<vmem>> -> memref<64x16xf32, #tpu.memory_space<vmem>>
      %dma_start3A_98 = arith.constant 0 : i32
      %dma_start3A_99 = tpu.memref_slice %arg14[%dma_start3A_91, %dma_start3A_92, %dma_start3A_98] : memref<2x20x64xi32, #tpu.memory_space<vmem>> -> memref<1x1x64xi32, #tpu.memory_space<vmem>>
      %dma_start3A_100 = tpu.memref_squeeze %dma_start3A_99 : memref<1x1x64xi32, #tpu.memory_space<vmem>> -> memref<64xi32, #tpu.memory_space<vmem>>
      %dma_start3A_101 = arith.constant 0 : i32
      %dma_start3A_102 = arith.constant 0 : i32
      %dma_start3A_103 = tpu.memref_slice %arg3[%dma_start3A_101, %dma_start3A_102] : memref<10240x16xf32, #tpu.memory_space<hbm>> -> memref<10240x16xf32, #tpu.memory_space<hbm>>
      tpu.enqueue_indirect_dma source(%dma_start3A_103 : memref<10240x16xf32, #tpu.memory_space<hbm>>) target(%dma_start3A_97 : memref<64x16xf32, #tpu.memory_space<vmem>>) offsets(%dma_start3A_100 : memref<64xi32, #tpu.memory_space<vmem>>) semaphore(%arg24 : memref<!tpu.dma_semaphore, #tpu.memory_space<semaphore_mem>>)
      %dma_start3A_104 = arith.constant 0 : i32
      %dma_start3A_105 = arith.constant 1 : i32
      %dma_start3A_106 = arith.constant 1 : i32
      %dma_start3A_107 = arith.constant 0 : i32
      %dma_start3A_108 = arith.constant 0 : i32
      %dma_start3A_109 = tpu.memref_slice %arg18[%dma_start3A_106, %dma_start3A_107, %dma_start3A_108] : memref<2x64x16xf32, #tpu.memory_space<vmem>> -> memref<1x64x16xf32, #tpu.memory_space<vmem>>
      %dma_start3A_110 = tpu.memref_squeeze %dma_start3A_109 : memref<1x64x16xf32, #tpu.memory_space<vmem>> -> memref<64x16xf32, #tpu.memory_space<vmem>>
      %dma_start3A_111 = arith.constant 0 : i32
      %dma_start3A_112 = tpu.memref_slice %arg15[%dma_start3A_104, %dma_start3A_105, %dma_start3A_111] : memref<3x20x64xi32, #tpu.memory_space<vmem>> -> memref<1x1x64xi32, #tpu.memory_space<vmem>>
      %dma_start3A_113 = tpu.memref_squeeze %dma_start3A_112 : memref<1x1x64xi32, #tpu.memory_space<vmem>> -> memref<64xi32, #tpu.memory_space<vmem>>
      %dma_start3A_114 = arith.constant 0 : i32
      %dma_start3A_115 = arith.constant 0 : i32
      %dma_start3A_116 = tpu.memref_slice %arg4[%dma_start3A_114, %dma_start3A_115] : memref<10240x16xf32, #tpu.memory_space<hbm>> -> memref<10240x16xf32, #tpu.memory_space<hbm>>
      tpu.enqueue_indirect_dma source(%dma_start3A_116 : memref<10240x16xf32, #tpu.memory_space<hbm>>) target(%dma_start3A_110 : memref<64x16xf32, #tpu.memory_space<vmem>>) offsets(%dma_start3A_113 : memref<64xi32, #tpu.memory_space<vmem>>) semaphore(%arg25 : memref<!tpu.dma_semaphore, #tpu.memory_space<semaphore_mem>>)
      %scan3A = arith.constant 0 : i32
      %scan3A_117 = arith.constant 16 : i32
      %scan3A_118 = arith.addi %scan3A, %scan3A_117 : i32
      %scan3A_119 = arith.constant 1 : i32
      scf.for %scan3A_146 = %scan3A to %scan3A_118 step %scan3A_119  : i32 {
        %mul3A_147 = arith.constant 1 : i32
        %mul3A_148 = arith.muli %scan3A_146, %mul3A_147 : i32
        %add3A = arith.constant 0 : i32
        %add3A_149 = arith.addi %add3A, %mul3A_148 : i32
        %jit3A = arith.constant 2 : i32
        %eq3A_150 = arith.constant 0 : i32
        %eq3A_151 = arith.cmpi eq, %jit3A, %eq3A_150 : i32
        %jit3A_152 = arith.constant 1 : i32
        %select_n3A = arith.select %eq3A_151, %jit3A_152, %jit3A : i32
        %rem3A = arith.remsi %add3A_149, %select_n3A : i32
        %ne3A = arith.constant 0 : i32
        %ne3A_153 = arith.cmpi ne, %rem3A, %ne3A : i32
        %lt3A = arith.constant 0 : i32
        %lt3A_154 = arith.cmpi slt, %rem3A, %lt3A : i32
        %lt3A_155 = arith.constant 0 : i32
        %lt3A_156 = arith.cmpi slt, %select_n3A, %lt3A_155 : i32
        %ne3A_157 = arith.xori %lt3A_154, %lt3A_156 : i1
        %and3A = arith.andi %ne3A_157, %ne3A_153 : i1
        %add3A_158 = arith.addi %rem3A, %select_n3A : i32
        %select_n3A_159 = arith.select %and3A, %add3A_158, %rem3A : i32
        %jit3A_160 = arith.constant 3 : i32
        %eq3A_161 = arith.constant 0 : i32
        %eq3A_162 = arith.cmpi eq, %jit3A_160, %eq3A_161 : i32
        %jit3A_163 = arith.constant 1 : i32
        %select_n3A_164 = arith.select %eq3A_162, %jit3A_163, %jit3A_160 : i32
        %rem3A_165 = arith.remsi %add3A_149, %select_n3A_164 : i32
        %ne3A_166 = arith.constant 0 : i32
        %ne3A_167 = arith.cmpi ne, %rem3A_165, %ne3A_166 : i32
        %lt3A_168 = arith.constant 0 : i32
        %lt3A_169 = arith.cmpi slt, %rem3A_165, %lt3A_168 : i32
        %lt3A_170 = arith.constant 0 : i32
        %lt3A_171 = arith.cmpi slt, %select_n3A_164, %lt3A_170 : i32
        %ne3A_172 = arith.xori %lt3A_169, %lt3A_171 : i1
        %and3A_173 = arith.andi %ne3A_172, %ne3A_167 : i1
        %add3A_174 = arith.addi %rem3A_165, %select_n3A_164 : i32
        %select_n3A_175 = arith.select %and3A_173, %add3A_174, %rem3A_165 : i32
        %add3A_176 = arith.constant 1 : i32
        %add3A_177 = arith.addi %add3A_149, %add3A_176 : i32
        %jit3A_178 = arith.constant 2 : i32
        %eq3A_179 = arith.constant 0 : i32
        %eq3A_180 = arith.cmpi eq, %jit3A_178, %eq3A_179 : i32
        %jit3A_181 = arith.constant 1 : i32
        %select_n3A_182 = arith.select %eq3A_180, %jit3A_181, %jit3A_178 : i32
        %rem3A_183 = arith.remsi %add3A_177, %select_n3A_182 : i32
        %ne3A_184 = arith.constant 0 : i32
        %ne3A_185 = arith.cmpi ne, %rem3A_183, %ne3A_184 : i32
        %lt3A_186 = arith.constant 0 : i32
        %lt3A_187 = arith.cmpi slt, %rem3A_183, %lt3A_186 : i32
        %lt3A_188 = arith.constant 0 : i32
        %lt3A_189 = arith.cmpi slt, %select_n3A_182, %lt3A_188 : i32
        %ne3A_190 = arith.xori %lt3A_187, %lt3A_189 : i1
        %and3A_191 = arith.andi %ne3A_190, %ne3A_185 : i1
        %add3A_192 = arith.addi %rem3A_183, %select_n3A_182 : i32
        %select_n3A_193 = arith.select %and3A_191, %add3A_192, %rem3A_183 : i32
        %add3A_194 = arith.constant 1 : i32
        %add3A_195 = arith.addi %add3A_149, %add3A_194 : i32
        %jit3A_196 = arith.constant 3 : i32
        %eq3A_197 = arith.constant 0 : i32
        %eq3A_198 = arith.cmpi eq, %jit3A_196, %eq3A_197 : i32
        %jit3A_199 = arith.constant 1 : i32
        %select_n3A_200 = arith.select %eq3A_198, %jit3A_199, %jit3A_196 : i32
        %rem3A_201 = arith.remsi %add3A_195, %select_n3A_200 : i32
        %ne3A_202 = arith.constant 0 : i32
        %ne3A_203 = arith.cmpi ne, %rem3A_201, %ne3A_202 : i32
        %lt3A_204 = arith.constant 0 : i32
        %lt3A_205 = arith.cmpi slt, %rem3A_201, %lt3A_204 : i32
        %lt3A_206 = arith.constant 0 : i32
        %lt3A_207 = arith.cmpi slt, %select_n3A_200, %lt3A_206 : i32
        %ne3A_208 = arith.xori %lt3A_205, %lt3A_207 : i1
        %and3A_209 = arith.andi %ne3A_208, %ne3A_203 : i1
        %add3A_210 = arith.addi %rem3A_201, %select_n3A_200 : i32
        %select_n3A_211 = arith.select %and3A_209, %add3A_210, %rem3A_201 : i32
        %add3A_212 = arith.constant 1 : i32
        %add3A_213 = arith.addi %add3A_149, %add3A_212 : i32
        %lt3A_214 = arith.constant 16 : i32
        %lt3A_215 = arith.cmpi slt, %add3A_213, %lt3A_214 : i32
        %convert_element_type3A_216 = arith.extui %lt3A_215 : i1 to i32
        %cond3A_217 = arith.constant 0 : i32
        %cond3A_218 = arith.cmpi ne, %convert_element_type3A_216, %cond3A_217 : i32
        scf.if %cond3A_218 {
          %add3A_231 = arith.constant 1 : i32
          %add3A_232 = arith.addi %add3A_149, %add3A_231 : i32
          %dma_start3A_233 = arith.constant 0 : i32
          %dma_start3A_234 = arith.constant 0 : i32
          %dma_start3A_235 = tpu.memref_slice %arg14[%select_n3A_193, %dma_start3A_233, %dma_start3A_234] : memref<2x20x64xi32, #tpu.memory_space<vmem>> -> memref<1x20x64xi32, #tpu.memory_space<vmem>>
          %dma_start3A_236 = tpu.memref_squeeze %dma_start3A_235 : memref<1x20x64xi32, #tpu.memory_space<vmem>> -> memref<20x64xi32, #tpu.memory_space<vmem>>
          %dma_start3A_237 = arith.constant 0 : i32
          %dma_start3A_238 = arith.constant 0 : i32
          %dma_start3A_239 = tpu.memref_slice %arg8[%arg1, %add3A_232, %dma_start3A_237, %dma_start3A_238] : memref<16x16x20x64xi32, #tpu.memory_space<hbm>> -> memref<1x1x20x64xi32, #tpu.memory_space<hbm>>
          %dma_start3A_240 = tpu.memref_squeeze %dma_start3A_239 : memref<1x1x20x64xi32, #tpu.memory_space<hbm>> -> memref<20x64xi32, #tpu.memory_space<hbm>>
          %dma_start3A_241 = arith.constant 0 : i32
          %dma_start3A_242 = arith.constant 0 : i32
          %dma_start3A_243 = tpu.memref_slice %arg14[%select_n3A_193, %dma_start3A_241, %dma_start3A_242] : memref<2x20x64xi32, #tpu.memory_space<vmem>> -> memref<1x20x64xi32, #tpu.memory_space<vmem>>
          %dma_start3A_244 = tpu.memref_squeeze %dma_start3A_243 : memref<1x20x64xi32, #tpu.memory_space<vmem>> -> memref<20x64xi32, #tpu.memory_space<vmem>>
          %dma_start3A_245 = arith.constant 0 : i32
          %dma_start3A_246 = arith.constant 0 : i32
          %dma_start3A_247 = tpu.memref_slice %arg8[%arg1, %add3A_232, %dma_start3A_245, %dma_start3A_246] : memref<16x16x20x64xi32, #tpu.memory_space<hbm>> -> memref<1x1x20x64xi32, #tpu.memory_space<hbm>>
          %dma_start3A_248 = tpu.memref_squeeze %dma_start3A_247 : memref<1x1x20x64xi32, #tpu.memory_space<hbm>> -> memref<20x64xi32, #tpu.memory_space<hbm>>
          tpu.enqueue_dma source(%dma_start3A_248 : memref<20x64xi32, #tpu.memory_space<hbm>>) target(%dma_start3A_244 : memref<20x64xi32, #tpu.memory_space<vmem>>) target_semaphore(%arg28 : memref<!tpu.dma_semaphore, #tpu.memory_space<semaphore_mem>>)
          %add3A_249 = arith.constant 1 : i32
          %add3A_250 = arith.addi %add3A_149, %add3A_249 : i32
          %dma_start3A_251 = arith.constant 0 : i32
          %dma_start3A_252 = arith.constant 0 : i32
          %dma_start3A_253 = tpu.memref_slice %arg15[%select_n3A_211, %dma_start3A_251, %dma_start3A_252] : memref<3x20x64xi32, #tpu.memory_space<vmem>> -> memref<1x20x64xi32, #tpu.memory_space<vmem>>
          %dma_start3A_254 = tpu.memref_squeeze %dma_start3A_253 : memref<1x20x64xi32, #tpu.memory_space<vmem>> -> memref<20x64xi32, #tpu.memory_space<vmem>>
          %dma_start3A_255 = arith.constant 0 : i32
          %dma_start3A_256 = arith.constant 0 : i32
          %dma_start3A_257 = tpu.memref_slice %arg9[%arg1, %add3A_250, %dma_start3A_255, %dma_start3A_256] : memref<16x16x20x64xi32, #tpu.memory_space<hbm>> -> memref<1x1x20x64xi32, #tpu.memory_space<hbm>>
          %dma_start3A_258 = tpu.memref_squeeze %dma_start3A_257 : memref<1x1x20x64xi32, #tpu.memory_space<hbm>> -> memref<20x64xi32, #tpu.memory_space<hbm>>
          %dma_start3A_259 = arith.constant 0 : i32
          %dma_start3A_260 = arith.constant 0 : i32
          %dma_start3A_261 = tpu.memref_slice %arg15[%select_n3A_211, %dma_start3A_259, %dma_start3A_260] : memref<3x20x64xi32, #tpu.memory_space<vmem>> -> memref<1x20x64xi32, #tpu.memory_space<vmem>>
          %dma_start3A_262 = tpu.memref_squeeze %dma_start3A_261 : memref<1x20x64xi32, #tpu.memory_space<vmem>> -> memref<20x64xi32, #tpu.memory_space<vmem>>
          %dma_start3A_263 = arith.constant 0 : i32
          %dma_start3A_264 = arith.constant 0 : i32
          %dma_start3A_265 = tpu.memref_slice %arg9[%arg1, %add3A_250, %dma_start3A_263, %dma_start3A_264] : memref<16x16x20x64xi32, #tpu.memory_space<hbm>> -> memref<1x1x20x64xi32, #tpu.memory_space<hbm>>
          %dma_start3A_266 = tpu.memref_squeeze %dma_start3A_265 : memref<1x1x20x64xi32, #tpu.memory_space<hbm>> -> memref<20x64xi32, #tpu.memory_space<hbm>>
          tpu.enqueue_dma source(%dma_start3A_266 : memref<20x64xi32, #tpu.memory_space<hbm>>) target(%dma_start3A_262 : memref<20x64xi32, #tpu.memory_space<vmem>>) target_semaphore(%arg29 : memref<!tpu.dma_semaphore, #tpu.memory_space<semaphore_mem>>)
        } else {
        }
        %scan3A_219 = arith.constant 0 : i32
        %scan3A_220 = arith.constant 10 : i32
        %scan3A_221 = arith.addi %scan3A_219, %scan3A_220 : i32
        %scan3A_222 = arith.constant 1 : i32
        scf.for %scan3A_231 = %scan3A_219 to %scan3A_221 step %scan3A_222  : i32 {
          %mul3A_232 = arith.constant 2 : i32
          %mul3A_233 = arith.muli %scan3A_231, %mul3A_232 : i32
          %add3A_234 = arith.constant 0 : i32
          %add3A_235 = arith.addi %add3A_234, %mul3A_233 : i32
          %add3A_236 = arith.constant 0 : i32
          %add3A_237 = arith.addi %add3A_235, %add3A_236 : i32
          %dma_wait3A_238 = arith.constant 0 : i32
          %dma_wait3A_239 = arith.constant 0 : i32
          %dma_wait3A_240 = arith.constant 0 : i32
          %dma_wait3A_241 = arith.constant 0 : i32
          %dma_wait3A_242 = arith.constant 0 : i32
          %dma_wait3A_243 = tpu.memref_slice %arg16[%dma_wait3A_240, %dma_wait3A_241, %dma_wait3A_242] : memref<2x64x128xbf16, #tpu.memory_space<vmem>> -> memref<1x64x128xbf16, #tpu.memory_space<vmem>>
          %dma_wait3A_244 = tpu.memref_squeeze %dma_wait3A_243 : memref<1x64x128xbf16, #tpu.memory_space<vmem>> -> memref<64x128xbf16, #tpu.memory_space<vmem>>
          %dma_wait3A_245 = arith.constant 0 : i32
          %dma_wait3A_246 = tpu.memref_slice %arg14[%dma_wait3A_238, %dma_wait3A_239, %dma_wait3A_245] : memref<2x20x64xi32, #tpu.memory_space<vmem>> -> memref<1x1x64xi32, #tpu.memory_space<vmem>>
          %dma_wait3A_247 = tpu.memref_squeeze %dma_wait3A_246 : memref<1x1x64xi32, #tpu.memory_space<vmem>> -> memref<64xi32, #tpu.memory_space<vmem>>
          %dma_wait3A_248 = arith.constant 0 : i32
          %dma_wait3A_249 = arith.constant 0 : i32
          %dma_wait3A_250 = tpu.memref_slice %arg2[%dma_wait3A_248, %dma_wait3A_249] : memref<10240x128xbf16, #tpu.memory_space<hbm>> -> memref<10240x128xbf16, #tpu.memory_space<hbm>>
          tpu.wait_indirect_dma semaphore(%arg20 : memref<!tpu.dma_semaphore, #tpu.memory_space<semaphore_mem>>) src(%dma_wait3A_250 : memref<10240x128xbf16, #tpu.memory_space<hbm>>) dst(%dma_wait3A_244 : memref<64x128xbf16, #tpu.memory_space<vmem>>)
          %dma_wait3A_251 = arith.constant 0 : i32
          %dma_wait3A_252 = arith.constant 0 : i32
          %dma_wait3A_253 = arith.constant 0 : i32
          %dma_wait3A_254 = arith.constant 0 : i32
          %dma_wait3A_255 = arith.constant 0 : i32
          %dma_wait3A_256 = tpu.memref_slice %arg17[%dma_wait3A_253, %dma_wait3A_254, %dma_wait3A_255] : memref<2x64x16xf32, #tpu.memory_space<vmem>> -> memref<1x64x16xf32, #tpu.memory_space<vmem>>
          %dma_wait3A_257 = tpu.memref_squeeze %dma_wait3A_256 : memref<1x64x16xf32, #tpu.memory_space<vmem>> -> memref<64x16xf32, #tpu.memory_space<vmem>>
          %dma_wait3A_258 = arith.constant 0 : i32
          %dma_wait3A_259 = tpu.memref_slice %arg14[%dma_wait3A_251, %dma_wait3A_252, %dma_wait3A_258] : memref<2x20x64xi32, #tpu.memory_space<vmem>> -> memref<1x1x64xi32, #tpu.memory_space<vmem>>
          %dma_wait3A_260 = tpu.memref_squeeze %dma_wait3A_259 : memref<1x1x64xi32, #tpu.memory_space<vmem>> -> memref<64xi32, #tpu.memory_space<vmem>>
          %dma_wait3A_261 = arith.constant 0 : i32
          %dma_wait3A_262 = arith.constant 0 : i32
          %dma_wait3A_263 = tpu.memref_slice %arg3[%dma_wait3A_261, %dma_wait3A_262] : memref<10240x16xf32, #tpu.memory_space<hbm>> -> memref<10240x16xf32, #tpu.memory_space<hbm>>
          tpu.wait_indirect_dma semaphore(%arg21 : memref<!tpu.dma_semaphore, #tpu.memory_space<semaphore_mem>>) src(%dma_wait3A_263 : memref<10240x16xf32, #tpu.memory_space<hbm>>) dst(%dma_wait3A_257 : memref<64x16xf32, #tpu.memory_space<vmem>>)
          %dma_wait3A_264 = arith.constant 0 : i32
          %dma_wait3A_265 = arith.constant 0 : i32
          %dma_wait3A_266 = arith.constant 0 : i32
          %dma_wait3A_267 = arith.constant 0 : i32
          %dma_wait3A_268 = arith.constant 0 : i32
          %dma_wait3A_269 = tpu.memref_slice %arg18[%dma_wait3A_266, %dma_wait3A_267, %dma_wait3A_268] : memref<2x64x16xf32, #tpu.memory_space<vmem>> -> memref<1x64x16xf32, #tpu.memory_space<vmem>>
          %dma_wait3A_270 = tpu.memref_squeeze %dma_wait3A_269 : memref<1x64x16xf32, #tpu.memory_space<vmem>> -> memref<64x16xf32, #tpu.memory_space<vmem>>
          %dma_wait3A_271 = arith.constant 0 : i32
          %dma_wait3A_272 = tpu.memref_slice %arg15[%dma_wait3A_264, %dma_wait3A_265, %dma_wait3A_271] : memref<3x20x64xi32, #tpu.memory_space<vmem>> -> memref<1x1x64xi32, #tpu.memory_space<vmem>>
          %dma_wait3A_273 = tpu.memref_squeeze %dma_wait3A_272 : memref<1x1x64xi32, #tpu.memory_space<vmem>> -> memref<64xi32, #tpu.memory_space<vmem>>
          %dma_wait3A_274 = arith.constant 0 : i32
          %dma_wait3A_275 = arith.constant 0 : i32
          %dma_wait3A_276 = tpu.memref_slice %arg4[%dma_wait3A_274, %dma_wait3A_275] : memref<10240x16xf32, #tpu.memory_space<hbm>> -> memref<10240x16xf32, #tpu.memory_space<hbm>>
          tpu.wait_indirect_dma semaphore(%arg22 : memref<!tpu.dma_semaphore, #tpu.memory_space<semaphore_mem>>) src(%dma_wait3A_276 : memref<10240x16xf32, #tpu.memory_space<hbm>>) dst(%dma_wait3A_270 : memref<64x16xf32, #tpu.memory_space<vmem>>)
          %dma_wait3A_277 = arith.constant 0 : i32
          %dma_wait3A_278 = arith.constant 0 : i32
          %dma_wait3A_279 = arith.constant 0 : i32
          %dma_wait3A_280 = arith.constant 0 : i32
          %dma_wait3A_281 = arith.constant 0 : i32
          %dma_wait3A_282 = tpu.memref_slice %arg19[%dma_wait3A_277, %dma_wait3A_280, %dma_wait3A_281] : memref<2x64x144xf32, #tpu.memory_space<vmem>> -> memref<1x64x144xf32, #tpu.memory_space<vmem>>
          %dma_wait3A_283 = tpu.memref_squeeze %dma_wait3A_282 : memref<1x64x144xf32, #tpu.memory_space<vmem>> -> memref<64x144xf32, #tpu.memory_space<vmem>>
          %dma_wait3A_284 = arith.constant 0 : i32
          %dma_wait3A_285 = tpu.memref_slice %arg15[%dma_wait3A_278, %dma_wait3A_279, %dma_wait3A_284] : memref<3x20x64xi32, #tpu.memory_space<vmem>> -> memref<1x1x64xi32, #tpu.memory_space<vmem>>
          %dma_wait3A_286 = tpu.memref_squeeze %dma_wait3A_285 : memref<1x1x64xi32, #tpu.memory_space<vmem>> -> memref<64xi32, #tpu.memory_space<vmem>>
          %dma_wait3A_287 = arith.constant 0 : i32
          %dma_wait3A_288 = arith.constant 0 : i32
          %dma_wait3A_289 = tpu.memref_slice %arg30[%dma_wait3A_287, %dma_wait3A_288] : memref<10240x144xf32, #tpu.memory_space<vmem_shared>> -> memref<10240x144xf32, #tpu.memory_space<vmem_shared>>
          tpu.wait_indirect_dma semaphore(%arg26 : memref<!tpu.dma_semaphore, #tpu.memory_space<semaphore_mem>>) src(%dma_wait3A_283 : memref<64x144xf32, #tpu.memory_space<vmem>>) dst(%dma_wait3A_289 : memref<10240x144xf32, #tpu.memory_space<vmem_shared>>)
          %parallel_loop3A = arith.constant 0 : i32
          %parallel_loop3A_290 = arith.constant 64 : i32
          %parallel_loop3A_291 = arith.constant 1 : i32
          %parallel_loop3A_292 = arith.constant 0 : i32
          %parallel_loop3A_293 = arith.constant 0 : i32
          %parallel_loop3A_294 = arith.constant 0 : i32
          %parallel_loop3A_295 = arith.constant 0 : i32
          scf.for %parallel_loop3A_393 = %parallel_loop3A to %parallel_loop3A_290 step %parallel_loop3A_291  : i32 {
            %parallel_loop3A_394 = arith.constant 0 : i32
            %parallel_loop3A_395 = arith.constant 0 : i32
            %parallel_loop3A_396 = tpu.memref_slice %arg17[%parallel_loop3A_292, %parallel_loop3A_394, %parallel_loop3A_395] : memref<2x64x16xf32, #tpu.memory_space<vmem>> -> memref<1x64x16xf32, #tpu.memory_space<vmem>>
            %parallel_loop3A_397 = tpu.memref_squeeze %parallel_loop3A_396 : memref<1x64x16xf32, #tpu.memory_space<vmem>> -> memref<64x16xf32, #tpu.memory_space<vmem>>
            %parallel_loop3A_398 = arith.index_cast %parallel_loop3A_393 : i32 to index
            %parallel_loop3A_399 = arith.constant 0 : index
            %parallel_loop3A_400 = tpu.vector_load %parallel_loop3A_397[%parallel_loop3A_398, %parallel_loop3A_399] {strides = array<i32>} : memref<64x16xf32, #tpu.memory_space<vmem>>, vector<16xf32>,
            %parallel_loop3A_401 = arith.constant 0 : i32
            %parallel_loop3A_402 = arith.constant 0 : i32
            %parallel_loop3A_403 = tpu.memref_slice %arg18[%parallel_loop3A_293, %parallel_loop3A_401, %parallel_loop3A_402] : memref<2x64x16xf32, #tpu.memory_space<vmem>> -> memref<1x64x16xf32, #tpu.memory_space<vmem>>
            %parallel_loop3A_404 = tpu.memref_squeeze %parallel_loop3A_403 : memref<1x64x16xf32, #tpu.memory_space<vmem>> -> memref<64x16xf32, #tpu.memory_space<vmem>>
            %parallel_loop3A_405 = arith.index_cast %parallel_loop3A_393 : i32 to index
            %parallel_loop3A_406 = arith.constant 0 : index
            %parallel_loop3A_407 = tpu.vector_load %parallel_loop3A_404[%parallel_loop3A_405, %parallel_loop3A_406] {strides = array<i32>} : memref<64x16xf32, #tpu.memory_space<vmem>>, vector<16xf32>,
            %parallel_loop3A_408 = arith.addf %parallel_loop3A_400, %parallel_loop3A_407 : vector<16xf32>
            %parallel_loop3A_409 = arith.constant 2.000000e-01 : f32
            %parallel_loop3A_410 = vector.broadcast %parallel_loop3A_409 : f32 to vector<16xf32>
            %parallel_loop3A_411 = arith.mulf %parallel_loop3A_410, %parallel_loop3A_408 : vector<16xf32>
            %parallel_loop3A_412 = arith.maximumf %parallel_loop3A_408, %parallel_loop3A_411 : vector<16xf32>
            %parallel_loop3A_413 = math.exp %parallel_loop3A_412 : vector<16xf32>
            %parallel_loop3A_414 = arith.constant 0 : i32
            %parallel_loop3A_415 = arith.constant 0 : i32
            %parallel_loop3A_416 = tpu.memref_slice %arg19[%parallel_loop3A_294, %parallel_loop3A_414, %parallel_loop3A_415] : memref<2x64x144xf32, #tpu.memory_space<vmem>> -> memref<1x64x144xf32, #tpu.memory_space<vmem>>
            %parallel_loop3A_417 = tpu.memref_squeeze %parallel_loop3A_416 : memref<1x64x144xf32, #tpu.memory_space<vmem>> -> memref<64x144xf32, #tpu.memory_space<vmem>>
            %parallel_loop3A_418 = arith.index_cast %parallel_loop3A_393 : i32 to index
            %parallel_loop3A_419 = arith.constant 128 : index
            %parallel_loop3A_420 = tpu.vector_load %parallel_loop3A_417[%parallel_loop3A_418, %parallel_loop3A_419] {strides = array<i32>} : memref<64x144xf32, #tpu.memory_space<vmem>>, vector<16xf32>,
            tpu.vector_store %parallel_loop3A_417[%parallel_loop3A_418, %parallel_loop3A_419], %parallel_loop3A_413 {strides = array<i32>} : memref<64x144xf32, #tpu.memory_space<vmem>>, vector<16xf32>,
            %parallel_loop3A_421 = arith.constant 0 : i32
            %parallel_loop3A_422 = arith.constant 0 : i32
            %parallel_loop3A_423 = tpu.memref_slice %arg16[%parallel_loop3A_295, %parallel_loop3A_421, %parallel_loop3A_422] : memref<2x64x128xbf16, #tpu.memory_space<vmem>> -> memref<1x64x128xbf16, #tpu.memory_space<vmem>>
            %parallel_loop3A_424 = tpu.memref_squeeze %parallel_loop3A_423 : memref<1x64x128xbf16, #tpu.memory_space<vmem>> -> memref<64x128xbf16, #tpu.memory_space<vmem>>
            %parallel_loop3A_425 = arith.index_cast %parallel_loop3A_393 : i32 to index
            %parallel_loop3A_426 = arith.constant 0 : index
            %parallel_loop3A_427 = tpu.vector_load %parallel_loop3A_424[%parallel_loop3A_425, %parallel_loop3A_426] {strides = array<i32>} : memref<64x128xbf16, #tpu.memory_space<vmem>>, vector<32xbf16>,
            %parallel_loop3A_428 = tpu.unpack_subelements %parallel_loop3A_427, 0 {pack_format = #tpu.pack_format<interleaved>} : vector<32xbf16> -> vector<16xf32>
            %parallel_loop3A_429 = tpu.unpack_subelements %parallel_loop3A_427, 1 {pack_format = #tpu.pack_format<interleaved>} : vector<32xbf16> -> vector<16xf32>
            %parallel_loop3A_430 = arith.constant 0 : i32
            %parallel_loop3A_431 = vector.broadcast %parallel_loop3A_430 : i32 to vector<16x1xi32>
            %parallel_loop3A_432 = vector.shape_cast %parallel_loop3A_431 : vector<16x1xi32> to vector<16xi32>
            %parallel_loop3A_433 = tpu.dynamic_gather %parallel_loop3A_413[%parallel_loop3A_432] in [0] : vector<16xf32>, vector<16xi32> -> vector<16xf32>
            %parallel_loop3A_434 = arith.mulf %parallel_loop3A_428, %parallel_loop3A_433 : vector<16xf32>
            %parallel_loop3A_435 = arith.constant 0 : i32
            %parallel_loop3A_436 = arith.constant 0 : i32
            %parallel_loop3A_437 = tpu.memref_slice %arg19[%parallel_loop3A_294, %parallel_loop3A_435, %parallel_loop3A_436] : memref<2x64x144xf32, #tpu.memory_space<vmem>> -> memref<1x64x144xf32, #tpu.memory_space<vmem>>
            %parallel_loop3A_438 = tpu.memref_squeeze %parallel_loop3A_437 : memref<1x64x144xf32, #tpu.memory_space<vmem>> -> memref<64x144xf32, #tpu.memory_space<vmem>>
            %parallel_loop3A_439 = arith.index_cast %parallel_loop3A_393 : i32 to index
            %parallel_loop3A_440 = arith.constant 0 : index
            %parallel_loop3A_441 = tpu.vector_load %parallel_loop3A_438[%parallel_loop3A_439, %parallel_loop3A_440] {strides = array<i32>} : memref<64x144xf32, #tpu.memory_space<vmem>>, vector<16xf32>,
            tpu.vector_store %parallel_loop3A_438[%parallel_loop3A_439, %parallel_loop3A_440], %parallel_loop3A_434 {strides = array<i32>} : memref<64x144xf32, #tpu.memory_space<vmem>>, vector<16xf32>,
            %parallel_loop3A_442 = arith.constant 1 : i32
            %parallel_loop3A_443 = vector.broadcast %parallel_loop3A_442 : i32 to vector<16x1xi32>
            %parallel_loop3A_444 = vector.shape_cast %parallel_loop3A_443 : vector<16x1xi32> to vector<16xi32>
            %parallel_loop3A_445 = tpu.dynamic_gather %parallel_loop3A_413[%parallel_loop3A_444] in [0] : vector<16xf32>, vector<16xi32> -> vector<16xf32>
            %parallel_loop3A_446 = arith.mulf %parallel_loop3A_429, %parallel_loop3A_445 : vector<16xf32>
            %parallel_loop3A_447 = arith.constant 0 : i32
            %parallel_loop3A_448 = arith.constant 0 : i32
            %parallel_loop3A_449 = tpu.memref_slice %arg19[%parallel_loop3A_294, %parallel_loop3A_447, %parallel_loop3A_448] : memref<2x64x144xf32, #tpu.memory_space<vmem>> -> memref<1x64x144xf32, #tpu.memory_space<vmem>>
            %parallel_loop3A_450 = tpu.memref_squeeze %parallel_loop3A_449 : memref<1x64x144xf32, #tpu.memory_space<vmem>> -> memref<64x144xf32, #tpu.memory_space<vmem>>
            %parallel_loop3A_451 = arith.index_cast %parallel_loop3A_393 : i32 to index
            %parallel_loop3A_452 = arith.constant 16 : index
            %parallel_loop3A_453 = tpu.vector_load %parallel_loop3A_450[%parallel_loop3A_451, %parallel_loop3A_452] {strides = array<i32>} : memref<64x144xf32, #tpu.memory_space<vmem>>, vector<16xf32>,
            tpu.vector_store %parallel_loop3A_450[%parallel_loop3A_451, %parallel_loop3A_452], %parallel_loop3A_446 {strides = array<i32>} : memref<64x144xf32, #tpu.memory_space<vmem>>, vector<16xf32>,
            %parallel_loop3A_454 = arith.constant 0 : i32
            %parallel_loop3A_455 = arith.constant 0 : i32
            %parallel_loop3A_456 = tpu.memref_slice %arg16[%parallel_loop3A_295, %parallel_loop3A_454, %parallel_loop3A_455] : memref<2x64x128xbf16, #tpu.memory_space<vmem>> -> memref<1x64x128xbf16, #tpu.memory_space<vmem>>
            %parallel_loop3A_457 = tpu.memref_squeeze %parallel_loop3A_456 : memref<1x64x128xbf16, #tpu.memory_space<vmem>> -> memref<64x128xbf16, #tpu.memory_space<vmem>>
            %parallel_loop3A_458 = arith.index_cast %parallel_loop3A_393 : i32 to index
            %parallel_loop3A_459 = arith.constant 32 : index
            %parallel_loop3A_460 = tpu.vector_load %parallel_loop3A_457[%parallel_loop3A_458, %parallel_loop3A_459] {strides = array<i32>} : memref<64x128xbf16, #tpu.memory_space<vmem>>, vector<32xbf16>,
            %parallel_loop3A_461 = tpu.unpack_subelements %parallel_loop3A_460, 0 {pack_format = #tpu.pack_format<interleaved>} : vector<32xbf16> -> vector<16xf32>
            %parallel_loop3A_462 = tpu.unpack_subelements %parallel_loop3A_460, 1 {pack_format = #tpu.pack_format<interleaved>} : vector<32xbf16> -> vector<16xf32>
            %parallel_loop3A_463 = arith.constant 2 : i32
            %parallel_loop3A_464 = vector.broadcast %parallel_loop3A_463 : i32 to vector<16x1xi32>
            %parallel_loop3A_465 = vector.shape_cast %parallel_loop3A_464 : vector<16x1xi32> to vector<16xi32>
            %parallel_loop3A_466 = tpu.dynamic_gather %parallel_loop3A_413[%parallel_loop3A_465] in [0] : vector<16xf32>, vector<16xi32> -> vector<16xf32>
            %parallel_loop3A_467 = arith.mulf %parallel_loop3A_461, %parallel_loop3A_466 : vector<16xf32>
            %parallel_loop3A_468 = arith.constant 0 : i32
            %parallel_loop3A_469 = arith.constant 0 : i32
            %parallel_loop3A_470 = tpu.memref_slice %arg19[%parallel_loop3A_294, %parallel_loop3A_468, %parallel_loop3A_469] : memref<2x64x144xf32, #tpu.memory_space<vmem>> -> memref<1x64x144xf32, #tpu.memory_space<vmem>>
            %parallel_loop3A_471 = tpu.memref_squeeze %parallel_loop3A_470 : memref<1x64x144xf32, #tpu.memory_space<vmem>> -> memref<64x144xf32, #tpu.memory_space<vmem>>
            %parallel_loop3A_472 = arith.index_cast %parallel_loop3A_393 : i32 to index
            %parallel_loop3A_473 = arith.constant 32 : index
            %parallel_loop3A_474 = tpu.vector_load %parallel_loop3A_471[%parallel_loop3A_472, %parallel_loop3A_473] {strides = array<i32>} : memref<64x144xf32, #tpu.memory_space<vmem>>, vector<16xf32>,
            tpu.vector_store %parallel_loop3A_471[%parallel_loop3A_472, %parallel_loop3A_473], %parallel_loop3A_467 {strides = array<i32>} : memref<64x144xf32, #tpu.memory_space<vmem>>, vector<16xf32>,
            %parallel_loop3A_475 = arith.constant 3 : i32
            %parallel_loop3A_476 = vector.broadcast %parallel_loop3A_475 : i32 to vector<16x1xi32>
            %parallel_loop3A_477 = vector.shape_cast %parallel_loop3A_476 : vector<16x1xi32> to vector<16xi32>
            %parallel_loop3A_478 = tpu.dynamic_gather %parallel_loop3A_413[%parallel_loop3A_477] in [0] : vector<16xf32>, vector<16xi32> -> vector<16xf32>
            %parallel_loop3A_479 = arith.mulf %parallel_loop3A_462, %parallel_loop3A_478 : vector<16xf32>
            %parallel_loop3A_480 = arith.constant 0 : i32
            %parallel_loop3A_481 = arith.constant 0 : i32
            %parallel_loop3A_482 = tpu.memref_slice %arg19[%parallel_loop3A_294, %parallel_loop3A_480, %parallel_loop3A_481] : memref<2x64x144xf32, #tpu.memory_space<vmem>> -> memref<1x64x144xf32, #tpu.memory_space<vmem>>
            %parallel_loop3A_483 = tpu.memref_squeeze %parallel_loop3A_482 : memref<1x64x144xf32, #tpu.memory_space<vmem>> -> memref<64x144xf32, #tpu.memory_space<vmem>>
            %parallel_loop3A_484 = arith.index_cast %parallel_loop3A_393 : i32 to index
            %parallel_loop3A_485 = arith.constant 48 : index
            %parallel_loop3A_486 = tpu.vector_load %parallel_loop3A_483[%parallel_loop3A_484, %parallel_loop3A_485] {strides = array<i32>} : memref<64x144xf32, #tpu.memory_space<vmem>>, vector<16xf32>,
            tpu.vector_store %parallel_loop3A_483[%parallel_loop3A_484, %parallel_loop3A_485], %parallel_loop3A_479 {strides = array<i32>} : memref<64x144xf32, #tpu.memory_space<vmem>>, vector<16xf32>,
            %parallel_loop3A_487 = arith.constant 0 : i32
            %parallel_loop3A_488 = arith.constant 0 : i32
            %parallel_loop3A_489 = tpu.memref_slice %arg16[%parallel_loop3A_295, %parallel_loop3A_487, %parallel_loop3A_488] : memref<2x64x128xbf16, #tpu.memory_space<vmem>> -> memref<1x64x128xbf16, #tpu.memory_space<vmem>>
            %parallel_loop3A_490 = tpu.memref_squeeze %parallel_loop3A_489 : memref<1x64x128xbf16, #tpu.memory_space<vmem>> -> memref<64x128xbf16, #tpu.memory_space<vmem>>
            %parallel_loop3A_491 = arith.index_cast %parallel_loop3A_393 : i32 to index
            %parallel_loop3A_492 = arith.constant 64 : index
            %parallel_loop3A_493 = tpu.vector_load %parallel_loop3A_490[%parallel_loop3A_491, %parallel_loop3A_492] {strides = array<i32>} : memref<64x128xbf16, #tpu.memory_space<vmem>>, vector<32xbf16>,
            %parallel_loop3A_494 = tpu.unpack_subelements %parallel_loop3A_493, 0 {pack_format = #tpu.pack_format<interleaved>} : vector<32xbf16> -> vector<16xf32>
            %parallel_loop3A_495 = tpu.unpack_subelements %parallel_loop3A_493, 1 {pack_format = #tpu.pack_format<interleaved>} : vector<32xbf16> -> vector<16xf32>
            %parallel_loop3A_496 = arith.constant 4 : i32
            %parallel_loop3A_497 = vector.broadcast %parallel_loop3A_496 : i32 to vector<16x1xi32>
            %parallel_loop3A_498 = vector.shape_cast %parallel_loop3A_497 : vector<16x1xi32> to vector<16xi32>
            %parallel_loop3A_499 = tpu.dynamic_gather %parallel_loop3A_413[%parallel_loop3A_498] in [0] : vector<16xf32>, vector<16xi32> -> vector<16xf32>
            %parallel_loop3A_500 = arith.mulf %parallel_loop3A_494, %parallel_loop3A_499 : vector<16xf32>
            %parallel_loop3A_501 = arith.constant 0 : i32
            %parallel_loop3A_502 = arith.constant 0 : i32
            %parallel_loop3A_503 = tpu.memref_slice %arg19[%parallel_loop3A_294, %parallel_loop3A_501, %parallel_loop3A_502] : memref<2x64x144xf32, #tpu.memory_space<vmem>> -> memref<1x64x144xf32, #tpu.memory_space<vmem>>
            %parallel_loop3A_504 = tpu.memref_squeeze %parallel_loop3A_503 : memref<1x64x144xf32, #tpu.memory_space<vmem>> -> memref<64x144xf32, #tpu.memory_space<vmem>>
            %parallel_loop3A_505 = arith.index_cast %parallel_loop3A_393 : i32 to index
            %parallel_loop3A_506 = arith.constant 64 : index
            %parallel_loop3A_507 = tpu.vector_load %parallel_loop3A_504[%parallel_loop3A_505, %parallel_loop3A_506] {strides = array<i32>} : memref<64x144xf32, #tpu.memory_space<vmem>>, vector<16xf32>,
            tpu.vector_store %parallel_loop3A_504[%parallel_loop3A_505, %parallel_loop3A_506], %parallel_loop3A_500 {strides = array<i32>} : memref<64x144xf32, #tpu.memory_space<vmem>>, vector<16xf32>,
            %parallel_loop3A_508 = arith.constant 5 : i32
            %parallel_loop3A_509 = vector.broadcast %parallel_loop3A_508 : i32 to vector<16x1xi32>
            %parallel_loop3A_510 = vector.shape_cast %parallel_loop3A_509 : vector<16x1xi32> to vector<16xi32>
            %parallel_loop3A_511 = tpu.dynamic_gather %parallel_loop3A_413[%parallel_loop3A_510] in [0] : vector<16xf32>, vector<16xi32> -> vector<16xf32>
            %parallel_loop3A_512 = arith.mulf %parallel_loop3A_495, %parallel_loop3A_511 : vector<16xf32>
            %parallel_loop3A_513 = arith.constant 0 : i32
            %parallel_loop3A_514 = arith.constant 0 : i32
            %parallel_loop3A_515 = tpu.memref_slice %arg19[%parallel_loop3A_294, %parallel_loop3A_513, %parallel_loop3A_514] : memref<2x64x144xf32, #tpu.memory_space<vmem>> -> memref<1x64x144xf32, #tpu.memory_space<vmem>>
            %parallel_loop3A_516 = tpu.memref_squeeze %parallel_loop3A_515 : memref<1x64x144xf32, #tpu.memory_space<vmem>> -> memref<64x144xf32, #tpu.memory_space<vmem>>
            %parallel_loop3A_517 = arith.index_cast %parallel_loop3A_393 : i32 to index
            %parallel_loop3A_518 = arith.constant 80 : index
            %parallel_loop3A_519 = tpu.vector_load %parallel_loop3A_516[%parallel_loop3A_517, %parallel_loop3A_518] {strides = array<i32>} : memref<64x144xf32, #tpu.memory_space<vmem>>, vector<16xf32>,
            tpu.vector_store %parallel_loop3A_516[%parallel_loop3A_517, %parallel_loop3A_518], %parallel_loop3A_512 {strides = array<i32>} : memref<64x144xf32, #tpu.memory_space<vmem>>, vector<16xf32>,
            %parallel_loop3A_520 = arith.constant 0 : i32
            %parallel_loop3A_521 = arith.constant 0 : i32
            %parallel_loop3A_522 = tpu.memref_slice %arg16[%parallel_loop3A_295, %parallel_loop3A_520, %parallel_loop3A_521] : memref<2x64x128xbf16, #tpu.memory_space<vmem>> -> memref<1x64x128xbf16, #tpu.memory_space<vmem>>
            %parallel_loop3A_523 = tpu.memref_squeeze %parallel_loop3A_522 : memref<1x64x128xbf16, #tpu.memory_space<vmem>> -> memref<64x128xbf16, #tpu.memory_space<vmem>>
            %parallel_loop3A_524 = arith.index_cast %parallel_loop3A_393 : i32 to index
            %parallel_loop3A_525 = arith.constant 96 : index
            %parallel_loop3A_526 = tpu.vector_load %parallel_loop3A_523[%parallel_loop3A_524, %parallel_loop3A_525] {strides = array<i32>} : memref<64x128xbf16, #tpu.memory_space<vmem>>, vector<32xbf16>,
            %parallel_loop3A_527 = tpu.unpack_subelements %parallel_loop3A_526, 0 {pack_format = #tpu.pack_format<interleaved>} : vector<32xbf16> -> vector<16xf32>
            %parallel_loop3A_528 = tpu.unpack_subelements %parallel_loop3A_526, 1 {pack_format = #tpu.pack_format<interleaved>} : vector<32xbf16> -> vector<16xf32>
            %parallel_loop3A_529 = arith.constant 6 : i32
            %parallel_loop3A_530 = vector.broadcast %parallel_loop3A_529 : i32 to vector<16x1xi32>
            %parallel_loop3A_531 = vector.shape_cast %parallel_loop3A_530 : vector<16x1xi32> to vector<16xi32>
            %parallel_loop3A_532 = tpu.dynamic_gather %parallel_loop3A_413[%parallel_loop3A_531] in [0] : vector<16xf32>, vector<16xi32> -> vector<16xf32>
            %parallel_loop3A_533 = arith.mulf %parallel_loop3A_527, %parallel_loop3A_532 : vector<16xf32>
            %parallel_loop3A_534 = arith.constant 0 : i32
            %parallel_loop3A_535 = arith.constant 0 : i32
            %parallel_loop3A_536 = tpu.memref_slice %arg19[%parallel_loop3A_294, %parallel_loop3A_534, %parallel_loop3A_535] : memref<2x64x144xf32, #tpu.memory_space<vmem>> -> memref<1x64x144xf32, #tpu.memory_space<vmem>>
            %parallel_loop3A_537 = tpu.memref_squeeze %parallel_loop3A_536 : memref<1x64x144xf32, #tpu.memory_space<vmem>> -> memref<64x144xf32, #tpu.memory_space<vmem>>
            %parallel_loop3A_538 = arith.index_cast %parallel_loop3A_393 : i32 to index
            %parallel_loop3A_539 = arith.constant 96 : index
            %parallel_loop3A_540 = tpu.vector_load %parallel_loop3A_537[%parallel_loop3A_538, %parallel_loop3A_539] {strides = array<i32>} : memref<64x144xf32, #tpu.memory_space<vmem>>, vector<16xf32>,
            tpu.vector_store %parallel_loop3A_537[%parallel_loop3A_538, %parallel_loop3A_539], %parallel_loop3A_533 {strides = array<i32>} : memref<64x144xf32, #tpu.memory_space<vmem>>, vector<16xf32>,
            %parallel_loop3A_541 = arith.constant 7 : i32
            %parallel_loop3A_542 = vector.broadcast %parallel_loop3A_541 : i32 to vector<16x1xi32>
            %parallel_loop3A_543 = vector.shape_cast %parallel_loop3A_542 : vector<16x1xi32> to vector<16xi32>
            %parallel_loop3A_544 = tpu.dynamic_gather %parallel_loop3A_413[%parallel_loop3A_543] in [0] : vector<16xf32>, vector<16xi32> -> vector<16xf32>
            %parallel_loop3A_545 = arith.mulf %parallel_loop3A_528, %parallel_loop3A_544 : vector<16xf32>
            %parallel_loop3A_546 = arith.constant 0 : i32
            %parallel_loop3A_547 = arith.constant 0 : i32
            %parallel_loop3A_548 = tpu.memref_slice %arg19[%parallel_loop3A_294, %parallel_loop3A_546, %parallel_loop3A_547] : memref<2x64x144xf32, #tpu.memory_space<vmem>> -> memref<1x64x144xf32, #tpu.memory_space<vmem>>
            %parallel_loop3A_549 = tpu.memref_squeeze %parallel_loop3A_548 : memref<1x64x144xf32, #tpu.memory_space<vmem>> -> memref<64x144xf32, #tpu.memory_space<vmem>>
            %parallel_loop3A_550 = arith.index_cast %parallel_loop3A_393 : i32 to index
            %parallel_loop3A_551 = arith.constant 112 : index
            %parallel_loop3A_552 = tpu.vector_load %parallel_loop3A_549[%parallel_loop3A_550, %parallel_loop3A_551] {strides = array<i32>} : memref<64x144xf32, #tpu.memory_space<vmem>>, vector<16xf32>,
            tpu.vector_store %parallel_loop3A_549[%parallel_loop3A_550, %parallel_loop3A_551], %parallel_loop3A_545 {strides = array<i32>} : memref<64x144xf32, #tpu.memory_space<vmem>>, vector<16xf32>,
          } {sc.loop_unroll_factor = 2 : i64, sc.parallel_access}
          %dma_start3A_296 = arith.constant 0 : i32
          %dma_start3A_297 = arith.constant 0 : i32
          %dma_start3A_298 = arith.constant 0 : i32
          %dma_start3A_299 = tpu.memref_slice %arg19[%dma_start3A_296, %dma_start3A_297, %dma_start3A_298] : memref<2x64x144xf32, #tpu.memory_space<vmem>> -> memref<1x64x144xf32, #tpu.memory_space<vmem>>
          %dma_start3A_300 = tpu.memref_squeeze %dma_start3A_299 : memref<1x64x144xf32, #tpu.memory_space<vmem>> -> memref<64x144xf32, #tpu.memory_space<vmem>>
          %dma_start3A_301 = arith.constant 0 : i32
          %dma_start3A_302 = tpu.memref_slice %arg15[%select_n3A_175, %add3A_237, %dma_start3A_301] : memref<3x20x64xi32, #tpu.memory_space<vmem>> -> memref<1x1x64xi32, #tpu.memory_space<vmem>>
          %dma_start3A_303 = tpu.memref_squeeze %dma_start3A_302 : memref<1x1x64xi32, #tpu.memory_space<vmem>> -> memref<64xi32, #tpu.memory_space<vmem>>
          %dma_start3A_304 = arith.constant 0 : i32
          %dma_start3A_305 = arith.constant 0 : i32
          %dma_start3A_306 = tpu.memref_slice %arg30[%dma_start3A_304, %dma_start3A_305] : memref<10240x144xf32, #tpu.memory_space<vmem_shared>> -> memref<10240x144xf32, #tpu.memory_space<vmem_shared>>
          tpu.enqueue_indirect_dma source(%dma_start3A_300 : memref<64x144xf32, #tpu.memory_space<vmem>>) target(%dma_start3A_306 : memref<10240x144xf32, #tpu.memory_space<vmem_shared>>) offsets(%dma_start3A_303 : memref<64xi32, #tpu.memory_space<vmem>>) semaphore(%arg26 : memref<!tpu.dma_semaphore, #tpu.memory_space<semaphore_mem>>) {add = true}
          %add3A_307 = arith.constant 2 : i32
          %add3A_308 = arith.addi %add3A_237, %add3A_307 : i32
          %lt3A_309 = arith.constant 20 : i32
          %lt3A_310 = arith.cmpi slt, %add3A_308, %lt3A_309 : i32
          %convert_element_type3A_311 = arith.extui %lt3A_310 : i1 to i32
          %cond3A_312 = arith.constant 0 : i32
          %cond3A_313 = arith.cmpi ne, %convert_element_type3A_311, %cond3A_312 : i32
          scf.if %cond3A_313 {
            %add3A_393 = arith.constant 2 : i32
            %add3A_394 = arith.addi %add3A_237, %add3A_393 : i32
            %dma_start3A_395 = arith.constant 0 : i32
            %dma_start3A_396 = arith.constant 0 : i32
            %dma_start3A_397 = arith.constant 0 : i32
            %dma_start3A_398 = tpu.memref_slice %arg16[%dma_start3A_395, %dma_start3A_396, %dma_start3A_397] : memref<2x64x128xbf16, #tpu.memory_space<vmem>> -> memref<1x64x128xbf16, #tpu.memory_space<vmem>>
            %dma_start3A_399 = tpu.memref_squeeze %dma_start3A_398 : memref<1x64x128xbf16, #tpu.memory_space<vmem>> -> memref<64x128xbf16, #tpu.memory_space<vmem>>
            %dma_start3A_400 = arith.constant 0 : i32
            %dma_start3A_401 = tpu.memref_slice %arg14[%select_n3A_159, %add3A_394, %dma_start3A_400] : memref<2x20x64xi32, #tpu.memory_space<vmem>> -> memref<1x1x64xi32, #tpu.memory_space<vmem>>
            %dma_start3A_402 = tpu.memref_squeeze %dma_start3A_401 : memref<1x1x64xi32, #tpu.memory_space<vmem>> -> memref<64xi32, #tpu.memory_space<vmem>>
            %dma_start3A_403 = arith.constant 0 : i32
            %dma_start3A_404 = arith.constant 0 : i32
            %dma_start3A_405 = tpu.memref_slice %arg2[%dma_start3A_403, %dma_start3A_404] : memref<10240x128xbf16, #tpu.memory_space<hbm>> -> memref<10240x128xbf16, #tpu.memory_space<hbm>>
            tpu.enqueue_indirect_dma source(%dma_start3A_405 : memref<10240x128xbf16, #tpu.memory_space<hbm>>) target(%dma_start3A_399 : memref<64x128xbf16, #tpu.memory_space<vmem>>) offsets(%dma_start3A_402 : memref<64xi32, #tpu.memory_space<vmem>>) semaphore(%arg20 : memref<!tpu.dma_semaphore, #tpu.memory_space<semaphore_mem>>)
            %dma_start3A_406 = arith.constant 0 : i32
            %dma_start3A_407 = arith.constant 0 : i32
            %dma_start3A_408 = arith.constant 0 : i32
            %dma_start3A_409 = tpu.memref_slice %arg17[%dma_start3A_406, %dma_start3A_407, %dma_start3A_408] : memref<2x64x16xf32, #tpu.memory_space<vmem>> -> memref<1x64x16xf32, #tpu.memory_space<vmem>>
            %dma_start3A_410 = tpu.memref_squeeze %dma_start3A_409 : memref<1x64x16xf32, #tpu.memory_space<vmem>> -> memref<64x16xf32, #tpu.memory_space<vmem>>
            %dma_start3A_411 = arith.constant 0 : i32
            %dma_start3A_412 = tpu.memref_slice %arg14[%select_n3A_159, %add3A_394, %dma_start3A_411] : memref<2x20x64xi32, #tpu.memory_space<vmem>> -> memref<1x1x64xi32, #tpu.memory_space<vmem>>
            %dma_start3A_413 = tpu.memref_squeeze %dma_start3A_412 : memref<1x1x64xi32, #tpu.memory_space<vmem>> -> memref<64xi32, #tpu.memory_space<vmem>>
            %dma_start3A_414 = arith.constant 0 : i32
            %dma_start3A_415 = arith.constant 0 : i32
            %dma_start3A_416 = tpu.memref_slice %arg3[%dma_start3A_414, %dma_start3A_415] : memref<10240x16xf32, #tpu.memory_space<hbm>> -> memref<10240x16xf32, #tpu.memory_space<hbm>>
            tpu.enqueue_indirect_dma source(%dma_start3A_416 : memref<10240x16xf32, #tpu.memory_space<hbm>>) target(%dma_start3A_410 : memref<64x16xf32, #tpu.memory_space<vmem>>) offsets(%dma_start3A_413 : memref<64xi32, #tpu.memory_space<vmem>>) semaphore(%arg21 : memref<!tpu.dma_semaphore, #tpu.memory_space<semaphore_mem>>)
            %dma_start3A_417 = arith.constant 0 : i32
            %dma_start3A_418 = arith.constant 0 : i32
            %dma_start3A_419 = arith.constant 0 : i32
            %dma_start3A_420 = tpu.memref_slice %arg18[%dma_start3A_417, %dma_start3A_418, %dma_start3A_419] : memref<2x64x16xf32, #tpu.memory_space<vmem>> -> memref<1x64x16xf32, #tpu.memory_space<vmem>>
            %dma_start3A_421 = tpu.memref_squeeze %dma_start3A_420 : memref<1x64x16xf32, #tpu.memory_space<vmem>> -> memref<64x16xf32, #tpu.memory_space<vmem>>
            %dma_start3A_422 = arith.constant 0 : i32
            %dma_start3A_423 = tpu.memref_slice %arg15[%select_n3A_175, %add3A_394, %dma_start3A_422] : memref<3x20x64xi32, #tpu.memory_space<vmem>> -> memref<1x1x64xi32, #tpu.memory_space<vmem>>
            %dma_start3A_424 = tpu.memref_squeeze %dma_start3A_423 : memref<1x1x64xi32, #tpu.memory_space<vmem>> -> memref<64xi32, #tpu.memory_space<vmem>>
            %dma_start3A_425 = arith.constant 0 : i32
            %dma_start3A_426 = arith.constant 0 : i32
            %dma_start3A_427 = tpu.memref_slice %arg4[%dma_start3A_425, %dma_start3A_426] : memref<10240x16xf32, #tpu.memory_space<hbm>> -> memref<10240x16xf32, #tpu.memory_space<hbm>>
            tpu.enqueue_indirect_dma source(%dma_start3A_427 : memref<10240x16xf32, #tpu.memory_space<hbm>>) target(%dma_start3A_421 : memref<64x16xf32, #tpu.memory_space<vmem>>) offsets(%dma_start3A_424 : memref<64xi32, #tpu.memory_space<vmem>>) semaphore(%arg22 : memref<!tpu.dma_semaphore, #tpu.memory_space<semaphore_mem>>)
          } else {
          }
          %add3A_314 = arith.constant 1 : i32
          %add3A_315 = arith.addi %add3A_235, %add3A_314 : i32
          %dma_wait3A_316 = arith.constant 0 : i32
          %dma_wait3A_317 = arith.constant 0 : i32
          %dma_wait3A_318 = arith.constant 1 : i32
          %dma_wait3A_319 = arith.constant 0 : i32
          %dma_wait3A_320 = arith.constant 0 : i32
          %dma_wait3A_321 = tpu.memref_slice %arg16[%dma_wait3A_318, %dma_wait3A_319, %dma_wait3A_320] : memref<2x64x128xbf16, #tpu.memory_space<vmem>> -> memref<1x64x128xbf16, #tpu.memory_space<vmem>>
          %dma_wait3A_322 = tpu.memref_squeeze %dma_wait3A_321 : memref<1x64x128xbf16, #tpu.memory_space<vmem>> -> memref<64x128xbf16, #tpu.memory_space<vmem>>
          %dma_wait3A_323 = arith.constant 0 : i32
          %dma_wait3A_324 = tpu.memref_slice %arg14[%dma_wait3A_316, %dma_wait3A_317, %dma_wait3A_323] : memref<2x20x64xi32, #tpu.memory_space<vmem>> -> memref<1x1x64xi32, #tpu.memory_space<vmem>>
          %dma_wait3A_325 = tpu.memref_squeeze %dma_wait3A_324 : memref<1x1x64xi32, #tpu.memory_space<vmem>> -> memref<64xi32, #tpu.memory_space<vmem>>
          %dma_wait3A_326 = arith.constant 0 : i32
          %dma_wait3A_327 = arith.constant 0 : i32
          %dma_wait3A_328 = tpu.memref_slice %arg2[%dma_wait3A_326, %dma_wait3A_327] : memref<10240x128xbf16, #tpu.memory_space<hbm>> -> memref<10240x128xbf16, #tpu.memory_space<hbm>>
          tpu.wait_indirect_dma semaphore(%arg23 : memref<!tpu.dma_semaphore, #tpu.memory_space<semaphore_mem>>) src(%dma_wait3A_328 : memref<10240x128xbf16, #tpu.memory_space<hbm>>) dst(%dma_wait3A_322 : memref<64x128xbf16, #tpu.memory_space<vmem>>)
          %dma_wait3A_329 = arith.constant 0 : i32
          %dma_wait3A_330 = arith.constant 0 : i32
          %dma_wait3A_331 = arith.constant 1 : i32
          %dma_wait3A_332 = arith.constant 0 : i32
          %dma_wait3A_333 = arith.constant 0 : i32
          %dma_wait3A_334 = tpu.memref_slice %arg17[%dma_wait3A_331, %dma_wait3A_332, %dma_wait3A_333] : memref<2x64x16xf32, #tpu.memory_space<vmem>> -> memref<1x64x16xf32, #tpu.memory_space<vmem>>
          %dma_wait3A_335 = tpu.memref_squeeze %dma_wait3A_334 : memref<1x64x16xf32, #tpu.memory_space<vmem>> -> memref<64x16xf32, #tpu.memory_space<vmem>>
          %dma_wait3A_336 = arith.constant 0 : i32
          %dma_wait3A_337 = tpu.memref_slice %arg14[%dma_wait3A_329, %dma_wait3A_330, %dma_wait3A_336] : memref<2x20x64xi32, #tpu.memory_space<vmem>> -> memref<1x1x64xi32, #tpu.memory_space<vmem>>
          %dma_wait3A_338 = tpu.memref_squeeze %dma_wait3A_337 : memref<1x1x64xi32, #tpu.memory_space<vmem>> -> memref<64xi32, #tpu.memory_space<vmem>>
          %dma_wait3A_339 = arith.constant 0 : i32
          %dma_wait3A_340 = arith.constant 0 : i32
          %dma_wait3A_341 = tpu.memref_slice %arg3[%dma_wait3A_339, %dma_wait3A_340] : memref<10240x16xf32, #tpu.memory_space<hbm>> -> memref<10240x16xf32, #tpu.memory_space<hbm>>
          tpu.wait_indirect_dma semaphore(%arg24 : memref<!tpu.dma_semaphore, #tpu.memory_space<semaphore_mem>>) src(%dma_wait3A_341 : memref<10240x16xf32, #tpu.memory_space<hbm>>) dst(%dma_wait3A_335 : memref<64x16xf32, #tpu.memory_space<vmem>>)
          %dma_wait3A_342 = arith.constant 0 : i32
          %dma_wait3A_343 = arith.constant 0 : i32
          %dma_wait3A_344 = arith.constant 1 : i32
          %dma_wait3A_345 = arith.constant 0 : i32
          %dma_wait3A_346 = arith.constant 0 : i32
          %dma_wait3A_347 = tpu.memref_slice %arg18[%dma_wait3A_344, %dma_wait3A_345, %dma_wait3A_346] : memref<2x64x16xf32, #tpu.memory_space<vmem>> -> memref<1x64x16xf32, #tpu.memory_space<vmem>>
          %dma_wait3A_348 = tpu.memref_squeeze %dma_wait3A_347 : memref<1x64x16xf32, #tpu.memory_space<vmem>> -> memref<64x16xf32, #tpu.memory_space<vmem>>
          %dma_wait3A_349 = arith.constant 0 : i32
          %dma_wait3A_350 = tpu.memref_slice %arg15[%dma_wait3A_342, %dma_wait3A_343, %dma_wait3A_349] : memref<3x20x64xi32, #tpu.memory_space<vmem>> -> memref<1x1x64xi32, #tpu.memory_space<vmem>>
          %dma_wait3A_351 = tpu.memref_squeeze %dma_wait3A_350 : memref<1x1x64xi32, #tpu.memory_space<vmem>> -> memref<64xi32, #tpu.memory_space<vmem>>
          %dma_wait3A_352 = arith.constant 0 : i32
          %dma_wait3A_353 = arith.constant 0 : i32
          %dma_wait3A_354 = tpu.memref_slice %arg4[%dma_wait3A_352, %dma_wait3A_353] : memref<10240x16xf32, #tpu.memory_space<hbm>> -> memref<10240x16xf32, #tpu.memory_space<hbm>>
          tpu.wait_indirect_dma semaphore(%arg25 : memref<!tpu.dma_semaphore, #tpu.memory_space<semaphore_mem>>) src(%dma_wait3A_354 : memref<10240x16xf32, #tpu.memory_space<hbm>>) dst(%dma_wait3A_348 : memref<64x16xf32, #tpu.memory_space<vmem>>)
          %dma_wait3A_355 = arith.constant 1 : i32
          %dma_wait3A_356 = arith.constant 0 : i32
          %dma_wait3A_357 = arith.constant 0 : i32
          %dma_wait3A_358 = arith.constant 0 : i32
          %dma_wait3A_359 = arith.constant 0 : i32
          %dma_wait3A_360 = tpu.memref_slice %arg19[%dma_wait3A_355, %dma_wait3A_358, %dma_wait3A_359] : memref<2x64x144xf32, #tpu.memory_space<vmem>> -> memref<1x64x144xf32, #tpu.memory_space<vmem>>
          %dma_wait3A_361 = tpu.memref_squeeze %dma_wait3A_360 : memref<1x64x144xf32, #tpu.memory_space<vmem>> -> memref<64x144xf32, #tpu.memory_space<vmem>>
          %dma_wait3A_362 = arith.constant 0 : i32
          %dma_wait3A_363 = tpu.memref_slice %arg15[%dma_wait3A_356, %dma_wait3A_357, %dma_wait3A_362] : memref<3x20x64xi32, #tpu.memory_space<vmem>> -> memref<1x1x64xi32, #tpu.memory_space<vmem>>
          %dma_wait3A_364 = tpu.memref_squeeze %dma_wait3A_363 : memref<1x1x64xi32, #tpu.memory_space<vmem>> -> memref<64xi32, #tpu.memory_space<vmem>>
          %dma_wait3A_365 = arith.constant 0 : i32
          %dma_wait3A_366 = arith.constant 0 : i32
          %dma_wait3A_367 = tpu.memref_slice %arg30[%dma_wait3A_365, %dma_wait3A_366] : memref<10240x144xf32, #tpu.memory_space<vmem_shared>> -> memref<10240x144xf32, #tpu.memory_space<vmem_shared>>
          tpu.wait_indirect_dma semaphore(%arg27 : memref<!tpu.dma_semaphore, #tpu.memory_space<semaphore_mem>>) src(%dma_wait3A_361 : memref<64x144xf32, #tpu.memory_space<vmem>>) dst(%dma_wait3A_367 : memref<10240x144xf32, #tpu.memory_space<vmem_shared>>)
          %parallel_loop3A_368 = arith.constant 0 : i32
          %parallel_loop3A_369 = arith.constant 64 : i32
          %parallel_loop3A_370 = arith.constant 1 : i32
          %parallel_loop3A_371 = arith.constant 1 : i32
          %parallel_loop3A_372 = arith.constant 1 : i32
          %parallel_loop3A_373 = arith.constant 1 : i32
          %parallel_loop3A_374 = arith.constant 1 : i32
          scf.for %parallel_loop3A_393 = %parallel_loop3A_368 to %parallel_loop3A_369 step %parallel_loop3A_370  : i32 {
            %parallel_loop3A_394 = arith.constant 0 : i32
            %parallel_loop3A_395 = arith.constant 0 : i32
            %parallel_loop3A_396 = tpu.memref_slice %arg17[%parallel_loop3A_371, %parallel_loop3A_394, %parallel_loop3A_395] : memref<2x64x16xf32, #tpu.memory_space<vmem>> -> memref<1x64x16xf32, #tpu.memory_space<vmem>>
            %parallel_loop3A_397 = tpu.memref_squeeze %parallel_loop3A_396 : memref<1x64x16xf32, #tpu.memory_space<vmem>> -> memref<64x16xf32, #tpu.memory_space<vmem>>
            %parallel_loop3A_398 = arith.index_cast %parallel_loop3A_393 : i32 to index
            %parallel_loop3A_399 = arith.constant 0 : index
            %parallel_loop3A_400 = tpu.vector_load %parallel_loop3A_397[%parallel_loop3A_398, %parallel_loop3A_399] {strides = array<i32>} : memref<64x16xf32, #tpu.memory_space<vmem>>, vector<16xf32>,
            %parallel_loop3A_401 = arith.constant 0 : i32
            %parallel_loop3A_402 = arith.constant 0 : i32
            %parallel_loop3A_403 = tpu.memref_slice %arg18[%parallel_loop3A_372, %parallel_loop3A_401, %parallel_loop3A_402] : memref<2x64x16xf32, #tpu.memory_space<vmem>> -> memref<1x64x16xf32, #tpu.memory_space<vmem>>
            %parallel_loop3A_404 = tpu.memref_squeeze %parallel_loop3A_403 : memref<1x64x16xf32, #tpu.memory_space<vmem>> -> memref<64x16xf32, #tpu.memory_space<vmem>>
            %parallel_loop3A_405 = arith.index_cast %parallel_loop3A_393 : i32 to index
            %parallel_loop3A_406 = arith.constant 0 : index
            %parallel_loop3A_407 = tpu.vector_load %parallel_loop3A_404[%parallel_loop3A_405, %parallel_loop3A_406] {strides = array<i32>} : memref<64x16xf32, #tpu.memory_space<vmem>>, vector<16xf32>,
            %parallel_loop3A_408 = arith.addf %parallel_loop3A_400, %parallel_loop3A_407 : vector<16xf32>
            %parallel_loop3A_409 = arith.constant 2.000000e-01 : f32
            %parallel_loop3A_410 = vector.broadcast %parallel_loop3A_409 : f32 to vector<16xf32>
            %parallel_loop3A_411 = arith.mulf %parallel_loop3A_410, %parallel_loop3A_408 : vector<16xf32>
            %parallel_loop3A_412 = arith.maximumf %parallel_loop3A_408, %parallel_loop3A_411 : vector<16xf32>
            %parallel_loop3A_413 = math.exp %parallel_loop3A_412 : vector<16xf32>
            %parallel_loop3A_414 = arith.constant 0 : i32
            %parallel_loop3A_415 = arith.constant 0 : i32
            %parallel_loop3A_416 = tpu.memref_slice %arg19[%parallel_loop3A_373, %parallel_loop3A_414, %parallel_loop3A_415] : memref<2x64x144xf32, #tpu.memory_space<vmem>> -> memref<1x64x144xf32, #tpu.memory_space<vmem>>
            %parallel_loop3A_417 = tpu.memref_squeeze %parallel_loop3A_416 : memref<1x64x144xf32, #tpu.memory_space<vmem>> -> memref<64x144xf32, #tpu.memory_space<vmem>>
            %parallel_loop3A_418 = arith.index_cast %parallel_loop3A_393 : i32 to index
            %parallel_loop3A_419 = arith.constant 128 : index
            %parallel_loop3A_420 = tpu.vector_load %parallel_loop3A_417[%parallel_loop3A_418, %parallel_loop3A_419] {strides = array<i32>} : memref<64x144xf32, #tpu.memory_space<vmem>>, vector<16xf32>,
            tpu.vector_store %parallel_loop3A_417[%parallel_loop3A_418, %parallel_loop3A_419], %parallel_loop3A_413 {strides = array<i32>} : memref<64x144xf32, #tpu.memory_space<vmem>>, vector<16xf32>,
            %parallel_loop3A_421 = arith.constant 0 : i32
            %parallel_loop3A_422 = arith.constant 0 : i32
            %parallel_loop3A_423 = tpu.memref_slice %arg16[%parallel_loop3A_374, %parallel_loop3A_421, %parallel_loop3A_422] : memref<2x64x128xbf16, #tpu.memory_space<vmem>> -> memref<1x64x128xbf16, #tpu.memory_space<vmem>>
            %parallel_loop3A_424 = tpu.memref_squeeze %parallel_loop3A_423 : memref<1x64x128xbf16, #tpu.memory_space<vmem>> -> memref<64x128xbf16, #tpu.memory_space<vmem>>
            %parallel_loop3A_425 = arith.index_cast %parallel_loop3A_393 : i32 to index
            %parallel_loop3A_426 = arith.constant 0 : index
            %parallel_loop3A_427 = tpu.vector_load %parallel_loop3A_424[%parallel_loop3A_425, %parallel_loop3A_426] {strides = array<i32>} : memref<64x128xbf16, #tpu.memory_space<vmem>>, vector<32xbf16>,
            %parallel_loop3A_428 = tpu.unpack_subelements %parallel_loop3A_427, 0 {pack_format = #tpu.pack_format<interleaved>} : vector<32xbf16> -> vector<16xf32>
            %parallel_loop3A_429 = tpu.unpack_subelements %parallel_loop3A_427, 1 {pack_format = #tpu.pack_format<interleaved>} : vector<32xbf16> -> vector<16xf32>
            %parallel_loop3A_430 = arith.constant 0 : i32
            %parallel_loop3A_431 = vector.broadcast %parallel_loop3A_430 : i32 to vector<16x1xi32>
            %parallel_loop3A_432 = vector.shape_cast %parallel_loop3A_431 : vector<16x1xi32> to vector<16xi32>
            %parallel_loop3A_433 = tpu.dynamic_gather %parallel_loop3A_413[%parallel_loop3A_432] in [0] : vector<16xf32>, vector<16xi32> -> vector<16xf32>
            %parallel_loop3A_434 = arith.mulf %parallel_loop3A_428, %parallel_loop3A_433 : vector<16xf32>
            %parallel_loop3A_435 = arith.constant 0 : i32
            %parallel_loop3A_436 = arith.constant 0 : i32
            %parallel_loop3A_437 = tpu.memref_slice %arg19[%parallel_loop3A_373, %parallel_loop3A_435, %parallel_loop3A_436] : memref<2x64x144xf32, #tpu.memory_space<vmem>> -> memref<1x64x144xf32, #tpu.memory_space<vmem>>
            %parallel_loop3A_438 = tpu.memref_squeeze %parallel_loop3A_437 : memref<1x64x144xf32, #tpu.memory_space<vmem>> -> memref<64x144xf32, #tpu.memory_space<vmem>>
            %parallel_loop3A_439 = arith.index_cast %parallel_loop3A_393 : i32 to index
            %parallel_loop3A_440 = arith.constant 0 : index
            %parallel_loop3A_441 = tpu.vector_load %parallel_loop3A_438[%parallel_loop3A_439, %parallel_loop3A_440] {strides = array<i32>} : memref<64x144xf32, #tpu.memory_space<vmem>>, vector<16xf32>,
            tpu.vector_store %parallel_loop3A_438[%parallel_loop3A_439, %parallel_loop3A_440], %parallel_loop3A_434 {strides = array<i32>} : memref<64x144xf32, #tpu.memory_space<vmem>>, vector<16xf32>,
            %parallel_loop3A_442 = arith.constant 1 : i32
            %parallel_loop3A_443 = vector.broadcast %parallel_loop3A_442 : i32 to vector<16x1xi32>
            %parallel_loop3A_444 = vector.shape_cast %parallel_loop3A_443 : vector<16x1xi32> to vector<16xi32>
            %parallel_loop3A_445 = tpu.dynamic_gather %parallel_loop3A_413[%parallel_loop3A_444] in [0] : vector<16xf32>, vector<16xi32> -> vector<16xf32>
            %parallel_loop3A_446 = arith.mulf %parallel_loop3A_429, %parallel_loop3A_445 : vector<16xf32>
            %parallel_loop3A_447 = arith.constant 0 : i32
            %parallel_loop3A_448 = arith.constant 0 : i32
            %parallel_loop3A_449 = tpu.memref_slice %arg19[%parallel_loop3A_373, %parallel_loop3A_447, %parallel_loop3A_448] : memref<2x64x144xf32, #tpu.memory_space<vmem>> -> memref<1x64x144xf32, #tpu.memory_space<vmem>>
            %parallel_loop3A_450 = tpu.memref_squeeze %parallel_loop3A_449 : memref<1x64x144xf32, #tpu.memory_space<vmem>> -> memref<64x144xf32, #tpu.memory_space<vmem>>
            %parallel_loop3A_451 = arith.index_cast %parallel_loop3A_393 : i32 to index
            %parallel_loop3A_452 = arith.constant 16 : index
            %parallel_loop3A_453 = tpu.vector_load %parallel_loop3A_450[%parallel_loop3A_451, %parallel_loop3A_452] {strides = array<i32>} : memref<64x144xf32, #tpu.memory_space<vmem>>, vector<16xf32>,
            tpu.vector_store %parallel_loop3A_450[%parallel_loop3A_451, %parallel_loop3A_452], %parallel_loop3A_446 {strides = array<i32>} : memref<64x144xf32, #tpu.memory_space<vmem>>, vector<16xf32>,
            %parallel_loop3A_454 = arith.constant 0 : i32
            %parallel_loop3A_455 = arith.constant 0 : i32
            %parallel_loop3A_456 = tpu.memref_slice %arg16[%parallel_loop3A_374, %parallel_loop3A_454, %parallel_loop3A_455] : memref<2x64x128xbf16, #tpu.memory_space<vmem>> -> memref<1x64x128xbf16, #tpu.memory_space<vmem>>
            %parallel_loop3A_457 = tpu.memref_squeeze %parallel_loop3A_456 : memref<1x64x128xbf16, #tpu.memory_space<vmem>> -> memref<64x128xbf16, #tpu.memory_space<vmem>>
            %parallel_loop3A_458 = arith.index_cast %parallel_loop3A_393 : i32 to index
            %parallel_loop3A_459 = arith.constant 32 : index
            %parallel_loop3A_460 = tpu.vector_load %parallel_loop3A_457[%parallel_loop3A_458, %parallel_loop3A_459] {strides = array<i32>} : memref<64x128xbf16, #tpu.memory_space<vmem>>, vector<32xbf16>,
            %parallel_loop3A_461 = tpu.unpack_subelements %parallel_loop3A_460, 0 {pack_format = #tpu.pack_format<interleaved>} : vector<32xbf16> -> vector<16xf32>
            %parallel_loop3A_462 = tpu.unpack_subelements %parallel_loop3A_460, 1 {pack_format = #tpu.pack_format<interleaved>} : vector<32xbf16> -> vector<16xf32>
            %parallel_loop3A_463 = arith.constant 2 : i32
            %parallel_loop3A_464 = vector.broadcast %parallel_loop3A_463 : i32 to vector<16x1xi32>
            %parallel_loop3A_465 = vector.shape_cast %parallel_loop3A_464 : vector<16x1xi32> to vector<16xi32>
            %parallel_loop3A_466 = tpu.dynamic_gather %parallel_loop3A_413[%parallel_loop3A_465] in [0] : vector<16xf32>, vector<16xi32> -> vector<16xf32>
            %parallel_loop3A_467 = arith.mulf %parallel_loop3A_461, %parallel_loop3A_466 : vector<16xf32>
            %parallel_loop3A_468 = arith.constant 0 : i32
            %parallel_loop3A_469 = arith.constant 0 : i32
            %parallel_loop3A_470 = tpu.memref_slice %arg19[%parallel_loop3A_373, %parallel_loop3A_468, %parallel_loop3A_469] : memref<2x64x144xf32, #tpu.memory_space<vmem>> -> memref<1x64x144xf32, #tpu.memory_space<vmem>>
            %parallel_loop3A_471 = tpu.memref_squeeze %parallel_loop3A_470 : memref<1x64x144xf32, #tpu.memory_space<vmem>> -> memref<64x144xf32, #tpu.memory_space<vmem>>
            %parallel_loop3A_472 = arith.index_cast %parallel_loop3A_393 : i32 to index
            %parallel_loop3A_473 = arith.constant 32 : index
            %parallel_loop3A_474 = tpu.vector_load %parallel_loop3A_471[%parallel_loop3A_472, %parallel_loop3A_473] {strides = array<i32>} : memref<64x144xf32, #tpu.memory_space<vmem>>, vector<16xf32>,
            tpu.vector_store %parallel_loop3A_471[%parallel_loop3A_472, %parallel_loop3A_473], %parallel_loop3A_467 {strides = array<i32>} : memref<64x144xf32, #tpu.memory_space<vmem>>, vector<16xf32>,
            %parallel_loop3A_475 = arith.constant 3 : i32
            %parallel_loop3A_476 = vector.broadcast %parallel_loop3A_475 : i32 to vector<16x1xi32>
            %parallel_loop3A_477 = vector.shape_cast %parallel_loop3A_476 : vector<16x1xi32> to vector<16xi32>
            %parallel_loop3A_478 = tpu.dynamic_gather %parallel_loop3A_413[%parallel_loop3A_477] in [0] : vector<16xf32>, vector<16xi32> -> vector<16xf32>
            %parallel_loop3A_479 = arith.mulf %parallel_loop3A_462, %parallel_loop3A_478 : vector<16xf32>
            %parallel_loop3A_480 = arith.constant 0 : i32
            %parallel_loop3A_481 = arith.constant 0 : i32
            %parallel_loop3A_482 = tpu.memref_slice %arg19[%parallel_loop3A_373, %parallel_loop3A_480, %parallel_loop3A_481] : memref<2x64x144xf32, #tpu.memory_space<vmem>> -> memref<1x64x144xf32, #tpu.memory_space<vmem>>
            %parallel_loop3A_483 = tpu.memref_squeeze %parallel_loop3A_482 : memref<1x64x144xf32, #tpu.memory_space<vmem>> -> memref<64x144xf32, #tpu.memory_space<vmem>>
            %parallel_loop3A_484 = arith.index_cast %parallel_loop3A_393 : i32 to index
            %parallel_loop3A_485 = arith.constant 48 : index
            %parallel_loop3A_486 = tpu.vector_load %parallel_loop3A_483[%parallel_loop3A_484, %parallel_loop3A_485] {strides = array<i32>} : memref<64x144xf32, #tpu.memory_space<vmem>>, vector<16xf32>,
            tpu.vector_store %parallel_loop3A_483[%parallel_loop3A_484, %parallel_loop3A_485], %parallel_loop3A_479 {strides = array<i32>} : memref<64x144xf32, #tpu.memory_space<vmem>>, vector<16xf32>,
            %parallel_loop3A_487 = arith.constant 0 : i32
            %parallel_loop3A_488 = arith.constant 0 : i32
            %parallel_loop3A_489 = tpu.memref_slice %arg16[%parallel_loop3A_374, %parallel_loop3A_487, %parallel_loop3A_488] : memref<2x64x128xbf16, #tpu.memory_space<vmem>> -> memref<1x64x128xbf16, #tpu.memory_space<vmem>>
            %parallel_loop3A_490 = tpu.memref_squeeze %parallel_loop3A_489 : memref<1x64x128xbf16, #tpu.memory_space<vmem>> -> memref<64x128xbf16, #tpu.memory_space<vmem>>
            %parallel_loop3A_491 = arith.index_cast %parallel_loop3A_393 : i32 to index
            %parallel_loop3A_492 = arith.constant 64 : index
            %parallel_loop3A_493 = tpu.vector_load %parallel_loop3A_490[%parallel_loop3A_491, %parallel_loop3A_492] {strides = array<i32>} : memref<64x128xbf16, #tpu.memory_space<vmem>>, vector<32xbf16>,
            %parallel_loop3A_494 = tpu.unpack_subelements %parallel_loop3A_493, 0 {pack_format = #tpu.pack_format<interleaved>} : vector<32xbf16> -> vector<16xf32>
            %parallel_loop3A_495 = tpu.unpack_subelements %parallel_loop3A_493, 1 {pack_format = #tpu.pack_format<interleaved>} : vector<32xbf16> -> vector<16xf32>
            %parallel_loop3A_496 = arith.constant 4 : i32
            %parallel_loop3A_497 = vector.broadcast %parallel_loop3A_496 : i32 to vector<16x1xi32>
            %parallel_loop3A_498 = vector.shape_cast %parallel_loop3A_497 : vector<16x1xi32> to vector<16xi32>
            %parallel_loop3A_499 = tpu.dynamic_gather %parallel_loop3A_413[%parallel_loop3A_498] in [0] : vector<16xf32>, vector<16xi32> -> vector<16xf32>
            %parallel_loop3A_500 = arith.mulf %parallel_loop3A_494, %parallel_loop3A_499 : vector<16xf32>
            %parallel_loop3A_501 = arith.constant 0 : i32
            %parallel_loop3A_502 = arith.constant 0 : i32
            %parallel_loop3A_503 = tpu.memref_slice %arg19[%parallel_loop3A_373, %parallel_loop3A_501, %parallel_loop3A_502] : memref<2x64x144xf32, #tpu.memory_space<vmem>> -> memref<1x64x144xf32, #tpu.memory_space<vmem>>
            %parallel_loop3A_504 = tpu.memref_squeeze %parallel_loop3A_503 : memref<1x64x144xf32, #tpu.memory_space<vmem>> -> memref<64x144xf32, #tpu.memory_space<vmem>>
            %parallel_loop3A_505 = arith.index_cast %parallel_loop3A_393 : i32 to index
            %parallel_loop3A_506 = arith.constant 64 : index
            %parallel_loop3A_507 = tpu.vector_load %parallel_loop3A_504[%parallel_loop3A_505, %parallel_loop3A_506] {strides = array<i32>} : memref<64x144xf32, #tpu.memory_space<vmem>>, vector<16xf32>,
            tpu.vector_store %parallel_loop3A_504[%parallel_loop3A_505, %parallel_loop3A_506], %parallel_loop3A_500 {strides = array<i32>} : memref<64x144xf32, #tpu.memory_space<vmem>>, vector<16xf32>,
            %parallel_loop3A_508 = arith.constant 5 : i32
            %parallel_loop3A_509 = vector.broadcast %parallel_loop3A_508 : i32 to vector<16x1xi32>
            %parallel_loop3A_510 = vector.shape_cast %parallel_loop3A_509 : vector<16x1xi32> to vector<16xi32>
            %parallel_loop3A_511 = tpu.dynamic_gather %parallel_loop3A_413[%parallel_loop3A_510] in [0] : vector<16xf32>, vector<16xi32> -> vector<16xf32>
            %parallel_loop3A_512 = arith.mulf %parallel_loop3A_495, %parallel_loop3A_511 : vector<16xf32>
            %parallel_loop3A_513 = arith.constant 0 : i32
            %parallel_loop3A_514 = arith.constant 0 : i32
            %parallel_loop3A_515 = tpu.memref_slice %arg19[%parallel_loop3A_373, %parallel_loop3A_513, %parallel_loop3A_514] : memref<2x64x144xf32, #tpu.memory_space<vmem>> -> memref<1x64x144xf32, #tpu.memory_space<vmem>>
            %parallel_loop3A_516 = tpu.memref_squeeze %parallel_loop3A_515 : memref<1x64x144xf32, #tpu.memory_space<vmem>> -> memref<64x144xf32, #tpu.memory_space<vmem>>
            %parallel_loop3A_517 = arith.index_cast %parallel_loop3A_393 : i32 to index
            %parallel_loop3A_518 = arith.constant 80 : index
            %parallel_loop3A_519 = tpu.vector_load %parallel_loop3A_516[%parallel_loop3A_517, %parallel_loop3A_518] {strides = array<i32>} : memref<64x144xf32, #tpu.memory_space<vmem>>, vector<16xf32>,
            tpu.vector_store %parallel_loop3A_516[%parallel_loop3A_517, %parallel_loop3A_518], %parallel_loop3A_512 {strides = array<i32>} : memref<64x144xf32, #tpu.memory_space<vmem>>, vector<16xf32>,
            %parallel_loop3A_520 = arith.constant 0 : i32
            %parallel_loop3A_521 = arith.constant 0 : i32
            %parallel_loop3A_522 = tpu.memref_slice %arg16[%parallel_loop3A_374, %parallel_loop3A_520, %parallel_loop3A_521] : memref<2x64x128xbf16, #tpu.memory_space<vmem>> -> memref<1x64x128xbf16, #tpu.memory_space<vmem>>
            %parallel_loop3A_523 = tpu.memref_squeeze %parallel_loop3A_522 : memref<1x64x128xbf16, #tpu.memory_space<vmem>> -> memref<64x128xbf16, #tpu.memory_space<vmem>>
            %parallel_loop3A_524 = arith.index_cast %parallel_loop3A_393 : i32 to index
            %parallel_loop3A_525 = arith.constant 96 : index
            %parallel_loop3A_526 = tpu.vector_load %parallel_loop3A_523[%parallel_loop3A_524, %parallel_loop3A_525] {strides = array<i32>} : memref<64x128xbf16, #tpu.memory_space<vmem>>, vector<32xbf16>,
            %parallel_loop3A_527 = tpu.unpack_subelements %parallel_loop3A_526, 0 {pack_format = #tpu.pack_format<interleaved>} : vector<32xbf16> -> vector<16xf32>
            %parallel_loop3A_528 = tpu.unpack_subelements %parallel_loop3A_526, 1 {pack_format = #tpu.pack_format<interleaved>} : vector<32xbf16> -> vector<16xf32>
            %parallel_loop3A_529 = arith.constant 6 : i32
            %parallel_loop3A_530 = vector.broadcast %parallel_loop3A_529 : i32 to vector<16x1xi32>
            %parallel_loop3A_531 = vector.shape_cast %parallel_loop3A_530 : vector<16x1xi32> to vector<16xi32>
            %parallel_loop3A_532 = tpu.dynamic_gather %parallel_loop3A_413[%parallel_loop3A_531] in [0] : vector<16xf32>, vector<16xi32> -> vector<16xf32>
            %parallel_loop3A_533 = arith.mulf %parallel_loop3A_527, %parallel_loop3A_532 : vector<16xf32>
            %parallel_loop3A_534 = arith.constant 0 : i32
            %parallel_loop3A_535 = arith.constant 0 : i32
            %parallel_loop3A_536 = tpu.memref_slice %arg19[%parallel_loop3A_373, %parallel_loop3A_534, %parallel_loop3A_535] : memref<2x64x144xf32, #tpu.memory_space<vmem>> -> memref<1x64x144xf32, #tpu.memory_space<vmem>>
            %parallel_loop3A_537 = tpu.memref_squeeze %parallel_loop3A_536 : memref<1x64x144xf32, #tpu.memory_space<vmem>> -> memref<64x144xf32, #tpu.memory_space<vmem>>
            %parallel_loop3A_538 = arith.index_cast %parallel_loop3A_393 : i32 to index
            %parallel_loop3A_539 = arith.constant 96 : index
            %parallel_loop3A_540 = tpu.vector_load %parallel_loop3A_537[%parallel_loop3A_538, %parallel_loop3A_539] {strides = array<i32>} : memref<64x144xf32, #tpu.memory_space<vmem>>, vector<16xf32>,
            tpu.vector_store %parallel_loop3A_537[%parallel_loop3A_538, %parallel_loop3A_539], %parallel_loop3A_533 {strides = array<i32>} : memref<64x144xf32, #tpu.memory_space<vmem>>, vector<16xf32>,
            %parallel_loop3A_541 = arith.constant 7 : i32
            %parallel_loop3A_542 = vector.broadcast %parallel_loop3A_541 : i32 to vector<16x1xi32>
            %parallel_loop3A_543 = vector.shape_cast %parallel_loop3A_542 : vector<16x1xi32> to vector<16xi32>
            %parallel_loop3A_544 = tpu.dynamic_gather %parallel_loop3A_413[%parallel_loop3A_543] in [0] : vector<16xf32>, vector<16xi32> -> vector<16xf32>
            %parallel_loop3A_545 = arith.mulf %parallel_loop3A_528, %parallel_loop3A_544 : vector<16xf32>
            %parallel_loop3A_546 = arith.constant 0 : i32
            %parallel_loop3A_547 = arith.constant 0 : i32
            %parallel_loop3A_548 = tpu.memref_slice %arg19[%parallel_loop3A_373, %parallel_loop3A_546, %parallel_loop3A_547] : memref<2x64x144xf32, #tpu.memory_space<vmem>> -> memref<1x64x144xf32, #tpu.memory_space<vmem>>
            %parallel_loop3A_549 = tpu.memref_squeeze %parallel_loop3A_548 : memref<1x64x144xf32, #tpu.memory_space<vmem>> -> memref<64x144xf32, #tpu.memory_space<vmem>>
            %parallel_loop3A_550 = arith.index_cast %parallel_loop3A_393 : i32 to index
            %parallel_loop3A_551 = arith.constant 112 : index
            %parallel_loop3A_552 = tpu.vector_load %parallel_loop3A_549[%parallel_loop3A_550, %parallel_loop3A_551] {strides = array<i32>} : memref<64x144xf32, #tpu.memory_space<vmem>>, vector<16xf32>,
            tpu.vector_store %parallel_loop3A_549[%parallel_loop3A_550, %parallel_loop3A_551], %parallel_loop3A_545 {strides = array<i32>} : memref<64x144xf32, #tpu.memory_space<vmem>>, vector<16xf32>,
          } {sc.loop_unroll_factor = 2 : i64, sc.parallel_access}
          %dma_start3A_375 = arith.constant 1 : i32
          %dma_start3A_376 = arith.constant 0 : i32
          %dma_start3A_377 = arith.constant 0 : i32
          %dma_start3A_378 = tpu.memref_slice %arg19[%dma_start3A_375, %dma_start3A_376, %dma_start3A_377] : memref<2x64x144xf32, #tpu.memory_space<vmem>> -> memref<1x64x144xf32, #tpu.memory_space<vmem>>
          %dma_start3A_379 = tpu.memref_squeeze %dma_start3A_378 : memref<1x64x144xf32, #tpu.memory_space<vmem>> -> memref<64x144xf32, #tpu.memory_space<vmem>>
          %dma_start3A_380 = arith.constant 0 : i32
          %dma_start3A_381 = tpu.memref_slice %arg15[%select_n3A_175, %add3A_315, %dma_start3A_380] : memref<3x20x64xi32, #tpu.memory_space<vmem>> -> memref<1x1x64xi32, #tpu.memory_space<vmem>>
          %dma_start3A_382 = tpu.memref_squeeze %dma_start3A_381 : memref<1x1x64xi32, #tpu.memory_space<vmem>> -> memref<64xi32, #tpu.memory_space<vmem>>
          %dma_start3A_383 = arith.constant 0 : i32
          %dma_start3A_384 = arith.constant 0 : i32
          %dma_start3A_385 = tpu.memref_slice %arg30[%dma_start3A_383, %dma_start3A_384] : memref<10240x144xf32, #tpu.memory_space<vmem_shared>> -> memref<10240x144xf32, #tpu.memory_space<vmem_shared>>
          tpu.enqueue_indirect_dma source(%dma_start3A_379 : memref<64x144xf32, #tpu.memory_space<vmem>>) target(%dma_start3A_385 : memref<10240x144xf32, #tpu.memory_space<vmem_shared>>) offsets(%dma_start3A_382 : memref<64xi32, #tpu.memory_space<vmem>>) semaphore(%arg27 : memref<!tpu.dma_semaphore, #tpu.memory_space<semaphore_mem>>) {add = true}
          %add3A_386 = arith.constant 2 : i32
          %add3A_387 = arith.addi %add3A_315, %add3A_386 : i32
          %lt3A_388 = arith.constant 20 : i32
          %lt3A_389 = arith.cmpi slt, %add3A_387, %lt3A_388 : i32
          %convert_element_type3A_390 = arith.extui %lt3A_389 : i1 to i32
          %cond3A_391 = arith.constant 0 : i32
          %cond3A_392 = arith.cmpi ne, %convert_element_type3A_390, %cond3A_391 : i32
          scf.if %cond3A_392 {
            %add3A_393 = arith.constant 2 : i32
            %add3A_394 = arith.addi %add3A_315, %add3A_393 : i32
            %dma_start3A_395 = arith.constant 1 : i32
            %dma_start3A_396 = arith.constant 0 : i32
            %dma_start3A_397 = arith.constant 0 : i32
            %dma_start3A_398 = tpu.memref_slice %arg16[%dma_start3A_395, %dma_start3A_396, %dma_start3A_397] : memref<2x64x128xbf16, #tpu.memory_space<vmem>> -> memref<1x64x128xbf16, #tpu.memory_space<vmem>>
            %dma_start3A_399 = tpu.memref_squeeze %dma_start3A_398 : memref<1x64x128xbf16, #tpu.memory_space<vmem>> -> memref<64x128xbf16, #tpu.memory_space<vmem>>
            %dma_start3A_400 = arith.constant 0 : i32
            %dma_start3A_401 = tpu.memref_slice %arg14[%select_n3A_159, %add3A_394, %dma_start3A_400] : memref<2x20x64xi32, #tpu.memory_space<vmem>> -> memref<1x1x64xi32, #tpu.memory_space<vmem>>
            %dma_start3A_402 = tpu.memref_squeeze %dma_start3A_401 : memref<1x1x64xi32, #tpu.memory_space<vmem>> -> memref<64xi32, #tpu.memory_space<vmem>>
            %dma_start3A_403 = arith.constant 0 : i32
            %dma_start3A_404 = arith.constant 0 : i32
            %dma_start3A_405 = tpu.memref_slice %arg2[%dma_start3A_403, %dma_start3A_404] : memref<10240x128xbf16, #tpu.memory_space<hbm>> -> memref<10240x128xbf16, #tpu.memory_space<hbm>>
            tpu.enqueue_indirect_dma source(%dma_start3A_405 : memref<10240x128xbf16, #tpu.memory_space<hbm>>) target(%dma_start3A_399 : memref<64x128xbf16, #tpu.memory_space<vmem>>) offsets(%dma_start3A_402 : memref<64xi32, #tpu.memory_space<vmem>>) semaphore(%arg23 : memref<!tpu.dma_semaphore, #tpu.memory_space<semaphore_mem>>)
            %dma_start3A_406 = arith.constant 1 : i32
            %dma_start3A_407 = arith.constant 0 : i32
            %dma_start3A_408 = arith.constant 0 : i32
            %dma_start3A_409 = tpu.memref_slice %arg17[%dma_start3A_406, %dma_start3A_407, %dma_start3A_408] : memref<2x64x16xf32, #tpu.memory_space<vmem>> -> memref<1x64x16xf32, #tpu.memory_space<vmem>>
            %dma_start3A_410 = tpu.memref_squeeze %dma_start3A_409 : memref<1x64x16xf32, #tpu.memory_space<vmem>> -> memref<64x16xf32, #tpu.memory_space<vmem>>
            %dma_start3A_411 = arith.constant 0 : i32
            %dma_start3A_412 = tpu.memref_slice %arg14[%select_n3A_159, %add3A_394, %dma_start3A_411] : memref<2x20x64xi32, #tpu.memory_space<vmem>> -> memref<1x1x64xi32, #tpu.memory_space<vmem>>
            %dma_start3A_413 = tpu.memref_squeeze %dma_start3A_412 : memref<1x1x64xi32, #tpu.memory_space<vmem>> -> memref<64xi32, #tpu.memory_space<vmem>>
            %dma_start3A_414 = arith.constant 0 : i32
            %dma_start3A_415 = arith.constant 0 : i32
            %dma_start3A_416 = tpu.memref_slice %arg3[%dma_start3A_414, %dma_start3A_415] : memref<10240x16xf32, #tpu.memory_space<hbm>> -> memref<10240x16xf32, #tpu.memory_space<hbm>>
            tpu.enqueue_indirect_dma source(%dma_start3A_416 : memref<10240x16xf32, #tpu.memory_space<hbm>>) target(%dma_start3A_410 : memref<64x16xf32, #tpu.memory_space<vmem>>) offsets(%dma_start3A_413 : memref<64xi32, #tpu.memory_space<vmem>>) semaphore(%arg24 : memref<!tpu.dma_semaphore, #tpu.memory_space<semaphore_mem>>)
            %dma_start3A_417 = arith.constant 1 : i32
            %dma_start3A_418 = arith.constant 0 : i32
            %dma_start3A_419 = arith.constant 0 : i32
            %dma_start3A_420 = tpu.memref_slice %arg18[%dma_start3A_417, %dma_start3A_418, %dma_start3A_419] : memref<2x64x16xf32, #tpu.memory_space<vmem>> -> memref<1x64x16xf32, #tpu.memory_space<vmem>>
            %dma_start3A_421 = tpu.memref_squeeze %dma_start3A_420 : memref<1x64x16xf32, #tpu.memory_space<vmem>> -> memref<64x16xf32, #tpu.memory_space<vmem>>
            %dma_start3A_422 = arith.constant 0 : i32
            %dma_start3A_423 = tpu.memref_slice %arg15[%select_n3A_175, %add3A_394, %dma_start3A_422] : memref<3x20x64xi32, #tpu.memory_space<vmem>> -> memref<1x1x64xi32, #tpu.memory_space<vmem>>
            %dma_start3A_424 = tpu.memref_squeeze %dma_start3A_423 : memref<1x1x64xi32, #tpu.memory_space<vmem>> -> memref<64xi32, #tpu.memory_space<vmem>>
            %dma_start3A_425 = arith.constant 0 : i32
            %dma_start3A_426 = arith.constant 0 : i32
            %dma_start3A_427 = tpu.memref_slice %arg4[%dma_start3A_425, %dma_start3A_426] : memref<10240x16xf32, #tpu.memory_space<hbm>> -> memref<10240x16xf32, #tpu.memory_space<hbm>>
            tpu.enqueue_indirect_dma source(%dma_start3A_427 : memref<10240x16xf32, #tpu.memory_space<hbm>>) target(%dma_start3A_421 : memref<64x16xf32, #tpu.memory_space<vmem>>) offsets(%dma_start3A_424 : memref<64xi32, #tpu.memory_space<vmem>>) semaphore(%arg25 : memref<!tpu.dma_semaphore, #tpu.memory_space<semaphore_mem>>)
          } else {
          }
        }
        %scan3A_223 = arith.constant 10 : i32
        %add3A_224 = arith.constant 1 : i32
        %add3A_225 = arith.addi %add3A_149, %add3A_224 : i32
        %lt3A_226 = arith.constant 16 : i32
        %lt3A_227 = arith.cmpi slt, %add3A_225, %lt3A_226 : i32
        %convert_element_type3A_228 = arith.extui %lt3A_227 : i1 to i32
        %cond3A_229 = arith.constant 0 : i32
        %cond3A_230 = arith.cmpi ne, %convert_element_type3A_228, %cond3A_229 : i32
        scf.if %cond3A_230 {
          %dma_wait3A_231 = arith.constant 0 : i32
          %dma_wait3A_232 = arith.constant 0 : i32
          %dma_wait3A_233 = arith.constant 0 : i32
          %dma_wait3A_234 = arith.constant 0 : i32
          %dma_wait3A_235 = tpu.memref_slice %arg14[%dma_wait3A_232, %dma_wait3A_233, %dma_wait3A_234] : memref<2x20x64xi32, #tpu.memory_space<vmem>> -> memref<1x20x64xi32, #tpu.memory_space<vmem>>
          %dma_wait3A_236 = tpu.memref_squeeze %dma_wait3A_235 : memref<1x20x64xi32, #tpu.memory_space<vmem>> -> memref<20x64xi32, #tpu.memory_space<vmem>>
          %dma_wait3A_237 = arith.constant 0 : i32
          %dma_wait3A_238 = arith.constant 0 : i32
          %dma_wait3A_239 = tpu.memref_slice %arg8[%arg1, %dma_wait3A_231, %dma_wait3A_237, %dma_wait3A_238] : memref<16x16x20x64xi32, #tpu.memory_space<hbm>> -> memref<1x1x20x64xi32, #tpu.memory_space<hbm>>
          %dma_wait3A_240 = tpu.memref_squeeze %dma_wait3A_239 : memref<1x1x20x64xi32, #tpu.memory_space<hbm>> -> memref<20x64xi32, #tpu.memory_space<hbm>>
          %dma_wait3A_241 = arith.constant 0 : i32
          %dma_wait3A_242 = arith.constant 0 : i32
          %dma_wait3A_243 = tpu.memref_slice %arg14[%dma_wait3A_232, %dma_wait3A_241, %dma_wait3A_242] : memref<2x20x64xi32, #tpu.memory_space<vmem>> -> memref<1x20x64xi32, #tpu.memory_space<vmem>>
          %dma_wait3A_244 = tpu.memref_squeeze %dma_wait3A_243 : memref<1x20x64xi32, #tpu.memory_space<vmem>> -> memref<20x64xi32, #tpu.memory_space<vmem>>
          %dma_wait3A_245 = arith.constant 0 : i32
          %dma_wait3A_246 = arith.constant 0 : i32
          %dma_wait3A_247 = tpu.memref_slice %arg8[%arg1, %dma_wait3A_231, %dma_wait3A_245, %dma_wait3A_246] : memref<16x16x20x64xi32, #tpu.memory_space<hbm>> -> memref<1x1x20x64xi32, #tpu.memory_space<hbm>>
          %dma_wait3A_248 = tpu.memref_squeeze %dma_wait3A_247 : memref<1x1x20x64xi32, #tpu.memory_space<hbm>> -> memref<20x64xi32, #tpu.memory_space<hbm>>
          tpu.wait_dma2 semaphore(%arg28 : memref<!tpu.dma_semaphore, #tpu.memory_space<semaphore_mem>>) src(%dma_wait3A_248 : memref<20x64xi32, #tpu.memory_space<hbm>>) dst(%dma_wait3A_244 : memref<20x64xi32, #tpu.memory_space<vmem>>)
          %dma_wait3A_249 = arith.constant 0 : i32
          %dma_wait3A_250 = arith.constant 0 : i32
          %dma_wait3A_251 = arith.constant 0 : i32
          %dma_wait3A_252 = arith.constant 0 : i32
          %dma_wait3A_253 = tpu.memref_slice %arg15[%dma_wait3A_250, %dma_wait3A_251, %dma_wait3A_252] : memref<3x20x64xi32, #tpu.memory_space<vmem>> -> memref<1x20x64xi32, #tpu.memory_space<vmem>>
          %dma_wait3A_254 = tpu.memref_squeeze %dma_wait3A_253 : memref<1x20x64xi32, #tpu.memory_space<vmem>> -> memref<20x64xi32, #tpu.memory_space<vmem>>
          %dma_wait3A_255 = arith.constant 0 : i32
          %dma_wait3A_256 = arith.constant 0 : i32
          %dma_wait3A_257 = tpu.memref_slice %arg9[%arg1, %dma_wait3A_249, %dma_wait3A_255, %dma_wait3A_256] : memref<16x16x20x64xi32, #tpu.memory_space<hbm>> -> memref<1x1x20x64xi32, #tpu.memory_space<hbm>>
          %dma_wait3A_258 = tpu.memref_squeeze %dma_wait3A_257 : memref<1x1x20x64xi32, #tpu.memory_space<hbm>> -> memref<20x64xi32, #tpu.memory_space<hbm>>
          %dma_wait3A_259 = arith.constant 0 : i32
          %dma_wait3A_260 = arith.constant 0 : i32
          %dma_wait3A_261 = tpu.memref_slice %arg15[%dma_wait3A_250, %dma_wait3A_259, %dma_wait3A_260] : memref<3x20x64xi32, #tpu.memory_space<vmem>> -> memref<1x20x64xi32, #tpu.memory_space<vmem>>
          %dma_wait3A_262 = tpu.memref_squeeze %dma_wait3A_261 : memref<1x20x64xi32, #tpu.memory_space<vmem>> -> memref<20x64xi32, #tpu.memory_space<vmem>>
          %dma_wait3A_263 = arith.constant 0 : i32
          %dma_wait3A_264 = arith.constant 0 : i32
          %dma_wait3A_265 = tpu.memref_slice %arg9[%arg1, %dma_wait3A_249, %dma_wait3A_263, %dma_wait3A_264] : memref<16x16x20x64xi32, #tpu.memory_space<hbm>> -> memref<1x1x20x64xi32, #tpu.memory_space<hbm>>
          %dma_wait3A_266 = tpu.memref_squeeze %dma_wait3A_265 : memref<1x1x20x64xi32, #tpu.memory_space<hbm>> -> memref<20x64xi32, #tpu.memory_space<hbm>>
          tpu.wait_dma2 semaphore(%arg29 : memref<!tpu.dma_semaphore, #tpu.memory_space<semaphore_mem>>) src(%dma_wait3A_266 : memref<20x64xi32, #tpu.memory_space<hbm>>) dst(%dma_wait3A_262 : memref<20x64xi32, #tpu.memory_space<vmem>>)
          %dma_start3A_267 = arith.constant 0 : i32
          %dma_start3A_268 = arith.constant 0 : i32
          %dma_start3A_269 = arith.constant 0 : i32
          %dma_start3A_270 = arith.constant 0 : i32
          %dma_start3A_271 = tpu.memref_slice %arg16[%dma_start3A_268, %dma_start3A_269, %dma_start3A_270] : memref<2x64x128xbf16, #tpu.memory_space<vmem>> -> memref<1x64x128xbf16, #tpu.memory_space<vmem>>
          %dma_start3A_272 = tpu.memref_squeeze %dma_start3A_271 : memref<1x64x128xbf16, #tpu.memory_space<vmem>> -> memref<64x128xbf16, #tpu.memory_space<vmem>>
          %dma_start3A_273 = arith.constant 0 : i32
          %dma_start3A_274 = tpu.memref_slice %arg14[%select_n3A_193, %dma_start3A_267, %dma_start3A_273] : memref<2x20x64xi32, #tpu.memory_space<vmem>> -> memref<1x1x64xi32, #tpu.memory_space<vmem>>
          %dma_start3A_275 = tpu.memref_squeeze %dma_start3A_274 : memref<1x1x64xi32, #tpu.memory_space<vmem>> -> memref<64xi32, #tpu.memory_space<vmem>>
          %dma_start3A_276 = arith.constant 0 : i32
          %dma_start3A_277 = arith.constant 0 : i32
          %dma_start3A_278 = tpu.memref_slice %arg2[%dma_start3A_276, %dma_start3A_277] : memref<10240x128xbf16, #tpu.memory_space<hbm>> -> memref<10240x128xbf16, #tpu.memory_space<hbm>>
          tpu.enqueue_indirect_dma source(%dma_start3A_278 : memref<10240x128xbf16, #tpu.memory_space<hbm>>) target(%dma_start3A_272 : memref<64x128xbf16, #tpu.memory_space<vmem>>) offsets(%dma_start3A_275 : memref<64xi32, #tpu.memory_space<vmem>>) semaphore(%arg20 : memref<!tpu.dma_semaphore, #tpu.memory_space<semaphore_mem>>)
          %dma_start3A_279 = arith.constant 0 : i32
          %dma_start3A_280 = arith.constant 0 : i32
          %dma_start3A_281 = arith.constant 0 : i32
          %dma_start3A_282 = arith.constant 0 : i32
          %dma_start3A_283 = tpu.memref_slice %arg17[%dma_start3A_280, %dma_start3A_281, %dma_start3A_282] : memref<2x64x16xf32, #tpu.memory_space<vmem>> -> memref<1x64x16xf32, #tpu.memory_space<vmem>>
          %dma_start3A_284 = tpu.memref_squeeze %dma_start3A_283 : memref<1x64x16xf32, #tpu.memory_space<vmem>> -> memref<64x16xf32, #tpu.memory_space<vmem>>
          %dma_start3A_285 = arith.constant 0 : i32
          %dma_start3A_286 = tpu.memref_slice %arg14[%select_n3A_193, %dma_start3A_279, %dma_start3A_285] : memref<2x20x64xi32, #tpu.memory_space<vmem>> -> memref<1x1x64xi32, #tpu.memory_space<vmem>>
          %dma_start3A_287 = tpu.memref_squeeze %dma_start3A_286 : memref<1x1x64xi32, #tpu.memory_space<vmem>> -> memref<64xi32, #tpu.memory_space<vmem>>
          %dma_start3A_288 = arith.constant 0 : i32
          %dma_start3A_289 = arith.constant 0 : i32
          %dma_start3A_290 = tpu.memref_slice %arg3[%dma_start3A_288, %dma_start3A_289] : memref<10240x16xf32, #tpu.memory_space<hbm>> -> memref<10240x16xf32, #tpu.memory_space<hbm>>
          tpu.enqueue_indirect_dma source(%dma_start3A_290 : memref<10240x16xf32, #tpu.memory_space<hbm>>) target(%dma_start3A_284 : memref<64x16xf32, #tpu.memory_space<vmem>>) offsets(%dma_start3A_287 : memref<64xi32, #tpu.memory_space<vmem>>) semaphore(%arg21 : memref<!tpu.dma_semaphore, #tpu.memory_space<semaphore_mem>>)
          %dma_start3A_291 = arith.constant 0 : i32
          %dma_start3A_292 = arith.constant 0 : i32
          %dma_start3A_293 = arith.constant 0 : i32
          %dma_start3A_294 = arith.constant 0 : i32
          %dma_start3A_295 = tpu.memref_slice %arg18[%dma_start3A_292, %dma_start3A_293, %dma_start3A_294] : memref<2x64x16xf32, #tpu.memory_space<vmem>> -> memref<1x64x16xf32, #tpu.memory_space<vmem>>
          %dma_start3A_296 = tpu.memref_squeeze %dma_start3A_295 : memref<1x64x16xf32, #tpu.memory_space<vmem>> -> memref<64x16xf32, #tpu.memory_space<vmem>>
          %dma_start3A_297 = arith.constant 0 : i32
          %dma_start3A_298 = tpu.memref_slice %arg15[%select_n3A_211, %dma_start3A_291, %dma_start3A_297] : memref<3x20x64xi32, #tpu.memory_space<vmem>> -> memref<1x1x64xi32, #tpu.memory_space<vmem>>
          %dma_start3A_299 = tpu.memref_squeeze %dma_start3A_298 : memref<1x1x64xi32, #tpu.memory_space<vmem>> -> memref<64xi32, #tpu.memory_space<vmem>>
          %dma_start3A_300 = arith.constant 0 : i32
          %dma_start3A_301 = arith.constant 0 : i32
          %dma_start3A_302 = tpu.memref_slice %arg4[%dma_start3A_300, %dma_start3A_301] : memref<10240x16xf32, #tpu.memory_space<hbm>> -> memref<10240x16xf32, #tpu.memory_space<hbm>>
          tpu.enqueue_indirect_dma source(%dma_start3A_302 : memref<10240x16xf32, #tpu.memory_space<hbm>>) target(%dma_start3A_296 : memref<64x16xf32, #tpu.memory_space<vmem>>) offsets(%dma_start3A_299 : memref<64xi32, #tpu.memory_space<vmem>>) semaphore(%arg22 : memref<!tpu.dma_semaphore, #tpu.memory_space<semaphore_mem>>)
          %dma_start3A_303 = arith.constant 1 : i32
          %dma_start3A_304 = arith.constant 1 : i32
          %dma_start3A_305 = arith.constant 0 : i32
          %dma_start3A_306 = arith.constant 0 : i32
          %dma_start3A_307 = tpu.memref_slice %arg16[%dma_start3A_304, %dma_start3A_305, %dma_start3A_306] : memref<2x64x128xbf16, #tpu.memory_space<vmem>> -> memref<1x64x128xbf16, #tpu.memory_space<vmem>>
          %dma_start3A_308 = tpu.memref_squeeze %dma_start3A_307 : memref<1x64x128xbf16, #tpu.memory_space<vmem>> -> memref<64x128xbf16, #tpu.memory_space<vmem>>
          %dma_start3A_309 = arith.constant 0 : i32
          %dma_start3A_310 = tpu.memref_slice %arg14[%select_n3A_193, %dma_start3A_303, %dma_start3A_309] : memref<2x20x64xi32, #tpu.memory_space<vmem>> -> memref<1x1x64xi32, #tpu.memory_space<vmem>>
          %dma_start3A_311 = tpu.memref_squeeze %dma_start3A_310 : memref<1x1x64xi32, #tpu.memory_space<vmem>> -> memref<64xi32, #tpu.memory_space<vmem>>
          %dma_start3A_312 = arith.constant 0 : i32
          %dma_start3A_313 = arith.constant 0 : i32
          %dma_start3A_314 = tpu.memref_slice %arg2[%dma_start3A_312, %dma_start3A_313] : memref<10240x128xbf16, #tpu.memory_space<hbm>> -> memref<10240x128xbf16, #tpu.memory_space<hbm>>
          tpu.enqueue_indirect_dma source(%dma_start3A_314 : memref<10240x128xbf16, #tpu.memory_space<hbm>>) target(%dma_start3A_308 : memref<64x128xbf16, #tpu.memory_space<vmem>>) offsets(%dma_start3A_311 : memref<64xi32, #tpu.memory_space<vmem>>) semaphore(%arg23 : memref<!tpu.dma_semaphore, #tpu.memory_space<semaphore_mem>>)
          %dma_start3A_315 = arith.constant 1 : i32
          %dma_start3A_316 = arith.constant 1 : i32
          %dma_start3A_317 = arith.constant 0 : i32
          %dma_start3A_318 = arith.constant 0 : i32
          %dma_start3A_319 = tpu.memref_slice %arg17[%dma_start3A_316, %dma_start3A_317, %dma_start3A_318] : memref<2x64x16xf32, #tpu.memory_space<vmem>> -> memref<1x64x16xf32, #tpu.memory_space<vmem>>
          %dma_start3A_320 = tpu.memref_squeeze %dma_start3A_319 : memref<1x64x16xf32, #tpu.memory_space<vmem>> -> memref<64x16xf32, #tpu.memory_space<vmem>>
          %dma_start3A_321 = arith.constant 0 : i32
          %dma_start3A_322 = tpu.memref_slice %arg14[%select_n3A_193, %dma_start3A_315, %dma_start3A_321] : memref<2x20x64xi32, #tpu.memory_space<vmem>> -> memref<1x1x64xi32, #tpu.memory_space<vmem>>
          %dma_start3A_323 = tpu.memref_squeeze %dma_start3A_322 : memref<1x1x64xi32, #tpu.memory_space<vmem>> -> memref<64xi32, #tpu.memory_space<vmem>>
          %dma_start3A_324 = arith.constant 0 : i32
          %dma_start3A_325 = arith.constant 0 : i32
          %dma_start3A_326 = tpu.memref_slice %arg3[%dma_start3A_324, %dma_start3A_325] : memref<10240x16xf32, #tpu.memory_space<hbm>> -> memref<10240x16xf32, #tpu.memory_space<hbm>>
          tpu.enqueue_indirect_dma source(%dma_start3A_326 : memref<10240x16xf32, #tpu.memory_space<hbm>>) target(%dma_start3A_320 : memref<64x16xf32, #tpu.memory_space<vmem>>) offsets(%dma_start3A_323 : memref<64xi32, #tpu.memory_space<vmem>>) semaphore(%arg24 : memref<!tpu.dma_semaphore, #tpu.memory_space<semaphore_mem>>)
          %dma_start3A_327 = arith.constant 1 : i32
          %dma_start3A_328 = arith.constant 1 : i32
          %dma_start3A_329 = arith.constant 0 : i32
          %dma_start3A_330 = arith.constant 0 : i32
          %dma_start3A_331 = tpu.memref_slice %arg18[%dma_start3A_328, %dma_start3A_329, %dma_start3A_330] : memref<2x64x16xf32, #tpu.memory_space<vmem>> -> memref<1x64x16xf32, #tpu.memory_space<vmem>>
          %dma_start3A_332 = tpu.memref_squeeze %dma_start3A_331 : memref<1x64x16xf32, #tpu.memory_space<vmem>> -> memref<64x16xf32, #tpu.memory_space<vmem>>
          %dma_start3A_333 = arith.constant 0 : i32
          %dma_start3A_334 = tpu.memref_slice %arg15[%select_n3A_211, %dma_start3A_327, %dma_start3A_333] : memref<3x20x64xi32, #tpu.memory_space<vmem>> -> memref<1x1x64xi32, #tpu.memory_space<vmem>>
          %dma_start3A_335 = tpu.memref_squeeze %dma_start3A_334 : memref<1x1x64xi32, #tpu.memory_space<vmem>> -> memref<64xi32, #tpu.memory_space<vmem>>
          %dma_start3A_336 = arith.constant 0 : i32
          %dma_start3A_337 = arith.constant 0 : i32
          %dma_start3A_338 = tpu.memref_slice %arg4[%dma_start3A_336, %dma_start3A_337] : memref<10240x16xf32, #tpu.memory_space<hbm>> -> memref<10240x16xf32, #tpu.memory_space<hbm>>
          tpu.enqueue_indirect_dma source(%dma_start3A_338 : memref<10240x16xf32, #tpu.memory_space<hbm>>) target(%dma_start3A_332 : memref<64x16xf32, #tpu.memory_space<vmem>>) offsets(%dma_start3A_335 : memref<64xi32, #tpu.memory_space<vmem>>) semaphore(%arg25 : memref<!tpu.dma_semaphore, #tpu.memory_space<semaphore_mem>>)
        } else {
        }
      }
      %scan3A_120 = arith.constant 16 : i32
      %dma_wait3A = arith.constant 0 : i32
      %dma_wait3A_121 = arith.constant 0 : i32
      %dma_wait3A_122 = arith.constant 0 : i32
      %dma_wait3A_123 = arith.constant 0 : i32
      %dma_wait3A_124 = arith.constant 0 : i32
      %dma_wait3A_125 = tpu.memref_slice %arg19[%dma_wait3A, %dma_wait3A_123, %dma_wait3A_124] : memref<2x64x144xf32, #tpu.memory_space<vmem>> -> memref<1x64x144xf32, #tpu.memory_space<vmem>>
      %dma_wait3A_126 = tpu.memref_squeeze %dma_wait3A_125 : memref<1x64x144xf32, #tpu.memory_space<vmem>> -> memref<64x144xf32, #tpu.memory_space<vmem>>
      %dma_wait3A_127 = arith.constant 0 : i32
      %dma_wait3A_128 = tpu.memref_slice %arg15[%dma_wait3A_121, %dma_wait3A_122, %dma_wait3A_127] : memref<3x20x64xi32, #tpu.memory_space<vmem>> -> memref<1x1x64xi32, #tpu.memory_space<vmem>>
      %dma_wait3A_129 = tpu.memref_squeeze %dma_wait3A_128 : memref<1x1x64xi32, #tpu.memory_space<vmem>> -> memref<64xi32, #tpu.memory_space<vmem>>
      %dma_wait3A_130 = arith.constant 0 : i32
      %dma_wait3A_131 = arith.constant 0 : i32
      %dma_wait3A_132 = tpu.memref_slice %arg30[%dma_wait3A_130, %dma_wait3A_131] : memref<10240x144xf32, #tpu.memory_space<vmem_shared>> -> memref<10240x144xf32, #tpu.memory_space<vmem_shared>>
      tpu.wait_indirect_dma semaphore(%arg26 : memref<!tpu.dma_semaphore, #tpu.memory_space<semaphore_mem>>) src(%dma_wait3A_126 : memref<64x144xf32, #tpu.memory_space<vmem>>) dst(%dma_wait3A_132 : memref<10240x144xf32, #tpu.memory_space<vmem_shared>>)
      %dma_wait3A_133 = arith.constant 1 : i32
      %dma_wait3A_134 = arith.constant 0 : i32
      %dma_wait3A_135 = arith.constant 0 : i32
      %dma_wait3A_136 = arith.constant 0 : i32
      %dma_wait3A_137 = arith.constant 0 : i32
      %dma_wait3A_138 = tpu.memref_slice %arg19[%dma_wait3A_133, %dma_wait3A_136, %dma_wait3A_137] : memref<2x64x144xf32, #tpu.memory_space<vmem>> -> memref<1x64x144xf32, #tpu.memory_space<vmem>>
      %dma_wait3A_139 = tpu.memref_squeeze %dma_wait3A_138 : memref<1x64x144xf32, #tpu.memory_space<vmem>> -> memref<64x144xf32, #tpu.memory_space<vmem>>
      %dma_wait3A_140 = arith.constant 0 : i32
      %dma_wait3A_141 = tpu.memref_slice %arg15[%dma_wait3A_134, %dma_wait3A_135, %dma_wait3A_140] : memref<3x20x64xi32, #tpu.memory_space<vmem>> -> memref<1x1x64xi32, #tpu.memory_space<vmem>>
      %dma_wait3A_142 = tpu.memref_squeeze %dma_wait3A_141 : memref<1x1x64xi32, #tpu.memory_space<vmem>> -> memref<64xi32, #tpu.memory_space<vmem>>
      %dma_wait3A_143 = arith.constant 0 : i32
      %dma_wait3A_144 = arith.constant 0 : i32
      %dma_wait3A_145 = tpu.memref_slice %arg30[%dma_wait3A_143, %dma_wait3A_144] : memref<10240x144xf32, #tpu.memory_space<vmem_shared>> -> memref<10240x144xf32, #tpu.memory_space<vmem_shared>>
      tpu.wait_indirect_dma semaphore(%arg27 : memref<!tpu.dma_semaphore, #tpu.memory_space<semaphore_mem>>) src(%dma_wait3A_139 : memref<64x144xf32, #tpu.memory_space<vmem>>) dst(%dma_wait3A_145 : memref<10240x144xf32, #tpu.memory_space<vmem_shared>>)
    } else {
    }
    %eq3A_3 = arith.constant 1 : i32
    %eq3A_4 = arith.cmpi eq, %arg0, %eq3A_3 : i32
    %convert_element_type3A_5 = arith.extui %eq3A_4 : i1 to i32
    %cond3A_6 = arith.constant 0 : i32
    %cond3A_7 = arith.cmpi ne, %convert_element_type3A_5, %cond3A_6 : i32
    scf.if %cond3A_7 {
      %run_scoped3A = arith.constant 0 : i32
      %run_scoped3A_9 = arith.constant 0 : i32
      "tpu.region"() ({
        %run_scoped3A_146 = tpu.sem_alloc : memref<!tpu.dma_semaphore, #tpu.memory_space<semaphore_mem>>
        %dma_start3A_147 = arith.constant 0 : i32
        %dma_start3A_148 = arith.constant 0 : i32
        %dma_start3A_149 = tpu.memref_slice %arg14[%run_scoped3A_9, %dma_start3A_147, %dma_start3A_148] : memref<2x20x64xi32, #tpu.memory_space<vmem>> -> memref<1x20x64xi32, #tpu.memory_space<vmem>>
        %dma_start3A_150 = tpu.memref_squeeze %dma_start3A_149 : memref<1x20x64xi32, #tpu.memory_space<vmem>> -> memref<20x64xi32, #tpu.memory_space<vmem>>
        %dma_start3A_151 = arith.constant 0 : i32
        %dma_start3A_152 = arith.constant 0 : i32
        %dma_start3A_153 = tpu.memref_slice %arg10[%arg1, %run_scoped3A, %dma_start3A_151, %dma_start3A_152] : memref<16x16x20x64xi32, #tpu.memory_space<hbm>> -> memref<1x1x20x64xi32, #tpu.memory_space<hbm>>
        %dma_start3A_154 = tpu.memref_squeeze %dma_start3A_153 : memref<1x1x20x64xi32, #tpu.memory_space<hbm>> -> memref<20x64xi32, #tpu.memory_space<hbm>>
        %dma_start3A_155 = arith.constant 0 : i32
        %dma_start3A_156 = arith.constant 0 : i32
        %dma_start3A_157 = tpu.memref_slice %arg14[%run_scoped3A_9, %dma_start3A_155, %dma_start3A_156] : memref<2x20x64xi32, #tpu.memory_space<vmem>> -> memref<1x20x64xi32, #tpu.memory_space<vmem>>
        %dma_start3A_158 = tpu.memref_squeeze %dma_start3A_157 : memref<1x20x64xi32, #tpu.memory_space<vmem>> -> memref<20x64xi32, #tpu.memory_space<vmem>>
        %dma_start3A_159 = arith.constant 0 : i32
        %dma_start3A_160 = arith.constant 0 : i32
        %dma_start3A_161 = tpu.memref_slice %arg10[%arg1, %run_scoped3A, %dma_start3A_159, %dma_start3A_160] : memref<16x16x20x64xi32, #tpu.memory_space<hbm>> -> memref<1x1x20x64xi32, #tpu.memory_space<hbm>>
        %dma_start3A_162 = tpu.memref_squeeze %dma_start3A_161 : memref<1x1x20x64xi32, #tpu.memory_space<hbm>> -> memref<20x64xi32, #tpu.memory_space<hbm>>
        tpu.enqueue_dma source(%dma_start3A_162 : memref<20x64xi32, #tpu.memory_space<hbm>>) target(%dma_start3A_158 : memref<20x64xi32, #tpu.memory_space<vmem>>) target_semaphore(%run_scoped3A_146 : memref<!tpu.dma_semaphore, #tpu.memory_space<semaphore_mem>>)
        %dma_wait3A_163 = arith.constant 0 : i32
        %dma_wait3A_164 = arith.constant 0 : i32
        %dma_wait3A_165 = tpu.memref_slice %arg14[%run_scoped3A_9, %dma_wait3A_163, %dma_wait3A_164] : memref<2x20x64xi32, #tpu.memory_space<vmem>> -> memref<1x20x64xi32, #tpu.memory_space<vmem>>
        %dma_wait3A_166 = tpu.memref_squeeze %dma_wait3A_165 : memref<1x20x64xi32, #tpu.memory_space<vmem>> -> memref<20x64xi32, #tpu.memory_space<vmem>>
        %dma_wait3A_167 = arith.constant 0 : i32
        %dma_wait3A_168 = arith.constant 0 : i32
        %dma_wait3A_169 = tpu.memref_slice %arg10[%arg1, %run_scoped3A, %dma_wait3A_167, %dma_wait3A_168] : memref<16x16x20x64xi32, #tpu.memory_space<hbm>> -> memref<1x1x20x64xi32, #tpu.memory_space<hbm>>
        %dma_wait3A_170 = tpu.memref_squeeze %dma_wait3A_169 : memref<1x1x20x64xi32, #tpu.memory_space<hbm>> -> memref<20x64xi32, #tpu.memory_space<hbm>>
        %dma_wait3A_171 = arith.constant 0 : i32
        %dma_wait3A_172 = arith.constant 0 : i32
        %dma_wait3A_173 = tpu.memref_slice %arg14[%run_scoped3A_9, %dma_wait3A_171, %dma_wait3A_172] : memref<2x20x64xi32, #tpu.memory_space<vmem>> -> memref<1x20x64xi32, #tpu.memory_space<vmem>>
        %dma_wait3A_174 = tpu.memref_squeeze %dma_wait3A_173 : memref<1x20x64xi32, #tpu.memory_space<vmem>> -> memref<20x64xi32, #tpu.memory_space<vmem>>
        %dma_wait3A_175 = arith.constant 0 : i32
        %dma_wait3A_176 = arith.constant 0 : i32
        %dma_wait3A_177 = tpu.memref_slice %arg10[%arg1, %run_scoped3A, %dma_wait3A_175, %dma_wait3A_176] : memref<16x16x20x64xi32, #tpu.memory_space<hbm>> -> memref<1x1x20x64xi32, #tpu.memory_space<hbm>>
        %dma_wait3A_178 = tpu.memref_squeeze %dma_wait3A_177 : memref<1x1x20x64xi32, #tpu.memory_space<hbm>> -> memref<20x64xi32, #tpu.memory_space<hbm>>
        tpu.wait_dma2 semaphore(%run_scoped3A_146 : memref<!tpu.dma_semaphore, #tpu.memory_space<semaphore_mem>>) src(%dma_wait3A_178 : memref<20x64xi32, #tpu.memory_space<hbm>>) dst(%dma_wait3A_174 : memref<20x64xi32, #tpu.memory_space<vmem>>)
        tpu.yield
      }) : () -> ()
      %run_scoped3A_10 = arith.constant 0 : i32
      %run_scoped3A_11 = arith.constant 0 : i32
      "tpu.region"() ({
        %run_scoped3A_146 = tpu.sem_alloc : memref<!tpu.dma_semaphore, #tpu.memory_space<semaphore_mem>>
        %dma_start3A_147 = arith.constant 0 : i32
        %dma_start3A_148 = arith.constant 0 : i32
        %dma_start3A_149 = tpu.memref_slice %arg15[%run_scoped3A_11, %dma_start3A_147, %dma_start3A_148] : memref<3x20x64xi32, #tpu.memory_space<vmem>> -> memref<1x20x64xi32, #tpu.memory_space<vmem>>
        %dma_start3A_150 = tpu.memref_squeeze %dma_start3A_149 : memref<1x20x64xi32, #tpu.memory_space<vmem>> -> memref<20x64xi32, #tpu.memory_space<vmem>>
        %dma_start3A_151 = arith.constant 0 : i32
        %dma_start3A_152 = arith.constant 0 : i32
        %dma_start3A_153 = tpu.memref_slice %arg11[%arg1, %run_scoped3A_10, %dma_start3A_151, %dma_start3A_152] : memref<16x16x20x64xi32, #tpu.memory_space<hbm>> -> memref<1x1x20x64xi32, #tpu.memory_space<hbm>>
        %dma_start3A_154 = tpu.memref_squeeze %dma_start3A_153 : memref<1x1x20x64xi32, #tpu.memory_space<hbm>> -> memref<20x64xi32, #tpu.memory_space<hbm>>
        %dma_start3A_155 = arith.constant 0 : i32
        %dma_start3A_156 = arith.constant 0 : i32
        %dma_start3A_157 = tpu.memref_slice %arg15[%run_scoped3A_11, %dma_start3A_155, %dma_start3A_156] : memref<3x20x64xi32, #tpu.memory_space<vmem>> -> memref<1x20x64xi32, #tpu.memory_space<vmem>>
        %dma_start3A_158 = tpu.memref_squeeze %dma_start3A_157 : memref<1x20x64xi32, #tpu.memory_space<vmem>> -> memref<20x64xi32, #tpu.memory_space<vmem>>
        %dma_start3A_159 = arith.constant 0 : i32
        %dma_start3A_160 = arith.constant 0 : i32
        %dma_start3A_161 = tpu.memref_slice %arg11[%arg1, %run_scoped3A_10, %dma_start3A_159, %dma_start3A_160] : memref<16x16x20x64xi32, #tpu.memory_space<hbm>> -> memref<1x1x20x64xi32, #tpu.memory_space<hbm>>
        %dma_start3A_162 = tpu.memref_squeeze %dma_start3A_161 : memref<1x1x20x64xi32, #tpu.memory_space<hbm>> -> memref<20x64xi32, #tpu.memory_space<hbm>>
        tpu.enqueue_dma source(%dma_start3A_162 : memref<20x64xi32, #tpu.memory_space<hbm>>) target(%dma_start3A_158 : memref<20x64xi32, #tpu.memory_space<vmem>>) target_semaphore(%run_scoped3A_146 : memref<!tpu.dma_semaphore, #tpu.memory_space<semaphore_mem>>)
        %dma_wait3A_163 = arith.constant 0 : i32
        %dma_wait3A_164 = arith.constant 0 : i32
        %dma_wait3A_165 = tpu.memref_slice %arg15[%run_scoped3A_11, %dma_wait3A_163, %dma_wait3A_164] : memref<3x20x64xi32, #tpu.memory_space<vmem>> -> memref<1x20x64xi32, #tpu.memory_space<vmem>>
        %dma_wait3A_166 = tpu.memref_squeeze %dma_wait3A_165 : memref<1x20x64xi32, #tpu.memory_space<vmem>> -> memref<20x64xi32, #tpu.memory_space<vmem>>
        %dma_wait3A_167 = arith.constant 0 : i32
        %dma_wait3A_168 = arith.constant 0 : i32
        %dma_wait3A_169 = tpu.memref_slice %arg11[%arg1, %run_scoped3A_10, %dma_wait3A_167, %dma_wait3A_168] : memref<16x16x20x64xi32, #tpu.memory_space<hbm>> -> memref<1x1x20x64xi32, #tpu.memory_space<hbm>>
        %dma_wait3A_170 = tpu.memref_squeeze %dma_wait3A_169 : memref<1x1x20x64xi32, #tpu.memory_space<hbm>> -> memref<20x64xi32, #tpu.memory_space<hbm>>
        %dma_wait3A_171 = arith.constant 0 : i32
        %dma_wait3A_172 = arith.constant 0 : i32
        %dma_wait3A_173 = tpu.memref_slice %arg15[%run_scoped3A_11, %dma_wait3A_171, %dma_wait3A_172] : memref<3x20x64xi32, #tpu.memory_space<vmem>> -> memref<1x20x64xi32, #tpu.memory_space<vmem>>
        %dma_wait3A_174 = tpu.memref_squeeze %dma_wait3A_173 : memref<1x20x64xi32, #tpu.memory_space<vmem>> -> memref<20x64xi32, #tpu.memory_space<vmem>>
        %dma_wait3A_175 = arith.constant 0 : i32
        %dma_wait3A_176 = arith.constant 0 : i32
        %dma_wait3A_177 = tpu.memref_slice %arg11[%arg1, %run_scoped3A_10, %dma_wait3A_175, %dma_wait3A_176] : memref<16x16x20x64xi32, #tpu.memory_space<hbm>> -> memref<1x1x20x64xi32, #tpu.memory_space<hbm>>
        %dma_wait3A_178 = tpu.memref_squeeze %dma_wait3A_177 : memref<1x1x20x64xi32, #tpu.memory_space<hbm>> -> memref<20x64xi32, #tpu.memory_space<hbm>>
        tpu.wait_dma2 semaphore(%run_scoped3A_146 : memref<!tpu.dma_semaphore, #tpu.memory_space<semaphore_mem>>) src(%dma_wait3A_178 : memref<20x64xi32, #tpu.memory_space<hbm>>) dst(%dma_wait3A_174 : memref<20x64xi32, #tpu.memory_space<vmem>>)
        tpu.yield
      }) : () -> ()
      %run_scoped3A_12 = arith.constant 0 : i32
      "tpu.region"() ({
        %run_scoped3A_146 = tpu.sem_alloc : memref<!tpu.dma_semaphore, #tpu.memory_space<semaphore_mem>>
        %dma_start3A_147 = arith.constant 0 : i32
        %dma_start3A_148 = arith.constant 0 : i32
        %dma_start3A_149 = tpu.memref_slice %arg19[%run_scoped3A_12, %dma_start3A_147, %dma_start3A_148] : memref<2x64x144xf32, #tpu.memory_space<vmem>> -> memref<1x64x144xf32, #tpu.memory_space<vmem>>
        %dma_start3A_150 = tpu.memref_squeeze %dma_start3A_149 : memref<1x64x144xf32, #tpu.memory_space<vmem>> -> memref<64x144xf32, #tpu.memory_space<vmem>>
        %dma_start3A_151 = arith.constant 0 : i32
        %dma_start3A_152 = arith.constant 0 : i32
        %dma_start3A_153 = tpu.memref_slice %arg12[%dma_start3A_151, %dma_start3A_152] : memref<10240x144xf32, #tpu.memory_space<hbm>> -> memref<64x144xf32, #tpu.memory_space<hbm>>
        %dma_start3A_154 = arith.constant 0 : i32
        %dma_start3A_155 = arith.constant 0 : i32
        %dma_start3A_156 = tpu.memref_slice %arg19[%run_scoped3A_12, %dma_start3A_154, %dma_start3A_155] : memref<2x64x144xf32, #tpu.memory_space<vmem>> -> memref<1x64x144xf32, #tpu.memory_space<vmem>>
        %dma_start3A_157 = tpu.memref_squeeze %dma_start3A_156 : memref<1x64x144xf32, #tpu.memory_space<vmem>> -> memref<64x144xf32, #tpu.memory_space<vmem>>
        %dma_start3A_158 = arith.constant 0 : i32
        %dma_start3A_159 = arith.constant 0 : i32
        %dma_start3A_160 = tpu.memref_slice %arg12[%dma_start3A_158, %dma_start3A_159] : memref<10240x144xf32, #tpu.memory_space<hbm>> -> memref<64x144xf32, #tpu.memory_space<hbm>>
        tpu.enqueue_dma source(%dma_start3A_160 : memref<64x144xf32, #tpu.memory_space<hbm>>) target(%dma_start3A_157 : memref<64x144xf32, #tpu.memory_space<vmem>>) target_semaphore(%run_scoped3A_146 : memref<!tpu.dma_semaphore, #tpu.memory_space<semaphore_mem>>)
        %dma_wait3A_161 = arith.constant 0 : i32
        %dma_wait3A_162 = arith.constant 0 : i32
        %dma_wait3A_163 = tpu.memref_slice %arg19[%run_scoped3A_12, %dma_wait3A_161, %dma_wait3A_162] : memref<2x64x144xf32, #tpu.memory_space<vmem>> -> memref<1x64x144xf32, #tpu.memory_space<vmem>>
        %dma_wait3A_164 = tpu.memref_squeeze %dma_wait3A_163 : memref<1x64x144xf32, #tpu.memory_space<vmem>> -> memref<64x144xf32, #tpu.memory_space<vmem>>
        %dma_wait3A_165 = arith.constant 0 : i32
        %dma_wait3A_166 = arith.constant 0 : i32
        %dma_wait3A_167 = tpu.memref_slice %arg12[%dma_wait3A_165, %dma_wait3A_166] : memref<10240x144xf32, #tpu.memory_space<hbm>> -> memref<64x144xf32, #tpu.memory_space<hbm>>
        %dma_wait3A_168 = arith.constant 0 : i32
        %dma_wait3A_169 = arith.constant 0 : i32
        %dma_wait3A_170 = tpu.memref_slice %arg19[%run_scoped3A_12, %dma_wait3A_168, %dma_wait3A_169] : memref<2x64x144xf32, #tpu.memory_space<vmem>> -> memref<1x64x144xf32, #tpu.memory_space<vmem>>
        %dma_wait3A_171 = tpu.memref_squeeze %dma_wait3A_170 : memref<1x64x144xf32, #tpu.memory_space<vmem>> -> memref<64x144xf32, #tpu.memory_space<vmem>>
        %dma_wait3A_172 = arith.constant 0 : i32
        %dma_wait3A_173 = arith.constant 0 : i32
        %dma_wait3A_174 = tpu.memref_slice %arg12[%dma_wait3A_172, %dma_wait3A_173] : memref<10240x144xf32, #tpu.memory_space<hbm>> -> memref<64x144xf32, #tpu.memory_space<hbm>>
        tpu.wait_dma2 semaphore(%run_scoped3A_146 : memref<!tpu.dma_semaphore, #tpu.memory_space<semaphore_mem>>) src(%dma_wait3A_174 : memref<64x144xf32, #tpu.memory_space<hbm>>) dst(%dma_wait3A_171 : memref<64x144xf32, #tpu.memory_space<vmem>>)
        tpu.yield
      }) : () -> ()
      %dma_start3A = arith.constant 0 : i32
      %dma_start3A_13 = arith.constant 0 : i32
      %dma_start3A_14 = arith.constant 0 : i32
      %dma_start3A_15 = arith.constant 0 : i32
      %dma_start3A_16 = arith.constant 0 : i32
      %dma_start3A_17 = tpu.memref_slice %arg19[%dma_start3A, %dma_start3A_15, %dma_start3A_16] : memref<2x64x144xf32, #tpu.memory_space<vmem>> -> memref<1x64x144xf32, #tpu.memory_space<vmem>>
      %dma_start3A_18 = tpu.memref_squeeze %dma_start3A_17 : memref<1x64x144xf32, #tpu.memory_space<vmem>> -> memref<64x144xf32, #tpu.memory_space<vmem>>
      %dma_start3A_19 = arith.constant 0 : i32
      %dma_start3A_20 = tpu.memref_slice %arg15[%dma_start3A_13, %dma_start3A_14, %dma_start3A_19] : memref<3x20x64xi32, #tpu.memory_space<vmem>> -> memref<1x1x64xi32, #tpu.memory_space<vmem>>
      %dma_start3A_21 = tpu.memref_squeeze %dma_start3A_20 : memref<1x1x64xi32, #tpu.memory_space<vmem>> -> memref<64xi32, #tpu.memory_space<vmem>>
      %dma_start3A_22 = arith.constant 0 : i32
      %dma_start3A_23 = arith.constant 0 : i32
      %dma_start3A_24 = tpu.memref_slice %arg30[%dma_start3A_22, %dma_start3A_23] : memref<10240x144xf32, #tpu.memory_space<vmem_shared>> -> memref<10240x144xf32, #tpu.memory_space<vmem_shared>>
      tpu.enqueue_indirect_dma source(%dma_start3A_18 : memref<64x144xf32, #tpu.memory_space<vmem>>) target(%dma_start3A_24 : memref<10240x144xf32, #tpu.memory_space<vmem_shared>>) offsets(%dma_start3A_21 : memref<64xi32, #tpu.memory_space<vmem>>) semaphore(%arg26 : memref<!tpu.dma_semaphore, #tpu.memory_space<semaphore_mem>>) {add = true}
      %run_scoped3A_25 = arith.constant 1 : i32
      "tpu.region"() ({
        %run_scoped3A_146 = tpu.sem_alloc : memref<!tpu.dma_semaphore, #tpu.memory_space<semaphore_mem>>
        %dma_start3A_147 = arith.constant 0 : i32
        %dma_start3A_148 = arith.constant 0 : i32
        %dma_start3A_149 = tpu.memref_slice %arg19[%run_scoped3A_25, %dma_start3A_147, %dma_start3A_148] : memref<2x64x144xf32, #tpu.memory_space<vmem>> -> memref<1x64x144xf32, #tpu.memory_space<vmem>>
        %dma_start3A_150 = tpu.memref_squeeze %dma_start3A_149 : memref<1x64x144xf32, #tpu.memory_space<vmem>> -> memref<64x144xf32, #tpu.memory_space<vmem>>
        %dma_start3A_151 = arith.constant 0 : i32
        %dma_start3A_152 = arith.constant 0 : i32
        %dma_start3A_153 = tpu.memref_slice %arg12[%dma_start3A_151, %dma_start3A_152] : memref<10240x144xf32, #tpu.memory_space<hbm>> -> memref<64x144xf32, #tpu.memory_space<hbm>>
        %dma_start3A_154 = arith.constant 0 : i32
        %dma_start3A_155 = arith.constant 0 : i32
        %dma_start3A_156 = tpu.memref_slice %arg19[%run_scoped3A_25, %dma_start3A_154, %dma_start3A_155] : memref<2x64x144xf32, #tpu.memory_space<vmem>> -> memref<1x64x144xf32, #tpu.memory_space<vmem>>
        %dma_start3A_157 = tpu.memref_squeeze %dma_start3A_156 : memref<1x64x144xf32, #tpu.memory_space<vmem>> -> memref<64x144xf32, #tpu.memory_space<vmem>>
        %dma_start3A_158 = arith.constant 0 : i32
        %dma_start3A_159 = arith.constant 0 : i32
        %dma_start3A_160 = tpu.memref_slice %arg12[%dma_start3A_158, %dma_start3A_159] : memref<10240x144xf32, #tpu.memory_space<hbm>> -> memref<64x144xf32, #tpu.memory_space<hbm>>
        tpu.enqueue_dma source(%dma_start3A_160 : memref<64x144xf32, #tpu.memory_space<hbm>>) target(%dma_start3A_157 : memref<64x144xf32, #tpu.memory_space<vmem>>) target_semaphore(%run_scoped3A_146 : memref<!tpu.dma_semaphore, #tpu.memory_space<semaphore_mem>>)
        %dma_wait3A_161 = arith.constant 0 : i32
        %dma_wait3A_162 = arith.constant 0 : i32
        %dma_wait3A_163 = tpu.memref_slice %arg19[%run_scoped3A_25, %dma_wait3A_161, %dma_wait3A_162] : memref<2x64x144xf32, #tpu.memory_space<vmem>> -> memref<1x64x144xf32, #tpu.memory_space<vmem>>
        %dma_wait3A_164 = tpu.memref_squeeze %dma_wait3A_163 : memref<1x64x144xf32, #tpu.memory_space<vmem>> -> memref<64x144xf32, #tpu.memory_space<vmem>>
        %dma_wait3A_165 = arith.constant 0 : i32
        %dma_wait3A_166 = arith.constant 0 : i32
        %dma_wait3A_167 = tpu.memref_slice %arg12[%dma_wait3A_165, %dma_wait3A_166] : memref<10240x144xf32, #tpu.memory_space<hbm>> -> memref<64x144xf32, #tpu.memory_space<hbm>>
        %dma_wait3A_168 = arith.constant 0 : i32
        %dma_wait3A_169 = arith.constant 0 : i32
        %dma_wait3A_170 = tpu.memref_slice %arg19[%run_scoped3A_25, %dma_wait3A_168, %dma_wait3A_169] : memref<2x64x144xf32, #tpu.memory_space<vmem>> -> memref<1x64x144xf32, #tpu.memory_space<vmem>>
        %dma_wait3A_171 = tpu.memref_squeeze %dma_wait3A_170 : memref<1x64x144xf32, #tpu.memory_space<vmem>> -> memref<64x144xf32, #tpu.memory_space<vmem>>
        %dma_wait3A_172 = arith.constant 0 : i32
        %dma_wait3A_173 = arith.constant 0 : i32
        %dma_wait3A_174 = tpu.memref_slice %arg12[%dma_wait3A_172, %dma_wait3A_173] : memref<10240x144xf32, #tpu.memory_space<hbm>> -> memref<64x144xf32, #tpu.memory_space<hbm>>
        tpu.wait_dma2 semaphore(%run_scoped3A_146 : memref<!tpu.dma_semaphore, #tpu.memory_space<semaphore_mem>>) src(%dma_wait3A_174 : memref<64x144xf32, #tpu.memory_space<hbm>>) dst(%dma_wait3A_171 : memref<64x144xf32, #tpu.memory_space<vmem>>)
        tpu.yield
      }) : () -> ()
      %dma_start3A_26 = arith.constant 1 : i32
      %dma_start3A_27 = arith.constant 0 : i32
      %dma_start3A_28 = arith.constant 1 : i32
      %dma_start3A_29 = arith.constant 0 : i32
      %dma_start3A_30 = arith.constant 0 : i32
      %dma_start3A_31 = tpu.memref_slice %arg19[%dma_start3A_26, %dma_start3A_29, %dma_start3A_30] : memref<2x64x144xf32, #tpu.memory_space<vmem>> -> memref<1x64x144xf32, #tpu.memory_space<vmem>>
      %dma_start3A_32 = tpu.memref_squeeze %dma_start3A_31 : memref<1x64x144xf32, #tpu.memory_space<vmem>> -> memref<64x144xf32, #tpu.memory_space<vmem>>
      %dma_start3A_33 = arith.constant 0 : i32
      %dma_start3A_34 = tpu.memref_slice %arg15[%dma_start3A_27, %dma_start3A_28, %dma_start3A_33] : memref<3x20x64xi32, #tpu.memory_space<vmem>> -> memref<1x1x64xi32, #tpu.memory_space<vmem>>
      %dma_start3A_35 = tpu.memref_squeeze %dma_start3A_34 : memref<1x1x64xi32, #tpu.memory_space<vmem>> -> memref<64xi32, #tpu.memory_space<vmem>>
      %dma_start3A_36 = arith.constant 0 : i32
      %dma_start3A_37 = arith.constant 0 : i32
      %dma_start3A_38 = tpu.memref_slice %arg30[%dma_start3A_36, %dma_start3A_37] : memref<10240x144xf32, #tpu.memory_space<vmem_shared>> -> memref<10240x144xf32, #tpu.memory_space<vmem_shared>>
      tpu.enqueue_indirect_dma source(%dma_start3A_32 : memref<64x144xf32, #tpu.memory_space<vmem>>) target(%dma_start3A_38 : memref<10240x144xf32, #tpu.memory_space<vmem_shared>>) offsets(%dma_start3A_35 : memref<64xi32, #tpu.memory_space<vmem>>) semaphore(%arg27 : memref<!tpu.dma_semaphore, #tpu.memory_space<semaphore_mem>>) {add = true}
      %dma_start3A_39 = arith.constant 0 : i32
      %dma_start3A_40 = arith.constant 0 : i32
      %dma_start3A_41 = arith.constant 0 : i32
      %dma_start3A_42 = arith.constant 0 : i32
      %dma_start3A_43 = arith.constant 0 : i32
      %dma_start3A_44 = tpu.memref_slice %arg16[%dma_start3A_41, %dma_start3A_42, %dma_start3A_43] : memref<2x64x128xbf16, #tpu.memory_space<vmem>> -> memref<1x64x128xbf16, #tpu.memory_space<vmem>>
      %dma_start3A_45 = tpu.memref_squeeze %dma_start3A_44 : memref<1x64x128xbf16, #tpu.memory_space<vmem>> -> memref<64x128xbf16, #tpu.memory_space<vmem>>
      %dma_start3A_46 = arith.constant 0 : i32
      %dma_start3A_47 = tpu.memref_slice %arg14[%dma_start3A_39, %dma_start3A_40, %dma_start3A_46] : memref<2x20x64xi32, #tpu.memory_space<vmem>> -> memref<1x1x64xi32, #tpu.memory_space<vmem>>
      %dma_start3A_48 = tpu.memref_squeeze %dma_start3A_47 : memref<1x1x64xi32, #tpu.memory_space<vmem>> -> memref<64xi32, #tpu.memory_space<vmem>>
      %dma_start3A_49 = arith.constant 0 : i32
      %dma_start3A_50 = arith.constant 0 : i32
      %dma_start3A_51 = tpu.memref_slice %arg5[%dma_start3A_49, %dma_start3A_50] : memref<10240x128xbf16, #tpu.memory_space<hbm>> -> memref<10240x128xbf16, #tpu.memory_space<hbm>>
      tpu.enqueue_indirect_dma source(%dma_start3A_51 : memref<10240x128xbf16, #tpu.memory_space<hbm>>) target(%dma_start3A_45 : memref<64x128xbf16, #tpu.memory_space<vmem>>) offsets(%dma_start3A_48 : memref<64xi32, #tpu.memory_space<vmem>>) semaphore(%arg20 : memref<!tpu.dma_semaphore, #tpu.memory_space<semaphore_mem>>)
      %dma_start3A_52 = arith.constant 0 : i32
      %dma_start3A_53 = arith.constant 0 : i32
      %dma_start3A_54 = arith.constant 0 : i32
      %dma_start3A_55 = arith.constant 0 : i32
      %dma_start3A_56 = arith.constant 0 : i32
      %dma_start3A_57 = tpu.memref_slice %arg17[%dma_start3A_54, %dma_start3A_55, %dma_start3A_56] : memref<2x64x16xf32, #tpu.memory_space<vmem>> -> memref<1x64x16xf32, #tpu.memory_space<vmem>>
      %dma_start3A_58 = tpu.memref_squeeze %dma_start3A_57 : memref<1x64x16xf32, #tpu.memory_space<vmem>> -> memref<64x16xf32, #tpu.memory_space<vmem>>
      %dma_start3A_59 = arith.constant 0 : i32
      %dma_start3A_60 = tpu.memref_slice %arg14[%dma_start3A_52, %dma_start3A_53, %dma_start3A_59] : memref<2x20x64xi32, #tpu.memory_space<vmem>> -> memref<1x1x64xi32, #tpu.memory_space<vmem>>
      %dma_start3A_61 = tpu.memref_squeeze %dma_start3A_60 : memref<1x1x64xi32, #tpu.memory_space<vmem>> -> memref<64xi32, #tpu.memory_space<vmem>>
      %dma_start3A_62 = arith.constant 0 : i32
      %dma_start3A_63 = arith.constant 0 : i32
      %dma_start3A_64 = tpu.memref_slice %arg6[%dma_start3A_62, %dma_start3A_63] : memref<10240x16xf32, #tpu.memory_space<hbm>> -> memref<10240x16xf32, #tpu.memory_space<hbm>>
      tpu.enqueue_indirect_dma source(%dma_start3A_64 : memref<10240x16xf32, #tpu.memory_space<hbm>>) target(%dma_start3A_58 : memref<64x16xf32, #tpu.memory_space<vmem>>) offsets(%dma_start3A_61 : memref<64xi32, #tpu.memory_space<vmem>>) semaphore(%arg21 : memref<!tpu.dma_semaphore, #tpu.memory_space<semaphore_mem>>)
      %dma_start3A_65 = arith.constant 0 : i32
      %dma_start3A_66 = arith.constant 0 : i32
      %dma_start3A_67 = arith.constant 0 : i32
      %dma_start3A_68 = arith.constant 0 : i32
      %dma_start3A_69 = arith.constant 0 : i32
      %dma_start3A_70 = tpu.memref_slice %arg18[%dma_start3A_67, %dma_start3A_68, %dma_start3A_69] : memref<2x64x16xf32, #tpu.memory_space<vmem>> -> memref<1x64x16xf32, #tpu.memory_space<vmem>>
      %dma_start3A_71 = tpu.memref_squeeze %dma_start3A_70 : memref<1x64x16xf32, #tpu.memory_space<vmem>> -> memref<64x16xf32, #tpu.memory_space<vmem>>
      %dma_start3A_72 = arith.constant 0 : i32
      %dma_start3A_73 = tpu.memref_slice %arg15[%dma_start3A_65, %dma_start3A_66, %dma_start3A_72] : memref<3x20x64xi32, #tpu.memory_space<vmem>> -> memref<1x1x64xi32, #tpu.memory_space<vmem>>
      %dma_start3A_74 = tpu.memref_squeeze %dma_start3A_73 : memref<1x1x64xi32, #tpu.memory_space<vmem>> -> memref<64xi32, #tpu.memory_space<vmem>>
      %dma_start3A_75 = arith.constant 0 : i32
      %dma_start3A_76 = arith.constant 0 : i32
      %dma_start3A_77 = tpu.memref_slice %arg7[%dma_start3A_75, %dma_start3A_76] : memref<10240x16xf32, #tpu.memory_space<hbm>> -> memref<10240x16xf32, #tpu.memory_space<hbm>>
      tpu.enqueue_indirect_dma source(%dma_start3A_77 : memref<10240x16xf32, #tpu.memory_space<hbm>>) target(%dma_start3A_71 : memref<64x16xf32, #tpu.memory_space<vmem>>) offsets(%dma_start3A_74 : memref<64xi32, #tpu.memory_space<vmem>>) semaphore(%arg22 : memref<!tpu.dma_semaphore, #tpu.memory_space<semaphore_mem>>)
      %dma_start3A_78 = arith.constant 0 : i32
      %dma_start3A_79 = arith.constant 1 : i32
      %dma_start3A_80 = arith.constant 1 : i32
      %dma_start3A_81 = arith.constant 0 : i32
      %dma_start3A_82 = arith.constant 0 : i32
      %dma_start3A_83 = tpu.memref_slice %arg16[%dma_start3A_80, %dma_start3A_81, %dma_start3A_82] : memref<2x64x128xbf16, #tpu.memory_space<vmem>> -> memref<1x64x128xbf16, #tpu.memory_space<vmem>>
      %dma_start3A_84 = tpu.memref_squeeze %dma_start3A_83 : memref<1x64x128xbf16, #tpu.memory_space<vmem>> -> memref<64x128xbf16, #tpu.memory_space<vmem>>
      %dma_start3A_85 = arith.constant 0 : i32
      %dma_start3A_86 = tpu.memref_slice %arg14[%dma_start3A_78, %dma_start3A_79, %dma_start3A_85] : memref<2x20x64xi32, #tpu.memory_space<vmem>> -> memref<1x1x64xi32, #tpu.memory_space<vmem>>
      %dma_start3A_87 = tpu.memref_squeeze %dma_start3A_86 : memref<1x1x64xi32, #tpu.memory_space<vmem>> -> memref<64xi32, #tpu.memory_space<vmem>>
      %dma_start3A_88 = arith.constant 0 : i32
      %dma_start3A_89 = arith.constant 0 : i32
      %dma_start3A_90 = tpu.memref_slice %arg5[%dma_start3A_88, %dma_start3A_89] : memref<10240x128xbf16, #tpu.memory_space<hbm>> -> memref<10240x128xbf16, #tpu.memory_space<hbm>>
      tpu.enqueue_indirect_dma source(%dma_start3A_90 : memref<10240x128xbf16, #tpu.memory_space<hbm>>) target(%dma_start3A_84 : memref<64x128xbf16, #tpu.memory_space<vmem>>) offsets(%dma_start3A_87 : memref<64xi32, #tpu.memory_space<vmem>>) semaphore(%arg23 : memref<!tpu.dma_semaphore, #tpu.memory_space<semaphore_mem>>)
      %dma_start3A_91 = arith.constant 0 : i32
      %dma_start3A_92 = arith.constant 1 : i32
      %dma_start3A_93 = arith.constant 1 : i32
      %dma_start3A_94 = arith.constant 0 : i32
      %dma_start3A_95 = arith.constant 0 : i32
      %dma_start3A_96 = tpu.memref_slice %arg17[%dma_start3A_93, %dma_start3A_94, %dma_start3A_95] : memref<2x64x16xf32, #tpu.memory_space<vmem>> -> memref<1x64x16xf32, #tpu.memory_space<vmem>>
      %dma_start3A_97 = tpu.memref_squeeze %dma_start3A_96 : memref<1x64x16xf32, #tpu.memory_space<vmem>> -> memref<64x16xf32, #tpu.memory_space<vmem>>
      %dma_start3A_98 = arith.constant 0 : i32
      %dma_start3A_99 = tpu.memref_slice %arg14[%dma_start3A_91, %dma_start3A_92, %dma_start3A_98] : memref<2x20x64xi32, #tpu.memory_space<vmem>> -> memref<1x1x64xi32, #tpu.memory_space<vmem>>
      %dma_start3A_100 = tpu.memref_squeeze %dma_start3A_99 : memref<1x1x64xi32, #tpu.memory_space<vmem>> -> memref<64xi32, #tpu.memory_space<vmem>>
      %dma_start3A_101 = arith.constant 0 : i32
      %dma_start3A_102 = arith.constant 0 : i32
      %dma_start3A_103 = tpu.memref_slice %arg6[%dma_start3A_101, %dma_start3A_102] : memref<10240x16xf32, #tpu.memory_space<hbm>> -> memref<10240x16xf32, #tpu.memory_space<hbm>>
      tpu.enqueue_indirect_dma source(%dma_start3A_103 : memref<10240x16xf32, #tpu.memory_space<hbm>>) target(%dma_start3A_97 : memref<64x16xf32, #tpu.memory_space<vmem>>) offsets(%dma_start3A_100 : memref<64xi32, #tpu.memory_space<vmem>>) semaphore(%arg24 : memref<!tpu.dma_semaphore, #tpu.memory_space<semaphore_mem>>)
      %dma_start3A_104 = arith.constant 0 : i32
      %dma_start3A_105 = arith.constant 1 : i32
      %dma_start3A_106 = arith.constant 1 : i32
      %dma_start3A_107 = arith.constant 0 : i32
      %dma_start3A_108 = arith.constant 0 : i32
      %dma_start3A_109 = tpu.memref_slice %arg18[%dma_start3A_106, %dma_start3A_107, %dma_start3A_108] : memref<2x64x16xf32, #tpu.memory_space<vmem>> -> memref<1x64x16xf32, #tpu.memory_space<vmem>>
      %dma_start3A_110 = tpu.memref_squeeze %dma_start3A_109 : memref<1x64x16xf32, #tpu.memory_space<vmem>> -> memref<64x16xf32, #tpu.memory_space<vmem>>
      %dma_start3A_111 = arith.constant 0 : i32
      %dma_start3A_112 = tpu.memref_slice %arg15[%dma_start3A_104, %dma_start3A_105, %dma_start3A_111] : memref<3x20x64xi32, #tpu.memory_space<vmem>> -> memref<1x1x64xi32, #tpu.memory_space<vmem>>
      %dma_start3A_113 = tpu.memref_squeeze %dma_start3A_112 : memref<1x1x64xi32, #tpu.memory_space<vmem>> -> memref<64xi32, #tpu.memory_space<vmem>>
      %dma_start3A_114 = arith.constant 0 : i32
      %dma_start3A_115 = arith.constant 0 : i32
      %dma_start3A_116 = tpu.memref_slice %arg7[%dma_start3A_114, %dma_start3A_115] : memref<10240x16xf32, #tpu.memory_space<hbm>> -> memref<10240x16xf32, #tpu.memory_space<hbm>>
      tpu.enqueue_indirect_dma source(%dma_start3A_116 : memref<10240x16xf32, #tpu.memory_space<hbm>>) target(%dma_start3A_110 : memref<64x16xf32, #tpu.memory_space<vmem>>) offsets(%dma_start3A_113 : memref<64xi32, #tpu.memory_space<vmem>>) semaphore(%arg25 : memref<!tpu.dma_semaphore, #tpu.memory_space<semaphore_mem>>)
      %scan3A = arith.constant 0 : i32
      %scan3A_117 = arith.constant 16 : i32
      %scan3A_118 = arith.addi %scan3A, %scan3A_117 : i32
      %scan3A_119 = arith.constant 1 : i32
      scf.for %scan3A_146 = %scan3A to %scan3A_118 step %scan3A_119  : i32 {
        %mul3A_147 = arith.constant 1 : i32
        %mul3A_148 = arith.muli %scan3A_146, %mul3A_147 : i32
        %add3A = arith.constant 0 : i32
        %add3A_149 = arith.addi %add3A, %mul3A_148 : i32
        %jit3A = arith.constant 2 : i32
        %eq3A_150 = arith.constant 0 : i32
        %eq3A_151 = arith.cmpi eq, %jit3A, %eq3A_150 : i32
        %jit3A_152 = arith.constant 1 : i32
        %select_n3A = arith.select %eq3A_151, %jit3A_152, %jit3A : i32
        %rem3A = arith.remsi %add3A_149, %select_n3A : i32
        %ne3A = arith.constant 0 : i32
        %ne3A_153 = arith.cmpi ne, %rem3A, %ne3A : i32
        %lt3A = arith.constant 0 : i32
        %lt3A_154 = arith.cmpi slt, %rem3A, %lt3A : i32
        %lt3A_155 = arith.constant 0 : i32
        %lt3A_156 = arith.cmpi slt, %select_n3A, %lt3A_155 : i32
        %ne3A_157 = arith.xori %lt3A_154, %lt3A_156 : i1
        %and3A = arith.andi %ne3A_157, %ne3A_153 : i1
        %add3A_158 = arith.addi %rem3A, %select_n3A : i32
        %select_n3A_159 = arith.select %and3A, %add3A_158, %rem3A : i32
        %jit3A_160 = arith.constant 3 : i32
        %eq3A_161 = arith.constant 0 : i32
        %eq3A_162 = arith.cmpi eq, %jit3A_160, %eq3A_161 : i32
        %jit3A_163 = arith.constant 1 : i32
        %select_n3A_164 = arith.select %eq3A_162, %jit3A_163, %jit3A_160 : i32
        %rem3A_165 = arith.remsi %add3A_149, %select_n3A_164 : i32
        %ne3A_166 = arith.constant 0 : i32
        %ne3A_167 = arith.cmpi ne, %rem3A_165, %ne3A_166 : i32
        %lt3A_168 = arith.constant 0 : i32
        %lt3A_169 = arith.cmpi slt, %rem3A_165, %lt3A_168 : i32
        %lt3A_170 = arith.constant 0 : i32
        %lt3A_171 = arith.cmpi slt, %select_n3A_164, %lt3A_170 : i32
        %ne3A_172 = arith.xori %lt3A_169, %lt3A_171 : i1
        %and3A_173 = arith.andi %ne3A_172, %ne3A_167 : i1
        %add3A_174 = arith.addi %rem3A_165, %select_n3A_164 : i32
        %select_n3A_175 = arith.select %and3A_173, %add3A_174, %rem3A_165 : i32
        %add3A_176 = arith.constant 1 : i32
        %add3A_177 = arith.addi %add3A_149, %add3A_176 : i32
        %jit3A_178 = arith.constant 2 : i32
        %eq3A_179 = arith.constant 0 : i32
        %eq3A_180 = arith.cmpi eq, %jit3A_178, %eq3A_179 : i32
        %jit3A_181 = arith.constant 1 : i32
        %select_n3A_182 = arith.select %eq3A_180, %jit3A_181, %jit3A_178 : i32
        %rem3A_183 = arith.remsi %add3A_177, %select_n3A_182 : i32
        %ne3A_184 = arith.constant 0 : i32
        %ne3A_185 = arith.cmpi ne, %rem3A_183, %ne3A_184 : i32
        %lt3A_186 = arith.constant 0 : i32
        %lt3A_187 = arith.cmpi slt, %rem3A_183, %lt3A_186 : i32
        %lt3A_188 = arith.constant 0 : i32
        %lt3A_189 = arith.cmpi slt, %select_n3A_182, %lt3A_188 : i32
        %ne3A_190 = arith.xori %lt3A_187, %lt3A_189 : i1
        %and3A_191 = arith.andi %ne3A_190, %ne3A_185 : i1
        %add3A_192 = arith.addi %rem3A_183, %select_n3A_182 : i32
        %select_n3A_193 = arith.select %and3A_191, %add3A_192, %rem3A_183 : i32
        %add3A_194 = arith.constant 1 : i32
        %add3A_195 = arith.addi %add3A_149, %add3A_194 : i32
        %jit3A_196 = arith.constant 3 : i32
        %eq3A_197 = arith.constant 0 : i32
        %eq3A_198 = arith.cmpi eq, %jit3A_196, %eq3A_197 : i32
        %jit3A_199 = arith.constant 1 : i32
        %select_n3A_200 = arith.select %eq3A_198, %jit3A_199, %jit3A_196 : i32
        %rem3A_201 = arith.remsi %add3A_195, %select_n3A_200 : i32
        %ne3A_202 = arith.constant 0 : i32
        %ne3A_203 = arith.cmpi ne, %rem3A_201, %ne3A_202 : i32
        %lt3A_204 = arith.constant 0 : i32
        %lt3A_205 = arith.cmpi slt, %rem3A_201, %lt3A_204 : i32
        %lt3A_206 = arith.constant 0 : i32
        %lt3A_207 = arith.cmpi slt, %select_n3A_200, %lt3A_206 : i32
        %ne3A_208 = arith.xori %lt3A_205, %lt3A_207 : i1
        %and3A_209 = arith.andi %ne3A_208, %ne3A_203 : i1
        %add3A_210 = arith.addi %rem3A_201, %select_n3A_200 : i32
        %select_n3A_211 = arith.select %and3A_209, %add3A_210, %rem3A_201 : i32
        %add3A_212 = arith.constant 1 : i32
        %add3A_213 = arith.addi %add3A_149, %add3A_212 : i32
        %lt3A_214 = arith.constant 16 : i32
        %lt3A_215 = arith.cmpi slt, %add3A_213, %lt3A_214 : i32
        %convert_element_type3A_216 = arith.extui %lt3A_215 : i1 to i32
        %cond3A_217 = arith.constant 0 : i32
        %cond3A_218 = arith.cmpi ne, %convert_element_type3A_216, %cond3A_217 : i32
        scf.if %cond3A_218 {
          %add3A_231 = arith.constant 1 : i32
          %add3A_232 = arith.addi %add3A_149, %add3A_231 : i32
          %dma_start3A_233 = arith.constant 0 : i32
          %dma_start3A_234 = arith.constant 0 : i32
          %dma_start3A_235 = tpu.memref_slice %arg14[%select_n3A_193, %dma_start3A_233, %dma_start3A_234] : memref<2x20x64xi32, #tpu.memory_space<vmem>> -> memref<1x20x64xi32, #tpu.memory_space<vmem>>
          %dma_start3A_236 = tpu.memref_squeeze %dma_start3A_235 : memref<1x20x64xi32, #tpu.memory_space<vmem>> -> memref<20x64xi32, #tpu.memory_space<vmem>>
          %dma_start3A_237 = arith.constant 0 : i32
          %dma_start3A_238 = arith.constant 0 : i32
          %dma_start3A_239 = tpu.memref_slice %arg10[%arg1, %add3A_232, %dma_start3A_237, %dma_start3A_238] : memref<16x16x20x64xi32, #tpu.memory_space<hbm>> -> memref<1x1x20x64xi32, #tpu.memory_space<hbm>>
          %dma_start3A_240 = tpu.memref_squeeze %dma_start3A_239 : memref<1x1x20x64xi32, #tpu.memory_space<hbm>> -> memref<20x64xi32, #tpu.memory_space<hbm>>
          %dma_start3A_241 = arith.constant 0 : i32
          %dma_start3A_242 = arith.constant 0 : i32
          %dma_start3A_243 = tpu.memref_slice %arg14[%select_n3A_193, %dma_start3A_241, %dma_start3A_242] : memref<2x20x64xi32, #tpu.memory_space<vmem>> -> memref<1x20x64xi32, #tpu.memory_space<vmem>>
          %dma_start3A_244 = tpu.memref_squeeze %dma_start3A_243 : memref<1x20x64xi32, #tpu.memory_space<vmem>> -> memref<20x64xi32, #tpu.memory_space<vmem>>
          %dma_start3A_245 = arith.constant 0 : i32
          %dma_start3A_246 = arith.constant 0 : i32
          %dma_start3A_247 = tpu.memref_slice %arg10[%arg1, %add3A_232, %dma_start3A_245, %dma_start3A_246] : memref<16x16x20x64xi32, #tpu.memory_space<hbm>> -> memref<1x1x20x64xi32, #tpu.memory_space<hbm>>
          %dma_start3A_248 = tpu.memref_squeeze %dma_start3A_247 : memref<1x1x20x64xi32, #tpu.memory_space<hbm>> -> memref<20x64xi32, #tpu.memory_space<hbm>>
          tpu.enqueue_dma source(%dma_start3A_248 : memref<20x64xi32, #tpu.memory_space<hbm>>) target(%dma_start3A_244 : memref<20x64xi32, #tpu.memory_space<vmem>>) target_semaphore(%arg28 : memref<!tpu.dma_semaphore, #tpu.memory_space<semaphore_mem>>)
          %add3A_249 = arith.constant 1 : i32
          %add3A_250 = arith.addi %add3A_149, %add3A_249 : i32
          %dma_start3A_251 = arith.constant 0 : i32
          %dma_start3A_252 = arith.constant 0 : i32
          %dma_start3A_253 = tpu.memref_slice %arg15[%select_n3A_211, %dma_start3A_251, %dma_start3A_252] : memref<3x20x64xi32, #tpu.memory_space<vmem>> -> memref<1x20x64xi32, #tpu.memory_space<vmem>>
          %dma_start3A_254 = tpu.memref_squeeze %dma_start3A_253 : memref<1x20x64xi32, #tpu.memory_space<vmem>> -> memref<20x64xi32, #tpu.memory_space<vmem>>
          %dma_start3A_255 = arith.constant 0 : i32
          %dma_start3A_256 = arith.constant 0 : i32
          %dma_start3A_257 = tpu.memref_slice %arg11[%arg1, %add3A_250, %dma_start3A_255, %dma_start3A_256] : memref<16x16x20x64xi32, #tpu.memory_space<hbm>> -> memref<1x1x20x64xi32, #tpu.memory_space<hbm>>
          %dma_start3A_258 = tpu.memref_squeeze %dma_start3A_257 : memref<1x1x20x64xi32, #tpu.memory_space<hbm>> -> memref<20x64xi32, #tpu.memory_space<hbm>>
          %dma_start3A_259 = arith.constant 0 : i32
          %dma_start3A_260 = arith.constant 0 : i32
          %dma_start3A_261 = tpu.memref_slice %arg15[%select_n3A_211, %dma_start3A_259, %dma_start3A_260] : memref<3x20x64xi32, #tpu.memory_space<vmem>> -> memref<1x20x64xi32, #tpu.memory_space<vmem>>
          %dma_start3A_262 = tpu.memref_squeeze %dma_start3A_261 : memref<1x20x64xi32, #tpu.memory_space<vmem>> -> memref<20x64xi32, #tpu.memory_space<vmem>>
          %dma_start3A_263 = arith.constant 0 : i32
          %dma_start3A_264 = arith.constant 0 : i32
          %dma_start3A_265 = tpu.memref_slice %arg11[%arg1, %add3A_250, %dma_start3A_263, %dma_start3A_264] : memref<16x16x20x64xi32, #tpu.memory_space<hbm>> -> memref<1x1x20x64xi32, #tpu.memory_space<hbm>>
          %dma_start3A_266 = tpu.memref_squeeze %dma_start3A_265 : memref<1x1x20x64xi32, #tpu.memory_space<hbm>> -> memref<20x64xi32, #tpu.memory_space<hbm>>
          tpu.enqueue_dma source(%dma_start3A_266 : memref<20x64xi32, #tpu.memory_space<hbm>>) target(%dma_start3A_262 : memref<20x64xi32, #tpu.memory_space<vmem>>) target_semaphore(%arg29 : memref<!tpu.dma_semaphore, #tpu.memory_space<semaphore_mem>>)
        } else {
        }
        %scan3A_219 = arith.constant 0 : i32
        %scan3A_220 = arith.constant 10 : i32
        %scan3A_221 = arith.addi %scan3A_219, %scan3A_220 : i32
        %scan3A_222 = arith.constant 1 : i32
        scf.for %scan3A_231 = %scan3A_219 to %scan3A_221 step %scan3A_222  : i32 {
          %mul3A_232 = arith.constant 2 : i32
          %mul3A_233 = arith.muli %scan3A_231, %mul3A_232 : i32
          %add3A_234 = arith.constant 0 : i32
          %add3A_235 = arith.addi %add3A_234, %mul3A_233 : i32
          %add3A_236 = arith.constant 0 : i32
          %add3A_237 = arith.addi %add3A_235, %add3A_236 : i32
          %dma_wait3A_238 = arith.constant 0 : i32
          %dma_wait3A_239 = arith.constant 0 : i32
          %dma_wait3A_240 = arith.constant 0 : i32
          %dma_wait3A_241 = arith.constant 0 : i32
          %dma_wait3A_242 = arith.constant 0 : i32
          %dma_wait3A_243 = tpu.memref_slice %arg16[%dma_wait3A_240, %dma_wait3A_241, %dma_wait3A_242] : memref<2x64x128xbf16, #tpu.memory_space<vmem>> -> memref<1x64x128xbf16, #tpu.memory_space<vmem>>
          %dma_wait3A_244 = tpu.memref_squeeze %dma_wait3A_243 : memref<1x64x128xbf16, #tpu.memory_space<vmem>> -> memref<64x128xbf16, #tpu.memory_space<vmem>>
          %dma_wait3A_245 = arith.constant 0 : i32
          %dma_wait3A_246 = tpu.memref_slice %arg14[%dma_wait3A_238, %dma_wait3A_239, %dma_wait3A_245] : memref<2x20x64xi32, #tpu.memory_space<vmem>> -> memref<1x1x64xi32, #tpu.memory_space<vmem>>
          %dma_wait3A_247 = tpu.memref_squeeze %dma_wait3A_246 : memref<1x1x64xi32, #tpu.memory_space<vmem>> -> memref<64xi32, #tpu.memory_space<vmem>>
          %dma_wait3A_248 = arith.constant 0 : i32
          %dma_wait3A_249 = arith.constant 0 : i32
          %dma_wait3A_250 = tpu.memref_slice %arg5[%dma_wait3A_248, %dma_wait3A_249] : memref<10240x128xbf16, #tpu.memory_space<hbm>> -> memref<10240x128xbf16, #tpu.memory_space<hbm>>
          tpu.wait_indirect_dma semaphore(%arg20 : memref<!tpu.dma_semaphore, #tpu.memory_space<semaphore_mem>>) src(%dma_wait3A_250 : memref<10240x128xbf16, #tpu.memory_space<hbm>>) dst(%dma_wait3A_244 : memref<64x128xbf16, #tpu.memory_space<vmem>>)
          %dma_wait3A_251 = arith.constant 0 : i32
          %dma_wait3A_252 = arith.constant 0 : i32
          %dma_wait3A_253 = arith.constant 0 : i32
          %dma_wait3A_254 = arith.constant 0 : i32
          %dma_wait3A_255 = arith.constant 0 : i32
          %dma_wait3A_256 = tpu.memref_slice %arg17[%dma_wait3A_253, %dma_wait3A_254, %dma_wait3A_255] : memref<2x64x16xf32, #tpu.memory_space<vmem>> -> memref<1x64x16xf32, #tpu.memory_space<vmem>>
          %dma_wait3A_257 = tpu.memref_squeeze %dma_wait3A_256 : memref<1x64x16xf32, #tpu.memory_space<vmem>> -> memref<64x16xf32, #tpu.memory_space<vmem>>
          %dma_wait3A_258 = arith.constant 0 : i32
          %dma_wait3A_259 = tpu.memref_slice %arg14[%dma_wait3A_251, %dma_wait3A_252, %dma_wait3A_258] : memref<2x20x64xi32, #tpu.memory_space<vmem>> -> memref<1x1x64xi32, #tpu.memory_space<vmem>>
          %dma_wait3A_260 = tpu.memref_squeeze %dma_wait3A_259 : memref<1x1x64xi32, #tpu.memory_space<vmem>> -> memref<64xi32, #tpu.memory_space<vmem>>
          %dma_wait3A_261 = arith.constant 0 : i32
          %dma_wait3A_262 = arith.constant 0 : i32
          %dma_wait3A_263 = tpu.memref_slice %arg6[%dma_wait3A_261, %dma_wait3A_262] : memref<10240x16xf32, #tpu.memory_space<hbm>> -> memref<10240x16xf32, #tpu.memory_space<hbm>>
          tpu.wait_indirect_dma semaphore(%arg21 : memref<!tpu.dma_semaphore, #tpu.memory_space<semaphore_mem>>) src(%dma_wait3A_263 : memref<10240x16xf32, #tpu.memory_space<hbm>>) dst(%dma_wait3A_257 : memref<64x16xf32, #tpu.memory_space<vmem>>)
          %dma_wait3A_264 = arith.constant 0 : i32
          %dma_wait3A_265 = arith.constant 0 : i32
          %dma_wait3A_266 = arith.constant 0 : i32
          %dma_wait3A_267 = arith.constant 0 : i32
          %dma_wait3A_268 = arith.constant 0 : i32
          %dma_wait3A_269 = tpu.memref_slice %arg18[%dma_wait3A_266, %dma_wait3A_267, %dma_wait3A_268] : memref<2x64x16xf32, #tpu.memory_space<vmem>> -> memref<1x64x16xf32, #tpu.memory_space<vmem>>
          %dma_wait3A_270 = tpu.memref_squeeze %dma_wait3A_269 : memref<1x64x16xf32, #tpu.memory_space<vmem>> -> memref<64x16xf32, #tpu.memory_space<vmem>>
          %dma_wait3A_271 = arith.constant 0 : i32
          %dma_wait3A_272 = tpu.memref_slice %arg15[%dma_wait3A_264, %dma_wait3A_265, %dma_wait3A_271] : memref<3x20x64xi32, #tpu.memory_space<vmem>> -> memref<1x1x64xi32, #tpu.memory_space<vmem>>
          %dma_wait3A_273 = tpu.memref_squeeze %dma_wait3A_272 : memref<1x1x64xi32, #tpu.memory_space<vmem>> -> memref<64xi32, #tpu.memory_space<vmem>>
          %dma_wait3A_274 = arith.constant 0 : i32
          %dma_wait3A_275 = arith.constant 0 : i32
          %dma_wait3A_276 = tpu.memref_slice %arg7[%dma_wait3A_274, %dma_wait3A_275] : memref<10240x16xf32, #tpu.memory_space<hbm>> -> memref<10240x16xf32, #tpu.memory_space<hbm>>
          tpu.wait_indirect_dma semaphore(%arg22 : memref<!tpu.dma_semaphore, #tpu.memory_space<semaphore_mem>>) src(%dma_wait3A_276 : memref<10240x16xf32, #tpu.memory_space<hbm>>) dst(%dma_wait3A_270 : memref<64x16xf32, #tpu.memory_space<vmem>>)
          %dma_wait3A_277 = arith.constant 0 : i32
          %dma_wait3A_278 = arith.constant 0 : i32
          %dma_wait3A_279 = arith.constant 0 : i32
          %dma_wait3A_280 = arith.constant 0 : i32
          %dma_wait3A_281 = arith.constant 0 : i32
          %dma_wait3A_282 = tpu.memref_slice %arg19[%dma_wait3A_277, %dma_wait3A_280, %dma_wait3A_281] : memref<2x64x144xf32, #tpu.memory_space<vmem>> -> memref<1x64x144xf32, #tpu.memory_space<vmem>>
          %dma_wait3A_283 = tpu.memref_squeeze %dma_wait3A_282 : memref<1x64x144xf32, #tpu.memory_space<vmem>> -> memref<64x144xf32, #tpu.memory_space<vmem>>
          %dma_wait3A_284 = arith.constant 0 : i32
          %dma_wait3A_285 = tpu.memref_slice %arg15[%dma_wait3A_278, %dma_wait3A_279, %dma_wait3A_284] : memref<3x20x64xi32, #tpu.memory_space<vmem>> -> memref<1x1x64xi32, #tpu.memory_space<vmem>>
          %dma_wait3A_286 = tpu.memref_squeeze %dma_wait3A_285 : memref<1x1x64xi32, #tpu.memory_space<vmem>> -> memref<64xi32, #tpu.memory_space<vmem>>
          %dma_wait3A_287 = arith.constant 0 : i32
          %dma_wait3A_288 = arith.constant 0 : i32
          %dma_wait3A_289 = tpu.memref_slice %arg30[%dma_wait3A_287, %dma_wait3A_288] : memref<10240x144xf32, #tpu.memory_space<vmem_shared>> -> memref<10240x144xf32, #tpu.memory_space<vmem_shared>>
          tpu.wait_indirect_dma semaphore(%arg26 : memref<!tpu.dma_semaphore, #tpu.memory_space<semaphore_mem>>) src(%dma_wait3A_283 : memref<64x144xf32, #tpu.memory_space<vmem>>) dst(%dma_wait3A_289 : memref<10240x144xf32, #tpu.memory_space<vmem_shared>>)
          %parallel_loop3A = arith.constant 0 : i32
          %parallel_loop3A_290 = arith.constant 64 : i32
          %parallel_loop3A_291 = arith.constant 1 : i32
          %parallel_loop3A_292 = arith.constant 0 : i32
          %parallel_loop3A_293 = arith.constant 0 : i32
          %parallel_loop3A_294 = arith.constant 0 : i32
          %parallel_loop3A_295 = arith.constant 0 : i32
          scf.for %parallel_loop3A_393 = %parallel_loop3A to %parallel_loop3A_290 step %parallel_loop3A_291  : i32 {
            %parallel_loop3A_394 = arith.constant 0 : i32
            %parallel_loop3A_395 = arith.constant 0 : i32
            %parallel_loop3A_396 = tpu.memref_slice %arg17[%parallel_loop3A_292, %parallel_loop3A_394, %parallel_loop3A_395] : memref<2x64x16xf32, #tpu.memory_space<vmem>> -> memref<1x64x16xf32, #tpu.memory_space<vmem>>
            %parallel_loop3A_397 = tpu.memref_squeeze %parallel_loop3A_396 : memref<1x64x16xf32, #tpu.memory_space<vmem>> -> memref<64x16xf32, #tpu.memory_space<vmem>>
            %parallel_loop3A_398 = arith.index_cast %parallel_loop3A_393 : i32 to index
            %parallel_loop3A_399 = arith.constant 0 : index
            %parallel_loop3A_400 = tpu.vector_load %parallel_loop3A_397[%parallel_loop3A_398, %parallel_loop3A_399] {strides = array<i32>} : memref<64x16xf32, #tpu.memory_space<vmem>>, vector<16xf32>,
            %parallel_loop3A_401 = arith.constant 0 : i32
            %parallel_loop3A_402 = arith.constant 0 : i32
            %parallel_loop3A_403 = tpu.memref_slice %arg18[%parallel_loop3A_293, %parallel_loop3A_401, %parallel_loop3A_402] : memref<2x64x16xf32, #tpu.memory_space<vmem>> -> memref<1x64x16xf32, #tpu.memory_space<vmem>>
            %parallel_loop3A_404 = tpu.memref_squeeze %parallel_loop3A_403 : memref<1x64x16xf32, #tpu.memory_space<vmem>> -> memref<64x16xf32, #tpu.memory_space<vmem>>
            %parallel_loop3A_405 = arith.index_cast %parallel_loop3A_393 : i32 to index
            %parallel_loop3A_406 = arith.constant 0 : index
            %parallel_loop3A_407 = tpu.vector_load %parallel_loop3A_404[%parallel_loop3A_405, %parallel_loop3A_406] {strides = array<i32>} : memref<64x16xf32, #tpu.memory_space<vmem>>, vector<16xf32>,
            %parallel_loop3A_408 = arith.addf %parallel_loop3A_400, %parallel_loop3A_407 : vector<16xf32>
            %parallel_loop3A_409 = arith.constant 2.000000e-01 : f32
            %parallel_loop3A_410 = vector.broadcast %parallel_loop3A_409 : f32 to vector<16xf32>
            %parallel_loop3A_411 = arith.mulf %parallel_loop3A_410, %parallel_loop3A_408 : vector<16xf32>
            %parallel_loop3A_412 = arith.maximumf %parallel_loop3A_408, %parallel_loop3A_411 : vector<16xf32>
            %parallel_loop3A_413 = math.exp %parallel_loop3A_412 : vector<16xf32>
            %parallel_loop3A_414 = arith.constant 0 : i32
            %parallel_loop3A_415 = arith.constant 0 : i32
            %parallel_loop3A_416 = tpu.memref_slice %arg19[%parallel_loop3A_294, %parallel_loop3A_414, %parallel_loop3A_415] : memref<2x64x144xf32, #tpu.memory_space<vmem>> -> memref<1x64x144xf32, #tpu.memory_space<vmem>>
            %parallel_loop3A_417 = tpu.memref_squeeze %parallel_loop3A_416 : memref<1x64x144xf32, #tpu.memory_space<vmem>> -> memref<64x144xf32, #tpu.memory_space<vmem>>
            %parallel_loop3A_418 = arith.index_cast %parallel_loop3A_393 : i32 to index
            %parallel_loop3A_419 = arith.constant 128 : index
            %parallel_loop3A_420 = tpu.vector_load %parallel_loop3A_417[%parallel_loop3A_418, %parallel_loop3A_419] {strides = array<i32>} : memref<64x144xf32, #tpu.memory_space<vmem>>, vector<16xf32>,
            tpu.vector_store %parallel_loop3A_417[%parallel_loop3A_418, %parallel_loop3A_419], %parallel_loop3A_413 {strides = array<i32>} : memref<64x144xf32, #tpu.memory_space<vmem>>, vector<16xf32>,
            %parallel_loop3A_421 = arith.constant 0 : i32
            %parallel_loop3A_422 = arith.constant 0 : i32
            %parallel_loop3A_423 = tpu.memref_slice %arg16[%parallel_loop3A_295, %parallel_loop3A_421, %parallel_loop3A_422] : memref<2x64x128xbf16, #tpu.memory_space<vmem>> -> memref<1x64x128xbf16, #tpu.memory_space<vmem>>
            %parallel_loop3A_424 = tpu.memref_squeeze %parallel_loop3A_423 : memref<1x64x128xbf16, #tpu.memory_space<vmem>> -> memref<64x128xbf16, #tpu.memory_space<vmem>>
            %parallel_loop3A_425 = arith.index_cast %parallel_loop3A_393 : i32 to index
            %parallel_loop3A_426 = arith.constant 0 : index
            %parallel_loop3A_427 = tpu.vector_load %parallel_loop3A_424[%parallel_loop3A_425, %parallel_loop3A_426] {strides = array<i32>} : memref<64x128xbf16, #tpu.memory_space<vmem>>, vector<32xbf16>,
            %parallel_loop3A_428 = tpu.unpack_subelements %parallel_loop3A_427, 0 {pack_format = #tpu.pack_format<interleaved>} : vector<32xbf16> -> vector<16xf32>
            %parallel_loop3A_429 = tpu.unpack_subelements %parallel_loop3A_427, 1 {pack_format = #tpu.pack_format<interleaved>} : vector<32xbf16> -> vector<16xf32>
            %parallel_loop3A_430 = arith.constant 0 : i32
            %parallel_loop3A_431 = vector.broadcast %parallel_loop3A_430 : i32 to vector<16x1xi32>
            %parallel_loop3A_432 = vector.shape_cast %parallel_loop3A_431 : vector<16x1xi32> to vector<16xi32>
            %parallel_loop3A_433 = tpu.dynamic_gather %parallel_loop3A_413[%parallel_loop3A_432] in [0] : vector<16xf32>, vector<16xi32> -> vector<16xf32>
            %parallel_loop3A_434 = arith.mulf %parallel_loop3A_428, %parallel_loop3A_433 : vector<16xf32>
            %parallel_loop3A_435 = arith.constant 0 : i32
            %parallel_loop3A_436 = arith.constant 0 : i32
            %parallel_loop3A_437 = tpu.memref_slice %arg19[%parallel_loop3A_294, %parallel_loop3A_435, %parallel_loop3A_436] : memref<2x64x144xf32, #tpu.memory_space<vmem>> -> memref<1x64x144xf32, #tpu.memory_space<vmem>>
            %parallel_loop3A_438 = tpu.memref_squeeze %parallel_loop3A_437 : memref<1x64x144xf32, #tpu.memory_space<vmem>> -> memref<64x144xf32, #tpu.memory_space<vmem>>
            %parallel_loop3A_439 = arith.index_cast %parallel_loop3A_393 : i32 to index
            %parallel_loop3A_440 = arith.constant 0 : index
            %parallel_loop3A_441 = tpu.vector_load %parallel_loop3A_438[%parallel_loop3A_439, %parallel_loop3A_440] {strides = array<i32>} : memref<64x144xf32, #tpu.memory_space<vmem>>, vector<16xf32>,
            tpu.vector_store %parallel_loop3A_438[%parallel_loop3A_439, %parallel_loop3A_440], %parallel_loop3A_434 {strides = array<i32>} : memref<64x144xf32, #tpu.memory_space<vmem>>, vector<16xf32>,
            %parallel_loop3A_442 = arith.constant 1 : i32
            %parallel_loop3A_443 = vector.broadcast %parallel_loop3A_442 : i32 to vector<16x1xi32>
            %parallel_loop3A_444 = vector.shape_cast %parallel_loop3A_443 : vector<16x1xi32> to vector<16xi32>
            %parallel_loop3A_445 = tpu.dynamic_gather %parallel_loop3A_413[%parallel_loop3A_444] in [0] : vector<16xf32>, vector<16xi32> -> vector<16xf32>
            %parallel_loop3A_446 = arith.mulf %parallel_loop3A_429, %parallel_loop3A_445 : vector<16xf32>
            %parallel_loop3A_447 = arith.constant 0 : i32
            %parallel_loop3A_448 = arith.constant 0 : i32
            %parallel_loop3A_449 = tpu.memref_slice %arg19[%parallel_loop3A_294, %parallel_loop3A_447, %parallel_loop3A_448] : memref<2x64x144xf32, #tpu.memory_space<vmem>> -> memref<1x64x144xf32, #tpu.memory_space<vmem>>
            %parallel_loop3A_450 = tpu.memref_squeeze %parallel_loop3A_449 : memref<1x64x144xf32, #tpu.memory_space<vmem>> -> memref<64x144xf32, #tpu.memory_space<vmem>>
            %parallel_loop3A_451 = arith.index_cast %parallel_loop3A_393 : i32 to index
            %parallel_loop3A_452 = arith.constant 16 : index
            %parallel_loop3A_453 = tpu.vector_load %parallel_loop3A_450[%parallel_loop3A_451, %parallel_loop3A_452] {strides = array<i32>} : memref<64x144xf32, #tpu.memory_space<vmem>>, vector<16xf32>,
            tpu.vector_store %parallel_loop3A_450[%parallel_loop3A_451, %parallel_loop3A_452], %parallel_loop3A_446 {strides = array<i32>} : memref<64x144xf32, #tpu.memory_space<vmem>>, vector<16xf32>,
            %parallel_loop3A_454 = arith.constant 0 : i32
            %parallel_loop3A_455 = arith.constant 0 : i32
            %parallel_loop3A_456 = tpu.memref_slice %arg16[%parallel_loop3A_295, %parallel_loop3A_454, %parallel_loop3A_455] : memref<2x64x128xbf16, #tpu.memory_space<vmem>> -> memref<1x64x128xbf16, #tpu.memory_space<vmem>>
            %parallel_loop3A_457 = tpu.memref_squeeze %parallel_loop3A_456 : memref<1x64x128xbf16, #tpu.memory_space<vmem>> -> memref<64x128xbf16, #tpu.memory_space<vmem>>
            %parallel_loop3A_458 = arith.index_cast %parallel_loop3A_393 : i32 to index
            %parallel_loop3A_459 = arith.constant 32 : index
            %parallel_loop3A_460 = tpu.vector_load %parallel_loop3A_457[%parallel_loop3A_458, %parallel_loop3A_459] {strides = array<i32>} : memref<64x128xbf16, #tpu.memory_space<vmem>>, vector<32xbf16>,
            %parallel_loop3A_461 = tpu.unpack_subelements %parallel_loop3A_460, 0 {pack_format = #tpu.pack_format<interleaved>} : vector<32xbf16> -> vector<16xf32>
            %parallel_loop3A_462 = tpu.unpack_subelements %parallel_loop3A_460, 1 {pack_format = #tpu.pack_format<interleaved>} : vector<32xbf16> -> vector<16xf32>
            %parallel_loop3A_463 = arith.constant 2 : i32
            %parallel_loop3A_464 = vector.broadcast %parallel_loop3A_463 : i32 to vector<16x1xi32>
            %parallel_loop3A_465 = vector.shape_cast %parallel_loop3A_464 : vector<16x1xi32> to vector<16xi32>
            %parallel_loop3A_466 = tpu.dynamic_gather %parallel_loop3A_413[%parallel_loop3A_465] in [0] : vector<16xf32>, vector<16xi32> -> vector<16xf32>
            %parallel_loop3A_467 = arith.mulf %parallel_loop3A_461, %parallel_loop3A_466 : vector<16xf32>
            %parallel_loop3A_468 = arith.constant 0 : i32
            %parallel_loop3A_469 = arith.constant 0 : i32
            %parallel_loop3A_470 = tpu.memref_slice %arg19[%parallel_loop3A_294, %parallel_loop3A_468, %parallel_loop3A_469] : memref<2x64x144xf32, #tpu.memory_space<vmem>> -> memref<1x64x144xf32, #tpu.memory_space<vmem>>
            %parallel_loop3A_471 = tpu.memref_squeeze %parallel_loop3A_470 : memref<1x64x144xf32, #tpu.memory_space<vmem>> -> memref<64x144xf32, #tpu.memory_space<vmem>>
            %parallel_loop3A_472 = arith.index_cast %parallel_loop3A_393 : i32 to index
            %parallel_loop3A_473 = arith.constant 32 : index
            %parallel_loop3A_474 = tpu.vector_load %parallel_loop3A_471[%parallel_loop3A_472, %parallel_loop3A_473] {strides = array<i32>} : memref<64x144xf32, #tpu.memory_space<vmem>>, vector<16xf32>,
            tpu.vector_store %parallel_loop3A_471[%parallel_loop3A_472, %parallel_loop3A_473], %parallel_loop3A_467 {strides = array<i32>} : memref<64x144xf32, #tpu.memory_space<vmem>>, vector<16xf32>,
            %parallel_loop3A_475 = arith.constant 3 : i32
            %parallel_loop3A_476 = vector.broadcast %parallel_loop3A_475 : i32 to vector<16x1xi32>
            %parallel_loop3A_477 = vector.shape_cast %parallel_loop3A_476 : vector<16x1xi32> to vector<16xi32>
            %parallel_loop3A_478 = tpu.dynamic_gather %parallel_loop3A_413[%parallel_loop3A_477] in [0] : vector<16xf32>, vector<16xi32> -> vector<16xf32>
            %parallel_loop3A_479 = arith.mulf %parallel_loop3A_462, %parallel_loop3A_478 : vector<16xf32>
            %parallel_loop3A_480 = arith.constant 0 : i32
            %parallel_loop3A_481 = arith.constant 0 : i32
            %parallel_loop3A_482 = tpu.memref_slice %arg19[%parallel_loop3A_294, %parallel_loop3A_480, %parallel_loop3A_481] : memref<2x64x144xf32, #tpu.memory_space<vmem>> -> memref<1x64x144xf32, #tpu.memory_space<vmem>>
            %parallel_loop3A_483 = tpu.memref_squeeze %parallel_loop3A_482 : memref<1x64x144xf32, #tpu.memory_space<vmem>> -> memref<64x144xf32, #tpu.memory_space<vmem>>
            %parallel_loop3A_484 = arith.index_cast %parallel_loop3A_393 : i32 to index
            %parallel_loop3A_485 = arith.constant 48 : index
            %parallel_loop3A_486 = tpu.vector_load %parallel_loop3A_483[%parallel_loop3A_484, %parallel_loop3A_485] {strides = array<i32>} : memref<64x144xf32, #tpu.memory_space<vmem>>, vector<16xf32>,
            tpu.vector_store %parallel_loop3A_483[%parallel_loop3A_484, %parallel_loop3A_485], %parallel_loop3A_479 {strides = array<i32>} : memref<64x144xf32, #tpu.memory_space<vmem>>, vector<16xf32>,
            %parallel_loop3A_487 = arith.constant 0 : i32
            %parallel_loop3A_488 = arith.constant 0 : i32
            %parallel_loop3A_489 = tpu.memref_slice %arg16[%parallel_loop3A_295, %parallel_loop3A_487, %parallel_loop3A_488] : memref<2x64x128xbf16, #tpu.memory_space<vmem>> -> memref<1x64x128xbf16, #tpu.memory_space<vmem>>
            %parallel_loop3A_490 = tpu.memref_squeeze %parallel_loop3A_489 : memref<1x64x128xbf16, #tpu.memory_space<vmem>> -> memref<64x128xbf16, #tpu.memory_space<vmem>>
            %parallel_loop3A_491 = arith.index_cast %parallel_loop3A_393 : i32 to index
            %parallel_loop3A_492 = arith.constant 64 : index
            %parallel_loop3A_493 = tpu.vector_load %parallel_loop3A_490[%parallel_loop3A_491, %parallel_loop3A_492] {strides = array<i32>} : memref<64x128xbf16, #tpu.memory_space<vmem>>, vector<32xbf16>,
            %parallel_loop3A_494 = tpu.unpack_subelements %parallel_loop3A_493, 0 {pack_format = #tpu.pack_format<interleaved>} : vector<32xbf16> -> vector<16xf32>
            %parallel_loop3A_495 = tpu.unpack_subelements %parallel_loop3A_493, 1 {pack_format = #tpu.pack_format<interleaved>} : vector<32xbf16> -> vector<16xf32>
            %parallel_loop3A_496 = arith.constant 4 : i32
            %parallel_loop3A_497 = vector.broadcast %parallel_loop3A_496 : i32 to vector<16x1xi32>
            %parallel_loop3A_498 = vector.shape_cast %parallel_loop3A_497 : vector<16x1xi32> to vector<16xi32>
            %parallel_loop3A_499 = tpu.dynamic_gather %parallel_loop3A_413[%parallel_loop3A_498] in [0] : vector<16xf32>, vector<16xi32> -> vector<16xf32>
            %parallel_loop3A_500 = arith.mulf %parallel_loop3A_494, %parallel_loop3A_499 : vector<16xf32>
            %parallel_loop3A_501 = arith.constant 0 : i32
            %parallel_loop3A_502 = arith.constant 0 : i32
            %parallel_loop3A_503 = tpu.memref_slice %arg19[%parallel_loop3A_294, %parallel_loop3A_501, %parallel_loop3A_502] : memref<2x64x144xf32, #tpu.memory_space<vmem>> -> memref<1x64x144xf32, #tpu.memory_space<vmem>>
            %parallel_loop3A_504 = tpu.memref_squeeze %parallel_loop3A_503 : memref<1x64x144xf32, #tpu.memory_space<vmem>> -> memref<64x144xf32, #tpu.memory_space<vmem>>
            %parallel_loop3A_505 = arith.index_cast %parallel_loop3A_393 : i32 to index
            %parallel_loop3A_506 = arith.constant 64 : index
            %parallel_loop3A_507 = tpu.vector_load %parallel_loop3A_504[%parallel_loop3A_505, %parallel_loop3A_506] {strides = array<i32>} : memref<64x144xf32, #tpu.memory_space<vmem>>, vector<16xf32>,
            tpu.vector_store %parallel_loop3A_504[%parallel_loop3A_505, %parallel_loop3A_506], %parallel_loop3A_500 {strides = array<i32>} : memref<64x144xf32, #tpu.memory_space<vmem>>, vector<16xf32>,
            %parallel_loop3A_508 = arith.constant 5 : i32
            %parallel_loop3A_509 = vector.broadcast %parallel_loop3A_508 : i32 to vector<16x1xi32>
            %parallel_loop3A_510 = vector.shape_cast %parallel_loop3A_509 : vector<16x1xi32> to vector<16xi32>
            %parallel_loop3A_511 = tpu.dynamic_gather %parallel_loop3A_413[%parallel_loop3A_510] in [0] : vector<16xf32>, vector<16xi32> -> vector<16xf32>
            %parallel_loop3A_512 = arith.mulf %parallel_loop3A_495, %parallel_loop3A_511 : vector<16xf32>
            %parallel_loop3A_513 = arith.constant 0 : i32
            %parallel_loop3A_514 = arith.constant 0 : i32
            %parallel_loop3A_515 = tpu.memref_slice %arg19[%parallel_loop3A_294, %parallel_loop3A_513, %parallel_loop3A_514] : memref<2x64x144xf32, #tpu.memory_space<vmem>> -> memref<1x64x144xf32, #tpu.memory_space<vmem>>
            %parallel_loop3A_516 = tpu.memref_squeeze %parallel_loop3A_515 : memref<1x64x144xf32, #tpu.memory_space<vmem>> -> memref<64x144xf32, #tpu.memory_space<vmem>>
            %parallel_loop3A_517 = arith.index_cast %parallel_loop3A_393 : i32 to index
            %parallel_loop3A_518 = arith.constant 80 : index
            %parallel_loop3A_519 = tpu.vector_load %parallel_loop3A_516[%parallel_loop3A_517, %parallel_loop3A_518] {strides = array<i32>} : memref<64x144xf32, #tpu.memory_space<vmem>>, vector<16xf32>,
            tpu.vector_store %parallel_loop3A_516[%parallel_loop3A_517, %parallel_loop3A_518], %parallel_loop3A_512 {strides = array<i32>} : memref<64x144xf32, #tpu.memory_space<vmem>>, vector<16xf32>,
            %parallel_loop3A_520 = arith.constant 0 : i32
            %parallel_loop3A_521 = arith.constant 0 : i32
            %parallel_loop3A_522 = tpu.memref_slice %arg16[%parallel_loop3A_295, %parallel_loop3A_520, %parallel_loop3A_521] : memref<2x64x128xbf16, #tpu.memory_space<vmem>> -> memref<1x64x128xbf16, #tpu.memory_space<vmem>>
            %parallel_loop3A_523 = tpu.memref_squeeze %parallel_loop3A_522 : memref<1x64x128xbf16, #tpu.memory_space<vmem>> -> memref<64x128xbf16, #tpu.memory_space<vmem>>
            %parallel_loop3A_524 = arith.index_cast %parallel_loop3A_393 : i32 to index
            %parallel_loop3A_525 = arith.constant 96 : index
            %parallel_loop3A_526 = tpu.vector_load %parallel_loop3A_523[%parallel_loop3A_524, %parallel_loop3A_525] {strides = array<i32>} : memref<64x128xbf16, #tpu.memory_space<vmem>>, vector<32xbf16>,
            %parallel_loop3A_527 = tpu.unpack_subelements %parallel_loop3A_526, 0 {pack_format = #tpu.pack_format<interleaved>} : vector<32xbf16> -> vector<16xf32>
            %parallel_loop3A_528 = tpu.unpack_subelements %parallel_loop3A_526, 1 {pack_format = #tpu.pack_format<interleaved>} : vector<32xbf16> -> vector<16xf32>
            %parallel_loop3A_529 = arith.constant 6 : i32
            %parallel_loop3A_530 = vector.broadcast %parallel_loop3A_529 : i32 to vector<16x1xi32>
            %parallel_loop3A_531 = vector.shape_cast %parallel_loop3A_530 : vector<16x1xi32> to vector<16xi32>
            %parallel_loop3A_532 = tpu.dynamic_gather %parallel_loop3A_413[%parallel_loop3A_531] in [0] : vector<16xf32>, vector<16xi32> -> vector<16xf32>
            %parallel_loop3A_533 = arith.mulf %parallel_loop3A_527, %parallel_loop3A_532 : vector<16xf32>
            %parallel_loop3A_534 = arith.constant 0 : i32
            %parallel_loop3A_535 = arith.constant 0 : i32
            %parallel_loop3A_536 = tpu.memref_slice %arg19[%parallel_loop3A_294, %parallel_loop3A_534, %parallel_loop3A_535] : memref<2x64x144xf32, #tpu.memory_space<vmem>> -> memref<1x64x144xf32, #tpu.memory_space<vmem>>
            %parallel_loop3A_537 = tpu.memref_squeeze %parallel_loop3A_536 : memref<1x64x144xf32, #tpu.memory_space<vmem>> -> memref<64x144xf32, #tpu.memory_space<vmem>>
            %parallel_loop3A_538 = arith.index_cast %parallel_loop3A_393 : i32 to index
            %parallel_loop3A_539 = arith.constant 96 : index
            %parallel_loop3A_540 = tpu.vector_load %parallel_loop3A_537[%parallel_loop3A_538, %parallel_loop3A_539] {strides = array<i32>} : memref<64x144xf32, #tpu.memory_space<vmem>>, vector<16xf32>,
            tpu.vector_store %parallel_loop3A_537[%parallel_loop3A_538, %parallel_loop3A_539], %parallel_loop3A_533 {strides = array<i32>} : memref<64x144xf32, #tpu.memory_space<vmem>>, vector<16xf32>,
            %parallel_loop3A_541 = arith.constant 7 : i32
            %parallel_loop3A_542 = vector.broadcast %parallel_loop3A_541 : i32 to vector<16x1xi32>
            %parallel_loop3A_543 = vector.shape_cast %parallel_loop3A_542 : vector<16x1xi32> to vector<16xi32>
            %parallel_loop3A_544 = tpu.dynamic_gather %parallel_loop3A_413[%parallel_loop3A_543] in [0] : vector<16xf32>, vector<16xi32> -> vector<16xf32>
            %parallel_loop3A_545 = arith.mulf %parallel_loop3A_528, %parallel_loop3A_544 : vector<16xf32>
            %parallel_loop3A_546 = arith.constant 0 : i32
            %parallel_loop3A_547 = arith.constant 0 : i32
            %parallel_loop3A_548 = tpu.memref_slice %arg19[%parallel_loop3A_294, %parallel_loop3A_546, %parallel_loop3A_547] : memref<2x64x144xf32, #tpu.memory_space<vmem>> -> memref<1x64x144xf32, #tpu.memory_space<vmem>>
            %parallel_loop3A_549 = tpu.memref_squeeze %parallel_loop3A_548 : memref<1x64x144xf32, #tpu.memory_space<vmem>> -> memref<64x144xf32, #tpu.memory_space<vmem>>
            %parallel_loop3A_550 = arith.index_cast %parallel_loop3A_393 : i32 to index
            %parallel_loop3A_551 = arith.constant 112 : index
            %parallel_loop3A_552 = tpu.vector_load %parallel_loop3A_549[%parallel_loop3A_550, %parallel_loop3A_551] {strides = array<i32>} : memref<64x144xf32, #tpu.memory_space<vmem>>, vector<16xf32>,
            tpu.vector_store %parallel_loop3A_549[%parallel_loop3A_550, %parallel_loop3A_551], %parallel_loop3A_545 {strides = array<i32>} : memref<64x144xf32, #tpu.memory_space<vmem>>, vector<16xf32>,
          } {sc.loop_unroll_factor = 2 : i64, sc.parallel_access}
          %dma_start3A_296 = arith.constant 0 : i32
          %dma_start3A_297 = arith.constant 0 : i32
          %dma_start3A_298 = arith.constant 0 : i32
          %dma_start3A_299 = tpu.memref_slice %arg19[%dma_start3A_296, %dma_start3A_297, %dma_start3A_298] : memref<2x64x144xf32, #tpu.memory_space<vmem>> -> memref<1x64x144xf32, #tpu.memory_space<vmem>>
          %dma_start3A_300 = tpu.memref_squeeze %dma_start3A_299 : memref<1x64x144xf32, #tpu.memory_space<vmem>> -> memref<64x144xf32, #tpu.memory_space<vmem>>
          %dma_start3A_301 = arith.constant 0 : i32
          %dma_start3A_302 = tpu.memref_slice %arg15[%select_n3A_175, %add3A_237, %dma_start3A_301] : memref<3x20x64xi32, #tpu.memory_space<vmem>> -> memref<1x1x64xi32, #tpu.memory_space<vmem>>
          %dma_start3A_303 = tpu.memref_squeeze %dma_start3A_302 : memref<1x1x64xi32, #tpu.memory_space<vmem>> -> memref<64xi32, #tpu.memory_space<vmem>>
          %dma_start3A_304 = arith.constant 0 : i32
          %dma_start3A_305 = arith.constant 0 : i32
          %dma_start3A_306 = tpu.memref_slice %arg30[%dma_start3A_304, %dma_start3A_305] : memref<10240x144xf32, #tpu.memory_space<vmem_shared>> -> memref<10240x144xf32, #tpu.memory_space<vmem_shared>>
          tpu.enqueue_indirect_dma source(%dma_start3A_300 : memref<64x144xf32, #tpu.memory_space<vmem>>) target(%dma_start3A_306 : memref<10240x144xf32, #tpu.memory_space<vmem_shared>>) offsets(%dma_start3A_303 : memref<64xi32, #tpu.memory_space<vmem>>) semaphore(%arg26 : memref<!tpu.dma_semaphore, #tpu.memory_space<semaphore_mem>>) {add = true}
          %add3A_307 = arith.constant 2 : i32
          %add3A_308 = arith.addi %add3A_237, %add3A_307 : i32
          %lt3A_309 = arith.constant 20 : i32
          %lt3A_310 = arith.cmpi slt, %add3A_308, %lt3A_309 : i32
          %convert_element_type3A_311 = arith.extui %lt3A_310 : i1 to i32
          %cond3A_312 = arith.constant 0 : i32
          %cond3A_313 = arith.cmpi ne, %convert_element_type3A_311, %cond3A_312 : i32
          scf.if %cond3A_313 {
            %add3A_393 = arith.constant 2 : i32
            %add3A_394 = arith.addi %add3A_237, %add3A_393 : i32
            %dma_start3A_395 = arith.constant 0 : i32
            %dma_start3A_396 = arith.constant 0 : i32
            %dma_start3A_397 = arith.constant 0 : i32
            %dma_start3A_398 = tpu.memref_slice %arg16[%dma_start3A_395, %dma_start3A_396, %dma_start3A_397] : memref<2x64x128xbf16, #tpu.memory_space<vmem>> -> memref<1x64x128xbf16, #tpu.memory_space<vmem>>
            %dma_start3A_399 = tpu.memref_squeeze %dma_start3A_398 : memref<1x64x128xbf16, #tpu.memory_space<vmem>> -> memref<64x128xbf16, #tpu.memory_space<vmem>>
            %dma_start3A_400 = arith.constant 0 : i32
            %dma_start3A_401 = tpu.memref_slice %arg14[%select_n3A_159, %add3A_394, %dma_start3A_400] : memref<2x20x64xi32, #tpu.memory_space<vmem>> -> memref<1x1x64xi32, #tpu.memory_space<vmem>>
            %dma_start3A_402 = tpu.memref_squeeze %dma_start3A_401 : memref<1x1x64xi32, #tpu.memory_space<vmem>> -> memref<64xi32, #tpu.memory_space<vmem>>
            %dma_start3A_403 = arith.constant 0 : i32
            %dma_start3A_404 = arith.constant 0 : i32
            %dma_start3A_405 = tpu.memref_slice %arg5[%dma_start3A_403, %dma_start3A_404] : memref<10240x128xbf16, #tpu.memory_space<hbm>> -> memref<10240x128xbf16, #tpu.memory_space<hbm>>
            tpu.enqueue_indirect_dma source(%dma_start3A_405 : memref<10240x128xbf16, #tpu.memory_space<hbm>>) target(%dma_start3A_399 : memref<64x128xbf16, #tpu.memory_space<vmem>>) offsets(%dma_start3A_402 : memref<64xi32, #tpu.memory_space<vmem>>) semaphore(%arg20 : memref<!tpu.dma_semaphore, #tpu.memory_space<semaphore_mem>>)
            %dma_start3A_406 = arith.constant 0 : i32
            %dma_start3A_407 = arith.constant 0 : i32
            %dma_start3A_408 = arith.constant 0 : i32
            %dma_start3A_409 = tpu.memref_slice %arg17[%dma_start3A_406, %dma_start3A_407, %dma_start3A_408] : memref<2x64x16xf32, #tpu.memory_space<vmem>> -> memref<1x64x16xf32, #tpu.memory_space<vmem>>
            %dma_start3A_410 = tpu.memref_squeeze %dma_start3A_409 : memref<1x64x16xf32, #tpu.memory_space<vmem>> -> memref<64x16xf32, #tpu.memory_space<vmem>>
            %dma_start3A_411 = arith.constant 0 : i32
            %dma_start3A_412 = tpu.memref_slice %arg14[%select_n3A_159, %add3A_394, %dma_start3A_411] : memref<2x20x64xi32, #tpu.memory_space<vmem>> -> memref<1x1x64xi32, #tpu.memory_space<vmem>>
            %dma_start3A_413 = tpu.memref_squeeze %dma_start3A_412 : memref<1x1x64xi32, #tpu.memory_space<vmem>> -> memref<64xi32, #tpu.memory_space<vmem>>
            %dma_start3A_414 = arith.constant 0 : i32
            %dma_start3A_415 = arith.constant 0 : i32
            %dma_start3A_416 = tpu.memref_slice %arg6[%dma_start3A_414, %dma_start3A_415] : memref<10240x16xf32, #tpu.memory_space<hbm>> -> memref<10240x16xf32, #tpu.memory_space<hbm>>
            tpu.enqueue_indirect_dma source(%dma_start3A_416 : memref<10240x16xf32, #tpu.memory_space<hbm>>) target(%dma_start3A_410 : memref<64x16xf32, #tpu.memory_space<vmem>>) offsets(%dma_start3A_413 : memref<64xi32, #tpu.memory_space<vmem>>) semaphore(%arg21 : memref<!tpu.dma_semaphore, #tpu.memory_space<semaphore_mem>>)
            %dma_start3A_417 = arith.constant 0 : i32
            %dma_start3A_418 = arith.constant 0 : i32
            %dma_start3A_419 = arith.constant 0 : i32
            %dma_start3A_420 = tpu.memref_slice %arg18[%dma_start3A_417, %dma_start3A_418, %dma_start3A_419] : memref<2x64x16xf32, #tpu.memory_space<vmem>> -> memref<1x64x16xf32, #tpu.memory_space<vmem>>
            %dma_start3A_421 = tpu.memref_squeeze %dma_start3A_420 : memref<1x64x16xf32, #tpu.memory_space<vmem>> -> memref<64x16xf32, #tpu.memory_space<vmem>>
            %dma_start3A_422 = arith.constant 0 : i32
            %dma_start3A_423 = tpu.memref_slice %arg15[%select_n3A_175, %add3A_394, %dma_start3A_422] : memref<3x20x64xi32, #tpu.memory_space<vmem>> -> memref<1x1x64xi32, #tpu.memory_space<vmem>>
            %dma_start3A_424 = tpu.memref_squeeze %dma_start3A_423 : memref<1x1x64xi32, #tpu.memory_space<vmem>> -> memref<64xi32, #tpu.memory_space<vmem>>
            %dma_start3A_425 = arith.constant 0 : i32
            %dma_start3A_426 = arith.constant 0 : i32
            %dma_start3A_427 = tpu.memref_slice %arg7[%dma_start3A_425, %dma_start3A_426] : memref<10240x16xf32, #tpu.memory_space<hbm>> -> memref<10240x16xf32, #tpu.memory_space<hbm>>
            tpu.enqueue_indirect_dma source(%dma_start3A_427 : memref<10240x16xf32, #tpu.memory_space<hbm>>) target(%dma_start3A_421 : memref<64x16xf32, #tpu.memory_space<vmem>>) offsets(%dma_start3A_424 : memref<64xi32, #tpu.memory_space<vmem>>) semaphore(%arg22 : memref<!tpu.dma_semaphore, #tpu.memory_space<semaphore_mem>>)
          } else {
          }
          %add3A_314 = arith.constant 1 : i32
          %add3A_315 = arith.addi %add3A_235, %add3A_314 : i32
          %dma_wait3A_316 = arith.constant 0 : i32
          %dma_wait3A_317 = arith.constant 0 : i32
          %dma_wait3A_318 = arith.constant 1 : i32
          %dma_wait3A_319 = arith.constant 0 : i32
          %dma_wait3A_320 = arith.constant 0 : i32
          %dma_wait3A_321 = tpu.memref_slice %arg16[%dma_wait3A_318, %dma_wait3A_319, %dma_wait3A_320] : memref<2x64x128xbf16, #tpu.memory_space<vmem>> -> memref<1x64x128xbf16, #tpu.memory_space<vmem>>
          %dma_wait3A_322 = tpu.memref_squeeze %dma_wait3A_321 : memref<1x64x128xbf16, #tpu.memory_space<vmem>> -> memref<64x128xbf16, #tpu.memory_space<vmem>>
          %dma_wait3A_323 = arith.constant 0 : i32
          %dma_wait3A_324 = tpu.memref_slice %arg14[%dma_wait3A_316, %dma_wait3A_317, %dma_wait3A_323] : memref<2x20x64xi32, #tpu.memory_space<vmem>> -> memref<1x1x64xi32, #tpu.memory_space<vmem>>
          %dma_wait3A_325 = tpu.memref_squeeze %dma_wait3A_324 : memref<1x1x64xi32, #tpu.memory_space<vmem>> -> memref<64xi32, #tpu.memory_space<vmem>>
          %dma_wait3A_326 = arith.constant 0 : i32
          %dma_wait3A_327 = arith.constant 0 : i32
          %dma_wait3A_328 = tpu.memref_slice %arg5[%dma_wait3A_326, %dma_wait3A_327] : memref<10240x128xbf16, #tpu.memory_space<hbm>> -> memref<10240x128xbf16, #tpu.memory_space<hbm>>
          tpu.wait_indirect_dma semaphore(%arg23 : memref<!tpu.dma_semaphore, #tpu.memory_space<semaphore_mem>>) src(%dma_wait3A_328 : memref<10240x128xbf16, #tpu.memory_space<hbm>>) dst(%dma_wait3A_322 : memref<64x128xbf16, #tpu.memory_space<vmem>>)
          %dma_wait3A_329 = arith.constant 0 : i32
          %dma_wait3A_330 = arith.constant 0 : i32
          %dma_wait3A_331 = arith.constant 1 : i32
          %dma_wait3A_332 = arith.constant 0 : i32
          %dma_wait3A_333 = arith.constant 0 : i32
          %dma_wait3A_334 = tpu.memref_slice %arg17[%dma_wait3A_331, %dma_wait3A_332, %dma_wait3A_333] : memref<2x64x16xf32, #tpu.memory_space<vmem>> -> memref<1x64x16xf32, #tpu.memory_space<vmem>>
          %dma_wait3A_335 = tpu.memref_squeeze %dma_wait3A_334 : memref<1x64x16xf32, #tpu.memory_space<vmem>> -> memref<64x16xf32, #tpu.memory_space<vmem>>
          %dma_wait3A_336 = arith.constant 0 : i32
          %dma_wait3A_337 = tpu.memref_slice %arg14[%dma_wait3A_329, %dma_wait3A_330, %dma_wait3A_336] : memref<2x20x64xi32, #tpu.memory_space<vmem>> -> memref<1x1x64xi32, #tpu.memory_space<vmem>>
          %dma_wait3A_338 = tpu.memref_squeeze %dma_wait3A_337 : memref<1x1x64xi32, #tpu.memory_space<vmem>> -> memref<64xi32, #tpu.memory_space<vmem>>
          %dma_wait3A_339 = arith.constant 0 : i32
          %dma_wait3A_340 = arith.constant 0 : i32
          %dma_wait3A_341 = tpu.memref_slice %arg6[%dma_wait3A_339, %dma_wait3A_340] : memref<10240x16xf32, #tpu.memory_space<hbm>> -> memref<10240x16xf32, #tpu.memory_space<hbm>>
          tpu.wait_indirect_dma semaphore(%arg24 : memref<!tpu.dma_semaphore, #tpu.memory_space<semaphore_mem>>) src(%dma_wait3A_341 : memref<10240x16xf32, #tpu.memory_space<hbm>>) dst(%dma_wait3A_335 : memref<64x16xf32, #tpu.memory_space<vmem>>)
          %dma_wait3A_342 = arith.constant 0 : i32
          %dma_wait3A_343 = arith.constant 0 : i32
          %dma_wait3A_344 = arith.constant 1 : i32
          %dma_wait3A_345 = arith.constant 0 : i32
          %dma_wait3A_346 = arith.constant 0 : i32
          %dma_wait3A_347 = tpu.memref_slice %arg18[%dma_wait3A_344, %dma_wait3A_345, %dma_wait3A_346] : memref<2x64x16xf32, #tpu.memory_space<vmem>> -> memref<1x64x16xf32, #tpu.memory_space<vmem>>
          %dma_wait3A_348 = tpu.memref_squeeze %dma_wait3A_347 : memref<1x64x16xf32, #tpu.memory_space<vmem>> -> memref<64x16xf32, #tpu.memory_space<vmem>>
          %dma_wait3A_349 = arith.constant 0 : i32
          %dma_wait3A_350 = tpu.memref_slice %arg15[%dma_wait3A_342, %dma_wait3A_343, %dma_wait3A_349] : memref<3x20x64xi32, #tpu.memory_space<vmem>> -> memref<1x1x64xi32, #tpu.memory_space<vmem>>
          %dma_wait3A_351 = tpu.memref_squeeze %dma_wait3A_350 : memref<1x1x64xi32, #tpu.memory_space<vmem>> -> memref<64xi32, #tpu.memory_space<vmem>>
          %dma_wait3A_352 = arith.constant 0 : i32
          %dma_wait3A_353 = arith.constant 0 : i32
          %dma_wait3A_354 = tpu.memref_slice %arg7[%dma_wait3A_352, %dma_wait3A_353] : memref<10240x16xf32, #tpu.memory_space<hbm>> -> memref<10240x16xf32, #tpu.memory_space<hbm>>
          tpu.wait_indirect_dma semaphore(%arg25 : memref<!tpu.dma_semaphore, #tpu.memory_space<semaphore_mem>>) src(%dma_wait3A_354 : memref<10240x16xf32, #tpu.memory_space<hbm>>) dst(%dma_wait3A_348 : memref<64x16xf32, #tpu.memory_space<vmem>>)
          %dma_wait3A_355 = arith.constant 1 : i32
          %dma_wait3A_356 = arith.constant 0 : i32
          %dma_wait3A_357 = arith.constant 0 : i32
          %dma_wait3A_358 = arith.constant 0 : i32
          %dma_wait3A_359 = arith.constant 0 : i32
          %dma_wait3A_360 = tpu.memref_slice %arg19[%dma_wait3A_355, %dma_wait3A_358, %dma_wait3A_359] : memref<2x64x144xf32, #tpu.memory_space<vmem>> -> memref<1x64x144xf32, #tpu.memory_space<vmem>>
          %dma_wait3A_361 = tpu.memref_squeeze %dma_wait3A_360 : memref<1x64x144xf32, #tpu.memory_space<vmem>> -> memref<64x144xf32, #tpu.memory_space<vmem>>
          %dma_wait3A_362 = arith.constant 0 : i32
          %dma_wait3A_363 = tpu.memref_slice %arg15[%dma_wait3A_356, %dma_wait3A_357, %dma_wait3A_362] : memref<3x20x64xi32, #tpu.memory_space<vmem>> -> memref<1x1x64xi32, #tpu.memory_space<vmem>>
          %dma_wait3A_364 = tpu.memref_squeeze %dma_wait3A_363 : memref<1x1x64xi32, #tpu.memory_space<vmem>> -> memref<64xi32, #tpu.memory_space<vmem>>
          %dma_wait3A_365 = arith.constant 0 : i32
          %dma_wait3A_366 = arith.constant 0 : i32
          %dma_wait3A_367 = tpu.memref_slice %arg30[%dma_wait3A_365, %dma_wait3A_366] : memref<10240x144xf32, #tpu.memory_space<vmem_shared>> -> memref<10240x144xf32, #tpu.memory_space<vmem_shared>>
          tpu.wait_indirect_dma semaphore(%arg27 : memref<!tpu.dma_semaphore, #tpu.memory_space<semaphore_mem>>) src(%dma_wait3A_361 : memref<64x144xf32, #tpu.memory_space<vmem>>) dst(%dma_wait3A_367 : memref<10240x144xf32, #tpu.memory_space<vmem_shared>>)
          %parallel_loop3A_368 = arith.constant 0 : i32
          %parallel_loop3A_369 = arith.constant 64 : i32
          %parallel_loop3A_370 = arith.constant 1 : i32
          %parallel_loop3A_371 = arith.constant 1 : i32
          %parallel_loop3A_372 = arith.constant 1 : i32
          %parallel_loop3A_373 = arith.constant 1 : i32
          %parallel_loop3A_374 = arith.constant 1 : i32
          scf.for %parallel_loop3A_393 = %parallel_loop3A_368 to %parallel_loop3A_369 step %parallel_loop3A_370  : i32 {
            %parallel_loop3A_394 = arith.constant 0 : i32
            %parallel_loop3A_395 = arith.constant 0 : i32
            %parallel_loop3A_396 = tpu.memref_slice %arg17[%parallel_loop3A_371, %parallel_loop3A_394, %parallel_loop3A_395] : memref<2x64x16xf32, #tpu.memory_space<vmem>> -> memref<1x64x16xf32, #tpu.memory_space<vmem>>
            %parallel_loop3A_397 = tpu.memref_squeeze %parallel_loop3A_396 : memref<1x64x16xf32, #tpu.memory_space<vmem>> -> memref<64x16xf32, #tpu.memory_space<vmem>>
            %parallel_loop3A_398 = arith.index_cast %parallel_loop3A_393 : i32 to index
            %parallel_loop3A_399 = arith.constant 0 : index
            %parallel_loop3A_400 = tpu.vector_load %parallel_loop3A_397[%parallel_loop3A_398, %parallel_loop3A_399] {strides = array<i32>} : memref<64x16xf32, #tpu.memory_space<vmem>>, vector<16xf32>,
            %parallel_loop3A_401 = arith.constant 0 : i32
            %parallel_loop3A_402 = arith.constant 0 : i32
            %parallel_loop3A_403 = tpu.memref_slice %arg18[%parallel_loop3A_372, %parallel_loop3A_401, %parallel_loop3A_402] : memref<2x64x16xf32, #tpu.memory_space<vmem>> -> memref<1x64x16xf32, #tpu.memory_space<vmem>>
            %parallel_loop3A_404 = tpu.memref_squeeze %parallel_loop3A_403 : memref<1x64x16xf32, #tpu.memory_space<vmem>> -> memref<64x16xf32, #tpu.memory_space<vmem>>
            %parallel_loop3A_405 = arith.index_cast %parallel_loop3A_393 : i32 to index
            %parallel_loop3A_406 = arith.constant 0 : index
            %parallel_loop3A_407 = tpu.vector_load %parallel_loop3A_404[%parallel_loop3A_405, %parallel_loop3A_406] {strides = array<i32>} : memref<64x16xf32, #tpu.memory_space<vmem>>, vector<16xf32>,
            %parallel_loop3A_408 = arith.addf %parallel_loop3A_400, %parallel_loop3A_407 : vector<16xf32>
            %parallel_loop3A_409 = arith.constant 2.000000e-01 : f32
            %parallel_loop3A_410 = vector.broadcast %parallel_loop3A_409 : f32 to vector<16xf32>
            %parallel_loop3A_411 = arith.mulf %parallel_loop3A_410, %parallel_loop3A_408 : vector<16xf32>
            %parallel_loop3A_412 = arith.maximumf %parallel_loop3A_408, %parallel_loop3A_411 : vector<16xf32>
            %parallel_loop3A_413 = math.exp %parallel_loop3A_412 : vector<16xf32>
            %parallel_loop3A_414 = arith.constant 0 : i32
            %parallel_loop3A_415 = arith.constant 0 : i32
            %parallel_loop3A_416 = tpu.memref_slice %arg19[%parallel_loop3A_373, %parallel_loop3A_414, %parallel_loop3A_415] : memref<2x64x144xf32, #tpu.memory_space<vmem>> -> memref<1x64x144xf32, #tpu.memory_space<vmem>>
            %parallel_loop3A_417 = tpu.memref_squeeze %parallel_loop3A_416 : memref<1x64x144xf32, #tpu.memory_space<vmem>> -> memref<64x144xf32, #tpu.memory_space<vmem>>
            %parallel_loop3A_418 = arith.index_cast %parallel_loop3A_393 : i32 to index
            %parallel_loop3A_419 = arith.constant 128 : index
            %parallel_loop3A_420 = tpu.vector_load %parallel_loop3A_417[%parallel_loop3A_418, %parallel_loop3A_419] {strides = array<i32>} : memref<64x144xf32, #tpu.memory_space<vmem>>, vector<16xf32>,
            tpu.vector_store %parallel_loop3A_417[%parallel_loop3A_418, %parallel_loop3A_419], %parallel_loop3A_413 {strides = array<i32>} : memref<64x144xf32, #tpu.memory_space<vmem>>, vector<16xf32>,
            %parallel_loop3A_421 = arith.constant 0 : i32
            %parallel_loop3A_422 = arith.constant 0 : i32
            %parallel_loop3A_423 = tpu.memref_slice %arg16[%parallel_loop3A_374, %parallel_loop3A_421, %parallel_loop3A_422] : memref<2x64x128xbf16, #tpu.memory_space<vmem>> -> memref<1x64x128xbf16, #tpu.memory_space<vmem>>
            %parallel_loop3A_424 = tpu.memref_squeeze %parallel_loop3A_423 : memref<1x64x128xbf16, #tpu.memory_space<vmem>> -> memref<64x128xbf16, #tpu.memory_space<vmem>>
            %parallel_loop3A_425 = arith.index_cast %parallel_loop3A_393 : i32 to index
            %parallel_loop3A_426 = arith.constant 0 : index
            %parallel_loop3A_427 = tpu.vector_load %parallel_loop3A_424[%parallel_loop3A_425, %parallel_loop3A_426] {strides = array<i32>} : memref<64x128xbf16, #tpu.memory_space<vmem>>, vector<32xbf16>,
            %parallel_loop3A_428 = tpu.unpack_subelements %parallel_loop3A_427, 0 {pack_format = #tpu.pack_format<interleaved>} : vector<32xbf16> -> vector<16xf32>
            %parallel_loop3A_429 = tpu.unpack_subelements %parallel_loop3A_427, 1 {pack_format = #tpu.pack_format<interleaved>} : vector<32xbf16> -> vector<16xf32>
            %parallel_loop3A_430 = arith.constant 0 : i32
            %parallel_loop3A_431 = vector.broadcast %parallel_loop3A_430 : i32 to vector<16x1xi32>
            %parallel_loop3A_432 = vector.shape_cast %parallel_loop3A_431 : vector<16x1xi32> to vector<16xi32>
            %parallel_loop3A_433 = tpu.dynamic_gather %parallel_loop3A_413[%parallel_loop3A_432] in [0] : vector<16xf32>, vector<16xi32> -> vector<16xf32>
            %parallel_loop3A_434 = arith.mulf %parallel_loop3A_428, %parallel_loop3A_433 : vector<16xf32>
            %parallel_loop3A_435 = arith.constant 0 : i32
            %parallel_loop3A_436 = arith.constant 0 : i32
            %parallel_loop3A_437 = tpu.memref_slice %arg19[%parallel_loop3A_373, %parallel_loop3A_435, %parallel_loop3A_436] : memref<2x64x144xf32, #tpu.memory_space<vmem>> -> memref<1x64x144xf32, #tpu.memory_space<vmem>>
            %parallel_loop3A_438 = tpu.memref_squeeze %parallel_loop3A_437 : memref<1x64x144xf32, #tpu.memory_space<vmem>> -> memref<64x144xf32, #tpu.memory_space<vmem>>
            %parallel_loop3A_439 = arith.index_cast %parallel_loop3A_393 : i32 to index
            %parallel_loop3A_440 = arith.constant 0 : index
            %parallel_loop3A_441 = tpu.vector_load %parallel_loop3A_438[%parallel_loop3A_439, %parallel_loop3A_440] {strides = array<i32>} : memref<64x144xf32, #tpu.memory_space<vmem>>, vector<16xf32>,
            tpu.vector_store %parallel_loop3A_438[%parallel_loop3A_439, %parallel_loop3A_440], %parallel_loop3A_434 {strides = array<i32>} : memref<64x144xf32, #tpu.memory_space<vmem>>, vector<16xf32>,
            %parallel_loop3A_442 = arith.constant 1 : i32
            %parallel_loop3A_443 = vector.broadcast %parallel_loop3A_442 : i32 to vector<16x1xi32>
            %parallel_loop3A_444 = vector.shape_cast %parallel_loop3A_443 : vector<16x1xi32> to vector<16xi32>
            %parallel_loop3A_445 = tpu.dynamic_gather %parallel_loop3A_413[%parallel_loop3A_444] in [0] : vector<16xf32>, vector<16xi32> -> vector<16xf32>
            %parallel_loop3A_446 = arith.mulf %parallel_loop3A_429, %parallel_loop3A_445 : vector<16xf32>
            %parallel_loop3A_447 = arith.constant 0 : i32
            %parallel_loop3A_448 = arith.constant 0 : i32
            %parallel_loop3A_449 = tpu.memref_slice %arg19[%parallel_loop3A_373, %parallel_loop3A_447, %parallel_loop3A_448] : memref<2x64x144xf32, #tpu.memory_space<vmem>> -> memref<1x64x144xf32, #tpu.memory_space<vmem>>
            %parallel_loop3A_450 = tpu.memref_squeeze %parallel_loop3A_449 : memref<1x64x144xf32, #tpu.memory_space<vmem>> -> memref<64x144xf32, #tpu.memory_space<vmem>>
            %parallel_loop3A_451 = arith.index_cast %parallel_loop3A_393 : i32 to index
            %parallel_loop3A_452 = arith.constant 16 : index
            %parallel_loop3A_453 = tpu.vector_load %parallel_loop3A_450[%parallel_loop3A_451, %parallel_loop3A_452] {strides = array<i32>} : memref<64x144xf32, #tpu.memory_space<vmem>>, vector<16xf32>,
            tpu.vector_store %parallel_loop3A_450[%parallel_loop3A_451, %parallel_loop3A_452], %parallel_loop3A_446 {strides = array<i32>} : memref<64x144xf32, #tpu.memory_space<vmem>>, vector<16xf32>,
            %parallel_loop3A_454 = arith.constant 0 : i32
            %parallel_loop3A_455 = arith.constant 0 : i32
            %parallel_loop3A_456 = tpu.memref_slice %arg16[%parallel_loop3A_374, %parallel_loop3A_454, %parallel_loop3A_455] : memref<2x64x128xbf16, #tpu.memory_space<vmem>> -> memref<1x64x128xbf16, #tpu.memory_space<vmem>>
            %parallel_loop3A_457 = tpu.memref_squeeze %parallel_loop3A_456 : memref<1x64x128xbf16, #tpu.memory_space<vmem>> -> memref<64x128xbf16, #tpu.memory_space<vmem>>
            %parallel_loop3A_458 = arith.index_cast %parallel_loop3A_393 : i32 to index
            %parallel_loop3A_459 = arith.constant 32 : index
            %parallel_loop3A_460 = tpu.vector_load %parallel_loop3A_457[%parallel_loop3A_458, %parallel_loop3A_459] {strides = array<i32>} : memref<64x128xbf16, #tpu.memory_space<vmem>>, vector<32xbf16>,
            %parallel_loop3A_461 = tpu.unpack_subelements %parallel_loop3A_460, 0 {pack_format = #tpu.pack_format<interleaved>} : vector<32xbf16> -> vector<16xf32>
            %parallel_loop3A_462 = tpu.unpack_subelements %parallel_loop3A_460, 1 {pack_format = #tpu.pack_format<interleaved>} : vector<32xbf16> -> vector<16xf32>
            %parallel_loop3A_463 = arith.constant 2 : i32
            %parallel_loop3A_464 = vector.broadcast %parallel_loop3A_463 : i32 to vector<16x1xi32>
            %parallel_loop3A_465 = vector.shape_cast %parallel_loop3A_464 : vector<16x1xi32> to vector<16xi32>
            %parallel_loop3A_466 = tpu.dynamic_gather %parallel_loop3A_413[%parallel_loop3A_465] in [0] : vector<16xf32>, vector<16xi32> -> vector<16xf32>
            %parallel_loop3A_467 = arith.mulf %parallel_loop3A_461, %parallel_loop3A_466 : vector<16xf32>
            %parallel_loop3A_468 = arith.constant 0 : i32
            %parallel_loop3A_469 = arith.constant 0 : i32
            %parallel_loop3A_470 = tpu.memref_slice %arg19[%parallel_loop3A_373, %parallel_loop3A_468, %parallel_loop3A_469] : memref<2x64x144xf32, #tpu.memory_space<vmem>> -> memref<1x64x144xf32, #tpu.memory_space<vmem>>
            %parallel_loop3A_471 = tpu.memref_squeeze %parallel_loop3A_470 : memref<1x64x144xf32, #tpu.memory_space<vmem>> -> memref<64x144xf32, #tpu.memory_space<vmem>>
            %parallel_loop3A_472 = arith.index_cast %parallel_loop3A_393 : i32 to index
            %parallel_loop3A_473 = arith.constant 32 : index
            %parallel_loop3A_474 = tpu.vector_load %parallel_loop3A_471[%parallel_loop3A_472, %parallel_loop3A_473] {strides = array<i32>} : memref<64x144xf32, #tpu.memory_space<vmem>>, vector<16xf32>,
            tpu.vector_store %parallel_loop3A_471[%parallel_loop3A_472, %parallel_loop3A_473], %parallel_loop3A_467 {strides = array<i32>} : memref<64x144xf32, #tpu.memory_space<vmem>>, vector<16xf32>,
            %parallel_loop3A_475 = arith.constant 3 : i32
            %parallel_loop3A_476 = vector.broadcast %parallel_loop3A_475 : i32 to vector<16x1xi32>
            %parallel_loop3A_477 = vector.shape_cast %parallel_loop3A_476 : vector<16x1xi32> to vector<16xi32>
            %parallel_loop3A_478 = tpu.dynamic_gather %parallel_loop3A_413[%parallel_loop3A_477] in [0] : vector<16xf32>, vector<16xi32> -> vector<16xf32>
            %parallel_loop3A_479 = arith.mulf %parallel_loop3A_462, %parallel_loop3A_478 : vector<16xf32>
            %parallel_loop3A_480 = arith.constant 0 : i32
            %parallel_loop3A_481 = arith.constant 0 : i32
            %parallel_loop3A_482 = tpu.memref_slice %arg19[%parallel_loop3A_373, %parallel_loop3A_480, %parallel_loop3A_481] : memref<2x64x144xf32, #tpu.memory_space<vmem>> -> memref<1x64x144xf32, #tpu.memory_space<vmem>>
            %parallel_loop3A_483 = tpu.memref_squeeze %parallel_loop3A_482 : memref<1x64x144xf32, #tpu.memory_space<vmem>> -> memref<64x144xf32, #tpu.memory_space<vmem>>
            %parallel_loop3A_484 = arith.index_cast %parallel_loop3A_393 : i32 to index
            %parallel_loop3A_485 = arith.constant 48 : index
            %parallel_loop3A_486 = tpu.vector_load %parallel_loop3A_483[%parallel_loop3A_484, %parallel_loop3A_485] {strides = array<i32>} : memref<64x144xf32, #tpu.memory_space<vmem>>, vector<16xf32>,
            tpu.vector_store %parallel_loop3A_483[%parallel_loop3A_484, %parallel_loop3A_485], %parallel_loop3A_479 {strides = array<i32>} : memref<64x144xf32, #tpu.memory_space<vmem>>, vector<16xf32>,
            %parallel_loop3A_487 = arith.constant 0 : i32
            %parallel_loop3A_488 = arith.constant 0 : i32
            %parallel_loop3A_489 = tpu.memref_slice %arg16[%parallel_loop3A_374, %parallel_loop3A_487, %parallel_loop3A_488] : memref<2x64x128xbf16, #tpu.memory_space<vmem>> -> memref<1x64x128xbf16, #tpu.memory_space<vmem>>
            %parallel_loop3A_490 = tpu.memref_squeeze %parallel_loop3A_489 : memref<1x64x128xbf16, #tpu.memory_space<vmem>> -> memref<64x128xbf16, #tpu.memory_space<vmem>>
            %parallel_loop3A_491 = arith.index_cast %parallel_loop3A_393 : i32 to index
            %parallel_loop3A_492 = arith.constant 64 : index
            %parallel_loop3A_493 = tpu.vector_load %parallel_loop3A_490[%parallel_loop3A_491, %parallel_loop3A_492] {strides = array<i32>} : memref<64x128xbf16, #tpu.memory_space<vmem>>, vector<32xbf16>,
            %parallel_loop3A_494 = tpu.unpack_subelements %parallel_loop3A_493, 0 {pack_format = #tpu.pack_format<interleaved>} : vector<32xbf16> -> vector<16xf32>
            %parallel_loop3A_495 = tpu.unpack_subelements %parallel_loop3A_493, 1 {pack_format = #tpu.pack_format<interleaved>} : vector<32xbf16> -> vector<16xf32>
            %parallel_loop3A_496 = arith.constant 4 : i32
            %parallel_loop3A_497 = vector.broadcast %parallel_loop3A_496 : i32 to vector<16x1xi32>
            %parallel_loop3A_498 = vector.shape_cast %parallel_loop3A_497 : vector<16x1xi32> to vector<16xi32>
            %parallel_loop3A_499 = tpu.dynamic_gather %parallel_loop3A_413[%parallel_loop3A_498] in [0] : vector<16xf32>, vector<16xi32> -> vector<16xf32>
            %parallel_loop3A_500 = arith.mulf %parallel_loop3A_494, %parallel_loop3A_499 : vector<16xf32>
            %parallel_loop3A_501 = arith.constant 0 : i32
            %parallel_loop3A_502 = arith.constant 0 : i32
            %parallel_loop3A_503 = tpu.memref_slice %arg19[%parallel_loop3A_373, %parallel_loop3A_501, %parallel_loop3A_502] : memref<2x64x144xf32, #tpu.memory_space<vmem>> -> memref<1x64x144xf32, #tpu.memory_space<vmem>>
            %parallel_loop3A_504 = tpu.memref_squeeze %parallel_loop3A_503 : memref<1x64x144xf32, #tpu.memory_space<vmem>> -> memref<64x144xf32, #tpu.memory_space<vmem>>
            %parallel_loop3A_505 = arith.index_cast %parallel_loop3A_393 : i32 to index
            %parallel_loop3A_506 = arith.constant 64 : index
            %parallel_loop3A_507 = tpu.vector_load %parallel_loop3A_504[%parallel_loop3A_505, %parallel_loop3A_506] {strides = array<i32>} : memref<64x144xf32, #tpu.memory_space<vmem>>, vector<16xf32>,
            tpu.vector_store %parallel_loop3A_504[%parallel_loop3A_505, %parallel_loop3A_506], %parallel_loop3A_500 {strides = array<i32>} : memref<64x144xf32, #tpu.memory_space<vmem>>, vector<16xf32>,
            %parallel_loop3A_508 = arith.constant 5 : i32
            %parallel_loop3A_509 = vector.broadcast %parallel_loop3A_508 : i32 to vector<16x1xi32>
            %parallel_loop3A_510 = vector.shape_cast %parallel_loop3A_509 : vector<16x1xi32> to vector<16xi32>
            %parallel_loop3A_511 = tpu.dynamic_gather %parallel_loop3A_413[%parallel_loop3A_510] in [0] : vector<16xf32>, vector<16xi32> -> vector<16xf32>
            %parallel_loop3A_512 = arith.mulf %parallel_loop3A_495, %parallel_loop3A_511 : vector<16xf32>
            %parallel_loop3A_513 = arith.constant 0 : i32
            %parallel_loop3A_514 = arith.constant 0 : i32
            %parallel_loop3A_515 = tpu.memref_slice %arg19[%parallel_loop3A_373, %parallel_loop3A_513, %parallel_loop3A_514] : memref<2x64x144xf32, #tpu.memory_space<vmem>> -> memref<1x64x144xf32, #tpu.memory_space<vmem>>
            %parallel_loop3A_516 = tpu.memref_squeeze %parallel_loop3A_515 : memref<1x64x144xf32, #tpu.memory_space<vmem>> -> memref<64x144xf32, #tpu.memory_space<vmem>>
            %parallel_loop3A_517 = arith.index_cast %parallel_loop3A_393 : i32 to index
            %parallel_loop3A_518 = arith.constant 80 : index
            %parallel_loop3A_519 = tpu.vector_load %parallel_loop3A_516[%parallel_loop3A_517, %parallel_loop3A_518] {strides = array<i32>} : memref<64x144xf32, #tpu.memory_space<vmem>>, vector<16xf32>,
            tpu.vector_store %parallel_loop3A_516[%parallel_loop3A_517, %parallel_loop3A_518], %parallel_loop3A_512 {strides = array<i32>} : memref<64x144xf32, #tpu.memory_space<vmem>>, vector<16xf32>,
            %parallel_loop3A_520 = arith.constant 0 : i32
            %parallel_loop3A_521 = arith.constant 0 : i32
            %parallel_loop3A_522 = tpu.memref_slice %arg16[%parallel_loop3A_374, %parallel_loop3A_520, %parallel_loop3A_521] : memref<2x64x128xbf16, #tpu.memory_space<vmem>> -> memref<1x64x128xbf16, #tpu.memory_space<vmem>>
            %parallel_loop3A_523 = tpu.memref_squeeze %parallel_loop3A_522 : memref<1x64x128xbf16, #tpu.memory_space<vmem>> -> memref<64x128xbf16, #tpu.memory_space<vmem>>
            %parallel_loop3A_524 = arith.index_cast %parallel_loop3A_393 : i32 to index
            %parallel_loop3A_525 = arith.constant 96 : index
            %parallel_loop3A_526 = tpu.vector_load %parallel_loop3A_523[%parallel_loop3A_524, %parallel_loop3A_525] {strides = array<i32>} : memref<64x128xbf16, #tpu.memory_space<vmem>>, vector<32xbf16>,
            %parallel_loop3A_527 = tpu.unpack_subelements %parallel_loop3A_526, 0 {pack_format = #tpu.pack_format<interleaved>} : vector<32xbf16> -> vector<16xf32>
            %parallel_loop3A_528 = tpu.unpack_subelements %parallel_loop3A_526, 1 {pack_format = #tpu.pack_format<interleaved>} : vector<32xbf16> -> vector<16xf32>
            %parallel_loop3A_529 = arith.constant 6 : i32
            %parallel_loop3A_530 = vector.broadcast %parallel_loop3A_529 : i32 to vector<16x1xi32>
            %parallel_loop3A_531 = vector.shape_cast %parallel_loop3A_530 : vector<16x1xi32> to vector<16xi32>
            %parallel_loop3A_532 = tpu.dynamic_gather %parallel_loop3A_413[%parallel_loop3A_531] in [0] : vector<16xf32>, vector<16xi32> -> vector<16xf32>
            %parallel_loop3A_533 = arith.mulf %parallel_loop3A_527, %parallel_loop3A_532 : vector<16xf32>
            %parallel_loop3A_534 = arith.constant 0 : i32
            %parallel_loop3A_535 = arith.constant 0 : i32
            %parallel_loop3A_536 = tpu.memref_slice %arg19[%parallel_loop3A_373, %parallel_loop3A_534, %parallel_loop3A_535] : memref<2x64x144xf32, #tpu.memory_space<vmem>> -> memref<1x64x144xf32, #tpu.memory_space<vmem>>
            %parallel_loop3A_537 = tpu.memref_squeeze %parallel_loop3A_536 : memref<1x64x144xf32, #tpu.memory_space<vmem>> -> memref<64x144xf32, #tpu.memory_space<vmem>>
            %parallel_loop3A_538 = arith.index_cast %parallel_loop3A_393 : i32 to index
            %parallel_loop3A_539 = arith.constant 96 : index
            %parallel_loop3A_540 = tpu.vector_load %parallel_loop3A_537[%parallel_loop3A_538, %parallel_loop3A_539] {strides = array<i32>} : memref<64x144xf32, #tpu.memory_space<vmem>>, vector<16xf32>,
            tpu.vector_store %parallel_loop3A_537[%parallel_loop3A_538, %parallel_loop3A_539], %parallel_loop3A_533 {strides = array<i32>} : memref<64x144xf32, #tpu.memory_space<vmem>>, vector<16xf32>,
            %parallel_loop3A_541 = arith.constant 7 : i32
            %parallel_loop3A_542 = vector.broadcast %parallel_loop3A_541 : i32 to vector<16x1xi32>
            %parallel_loop3A_543 = vector.shape_cast %parallel_loop3A_542 : vector<16x1xi32> to vector<16xi32>
            %parallel_loop3A_544 = tpu.dynamic_gather %parallel_loop3A_413[%parallel_loop3A_543] in [0] : vector<16xf32>, vector<16xi32> -> vector<16xf32>
            %parallel_loop3A_545 = arith.mulf %parallel_loop3A_528, %parallel_loop3A_544 : vector<16xf32>
            %parallel_loop3A_546 = arith.constant 0 : i32
            %parallel_loop3A_547 = arith.constant 0 : i32
            %parallel_loop3A_548 = tpu.memref_slice %arg19[%parallel_loop3A_373, %parallel_loop3A_546, %parallel_loop3A_547] : memref<2x64x144xf32, #tpu.memory_space<vmem>> -> memref<1x64x144xf32, #tpu.memory_space<vmem>>
            %parallel_loop3A_549 = tpu.memref_squeeze %parallel_loop3A_548 : memref<1x64x144xf32, #tpu.memory_space<vmem>> -> memref<64x144xf32, #tpu.memory_space<vmem>>
            %parallel_loop3A_550 = arith.index_cast %parallel_loop3A_393 : i32 to index
            %parallel_loop3A_551 = arith.constant 112 : index
            %parallel_loop3A_552 = tpu.vector_load %parallel_loop3A_549[%parallel_loop3A_550, %parallel_loop3A_551] {strides = array<i32>} : memref<64x144xf32, #tpu.memory_space<vmem>>, vector<16xf32>,
            tpu.vector_store %parallel_loop3A_549[%parallel_loop3A_550, %parallel_loop3A_551], %parallel_loop3A_545 {strides = array<i32>} : memref<64x144xf32, #tpu.memory_space<vmem>>, vector<16xf32>,
          } {sc.loop_unroll_factor = 2 : i64, sc.parallel_access}
          %dma_start3A_375 = arith.constant 1 : i32
          %dma_start3A_376 = arith.constant 0 : i32
          %dma_start3A_377 = arith.constant 0 : i32
          %dma_start3A_378 = tpu.memref_slice %arg19[%dma_start3A_375, %dma_start3A_376, %dma_start3A_377] : memref<2x64x144xf32, #tpu.memory_space<vmem>> -> memref<1x64x144xf32, #tpu.memory_space<vmem>>
          %dma_start3A_379 = tpu.memref_squeeze %dma_start3A_378 : memref<1x64x144xf32, #tpu.memory_space<vmem>> -> memref<64x144xf32, #tpu.memory_space<vmem>>
          %dma_start3A_380 = arith.constant 0 : i32
          %dma_start3A_381 = tpu.memref_slice %arg15[%select_n3A_175, %add3A_315, %dma_start3A_380] : memref<3x20x64xi32, #tpu.memory_space<vmem>> -> memref<1x1x64xi32, #tpu.memory_space<vmem>>
          %dma_start3A_382 = tpu.memref_squeeze %dma_start3A_381 : memref<1x1x64xi32, #tpu.memory_space<vmem>> -> memref<64xi32, #tpu.memory_space<vmem>>
          %dma_start3A_383 = arith.constant 0 : i32
          %dma_start3A_384 = arith.constant 0 : i32
          %dma_start3A_385 = tpu.memref_slice %arg30[%dma_start3A_383, %dma_start3A_384] : memref<10240x144xf32, #tpu.memory_space<vmem_shared>> -> memref<10240x144xf32, #tpu.memory_space<vmem_shared>>
          tpu.enqueue_indirect_dma source(%dma_start3A_379 : memref<64x144xf32, #tpu.memory_space<vmem>>) target(%dma_start3A_385 : memref<10240x144xf32, #tpu.memory_space<vmem_shared>>) offsets(%dma_start3A_382 : memref<64xi32, #tpu.memory_space<vmem>>) semaphore(%arg27 : memref<!tpu.dma_semaphore, #tpu.memory_space<semaphore_mem>>) {add = true}
          %add3A_386 = arith.constant 2 : i32
          %add3A_387 = arith.addi %add3A_315, %add3A_386 : i32
          %lt3A_388 = arith.constant 20 : i32
          %lt3A_389 = arith.cmpi slt, %add3A_387, %lt3A_388 : i32
          %convert_element_type3A_390 = arith.extui %lt3A_389 : i1 to i32
          %cond3A_391 = arith.constant 0 : i32
          %cond3A_392 = arith.cmpi ne, %convert_element_type3A_390, %cond3A_391 : i32
          scf.if %cond3A_392 {
            %add3A_393 = arith.constant 2 : i32
            %add3A_394 = arith.addi %add3A_315, %add3A_393 : i32
            %dma_start3A_395 = arith.constant 1 : i32
            %dma_start3A_396 = arith.constant 0 : i32
            %dma_start3A_397 = arith.constant 0 : i32
            %dma_start3A_398 = tpu.memref_slice %arg16[%dma_start3A_395, %dma_start3A_396, %dma_start3A_397] : memref<2x64x128xbf16, #tpu.memory_space<vmem>> -> memref<1x64x128xbf16, #tpu.memory_space<vmem>>
            %dma_start3A_399 = tpu.memref_squeeze %dma_start3A_398 : memref<1x64x128xbf16, #tpu.memory_space<vmem>> -> memref<64x128xbf16, #tpu.memory_space<vmem>>
            %dma_start3A_400 = arith.constant 0 : i32
            %dma_start3A_401 = tpu.memref_slice %arg14[%select_n3A_159, %add3A_394, %dma_start3A_400] : memref<2x20x64xi32, #tpu.memory_space<vmem>> -> memref<1x1x64xi32, #tpu.memory_space<vmem>>
            %dma_start3A_402 = tpu.memref_squeeze %dma_start3A_401 : memref<1x1x64xi32, #tpu.memory_space<vmem>> -> memref<64xi32, #tpu.memory_space<vmem>>
            %dma_start3A_403 = arith.constant 0 : i32
            %dma_start3A_404 = arith.constant 0 : i32
            %dma_start3A_405 = tpu.memref_slice %arg5[%dma_start3A_403, %dma_start3A_404] : memref<10240x128xbf16, #tpu.memory_space<hbm>> -> memref<10240x128xbf16, #tpu.memory_space<hbm>>
            tpu.enqueue_indirect_dma source(%dma_start3A_405 : memref<10240x128xbf16, #tpu.memory_space<hbm>>) target(%dma_start3A_399 : memref<64x128xbf16, #tpu.memory_space<vmem>>) offsets(%dma_start3A_402 : memref<64xi32, #tpu.memory_space<vmem>>) semaphore(%arg23 : memref<!tpu.dma_semaphore, #tpu.memory_space<semaphore_mem>>)
            %dma_start3A_406 = arith.constant 1 : i32
            %dma_start3A_407 = arith.constant 0 : i32
            %dma_start3A_408 = arith.constant 0 : i32
            %dma_start3A_409 = tpu.memref_slice %arg17[%dma_start3A_406, %dma_start3A_407, %dma_start3A_408] : memref<2x64x16xf32, #tpu.memory_space<vmem>> -> memref<1x64x16xf32, #tpu.memory_space<vmem>>
            %dma_start3A_410 = tpu.memref_squeeze %dma_start3A_409 : memref<1x64x16xf32, #tpu.memory_space<vmem>> -> memref<64x16xf32, #tpu.memory_space<vmem>>
            %dma_start3A_411 = arith.constant 0 : i32
            %dma_start3A_412 = tpu.memref_slice %arg14[%select_n3A_159, %add3A_394, %dma_start3A_411] : memref<2x20x64xi32, #tpu.memory_space<vmem>> -> memref<1x1x64xi32, #tpu.memory_space<vmem>>
            %dma_start3A_413 = tpu.memref_squeeze %dma_start3A_412 : memref<1x1x64xi32, #tpu.memory_space<vmem>> -> memref<64xi32, #tpu.memory_space<vmem>>
            %dma_start3A_414 = arith.constant 0 : i32
            %dma_start3A_415 = arith.constant 0 : i32
            %dma_start3A_416 = tpu.memref_slice %arg6[%dma_start3A_414, %dma_start3A_415] : memref<10240x16xf32, #tpu.memory_space<hbm>> -> memref<10240x16xf32, #tpu.memory_space<hbm>>
            tpu.enqueue_indirect_dma source(%dma_start3A_416 : memref<10240x16xf32, #tpu.memory_space<hbm>>) target(%dma_start3A_410 : memref<64x16xf32, #tpu.memory_space<vmem>>) offsets(%dma_start3A_413 : memref<64xi32, #tpu.memory_space<vmem>>) semaphore(%arg24 : memref<!tpu.dma_semaphore, #tpu.memory_space<semaphore_mem>>)
            %dma_start3A_417 = arith.constant 1 : i32
            %dma_start3A_418 = arith.constant 0 : i32
            %dma_start3A_419 = arith.constant 0 : i32
            %dma_start3A_420 = tpu.memref_slice %arg18[%dma_start3A_417, %dma_start3A_418, %dma_start3A_419] : memref<2x64x16xf32, #tpu.memory_space<vmem>> -> memref<1x64x16xf32, #tpu.memory_space<vmem>>
            %dma_start3A_421 = tpu.memref_squeeze %dma_start3A_420 : memref<1x64x16xf32, #tpu.memory_space<vmem>> -> memref<64x16xf32, #tpu.memory_space<vmem>>
            %dma_start3A_422 = arith.constant 0 : i32
            %dma_start3A_423 = tpu.memref_slice %arg15[%select_n3A_175, %add3A_394, %dma_start3A_422] : memref<3x20x64xi32, #tpu.memory_space<vmem>> -> memref<1x1x64xi32, #tpu.memory_space<vmem>>
            %dma_start3A_424 = tpu.memref_squeeze %dma_start3A_423 : memref<1x1x64xi32, #tpu.memory_space<vmem>> -> memref<64xi32, #tpu.memory_space<vmem>>
            %dma_start3A_425 = arith.constant 0 : i32
            %dma_start3A_426 = arith.constant 0 : i32
            %dma_start3A_427 = tpu.memref_slice %arg7[%dma_start3A_425, %dma_start3A_426] : memref<10240x16xf32, #tpu.memory_space<hbm>> -> memref<10240x16xf32, #tpu.memory_space<hbm>>
            tpu.enqueue_indirect_dma source(%dma_start3A_427 : memref<10240x16xf32, #tpu.memory_space<hbm>>) target(%dma_start3A_421 : memref<64x16xf32, #tpu.memory_space<vmem>>) offsets(%dma_start3A_424 : memref<64xi32, #tpu.memory_space<vmem>>) semaphore(%arg25 : memref<!tpu.dma_semaphore, #tpu.memory_space<semaphore_mem>>)
          } else {
          }
        }
        %scan3A_223 = arith.constant 10 : i32
        %add3A_224 = arith.constant 1 : i32
        %add3A_225 = arith.addi %add3A_149, %add3A_224 : i32
        %lt3A_226 = arith.constant 16 : i32
        %lt3A_227 = arith.cmpi slt, %add3A_225, %lt3A_226 : i32
        %convert_element_type3A_228 = arith.extui %lt3A_227 : i1 to i32
        %cond3A_229 = arith.constant 0 : i32
        %cond3A_230 = arith.cmpi ne, %convert_element_type3A_228, %cond3A_229 : i32
        scf.if %cond3A_230 {
          %dma_wait3A_231 = arith.constant 0 : i32
          %dma_wait3A_232 = arith.constant 0 : i32
          %dma_wait3A_233 = arith.constant 0 : i32
          %dma_wait3A_234 = arith.constant 0 : i32
          %dma_wait3A_235 = tpu.memref_slice %arg14[%dma_wait3A_232, %dma_wait3A_233, %dma_wait3A_234] : memref<2x20x64xi32, #tpu.memory_space<vmem>> -> memref<1x20x64xi32, #tpu.memory_space<vmem>>
          %dma_wait3A_236 = tpu.memref_squeeze %dma_wait3A_235 : memref<1x20x64xi32, #tpu.memory_space<vmem>> -> memref<20x64xi32, #tpu.memory_space<vmem>>
          %dma_wait3A_237 = arith.constant 0 : i32
          %dma_wait3A_238 = arith.constant 0 : i32
          %dma_wait3A_239 = tpu.memref_slice %arg10[%arg1, %dma_wait3A_231, %dma_wait3A_237, %dma_wait3A_238] : memref<16x16x20x64xi32, #tpu.memory_space<hbm>> -> memref<1x1x20x64xi32, #tpu.memory_space<hbm>>
          %dma_wait3A_240 = tpu.memref_squeeze %dma_wait3A_239 : memref<1x1x20x64xi32, #tpu.memory_space<hbm>> -> memref<20x64xi32, #tpu.memory_space<hbm>>
          %dma_wait3A_241 = arith.constant 0 : i32
          %dma_wait3A_242 = arith.constant 0 : i32
          %dma_wait3A_243 = tpu.memref_slice %arg14[%dma_wait3A_232, %dma_wait3A_241, %dma_wait3A_242] : memref<2x20x64xi32, #tpu.memory_space<vmem>> -> memref<1x20x64xi32, #tpu.memory_space<vmem>>
          %dma_wait3A_244 = tpu.memref_squeeze %dma_wait3A_243 : memref<1x20x64xi32, #tpu.memory_space<vmem>> -> memref<20x64xi32, #tpu.memory_space<vmem>>
          %dma_wait3A_245 = arith.constant 0 : i32
          %dma_wait3A_246 = arith.constant 0 : i32
          %dma_wait3A_247 = tpu.memref_slice %arg10[%arg1, %dma_wait3A_231, %dma_wait3A_245, %dma_wait3A_246] : memref<16x16x20x64xi32, #tpu.memory_space<hbm>> -> memref<1x1x20x64xi32, #tpu.memory_space<hbm>>
          %dma_wait3A_248 = tpu.memref_squeeze %dma_wait3A_247 : memref<1x1x20x64xi32, #tpu.memory_space<hbm>> -> memref<20x64xi32, #tpu.memory_space<hbm>>
          tpu.wait_dma2 semaphore(%arg28 : memref<!tpu.dma_semaphore, #tpu.memory_space<semaphore_mem>>) src(%dma_wait3A_248 : memref<20x64xi32, #tpu.memory_space<hbm>>) dst(%dma_wait3A_244 : memref<20x64xi32, #tpu.memory_space<vmem>>)
          %dma_wait3A_249 = arith.constant 0 : i32
          %dma_wait3A_250 = arith.constant 0 : i32
          %dma_wait3A_251 = arith.constant 0 : i32
          %dma_wait3A_252 = arith.constant 0 : i32
          %dma_wait3A_253 = tpu.memref_slice %arg15[%dma_wait3A_250, %dma_wait3A_251, %dma_wait3A_252] : memref<3x20x64xi32, #tpu.memory_space<vmem>> -> memref<1x20x64xi32, #tpu.memory_space<vmem>>
          %dma_wait3A_254 = tpu.memref_squeeze %dma_wait3A_253 : memref<1x20x64xi32, #tpu.memory_space<vmem>> -> memref<20x64xi32, #tpu.memory_space<vmem>>
          %dma_wait3A_255 = arith.constant 0 : i32
          %dma_wait3A_256 = arith.constant 0 : i32
          %dma_wait3A_257 = tpu.memref_slice %arg11[%arg1, %dma_wait3A_249, %dma_wait3A_255, %dma_wait3A_256] : memref<16x16x20x64xi32, #tpu.memory_space<hbm>> -> memref<1x1x20x64xi32, #tpu.memory_space<hbm>>
          %dma_wait3A_258 = tpu.memref_squeeze %dma_wait3A_257 : memref<1x1x20x64xi32, #tpu.memory_space<hbm>> -> memref<20x64xi32, #tpu.memory_space<hbm>>
          %dma_wait3A_259 = arith.constant 0 : i32
          %dma_wait3A_260 = arith.constant 0 : i32
          %dma_wait3A_261 = tpu.memref_slice %arg15[%dma_wait3A_250, %dma_wait3A_259, %dma_wait3A_260] : memref<3x20x64xi32, #tpu.memory_space<vmem>> -> memref<1x20x64xi32, #tpu.memory_space<vmem>>
          %dma_wait3A_262 = tpu.memref_squeeze %dma_wait3A_261 : memref<1x20x64xi32, #tpu.memory_space<vmem>> -> memref<20x64xi32, #tpu.memory_space<vmem>>
          %dma_wait3A_263 = arith.constant 0 : i32
          %dma_wait3A_264 = arith.constant 0 : i32
          %dma_wait3A_265 = tpu.memref_slice %arg11[%arg1, %dma_wait3A_249, %dma_wait3A_263, %dma_wait3A_264] : memref<16x16x20x64xi32, #tpu.memory_space<hbm>> -> memref<1x1x20x64xi32, #tpu.memory_space<hbm>>
          %dma_wait3A_266 = tpu.memref_squeeze %dma_wait3A_265 : memref<1x1x20x64xi32, #tpu.memory_space<hbm>> -> memref<20x64xi32, #tpu.memory_space<hbm>>
          tpu.wait_dma2 semaphore(%arg29 : memref<!tpu.dma_semaphore, #tpu.memory_space<semaphore_mem>>) src(%dma_wait3A_266 : memref<20x64xi32, #tpu.memory_space<hbm>>) dst(%dma_wait3A_262 : memref<20x64xi32, #tpu.memory_space<vmem>>)
          %dma_start3A_267 = arith.constant 0 : i32
          %dma_start3A_268 = arith.constant 0 : i32
          %dma_start3A_269 = arith.constant 0 : i32
          %dma_start3A_270 = arith.constant 0 : i32
          %dma_start3A_271 = tpu.memref_slice %arg16[%dma_start3A_268, %dma_start3A_269, %dma_start3A_270] : memref<2x64x128xbf16, #tpu.memory_space<vmem>> -> memref<1x64x128xbf16, #tpu.memory_space<vmem>>
          %dma_start3A_272 = tpu.memref_squeeze %dma_start3A_271 : memref<1x64x128xbf16, #tpu.memory_space<vmem>> -> memref<64x128xbf16, #tpu.memory_space<vmem>>
          %dma_start3A_273 = arith.constant 0 : i32
          %dma_start3A_274 = tpu.memref_slice %arg14[%select_n3A_193, %dma_start3A_267, %dma_start3A_273] : memref<2x20x64xi32, #tpu.memory_space<vmem>> -> memref<1x1x64xi32, #tpu.memory_space<vmem>>
          %dma_start3A_275 = tpu.memref_squeeze %dma_start3A_274 : memref<1x1x64xi32, #tpu.memory_space<vmem>> -> memref<64xi32, #tpu.memory_space<vmem>>
          %dma_start3A_276 = arith.constant 0 : i32
          %dma_start3A_277 = arith.constant 0 : i32
          %dma_start3A_278 = tpu.memref_slice %arg5[%dma_start3A_276, %dma_start3A_277] : memref<10240x128xbf16, #tpu.memory_space<hbm>> -> memref<10240x128xbf16, #tpu.memory_space<hbm>>
          tpu.enqueue_indirect_dma source(%dma_start3A_278 : memref<10240x128xbf16, #tpu.memory_space<hbm>>) target(%dma_start3A_272 : memref<64x128xbf16, #tpu.memory_space<vmem>>) offsets(%dma_start3A_275 : memref<64xi32, #tpu.memory_space<vmem>>) semaphore(%arg20 : memref<!tpu.dma_semaphore, #tpu.memory_space<semaphore_mem>>)
          %dma_start3A_279 = arith.constant 0 : i32
          %dma_start3A_280 = arith.constant 0 : i32
          %dma_start3A_281 = arith.constant 0 : i32
          %dma_start3A_282 = arith.constant 0 : i32
          %dma_start3A_283 = tpu.memref_slice %arg17[%dma_start3A_280, %dma_start3A_281, %dma_start3A_282] : memref<2x64x16xf32, #tpu.memory_space<vmem>> -> memref<1x64x16xf32, #tpu.memory_space<vmem>>
          %dma_start3A_284 = tpu.memref_squeeze %dma_start3A_283 : memref<1x64x16xf32, #tpu.memory_space<vmem>> -> memref<64x16xf32, #tpu.memory_space<vmem>>
          %dma_start3A_285 = arith.constant 0 : i32
          %dma_start3A_286 = tpu.memref_slice %arg14[%select_n3A_193, %dma_start3A_279, %dma_start3A_285] : memref<2x20x64xi32, #tpu.memory_space<vmem>> -> memref<1x1x64xi32, #tpu.memory_space<vmem>>
          %dma_start3A_287 = tpu.memref_squeeze %dma_start3A_286 : memref<1x1x64xi32, #tpu.memory_space<vmem>> -> memref<64xi32, #tpu.memory_space<vmem>>
          %dma_start3A_288 = arith.constant 0 : i32
          %dma_start3A_289 = arith.constant 0 : i32
          %dma_start3A_290 = tpu.memref_slice %arg6[%dma_start3A_288, %dma_start3A_289] : memref<10240x16xf32, #tpu.memory_space<hbm>> -> memref<10240x16xf32, #tpu.memory_space<hbm>>
          tpu.enqueue_indirect_dma source(%dma_start3A_290 : memref<10240x16xf32, #tpu.memory_space<hbm>>) target(%dma_start3A_284 : memref<64x16xf32, #tpu.memory_space<vmem>>) offsets(%dma_start3A_287 : memref<64xi32, #tpu.memory_space<vmem>>) semaphore(%arg21 : memref<!tpu.dma_semaphore, #tpu.memory_space<semaphore_mem>>)
          %dma_start3A_291 = arith.constant 0 : i32
          %dma_start3A_292 = arith.constant 0 : i32
          %dma_start3A_293 = arith.constant 0 : i32
          %dma_start3A_294 = arith.constant 0 : i32
          %dma_start3A_295 = tpu.memref_slice %arg18[%dma_start3A_292, %dma_start3A_293, %dma_start3A_294] : memref<2x64x16xf32, #tpu.memory_space<vmem>> -> memref<1x64x16xf32, #tpu.memory_space<vmem>>
          %dma_start3A_296 = tpu.memref_squeeze %dma_start3A_295 : memref<1x64x16xf32, #tpu.memory_space<vmem>> -> memref<64x16xf32, #tpu.memory_space<vmem>>
          %dma_start3A_297 = arith.constant 0 : i32
          %dma_start3A_298 = tpu.memref_slice %arg15[%select_n3A_211, %dma_start3A_291, %dma_start3A_297] : memref<3x20x64xi32, #tpu.memory_space<vmem>> -> memref<1x1x64xi32, #tpu.memory_space<vmem>>
          %dma_start3A_299 = tpu.memref_squeeze %dma_start3A_298 : memref<1x1x64xi32, #tpu.memory_space<vmem>> -> memref<64xi32, #tpu.memory_space<vmem>>
          %dma_start3A_300 = arith.constant 0 : i32
          %dma_start3A_301 = arith.constant 0 : i32
          %dma_start3A_302 = tpu.memref_slice %arg7[%dma_start3A_300, %dma_start3A_301] : memref<10240x16xf32, #tpu.memory_space<hbm>> -> memref<10240x16xf32, #tpu.memory_space<hbm>>
          tpu.enqueue_indirect_dma source(%dma_start3A_302 : memref<10240x16xf32, #tpu.memory_space<hbm>>) target(%dma_start3A_296 : memref<64x16xf32, #tpu.memory_space<vmem>>) offsets(%dma_start3A_299 : memref<64xi32, #tpu.memory_space<vmem>>) semaphore(%arg22 : memref<!tpu.dma_semaphore, #tpu.memory_space<semaphore_mem>>)
          %dma_start3A_303 = arith.constant 1 : i32
          %dma_start3A_304 = arith.constant 1 : i32
          %dma_start3A_305 = arith.constant 0 : i32
          %dma_start3A_306 = arith.constant 0 : i32
          %dma_start3A_307 = tpu.memref_slice %arg16[%dma_start3A_304, %dma_start3A_305, %dma_start3A_306] : memref<2x64x128xbf16, #tpu.memory_space<vmem>> -> memref<1x64x128xbf16, #tpu.memory_space<vmem>>
          %dma_start3A_308 = tpu.memref_squeeze %dma_start3A_307 : memref<1x64x128xbf16, #tpu.memory_space<vmem>> -> memref<64x128xbf16, #tpu.memory_space<vmem>>
          %dma_start3A_309 = arith.constant 0 : i32
          %dma_start3A_310 = tpu.memref_slice %arg14[%select_n3A_193, %dma_start3A_303, %dma_start3A_309] : memref<2x20x64xi32, #tpu.memory_space<vmem>> -> memref<1x1x64xi32, #tpu.memory_space<vmem>>
          %dma_start3A_311 = tpu.memref_squeeze %dma_start3A_310 : memref<1x1x64xi32, #tpu.memory_space<vmem>> -> memref<64xi32, #tpu.memory_space<vmem>>
          %dma_start3A_312 = arith.constant 0 : i32
          %dma_start3A_313 = arith.constant 0 : i32
          %dma_start3A_314 = tpu.memref_slice %arg5[%dma_start3A_312, %dma_start3A_313] : memref<10240x128xbf16, #tpu.memory_space<hbm>> -> memref<10240x128xbf16, #tpu.memory_space<hbm>>
          tpu.enqueue_indirect_dma source(%dma_start3A_314 : memref<10240x128xbf16, #tpu.memory_space<hbm>>) target(%dma_start3A_308 : memref<64x128xbf16, #tpu.memory_space<vmem>>) offsets(%dma_start3A_311 : memref<64xi32, #tpu.memory_space<vmem>>) semaphore(%arg23 : memref<!tpu.dma_semaphore, #tpu.memory_space<semaphore_mem>>)
          %dma_start3A_315 = arith.constant 1 : i32
          %dma_start3A_316 = arith.constant 1 : i32
          %dma_start3A_317 = arith.constant 0 : i32
          %dma_start3A_318 = arith.constant 0 : i32
          %dma_start3A_319 = tpu.memref_slice %arg17[%dma_start3A_316, %dma_start3A_317, %dma_start3A_318] : memref<2x64x16xf32, #tpu.memory_space<vmem>> -> memref<1x64x16xf32, #tpu.memory_space<vmem>>
          %dma_start3A_320 = tpu.memref_squeeze %dma_start3A_319 : memref<1x64x16xf32, #tpu.memory_space<vmem>> -> memref<64x16xf32, #tpu.memory_space<vmem>>
          %dma_start3A_321 = arith.constant 0 : i32
          %dma_start3A_322 = tpu.memref_slice %arg14[%select_n3A_193, %dma_start3A_315, %dma_start3A_321] : memref<2x20x64xi32, #tpu.memory_space<vmem>> -> memref<1x1x64xi32, #tpu.memory_space<vmem>>
          %dma_start3A_323 = tpu.memref_squeeze %dma_start3A_322 : memref<1x1x64xi32, #tpu.memory_space<vmem>> -> memref<64xi32, #tpu.memory_space<vmem>>
          %dma_start3A_324 = arith.constant 0 : i32
          %dma_start3A_325 = arith.constant 0 : i32
          %dma_start3A_326 = tpu.memref_slice %arg6[%dma_start3A_324, %dma_start3A_325] : memref<10240x16xf32, #tpu.memory_space<hbm>> -> memref<10240x16xf32, #tpu.memory_space<hbm>>
          tpu.enqueue_indirect_dma source(%dma_start3A_326 : memref<10240x16xf32, #tpu.memory_space<hbm>>) target(%dma_start3A_320 : memref<64x16xf32, #tpu.memory_space<vmem>>) offsets(%dma_start3A_323 : memref<64xi32, #tpu.memory_space<vmem>>) semaphore(%arg24 : memref<!tpu.dma_semaphore, #tpu.memory_space<semaphore_mem>>)
          %dma_start3A_327 = arith.constant 1 : i32
          %dma_start3A_328 = arith.constant 1 : i32
          %dma_start3A_329 = arith.constant 0 : i32
          %dma_start3A_330 = arith.constant 0 : i32
          %dma_start3A_331 = tpu.memref_slice %arg18[%dma_start3A_328, %dma_start3A_329, %dma_start3A_330] : memref<2x64x16xf32, #tpu.memory_space<vmem>> -> memref<1x64x16xf32, #tpu.memory_space<vmem>>
          %dma_start3A_332 = tpu.memref_squeeze %dma_start3A_331 : memref<1x64x16xf32, #tpu.memory_space<vmem>> -> memref<64x16xf32, #tpu.memory_space<vmem>>
          %dma_start3A_333 = arith.constant 0 : i32
          %dma_start3A_334 = tpu.memref_slice %arg15[%select_n3A_211, %dma_start3A_327, %dma_start3A_333] : memref<3x20x64xi32, #tpu.memory_space<vmem>> -> memref<1x1x64xi32, #tpu.memory_space<vmem>>
          %dma_start3A_335 = tpu.memref_squeeze %dma_start3A_334 : memref<1x1x64xi32, #tpu.memory_space<vmem>> -> memref<64xi32, #tpu.memory_space<vmem>>
          %dma_start3A_336 = arith.constant 0 : i32
          %dma_start3A_337 = arith.constant 0 : i32
          %dma_start3A_338 = tpu.memref_slice %arg7[%dma_start3A_336, %dma_start3A_337] : memref<10240x16xf32, #tpu.memory_space<hbm>> -> memref<10240x16xf32, #tpu.memory_space<hbm>>
          tpu.enqueue_indirect_dma source(%dma_start3A_338 : memref<10240x16xf32, #tpu.memory_space<hbm>>) target(%dma_start3A_332 : memref<64x16xf32, #tpu.memory_space<vmem>>) offsets(%dma_start3A_335 : memref<64xi32, #tpu.memory_space<vmem>>) semaphore(%arg25 : memref<!tpu.dma_semaphore, #tpu.memory_space<semaphore_mem>>)
        } else {
        }
      }
      %scan3A_120 = arith.constant 16 : i32
      %dma_wait3A = arith.constant 0 : i32
      %dma_wait3A_121 = arith.constant 0 : i32
      %dma_wait3A_122 = arith.constant 0 : i32
      %dma_wait3A_123 = arith.constant 0 : i32
      %dma_wait3A_124 = arith.constant 0 : i32
      %dma_wait3A_125 = tpu.memref_slice %arg19[%dma_wait3A, %dma_wait3A_123, %dma_wait3A_124] : memref<2x64x144xf32, #tpu.memory_space<vmem>> -> memref<1x64x144xf32, #tpu.memory_space<vmem>>
      %dma_wait3A_126 = tpu.memref_squeeze %dma_wait3A_125 : memref<1x64x144xf32, #tpu.memory_space<vmem>> -> memref<64x144xf32, #tpu.memory_space<vmem>>
      %dma_wait3A_127 = arith.constant 0 : i32
      %dma_wait3A_128 = tpu.memref_slice %arg15[%dma_wait3A_121, %dma_wait3A_122, %dma_wait3A_127] : memref<3x20x64xi32, #tpu.memory_space<vmem>> -> memref<1x1x64xi32, #tpu.memory_space<vmem>>
      %dma_wait3A_129 = tpu.memref_squeeze %dma_wait3A_128 : memref<1x1x64xi32, #tpu.memory_space<vmem>> -> memref<64xi32, #tpu.memory_space<vmem>>
      %dma_wait3A_130 = arith.constant 0 : i32
      %dma_wait3A_131 = arith.constant 0 : i32
      %dma_wait3A_132 = tpu.memref_slice %arg30[%dma_wait3A_130, %dma_wait3A_131] : memref<10240x144xf32, #tpu.memory_space<vmem_shared>> -> memref<10240x144xf32, #tpu.memory_space<vmem_shared>>
      tpu.wait_indirect_dma semaphore(%arg26 : memref<!tpu.dma_semaphore, #tpu.memory_space<semaphore_mem>>) src(%dma_wait3A_126 : memref<64x144xf32, #tpu.memory_space<vmem>>) dst(%dma_wait3A_132 : memref<10240x144xf32, #tpu.memory_space<vmem_shared>>)
      %dma_wait3A_133 = arith.constant 1 : i32
      %dma_wait3A_134 = arith.constant 0 : i32
      %dma_wait3A_135 = arith.constant 0 : i32
      %dma_wait3A_136 = arith.constant 0 : i32
      %dma_wait3A_137 = arith.constant 0 : i32
      %dma_wait3A_138 = tpu.memref_slice %arg19[%dma_wait3A_133, %dma_wait3A_136, %dma_wait3A_137] : memref<2x64x144xf32, #tpu.memory_space<vmem>> -> memref<1x64x144xf32, #tpu.memory_space<vmem>>
      %dma_wait3A_139 = tpu.memref_squeeze %dma_wait3A_138 : memref<1x64x144xf32, #tpu.memory_space<vmem>> -> memref<64x144xf32, #tpu.memory_space<vmem>>
      %dma_wait3A_140 = arith.constant 0 : i32
      %dma_wait3A_141 = tpu.memref_slice %arg15[%dma_wait3A_134, %dma_wait3A_135, %dma_wait3A_140] : memref<3x20x64xi32, #tpu.memory_space<vmem>> -> memref<1x1x64xi32, #tpu.memory_space<vmem>>
      %dma_wait3A_142 = tpu.memref_squeeze %dma_wait3A_141 : memref<1x1x64xi32, #tpu.memory_space<vmem>> -> memref<64xi32, #tpu.memory_space<vmem>>
      %dma_wait3A_143 = arith.constant 0 : i32
      %dma_wait3A_144 = arith.constant 0 : i32
      %dma_wait3A_145 = tpu.memref_slice %arg30[%dma_wait3A_143, %dma_wait3A_144] : memref<10240x144xf32, #tpu.memory_space<vmem_shared>> -> memref<10240x144xf32, #tpu.memory_space<vmem_shared>>
      tpu.wait_indirect_dma semaphore(%arg27 : memref<!tpu.dma_semaphore, #tpu.memory_space<semaphore_mem>>) src(%dma_wait3A_139 : memref<64x144xf32, #tpu.memory_space<vmem>>) dst(%dma_wait3A_145 : memref<10240x144xf32, #tpu.memory_space<vmem_shared>>)
    } else {
    }
    %barrier3A_8 = arith.constant 0 : index
    tpu.barrier barrier_id(%barrier3A_8)
    "tpu.region"() ({
      %run_scoped3A = tpu.sem_alloc : memref<!tpu.dma_semaphore, #tpu.memory_space<semaphore_mem>>
      %dma_start3A = arith.constant 0 : i32
      %dma_start3A_9 = tpu.memref_slice %arg13[%arg0, %mul3A_0, %dma_start3A] : memref<2x10240x144xf32, #tpu.memory_space<hbm>> -> memref<1x640x144xf32, #tpu.memory_space<hbm>>
      %dma_start3A_10 = tpu.memref_squeeze %dma_start3A_9 : memref<1x640x144xf32, #tpu.memory_space<hbm>> -> memref<640x144xf32, #tpu.memory_space<hbm>>
      %dma_start3A_11 = arith.constant 0 : i32
      %dma_start3A_12 = tpu.memref_slice %arg30[%mul3A_0, %dma_start3A_11] : memref<10240x144xf32, #tpu.memory_space<vmem_shared>> -> memref<640x144xf32, #tpu.memory_space<vmem_shared>>
      tpu.enqueue_dma source(%dma_start3A_12 : memref<640x144xf32, #tpu.memory_space<vmem_shared>>) target(%dma_start3A_10 : memref<640x144xf32, #tpu.memory_space<hbm>>) target_semaphore(%run_scoped3A : memref<!tpu.dma_semaphore, #tpu.memory_space<semaphore_mem>>)
      %dma_wait3A = arith.constant 0 : i32
      %dma_wait3A_13 = tpu.memref_slice %arg13[%arg0, %mul3A_0, %dma_wait3A] : memref<2x10240x144xf32, #tpu.memory_space<hbm>> -> memref<1x640x144xf32, #tpu.memory_space<hbm>>
      %dma_wait3A_14 = tpu.memref_squeeze %dma_wait3A_13 : memref<1x640x144xf32, #tpu.memory_space<hbm>> -> memref<640x144xf32, #tpu.memory_space<hbm>>
      %dma_wait3A_15 = arith.constant 0 : i32
      %dma_wait3A_16 = tpu.memref_slice %arg30[%mul3A_0, %dma_wait3A_15] : memref<10240x144xf32, #tpu.memory_space<vmem_shared>> -> memref<640x144xf32, #tpu.memory_space<vmem_shared>>
      tpu.wait_dma2 semaphore(%run_scoped3A : memref<!tpu.dma_semaphore, #tpu.memory_space<semaphore_mem>>) src(%dma_wait3A_16 : memref<640x144xf32, #tpu.memory_space<vmem_shared>>) dst(%dma_wait3A_14 : memref<640x144xf32, #tpu.memory_space<hbm>>)
      tpu.yield
    }) : () -> ()
    return
  }
}

module attributes {stable_mosaic.version = 14 : i64} {
  func.func @_prologue_body(%arg0: i32, %arg1: memref<1280x128xf32, #tpu.memory_space<vmem>>, %arg2: memref<128x128xf32, #tpu.memory_space<vmem>>, %arg3: memref<128x128xf32, #tpu.memory_space<vmem>>, %arg4: memref<128x16xf32, #tpu.memory_space<vmem>>, %arg5: memref<128x128xf32, #tpu.memory_space<vmem>>, %arg6: memref<128x16xf32, #tpu.memory_space<vmem>>, %arg7: memref<1280x128xbf16, #tpu.memory_space<vmem>>, %arg8: memref<1280x16xf32, #tpu.memory_space<vmem>>, %arg9: memref<1280x16xf32, #tpu.memory_space<vmem>>, %arg10: memref<1280x128xbf16, #tpu.memory_space<vmem>>, %arg11: memref<1280x16xf32, #tpu.memory_space<vmem>>, %arg12: memref<1280x16xf32, #tpu.memory_space<vmem>>) attributes {dimension_semantics = [#tpu.dimension_semantics<arbitrary>], iteration_bounds = array<i64: 8>, scalar_prefetch = 0 : i64, scratch_operands = 0 : i64, tpu.core_type = #tpu.core_type<tc>, window_params = [{transform_indices = @transform_0, window_bounds = array<i64: 1280, 128>}, {pipeline_mode = #tpu.pipeline_mode<synchronous>, transform_indices = @transform_1, window_bounds = array<i64: 128, 128>}, {pipeline_mode = #tpu.pipeline_mode<synchronous>, transform_indices = @transform_2, window_bounds = array<i64: 128, 128>}, {pipeline_mode = #tpu.pipeline_mode<synchronous>, transform_indices = @transform_3, window_bounds = array<i64: 128, 16>}, {pipeline_mode = #tpu.pipeline_mode<synchronous>, transform_indices = @transform_4, window_bounds = array<i64: 128, 128>}, {pipeline_mode = #tpu.pipeline_mode<synchronous>, transform_indices = @transform_5, window_bounds = array<i64: 128, 16>}, {transform_indices = @transform_6, window_bounds = array<i64: 1280, 128>}, {transform_indices = @transform_7, window_bounds = array<i64: 1280, 16>}, {transform_indices = @transform_8, window_bounds = array<i64: 1280, 16>}, {transform_indices = @transform_9, window_bounds = array<i64: 1280, 128>}, {transform_indices = @transform_10, window_bounds = array<i64: 1280, 16>}, {transform_indices = @transform_11, window_bounds = array<i64: 1280, 16>}]} {
    %get3A = arith.constant 0 : index
    %get3A_0 = arith.constant 0 : index
    %get3A_1 = vector.load %arg1[%get3A, %get3A_0] : memref<1280x128xf32, #tpu.memory_space<vmem>>, vector<1280x128xf32>
    %get3A_2 = arith.constant 0 : index
    %get3A_3 = arith.constant 0 : index
    %get3A_4 = vector.load %arg2[%get3A_2, %get3A_3] : memref<128x128xf32, #tpu.memory_space<vmem>>, vector<128x128xf32>
    %broadcast_in_dim3A = arith.constant 0.000000e+00 : f32
    %broadcast_in_dim3A_5 = vector.broadcast %broadcast_in_dim3A : f32 to vector<1280x8xf32>
    %get3A_6 = arith.constant 0 : index
    %get3A_7 = arith.constant 0 : index
    %get3A_8 = vector.load %arg3[%get3A_6, %get3A_7] : memref<128x128xf32, #tpu.memory_space<vmem>>, vector<128x128xf32>
    %dot_general3A = arith.constant dense<0.000000e+00> : vector<1280x128xf32>
    %dot_general3A_9 = tpu.matmul %get3A_1, %get3A_8, %dot_general3A {dimension_numbers = #tpu.dot_dimension_numbers<[1], [0], [0], [1], [0, 0, 1, 1], [], []>, precision = #tpu.contract_precision<fp32>, transpose_lhs_hint = false} : vector<1280x128xf32>, vector<128x128xf32>, vector<1280x128xf32> -> vector<1280x128xf32>
    %get3A_10 = arith.constant 0 : index
    %get3A_11 = arith.constant 0 : index
    %get3A_12 = vector.load %arg4[%get3A_10, %get3A_11] : memref<128x16xf32, #tpu.memory_space<vmem>>, vector<128x16xf32>
    %dot_general3A_13 = arith.constant dense<0.000000e+00> : vector<1280x16xf32>
    %dot_general3A_14 = tpu.matmul %dot_general3A_9, %get3A_12, %dot_general3A_13 {dimension_numbers = #tpu.dot_dimension_numbers<[1], [0], [0], [1], [0, 0, 1, 1], [], []>, precision = #tpu.contract_precision<fp32>, transpose_lhs_hint = false} : vector<1280x128xf32>, vector<128x16xf32>, vector<1280x16xf32> -> vector<1280x16xf32>
    %dot_general3A_15 = arith.constant dense<0.000000e+00> : vector<1280x128xf32>
    %dot_general3A_16 = tpu.matmul %dot_general3A_9, %get3A_4, %dot_general3A_15 {dimension_numbers = #tpu.dot_dimension_numbers<[1], [0], [0], [1], [0, 0, 1, 1], [], []>, precision = #tpu.contract_precision<fp32>, transpose_lhs_hint = false} : vector<1280x128xf32>, vector<128x128xf32>, vector<1280x128xf32> -> vector<1280x128xf32>
    %convert_element_type3A = arith.truncf %dot_general3A_16 : vector<1280x128xf32> to vector<1280x128xbf16>
    %swap3A = arith.constant 0 : index
    %swap3A_17 = arith.constant 0 : index
    %swap3A_18 = vector.load %arg7[%swap3A, %swap3A_17] : memref<1280x128xbf16, #tpu.memory_space<vmem>>, vector<1280x128xbf16>
    tpu.vector_store %arg7[%swap3A, %swap3A_17], %convert_element_type3A {strides = array<i32>} : memref<1280x128xbf16, #tpu.memory_space<vmem>>, vector<1280x128xbf16>,
    %slice3A = vector.extract_strided_slice %dot_general3A_14 {offsets = [0, 0], sizes = [1280, 8], strides = [1, 1]} : vector<1280x16xf32> to vector<1280x8xf32>
    %concatenate3A = tpu.concatenate %slice3A, %broadcast_in_dim3A_5 in 1 : vector<1280x8xf32>, vector<1280x8xf32> -> vector<1280x16xf32>
    %swap3A_19 = arith.constant 0 : index
    %swap3A_20 = arith.constant 0 : index
    %swap3A_21 = vector.load %arg8[%swap3A_19, %swap3A_20] : memref<1280x16xf32, #tpu.memory_space<vmem>>, vector<1280x16xf32>
    tpu.vector_store %arg8[%swap3A_19, %swap3A_20], %concatenate3A {strides = array<i32>} : memref<1280x16xf32, #tpu.memory_space<vmem>>, vector<1280x16xf32>,
    %slice3A_22 = vector.extract_strided_slice %dot_general3A_14 {offsets = [0, 8], sizes = [1280, 8], strides = [1, 1]} : vector<1280x16xf32> to vector<1280x8xf32>
    %concatenate3A_23 = tpu.concatenate %slice3A_22, %broadcast_in_dim3A_5 in 1 : vector<1280x8xf32>, vector<1280x8xf32> -> vector<1280x16xf32>
    %swap3A_24 = arith.constant 0 : index
    %swap3A_25 = arith.constant 0 : index
    %swap3A_26 = vector.load %arg9[%swap3A_24, %swap3A_25] : memref<1280x16xf32, #tpu.memory_space<vmem>>, vector<1280x16xf32>
    tpu.vector_store %arg9[%swap3A_24, %swap3A_25], %concatenate3A_23 {strides = array<i32>} : memref<1280x16xf32, #tpu.memory_space<vmem>>, vector<1280x16xf32>,
    %get3A_27 = arith.constant 0 : index
    %get3A_28 = arith.constant 0 : index
    %get3A_29 = vector.load %arg5[%get3A_27, %get3A_28] : memref<128x128xf32, #tpu.memory_space<vmem>>, vector<128x128xf32>
    %dot_general3A_30 = arith.constant dense<0.000000e+00> : vector<1280x128xf32>
    %dot_general3A_31 = tpu.matmul %get3A_1, %get3A_29, %dot_general3A_30 {dimension_numbers = #tpu.dot_dimension_numbers<[1], [0], [0], [1], [0, 0, 1, 1], [], []>, precision = #tpu.contract_precision<fp32>, transpose_lhs_hint = false} : vector<1280x128xf32>, vector<128x128xf32>, vector<1280x128xf32> -> vector<1280x128xf32>
    %get3A_32 = arith.constant 0 : index
    %get3A_33 = arith.constant 0 : index
    %get3A_34 = vector.load %arg6[%get3A_32, %get3A_33] : memref<128x16xf32, #tpu.memory_space<vmem>>, vector<128x16xf32>
    %dot_general3A_35 = arith.constant dense<0.000000e+00> : vector<1280x16xf32>
    %dot_general3A_36 = tpu.matmul %dot_general3A_31, %get3A_34, %dot_general3A_35 {dimension_numbers = #tpu.dot_dimension_numbers<[1], [0], [0], [1], [0, 0, 1, 1], [], []>, precision = #tpu.contract_precision<fp32>, transpose_lhs_hint = false} : vector<1280x128xf32>, vector<128x16xf32>, vector<1280x16xf32> -> vector<1280x16xf32>
    %dot_general3A_37 = arith.constant dense<0.000000e+00> : vector<1280x128xf32>
    %dot_general3A_38 = tpu.matmul %dot_general3A_31, %get3A_4, %dot_general3A_37 {dimension_numbers = #tpu.dot_dimension_numbers<[1], [0], [0], [1], [0, 0, 1, 1], [], []>, precision = #tpu.contract_precision<fp32>, transpose_lhs_hint = false} : vector<1280x128xf32>, vector<128x128xf32>, vector<1280x128xf32> -> vector<1280x128xf32>
    %convert_element_type3A_39 = arith.truncf %dot_general3A_38 : vector<1280x128xf32> to vector<1280x128xbf16>
    %swap3A_40 = arith.constant 0 : index
    %swap3A_41 = arith.constant 0 : index
    %swap3A_42 = vector.load %arg10[%swap3A_40, %swap3A_41] : memref<1280x128xbf16, #tpu.memory_space<vmem>>, vector<1280x128xbf16>
    tpu.vector_store %arg10[%swap3A_40, %swap3A_41], %convert_element_type3A_39 {strides = array<i32>} : memref<1280x128xbf16, #tpu.memory_space<vmem>>, vector<1280x128xbf16>,
    %slice3A_43 = vector.extract_strided_slice %dot_general3A_36 {offsets = [0, 0], sizes = [1280, 8], strides = [1, 1]} : vector<1280x16xf32> to vector<1280x8xf32>
    %concatenate3A_44 = tpu.concatenate %slice3A_43, %broadcast_in_dim3A_5 in 1 : vector<1280x8xf32>, vector<1280x8xf32> -> vector<1280x16xf32>
    %swap3A_45 = arith.constant 0 : index
    %swap3A_46 = arith.constant 0 : index
    %swap3A_47 = vector.load %arg11[%swap3A_45, %swap3A_46] : memref<1280x16xf32, #tpu.memory_space<vmem>>, vector<1280x16xf32>
    tpu.vector_store %arg11[%swap3A_45, %swap3A_46], %concatenate3A_44 {strides = array<i32>} : memref<1280x16xf32, #tpu.memory_space<vmem>>, vector<1280x16xf32>,
    %slice3A_48 = vector.extract_strided_slice %dot_general3A_36 {offsets = [0, 8], sizes = [1280, 8], strides = [1, 1]} : vector<1280x16xf32> to vector<1280x8xf32>
    %concatenate3A_49 = tpu.concatenate %slice3A_48, %broadcast_in_dim3A_5 in 1 : vector<1280x8xf32>, vector<1280x8xf32> -> vector<1280x16xf32>
    %swap3A_50 = arith.constant 0 : index
    %swap3A_51 = arith.constant 0 : index
    %swap3A_52 = vector.load %arg12[%swap3A_50, %swap3A_51] : memref<1280x16xf32, #tpu.memory_space<vmem>>, vector<1280x16xf32>
    tpu.vector_store %arg12[%swap3A_50, %swap3A_51], %concatenate3A_49 {strides = array<i32>} : memref<1280x16xf32, #tpu.memory_space<vmem>>, vector<1280x16xf32>,
    return
  }
  func.func @transform_0(%arg0: i32) -> (i32, i32) {
    %c0_i32 = arith.constant 0 : i32
    %c0_i32_0 = arith.constant 0 : i32
    return %arg0, %c0_i32 : i32, i32
  }
  func.func @transform_1(%arg0: i32) -> (i32, i32) {
    %c0_i32 = arith.constant 0 : i32
    %c0_i32_0 = arith.constant 0 : i32
    %c0_i32_1 = arith.constant 0 : i32
    return %c0_i32, %c0_i32_0 : i32, i32
  }
  func.func @transform_2(%arg0: i32) -> (i32, i32) {
    %c0_i32 = arith.constant 0 : i32
    %c0_i32_0 = arith.constant 0 : i32
    %c0_i32_1 = arith.constant 0 : i32
    return %c0_i32, %c0_i32_0 : i32, i32
  }
  func.func @transform_3(%arg0: i32) -> (i32, i32) {
    %c0_i32 = arith.constant 0 : i32
    %c0_i32_0 = arith.constant 0 : i32
    %c0_i32_1 = arith.constant 0 : i32
    return %c0_i32, %c0_i32_0 : i32, i32
  }
  func.func @transform_4(%arg0: i32) -> (i32, i32) {
    %c0_i32 = arith.constant 0 : i32
    %c0_i32_0 = arith.constant 0 : i32
    %c0_i32_1 = arith.constant 0 : i32
    return %c0_i32, %c0_i32_0 : i32, i32
  }
  func.func @transform_5(%arg0: i32) -> (i32, i32) {
    %c0_i32 = arith.constant 0 : i32
    %c0_i32_0 = arith.constant 0 : i32
    %c0_i32_1 = arith.constant 0 : i32
    return %c0_i32, %c0_i32_0 : i32, i32
  }
  func.func @transform_6(%arg0: i32) -> (i32, i32) {
    %c0_i32 = arith.constant 0 : i32
    %c0_i32_0 = arith.constant 0 : i32
    return %arg0, %c0_i32 : i32, i32
  }
  func.func @transform_7(%arg0: i32) -> (i32, i32) {
    %c0_i32 = arith.constant 0 : i32
    %c0_i32_0 = arith.constant 0 : i32
    return %arg0, %c0_i32 : i32, i32
  }
  func.func @transform_8(%arg0: i32) -> (i32, i32) {
    %c0_i32 = arith.constant 0 : i32
    %c0_i32_0 = arith.constant 0 : i32
    return %arg0, %c0_i32 : i32, i32
  }
  func.func @transform_9(%arg0: i32) -> (i32, i32) {
    %c0_i32 = arith.constant 0 : i32
    %c0_i32_0 = arith.constant 0 : i32
    return %arg0, %c0_i32 : i32, i32
  }
  func.func @transform_10(%arg0: i32) -> (i32, i32) {
    %c0_i32 = arith.constant 0 : i32
    %c0_i32_0 = arith.constant 0 : i32
    return %arg0, %c0_i32 : i32, i32
  }
  func.func @transform_11(%arg0: i32) -> (i32, i32) {
    %c0_i32 = arith.constant 0 : i32
    %c0_i32_0 = arith.constant 0 : i32
    return %arg0, %c0_i32 : i32, i32
  }
}

module attributes {stable_mosaic.version = 14 : i64} {
  func.func @_merge_body(%arg0: i32, %arg1: memref<2x1280x144xf32, #tpu.memory_space<vmem>>, %arg2: memref<1x128xf32, #tpu.memory_space<vmem>>, %arg3: memref<1x128xf32, #tpu.memory_space<vmem>>, %arg4: memref<128x128xf32, #tpu.memory_space<vmem>>, %arg5: memref<1x128xf32, #tpu.memory_space<vmem>>, %arg6: memref<128x1xf32, #tpu.memory_space<vmem>>, %arg7: memref<8x128xf32, #tpu.memory_space<vmem>>, %arg8: memref<1280x128xf32, #tpu.memory_space<vmem>>, %arg9: memref<1280x128xf32, #tpu.memory_space<vmem>>, %arg10: memref<8x128xf32, #tpu.memory_space<vmem>>) attributes {dimension_semantics = [#tpu.dimension_semantics<arbitrary>], iteration_bounds = array<i64: 8>, scalar_prefetch = 0 : i64, scratch_operands = 0 : i64, tpu.core_type = #tpu.core_type<tc>, window_params = [{transform_indices = @transform_0, window_bounds = array<i64: 2, 1280, 144>}, {pipeline_mode = #tpu.pipeline_mode<synchronous>, transform_indices = @transform_1, window_bounds = array<i64: 1, 128>}, {pipeline_mode = #tpu.pipeline_mode<synchronous>, transform_indices = @transform_2, window_bounds = array<i64: 1, 128>}, {pipeline_mode = #tpu.pipeline_mode<synchronous>, transform_indices = @transform_3, window_bounds = array<i64: 128, 128>}, {pipeline_mode = #tpu.pipeline_mode<synchronous>, transform_indices = @transform_4, window_bounds = array<i64: 1, 128>}, {pipeline_mode = #tpu.pipeline_mode<synchronous>, transform_indices = @transform_5, window_bounds = array<i64: 128, 1>}, {pipeline_mode = #tpu.pipeline_mode<synchronous>, transform_indices = @transform_6, window_bounds = array<i64: 8, 128>}, {transform_indices = @transform_7, window_bounds = array<i64: 1280, 128>}, {transform_indices = @transform_8, window_bounds = array<i64: 1280, 128>}, {pipeline_mode = #tpu.pipeline_mode<synchronous>, transform_indices = @transform_9, window_bounds = array<i64: 8, 128>}]} {
    %get3A = arith.constant 0 : index
    %get3A_0 = arith.constant 0 : index
    %get3A_1 = vector.load %arg7[%get3A, %get3A_0] : memref<8x128xf32, #tpu.memory_space<vmem>>, vector<8x128xf32>
    %get3A_2 = arith.constant 0 : index
    %get3A_3 = arith.constant 0 : index
    %get3A_4 = arith.constant 0 : index
    %get3A_5 = vector.load %arg1[%get3A_2, %get3A_3, %get3A_4] : memref<2x1280x144xf32, #tpu.memory_space<vmem>>, vector<1x1280x144xf32>
    %get3A_6 = vector.shape_cast %get3A_5 : vector<1x1280x144xf32> to vector<1280x144xf32>
    %slice3A = vector.extract_strided_slice %get3A_6 {offsets = [0, 0], sizes = [1280, 128], strides = [1, 1]} : vector<1280x144xf32> to vector<1280x128xf32>
    %slice3A_7 = vector.extract_strided_slice %get3A_6 {offsets = [0, 128], sizes = [1280, 8], strides = [1, 1]} : vector<1280x144xf32> to vector<1280x8xf32>
    %add3A = arith.constant 9.99999971E-10 : f32
    %add3A_8 = vector.broadcast %add3A : f32 to vector<1280x8xf32>
    %add3A_9 = arith.addf %slice3A_7, %add3A_8 : vector<1280x8xf32>
    %div3A = arith.constant 1.000000e+00 : f32
    %div3A_10 = vector.broadcast %div3A : f32 to vector<1280x8xf32>
    %div3A_11 = arith.divf %div3A_10, %add3A_9 : vector<1280x8xf32>
    %dot_general3A = arith.constant dense<0.000000e+00> : vector<1280x128xf32>
    %dot_general3A_12 = tpu.matmul %div3A_11, %get3A_1, %dot_general3A {dimension_numbers = #tpu.dot_dimension_numbers<[1], [0], [0], [1], [0, 0, 1, 1], [], []>, precision = #tpu.contract_precision<fp32>, transpose_lhs_hint = false} : vector<1280x8xf32>, vector<8x128xf32>, vector<1280x128xf32> -> vector<1280x128xf32>
    %mul3A = arith.mulf %slice3A, %dot_general3A_12 : vector<1280x128xf32>
    %get3A_13 = arith.constant 0 : index
    %get3A_14 = arith.constant 0 : index
    %get3A_15 = vector.load %arg2[%get3A_13, %get3A_14] : memref<1x128xf32, #tpu.memory_space<vmem>>, vector<1x128xf32>
    %add3A_16 = vector.broadcast %get3A_15 : vector<1x128xf32> to vector<1280x128xf32>
    %add3A_17 = arith.addf %mul3A, %add3A_16 : vector<1280x128xf32>
    %gt3A = arith.constant 0.000000e+00 : f32
    %gt3A_18 = vector.broadcast %gt3A : f32 to vector<1280x128xf32>
    %gt3A_19 = arith.cmpf ogt, %add3A_17, %gt3A_18 : vector<1280x128xf32>
    %min3A = arith.constant 0.000000e+00 : f32
    %min3A_20 = vector.broadcast %min3A : f32 to vector<1280x128xf32>
    %min3A_21 = arith.minimumf %add3A_17, %min3A_20 : vector<1280x128xf32>
    %exp3A = math.exp %min3A_21 : vector<1280x128xf32>
    %sub3A = arith.constant 1.000000e+00 : f32
    %sub3A_22 = vector.broadcast %sub3A : f32 to vector<1280x128xf32>
    %sub3A_23 = arith.subf %exp3A, %sub3A_22 : vector<1280x128xf32>
    %select_n3A = arith.select %gt3A_19, %add3A_17, %sub3A_23 : vector<1280x128xi1>, vector<1280x128xf32>
    %get3A_24 = arith.constant 1 : index
    %get3A_25 = arith.constant 0 : index
    %get3A_26 = arith.constant 0 : index
    %get3A_27 = vector.load %arg1[%get3A_24, %get3A_25, %get3A_26] : memref<2x1280x144xf32, #tpu.memory_space<vmem>>, vector<1x1280x144xf32>
    %get3A_28 = vector.shape_cast %get3A_27 : vector<1x1280x144xf32> to vector<1280x144xf32>
    %slice3A_29 = vector.extract_strided_slice %get3A_28 {offsets = [0, 0], sizes = [1280, 128], strides = [1, 1]} : vector<1280x144xf32> to vector<1280x128xf32>
    %slice3A_30 = vector.extract_strided_slice %get3A_28 {offsets = [0, 128], sizes = [1280, 8], strides = [1, 1]} : vector<1280x144xf32> to vector<1280x8xf32>
    %add3A_31 = arith.constant 9.99999971E-10 : f32
    %add3A_32 = vector.broadcast %add3A_31 : f32 to vector<1280x8xf32>
    %add3A_33 = arith.addf %slice3A_30, %add3A_32 : vector<1280x8xf32>
    %div3A_34 = arith.constant 1.000000e+00 : f32
    %div3A_35 = vector.broadcast %div3A_34 : f32 to vector<1280x8xf32>
    %div3A_36 = arith.divf %div3A_35, %add3A_33 : vector<1280x8xf32>
    %dot_general3A_37 = arith.constant dense<0.000000e+00> : vector<1280x128xf32>
    %dot_general3A_38 = tpu.matmul %div3A_36, %get3A_1, %dot_general3A_37 {dimension_numbers = #tpu.dot_dimension_numbers<[1], [0], [0], [1], [0, 0, 1, 1], [], []>, precision = #tpu.contract_precision<fp32>, transpose_lhs_hint = false} : vector<1280x8xf32>, vector<8x128xf32>, vector<1280x128xf32> -> vector<1280x128xf32>
    %mul3A_39 = arith.mulf %slice3A_29, %dot_general3A_38 : vector<1280x128xf32>
    %get3A_40 = arith.constant 0 : index
    %get3A_41 = arith.constant 0 : index
    %get3A_42 = vector.load %arg3[%get3A_40, %get3A_41] : memref<1x128xf32, #tpu.memory_space<vmem>>, vector<1x128xf32>
    %add3A_43 = vector.broadcast %get3A_42 : vector<1x128xf32> to vector<1280x128xf32>
    %add3A_44 = arith.addf %mul3A_39, %add3A_43 : vector<1280x128xf32>
    %gt3A_45 = arith.constant 0.000000e+00 : f32
    %gt3A_46 = vector.broadcast %gt3A_45 : f32 to vector<1280x128xf32>
    %gt3A_47 = arith.cmpf ogt, %add3A_44, %gt3A_46 : vector<1280x128xf32>
    %min3A_48 = arith.constant 0.000000e+00 : f32
    %min3A_49 = vector.broadcast %min3A_48 : f32 to vector<1280x128xf32>
    %min3A_50 = arith.minimumf %add3A_44, %min3A_49 : vector<1280x128xf32>
    %exp3A_51 = math.exp %min3A_50 : vector<1280x128xf32>
    %sub3A_52 = arith.constant 1.000000e+00 : f32
    %sub3A_53 = vector.broadcast %sub3A_52 : f32 to vector<1280x128xf32>
    %sub3A_54 = arith.subf %exp3A_51, %sub3A_53 : vector<1280x128xf32>
    %select_n3A_55 = arith.select %gt3A_47, %add3A_44, %sub3A_54 : vector<1280x128xi1>, vector<1280x128xf32>
    %swap3A = arith.constant 0 : index
    %swap3A_56 = arith.constant 0 : index
    %swap3A_57 = vector.load %arg8[%swap3A, %swap3A_56] : memref<1280x128xf32, #tpu.memory_space<vmem>>, vector<1280x128xf32>
    tpu.vector_store %arg8[%swap3A, %swap3A_56], %select_n3A {strides = array<i32>} : memref<1280x128xf32, #tpu.memory_space<vmem>>, vector<1280x128xf32>,
    %swap3A_58 = arith.constant 0 : index
    %swap3A_59 = arith.constant 0 : index
    %swap3A_60 = vector.load %arg9[%swap3A_58, %swap3A_59] : memref<1280x128xf32, #tpu.memory_space<vmem>>, vector<1280x128xf32>
    tpu.vector_store %arg9[%swap3A_58, %swap3A_59], %select_n3A_55 {strides = array<i32>} : memref<1280x128xf32, #tpu.memory_space<vmem>>, vector<1280x128xf32>,
    %mul3A_61 = arith.constant 1280 : i32
    %mul3A_62 = arith.muli %arg0, %mul3A_61 : i32
    %iota3A = tpu.iota {dimensions = array<i32: 0>} : vector<1280x1xi32>
    %add3A_63 = vector.broadcast %mul3A_62 : i32 to vector<1280x1xi32>
    %add3A_64 = arith.addi %add3A_63, %iota3A : vector<1280x1xi32>
    %lt3A = arith.constant 10000 : i32
    %lt3A_65 = vector.broadcast %lt3A : i32 to vector<1280x1xi32>
    %lt3A_66 = arith.cmpi slt, %add3A_64, %lt3A_65 : vector<1280x1xi32>
    %iota3A_67 = tpu.iota {dimensions = array<i32: 1>} : vector<1x128xi32>
    %broadcast_in_dim3A = arith.constant 0.000000e+00 : f32
    %broadcast_in_dim3A_68 = vector.broadcast %broadcast_in_dim3A : f32 to vector<1x128xf32>
    %get3A_69 = arith.constant 0 : index
    %get3A_70 = arith.constant 0 : index
    %get3A_71 = vector.load %arg4[%get3A_69, %get3A_70] : memref<128x128xf32, #tpu.memory_space<vmem>>, vector<128x128xf32>
    %dot_general3A_72 = arith.constant dense<0.000000e+00> : vector<1280x128xf32>
    %dot_general3A_73 = tpu.matmul %select_n3A, %get3A_71, %dot_general3A_72 {dimension_numbers = #tpu.dot_dimension_numbers<[1], [0], [0], [1], [0, 0, 1, 1], [], []>, precision = #tpu.contract_precision<fp32>, transpose_lhs_hint = false} : vector<1280x128xf32>, vector<128x128xf32>, vector<1280x128xf32> -> vector<1280x128xf32>
    %get3A_74 = arith.constant 0 : index
    %get3A_75 = arith.constant 0 : index
    %get3A_76 = vector.load %arg5[%get3A_74, %get3A_75] : memref<1x128xf32, #tpu.memory_space<vmem>>, vector<1x128xf32>
    %add3A_77 = vector.broadcast %get3A_76 : vector<1x128xf32> to vector<1280x128xf32>
    %add3A_78 = arith.addf %dot_general3A_73, %add3A_77 : vector<1280x128xf32>
    %tanh3A = math.tanh %add3A_78 : vector<1280x128xf32>
    %get3A_79 = arith.constant 0 : index
    %get3A_80 = arith.constant 0 : index
    %get3A_81 = vector.load %arg6[%get3A_79, %get3A_80] : memref<128x1xf32, #tpu.memory_space<vmem>>, vector<128x1xf32>
    %dot_general3A_82 = arith.constant dense<0.000000e+00> : vector<1280x1xf32>
    %dot_general3A_83 = tpu.matmul %tanh3A, %get3A_81, %dot_general3A_82 {dimension_numbers = #tpu.dot_dimension_numbers<[1], [0], [0], [1], [0, 0, 1, 1], [], []>, precision = #tpu.contract_precision<fp32>, transpose_lhs_hint = false} : vector<1280x128xf32>, vector<128x1xf32>, vector<1280x1xf32> -> vector<1280x1xf32>
    %jit3A = arith.constant 0.000000e+00 : f32
    %broadcast_in_dim3A_84 = vector.broadcast %jit3A : f32 to vector<1280x1xf32>
    %select_n3A_85 = arith.select %lt3A_66, %dot_general3A_83, %broadcast_in_dim3A_84 : vector<1280x1xi1>, vector<1280x1xf32>
    %reduce_sum3A = vector.shape_cast %select_n3A_85 : vector<1280x1xf32> to vector<1x1280x1xf32>
    %reduce_sum3A_86 = arith.constant dense<0.000000e+00> : vector<1xf32>
    %reduce_sum3A_87 = vector.multi_reduction <add>, %reduce_sum3A, %reduce_sum3A_86 [1, 2] : vector<1x1280x1xf32> to vector<1xf32>
    %reduce_sum3A_88 = vector.shape_cast %reduce_sum3A_87 : vector<1xf32> to vector<1x1x1xf32>
    %reduce_sum3A_89 = vector.extract %reduce_sum3A_88[0, 0, 0] : f32 from vector<1x1x1xf32>
    %eq3A = arith.constant 0 : i32
    %eq3A_90 = vector.broadcast %eq3A : i32 to vector<1x128xi32>
    %eq3A_91 = arith.cmpi eq, %iota3A_67, %eq3A_90 : vector<1x128xi32>
    %jit3A_92 = arith.constant 0.000000e+00 : f32
    %broadcast_in_dim3A_93 = vector.broadcast %reduce_sum3A_89 : f32 to vector<1x128xf32>
    %broadcast_in_dim3A_94 = vector.broadcast %jit3A_92 : f32 to vector<1x128xf32>
    %select_n3A_95 = arith.select %eq3A_91, %broadcast_in_dim3A_93, %broadcast_in_dim3A_94 : vector<1x128xi1>, vector<1x128xf32>
    %add3A_96 = arith.addf %broadcast_in_dim3A_68, %select_n3A_95 : vector<1x128xf32>
    %get3A_97 = arith.constant 0 : index
    %get3A_98 = arith.constant 0 : index
    %get3A_99 = vector.load %arg4[%get3A_97, %get3A_98] : memref<128x128xf32, #tpu.memory_space<vmem>>, vector<128x128xf32>
    %dot_general3A_100 = arith.constant dense<0.000000e+00> : vector<1280x128xf32>
    %dot_general3A_101 = tpu.matmul %select_n3A_55, %get3A_99, %dot_general3A_100 {dimension_numbers = #tpu.dot_dimension_numbers<[1], [0], [0], [1], [0, 0, 1, 1], [], []>, precision = #tpu.contract_precision<fp32>, transpose_lhs_hint = false} : vector<1280x128xf32>, vector<128x128xf32>, vector<1280x128xf32> -> vector<1280x128xf32>
    %get3A_102 = arith.constant 0 : index
    %get3A_103 = arith.constant 0 : index
    %get3A_104 = vector.load %arg5[%get3A_102, %get3A_103] : memref<1x128xf32, #tpu.memory_space<vmem>>, vector<1x128xf32>
    %add3A_105 = vector.broadcast %get3A_104 : vector<1x128xf32> to vector<1280x128xf32>
    %add3A_106 = arith.addf %dot_general3A_101, %add3A_105 : vector<1280x128xf32>
    %tanh3A_107 = math.tanh %add3A_106 : vector<1280x128xf32>
    %get3A_108 = arith.constant 0 : index
    %get3A_109 = arith.constant 0 : index
    %get3A_110 = vector.load %arg6[%get3A_108, %get3A_109] : memref<128x1xf32, #tpu.memory_space<vmem>>, vector<128x1xf32>
    %dot_general3A_111 = arith.constant dense<0.000000e+00> : vector<1280x1xf32>
    %dot_general3A_112 = tpu.matmul %tanh3A_107, %get3A_110, %dot_general3A_111 {dimension_numbers = #tpu.dot_dimension_numbers<[1], [0], [0], [1], [0, 0, 1, 1], [], []>, precision = #tpu.contract_precision<fp32>, transpose_lhs_hint = false} : vector<1280x128xf32>, vector<128x1xf32>, vector<1280x1xf32> -> vector<1280x1xf32>
    %jit3A_113 = arith.constant 0.000000e+00 : f32
    %broadcast_in_dim3A_114 = vector.broadcast %jit3A_113 : f32 to vector<1280x1xf32>
    %select_n3A_115 = arith.select %lt3A_66, %dot_general3A_112, %broadcast_in_dim3A_114 : vector<1280x1xi1>, vector<1280x1xf32>
    %reduce_sum3A_116 = vector.shape_cast %select_n3A_115 : vector<1280x1xf32> to vector<1x1280x1xf32>
    %reduce_sum3A_117 = arith.constant dense<0.000000e+00> : vector<1xf32>
    %reduce_sum3A_118 = vector.multi_reduction <add>, %reduce_sum3A_116, %reduce_sum3A_117 [1, 2] : vector<1x1280x1xf32> to vector<1xf32>
    %reduce_sum3A_119 = vector.shape_cast %reduce_sum3A_118 : vector<1xf32> to vector<1x1x1xf32>
    %reduce_sum3A_120 = vector.extract %reduce_sum3A_119[0, 0, 0] : f32 from vector<1x1x1xf32>
    %eq3A_121 = arith.constant 1 : i32
    %eq3A_122 = vector.broadcast %eq3A_121 : i32 to vector<1x128xi32>
    %eq3A_123 = arith.cmpi eq, %iota3A_67, %eq3A_122 : vector<1x128xi32>
    %jit3A_124 = arith.constant 0.000000e+00 : f32
    %broadcast_in_dim3A_125 = vector.broadcast %reduce_sum3A_120 : f32 to vector<1x128xf32>
    %broadcast_in_dim3A_126 = vector.broadcast %jit3A_124 : f32 to vector<1x128xf32>
    %select_n3A_127 = arith.select %eq3A_123, %broadcast_in_dim3A_125, %broadcast_in_dim3A_126 : vector<1x128xi1>, vector<1x128xf32>
    %add3A_128 = arith.addf %add3A_96, %select_n3A_127 : vector<1x128xf32>
    %swap3A_129 = arith.index_cast %arg0 : i32 to index
    %swap3A_130 = arith.constant 0 : index
    %swap3A_131 = vector.load %arg10[%swap3A_129, %swap3A_130] : memref<8x128xf32, #tpu.memory_space<vmem>>, vector<1x128xf32>
    tpu.vector_store %arg10[%swap3A_129, %swap3A_130], %add3A_128 {strides = array<i32>} : memref<8x128xf32, #tpu.memory_space<vmem>>, vector<1x128xf32>,
    return
  }
  func.func @transform_0(%arg0: i32) -> (i32, i32, i32) {
    %c0_i32 = arith.constant 0 : i32
    %c0_i32_0 = arith.constant 0 : i32
    %c0_i32_1 = arith.constant 0 : i32
    return %c0_i32, %arg0, %c0_i32_0 : i32, i32, i32
  }
  func.func @transform_1(%arg0: i32) -> (i32, i32) {
    %c0_i32 = arith.constant 0 : i32
    %c0_i32_0 = arith.constant 0 : i32
    %c0_i32_1 = arith.constant 0 : i32
    return %c0_i32, %c0_i32_0 : i32, i32
  }
  func.func @transform_2(%arg0: i32) -> (i32, i32) {
    %c0_i32 = arith.constant 0 : i32
    %c0_i32_0 = arith.constant 0 : i32
    %c0_i32_1 = arith.constant 0 : i32
    return %c0_i32, %c0_i32_0 : i32, i32
  }
  func.func @transform_3(%arg0: i32) -> (i32, i32) {
    %c0_i32 = arith.constant 0 : i32
    %c0_i32_0 = arith.constant 0 : i32
    %c0_i32_1 = arith.constant 0 : i32
    return %c0_i32, %c0_i32_0 : i32, i32
  }
  func.func @transform_4(%arg0: i32) -> (i32, i32) {
    %c0_i32 = arith.constant 0 : i32
    %c0_i32_0 = arith.constant 0 : i32
    %c0_i32_1 = arith.constant 0 : i32
    return %c0_i32, %c0_i32_0 : i32, i32
  }
  func.func @transform_5(%arg0: i32) -> (i32, i32) {
    %c0_i32 = arith.constant 0 : i32
    %c0_i32_0 = arith.constant 0 : i32
    %c0_i32_1 = arith.constant 0 : i32
    return %c0_i32, %c0_i32_0 : i32, i32
  }
  func.func @transform_6(%arg0: i32) -> (i32, i32) {
    %c0_i32 = arith.constant 0 : i32
    %c0_i32_0 = arith.constant 0 : i32
    %c0_i32_1 = arith.constant 0 : i32
    return %c0_i32, %c0_i32_0 : i32, i32
  }
  func.func @transform_7(%arg0: i32) -> (i32, i32) {
    %c0_i32 = arith.constant 0 : i32
    %c0_i32_0 = arith.constant 0 : i32
    return %arg0, %c0_i32 : i32, i32
  }
  func.func @transform_8(%arg0: i32) -> (i32, i32) {
    %c0_i32 = arith.constant 0 : i32
    %c0_i32_0 = arith.constant 0 : i32
    return %arg0, %c0_i32 : i32, i32
  }
  func.func @transform_9(%arg0: i32) -> (i32, i32) {
    %c0_i32 = arith.constant 0 : i32
    %c0_i32_0 = arith.constant 0 : i32
    %c0_i32_1 = arith.constant 0 : i32
    return %c0_i32, %c0_i32_0 : i32, i32
  }
}

module attributes {stable_mosaic.version = 14 : i64} {
  func.func @_final_body(%arg0: i32, %arg1: memref<2000x128xf32, #tpu.memory_space<vmem>>, %arg2: memref<2000x128xf32, #tpu.memory_space<vmem>>, %arg3: memref<8x128xf32, #tpu.memory_space<vmem>>, %arg4: memref<2000x128xf32, #tpu.memory_space<vmem>>) attributes {dimension_semantics = [#tpu.dimension_semantics<arbitrary>], iteration_bounds = array<i64: 5>, scalar_prefetch = 0 : i64, scratch_operands = 0 : i64, tpu.core_type = #tpu.core_type<tc>, window_params = [{transform_indices = @transform_0, window_bounds = array<i64: 2000, 128>}, {transform_indices = @transform_1, window_bounds = array<i64: 2000, 128>}, {pipeline_mode = #tpu.pipeline_mode<synchronous>, transform_indices = @transform_2, window_bounds = array<i64: 8, 128>}, {transform_indices = @transform_3, window_bounds = array<i64: 2000, 128>}]} {
    %get3A = arith.constant 0 : index
    %get3A_0 = arith.constant 0 : index
    %get3A_1 = vector.load %arg3[%get3A, %get3A_0] : memref<8x128xf32, #tpu.memory_space<vmem>>, vector<8x128xf32>
    %slice3A = vector.extract_strided_slice %get3A_1 {offsets = [0, 0], sizes = [8, 1], strides = [1, 1]} : vector<8x128xf32> to vector<8x1xf32>
    %squeeze3A = vector.shape_cast %slice3A : vector<8x1xf32> to vector<8xf32>
    %reduce_sum3A = vector.shape_cast %squeeze3A : vector<8xf32> to vector<1x8xf32>
    %reduce_sum3A_2 = arith.constant dense<0.000000e+00> : vector<1xf32>
    %reduce_sum3A_3 = vector.multi_reduction <add>, %reduce_sum3A, %reduce_sum3A_2 [1] : vector<1x8xf32> to vector<1xf32>
    %reduce_sum3A_4 = vector.shape_cast %reduce_sum3A_3 : vector<1xf32> to vector<1x1xf32>
    %reduce_sum3A_5 = vector.extract %reduce_sum3A_4[0, 0] : f32 from vector<1x1xf32>
    %div3A = arith.constant 1.000000e+04 : f32
    %div3A_6 = arith.divf %reduce_sum3A_5, %div3A : f32
    %slice3A_7 = vector.extract_strided_slice %get3A_1 {offsets = [0, 1], sizes = [8, 1], strides = [1, 1]} : vector<8x128xf32> to vector<8x1xf32>
    %squeeze3A_8 = vector.shape_cast %slice3A_7 : vector<8x1xf32> to vector<8xf32>
    %reduce_sum3A_9 = vector.shape_cast %squeeze3A_8 : vector<8xf32> to vector<1x8xf32>
    %reduce_sum3A_10 = arith.constant dense<0.000000e+00> : vector<1xf32>
    %reduce_sum3A_11 = vector.multi_reduction <add>, %reduce_sum3A_9, %reduce_sum3A_10 [1] : vector<1x8xf32> to vector<1xf32>
    %reduce_sum3A_12 = vector.shape_cast %reduce_sum3A_11 : vector<1xf32> to vector<1x1xf32>
    %reduce_sum3A_13 = vector.extract %reduce_sum3A_12[0, 0] : f32 from vector<1x1xf32>
    %div3A_14 = arith.constant 1.000000e+04 : f32
    %div3A_15 = arith.divf %reduce_sum3A_13, %div3A_14 : f32
    %max3A = arith.maximumf %div3A_6, %div3A_15 : f32
    %sub3A = arith.subf %div3A_6, %max3A : f32
    %exp3A = math.exp %sub3A : f32
    %sub3A_16 = arith.subf %div3A_15, %max3A : f32
    %exp3A_17 = math.exp %sub3A_16 : f32
    %add3A = arith.addf %exp3A, %exp3A_17 : f32
    %div3A_18 = arith.divf %exp3A, %add3A : f32
    %add3A_19 = arith.addf %exp3A, %exp3A_17 : f32
    %div3A_20 = arith.divf %exp3A_17, %add3A_19 : f32
    %get3A_21 = arith.constant 0 : index
    %get3A_22 = arith.constant 0 : index
    %get3A_23 = vector.load %arg1[%get3A_21, %get3A_22] : memref<2000x128xf32, #tpu.memory_space<vmem>>, vector<2000x128xf32>
    %mul3A = vector.broadcast %div3A_18 : f32 to vector<2000x128xf32>
    %mul3A_24 = arith.mulf %mul3A, %get3A_23 : vector<2000x128xf32>
    %get3A_25 = arith.constant 0 : index
    %get3A_26 = arith.constant 0 : index
    %get3A_27 = vector.load %arg2[%get3A_25, %get3A_26] : memref<2000x128xf32, #tpu.memory_space<vmem>>, vector<2000x128xf32>
    %mul3A_28 = vector.broadcast %div3A_20 : f32 to vector<2000x128xf32>
    %mul3A_29 = arith.mulf %mul3A_28, %get3A_27 : vector<2000x128xf32>
    %add3A_30 = arith.addf %mul3A_24, %mul3A_29 : vector<2000x128xf32>
    %swap3A = arith.constant 0 : index
    %swap3A_31 = arith.constant 0 : index
    %swap3A_32 = vector.load %arg4[%swap3A, %swap3A_31] : memref<2000x128xf32, #tpu.memory_space<vmem>>, vector<2000x128xf32>
    tpu.vector_store %arg4[%swap3A, %swap3A_31], %add3A_30 {strides = array<i32>} : memref<2000x128xf32, #tpu.memory_space<vmem>>, vector<2000x128xf32>,
    return
  }
  func.func @transform_0(%arg0: i32) -> (i32, i32) {
    %c0_i32 = arith.constant 0 : i32
    %c0_i32_0 = arith.constant 0 : i32
    return %arg0, %c0_i32 : i32, i32
  }
  func.func @transform_1(%arg0: i32) -> (i32, i32) {
    %c0_i32 = arith.constant 0 : i32
    %c0_i32_0 = arith.constant 0 : i32
    return %arg0, %c0_i32 : i32, i32
  }
  func.func @transform_2(%arg0: i32) -> (i32, i32) {
    %c0_i32 = arith.constant 0 : i32
    %c0_i32_0 = arith.constant 0 : i32
    %c0_i32_1 = arith.constant 0 : i32
    return %c0_i32, %c0_i32_0 : i32, i32
  }
  func.func @transform_3(%arg0: i32) -> (i32, i32) {
    %c0_i32 = arith.constant 0 : i32
    %c0_i32_0 = arith.constant 0 : i32
    return %arg0, %c0_i32 : i32, i32
  }
}

</mosaic_0001>

<sc_bundles>
// kernel: kernel.6.cloned.1.call-start
scs
__scs_entry_jumppad:
0x0: {  	(pc) =	sbr.rel $0x88, $3  }
0x1: {  	(tag) =	ssettag $0x0;
	lr =	simm.s32 $0x1  }
0x2: {  	[smem:$0x3F93] =	sst lr;
	_ =	strace $0xD0000000  }
0x3: {  	_ = 	snop  }
0x4: {  	_ = 	snop  }
0x5: {  	_ = 	snop  }
0x6: {  	_ = 	snop  }
0x7: {  	_ = 	snop  }
__scs_overlays_trampoline_lowered:
0x8: {  	[smem:$0x3FA2] =	sst s0  }
0x9: {  	[smem:$0x3FA3] =	sst s1  }
0xa: {  	[smem:$0x3FA4] =	sst s2  }
0xb: {  	[smem:$0x3FA5] =	sst s3  }
0xc: {  	[smem:$0x3FA6] =	sst s4  }
0xd: {  	[smem:$0x3FA7] =	sst s5  }
0xe: {  	[smem:$0x3FA8] =	sst s6  }
0xf: {  	[smem:$0x3FA9] =	sst s7  }
0x10: {  	[smem:$0x3FAA] =	sst s8  }
0x11: {  	[smem:$0x3FAB] =	sst s9;
	s0 =	simm.s32 @!p0 $0x0  }
0x12: {  	s1 =	sld [smem:$0x3F91];
	s0 =	simm.s32 @p0 $0x1  }
0x13: {  	[smem:$0x3FAC] =	sst s0;
	s0 =	simm.s32 @!p1 $0x0  }
0x14: {  	s2 =	sld [smem:$0x3F90];
	s0 =	simm.s32 @p1 $0x1  }
0x15: {  	[smem:$0x3FAD] =	sst s0;
	s0 =	simm.s32 @!p2 $0x0  }
0x16: {  	s3 =	sld [smem:$0x3FDB];
	s0 =	simm.s32 @p2 $0x1  }
0x17: {  	s4 =	simm.s32 $0x1BF5;
	[smem:$0x3FAF] =	sst s0  }
0x18: {  	s0 =	sld [smem:$0x3F92];
	_ =	swait.ge [sflag:s4], $0x0  }
0x19: {  	s7 =	sld [smem:$0x3F93]  }
0x1a: {  	s8 =	sadd.s32 $0xFFFFE003, lr  }
0x1b: {  	s9 =	sadd.s32 $0xFFFFFEF7, lr;
	s5 =	simm.s32 $0xFFFFFFFF;
	p2 =	slt.u32 s8, $0xFFFFF086  }
0x1c: {  	p1 =	slt.u32 s9, $0xF7A;
	s5 =	simm.s32 @!p2 $0x0  }
0x1d: {  	s5 =	simm.s32 @p1 $0x1;
	p0 =	seq.s32 s7, s2  }
0x1e: {  	s7 =	smul.u32 @!p0 $0xF7A, s2;
	p2 =	seq.s32 @!p0 s5, $0x0  }
0x1f: {  	s9 =	smul.u32 $0xF7A, s1;
	s8 =	simm.s32 @!p0 $0x1BF5;
	p2 =	por !p2, p0  }
0x20: {  	[sflag:s8] =	ssyncset.s32 @!p0 $0xFFFFF086;
	s6 =	sadd.s32 @!p0 s3, s7;
	s7 =	simm.s32 @!p0 $0x108  }
0x21: {  	s3 =	sadd.s32 s3, s9;
	s6 =	sadd.s32 @!p0 $0x88, s6;
	s7 =	simm.s32 @p2 $0x1082  }
0x22: {  	[simem:s7], [sflag:s8] =	dma.local @!p0 [hbm:s6], $0xF7A  }
0x23: {  	s9 =	sor.u32 $0xD0000000, s2;
	s6 =	simm.s32 $0x108;
	_ =	swait.ge @!p0 [sflag:s8], $0x0  }
0x24: {  	s3 =	sadd.s32 $0x88, s3;
	s6 =	simm.s32 @!p1 $0x1082;
	[sflag:s4] =	ssyncset.s32 $0xFFFFF086  }
0x25: {  	[simem:s6], [sflag:s4] =	dma.local [hbm:s3], $0xF7A  }
0x26: {  	[smem:$0x3F93] =	sst s1;
	(tag) =	ssettag s2;
	_ =	strace s9  }
0x27: {  	s1 =	sld [smem:$0x3FA3]  }
0x28: {  	s2 =	sld [smem:$0x3FA4]  }
0x29: {  	s4 =	sld [smem:$0x3FA6]  }
0x2a: {  	p0 =	seq.s32 s5, $0x0;
	s5 =	sld [smem:$0x3FA7]  }
0x2b: {  	s6 =	sld [smem:$0x3FA8]  }
0x2c: {  	s7 =	sld [smem:$0x3FA9]  }
0x2d: {  	s3 =	simm.s32 $0x108;
	s8 =	sld [smem:$0x3FAA]  }
0x2e: {  	s3 =	simm.s32 @!p0 $0x1082;
	s9 =	sld [smem:$0x3FAB]  }
0x2f: {  	lr =	sadd.s32 s0, s3;
	s0 =	sld [smem:$0x3FA2]  }
0x30: {  	s3 =	sld [smem:$0x3FA5]  }
0x31: {  	[smem:$0x3FAE] =	sst s10  }
0x32: {  	s10 =	sld [smem:$0x3FAC];
	_ =	sdelay $0x3  }
0x33: {  	p0 =	seq.s32 s10, $0x1;
	s10 =	sld [smem:$0x3FAE];
	_ =	sdelay $0x3  }
0x34: {  	[smem:$0x3FAE] =	sst s10  }
0x35: {  	s10 =	sld [smem:$0x3FAD];
	_ =	sdelay $0x3  }
0x36: {  	p1 =	seq.s32 s10, $0x1;
	s10 =	sld [smem:$0x3FAE];
	_ =	sdelay $0x3  }
0x37: {  	[smem:$0x3FAE] =	sst s10  }
0x38: {  	s10 =	sld [smem:$0x3FAF]  }
0x39: {  	_ = 	snop;
	(pc) =	sbr.ind lr, $3  }
0x3a: {  	_ = 	snop  }
0x3b: {  	_ = 	snop  }
0x3c: {  	p2 =	seq.s32 s10, $0x1;
	s10 =	sld [smem:$0x3FAE]  }
0x3d: {  	_ =	shalt  }
0x3e: {  	_ =	shalt  }
0x3f: {  	_ =	shalt  }
0x40: {  	_ =	shalt  }
0x41: {  	_ =	shalt  }
0x42: {  	_ =	shalt  }
0x43: {  	_ =	shalt  }
0x44: {  	_ =	shalt  }
0x45: {  	_ =	shalt  }
0x46: {  	_ =	shalt  }
0x47: {  	_ =	shalt  }
0x48: {  	_ =	shalt  }
0x49: {  	_ =	shalt  }
0x4a: {  	_ =	shalt  }
0x4b: {  	_ =	shalt  }
0x4c: {  	_ =	shalt  }
0x4d: {  	_ =	shalt  }
0x4e: {  	_ =	shalt  }
0x4f: {  	_ =	shalt  }
0x50: {  	_ =	shalt  }
0x51: {  	_ =	shalt  }
0x52: {  	_ =	shalt  }
0x53: {  	_ =	shalt  }
0x54: {  	_ =	shalt  }
0x55: {  	_ =	shalt  }
0x56: {  	_ =	shalt  }
0x57: {  	_ =	shalt  }
0x58: {  	_ =	shalt  }
0x59: {  	_ =	shalt  }
0x5a: {  	_ =	shalt  }
0x5b: {  	_ =	shalt  }
0x5c: {  	_ =	shalt  }
0x5d: {  	_ =	shalt  }
0x5e: {  	_ =	shalt  }
0x5f: {  	_ =	shalt  }
0x60: {  	_ =	shalt  }
0x61: {  	_ =	shalt  }
0x62: {  	_ =	shalt  }
0x63: {  	_ =	shalt  }
0x64: {  	_ =	shalt  }
0x65: {  	_ =	shalt  }
0x66: {  	_ =	shalt  }
0x67: {  	_ =	shalt  }
0x68: {  	_ =	shalt  }
0x69: {  	_ =	shalt  }
0x6a: {  	_ =	shalt  }
0x6b: {  	_ =	shalt  }
0x6c: {  	_ =	shalt  }
0x6d: {  	_ =	shalt  }
0x6e: {  	_ =	shalt  }
0x6f: {  	_ =	shalt  }
0x70: {  	_ =	shalt  }
0x71: {  	_ =	shalt  }
0x72: {  	_ =	shalt  }
0x73: {  	_ =	shalt  }
0x74: {  	_ =	shalt  }
0x75: {  	_ =	shalt  }
0x76: {  	_ =	shalt  }
0x77: {  	_ =	shalt  }
0x78: {  	_ =	shalt  }
0x79: {  	_ =	shalt  }
0x7a: {  	_ =	shalt  }
0x7b: {  	_ =	shalt  }
0x7c: {  	_ =	shalt  }
0x7d: {  	_ =	shalt  }
0x7e: {  	_ =	shalt  }
0x7f: {  	_ =	shalt  }
0x80: {  	_ =	shalt  }
0x81: {  	_ =	shalt  }
0x82: {  	_ =	shalt  }
0x83: {  	_ =	shalt  }
0x84: {  	_ =	shalt  }
0x85: {  	_ =	shalt  }
0x86: {  	_ =	shalt  }
0x87: {  	_ =	shalt  }
.Lfunc_end0:
.L_simem_size_0:
called_computation_lowered:
.L_overlay_start_0:
0x88: {  	s2 =	sld [smem:$0x3FD9]  }
0x89: {  	s3 =	sld [smem:$0x3FFE];
	_ =	sdelay $0x1  }
0x8a: {  	s1 =	srdreg.scid  }
0x8b: {  	s0 =	sand.u32 $0x1, s1  }
0x8c: {  	s17 =	sshll.u32 s0, $0xA;
	s2 =	sadd.s32 s3, s2  }
0x8d: {  	s2 =	sadd.s32 s2, s17  }
0x8e: {  	[smem:$0x3FBA] =	sst s2  }
0x8f: {  	_ = 	snop  }
0x90: {  	s2 =	sld [smem:$0x3FD0];
	(tm) =	ssettm $0x1  }
0x91: {  	s18 =	sld [smem:$0x3FFB];
	_ =	sdelay $0x3  }
0x92: {  	_ =	strace s18  }
0x93: {  	s3 =	sld [smem:$0x3FFC];
	_ =	sdelay $0x3  }
0x94: {  	_ =	strace s3  }
0x95: {  	s3 =	sld [smem:$0x3FFD];
	_ =	sdelay $0x3  }
0x96: {  	_ =	strace s3  }
0x97: {  	_ =	strace $0x8FFFFFFF  }
0x98: {  	s19 =	sld [smem:$0x3FDB];
	_ =	sdelay $0x1  }
0x99: {  	s4 =	simm.s32 $_scs_section_size  }
0x9a: {  	s5 =	simm.s32 $_size__tile_overlayer_lowered;
	s6 =	simm.s32 $_tile_overlayer_lowered  }
0x9b: {  	s22 =	simm.s32 $0x1BFF;
	s21 =	sshll.u32 s6, $0x1;
	s3 =	sadd.s32 s4, s19  }
0x9c: {  	s7 =	simm.s32 $0x0;
	s20 =	sshll.u32 s5, $0x1;
	s5 =	sadd.s32 s21, s3  }
0x9d: {  	[timem:s7], [sflag:s22] =	dma.local [hbm:s5], s20  }
0x9e: {  	_ =	swait.ge [sflag:s22], s20  }
0x9f: {  	s4 =	ssub.s32 $0x0, s20;
	[sflag:s22] =	ssyncset.done $0x0  }
0xa0: {  	[sflag:s22] =	ssyncadd.s32 s4;
	_ =	sdelay $0x1  }
0xa1: {  	s23 =	simm.s32 $0x1B8B  }
0xa2: {  	_ =	swait.ge [sflag:s23], $0x1  }
0xa3: {  	[sflag:s23] =	ssyncset.done $0x0  }
0xa4: {  	s25 =	simm.s32 $0x1B8E;
	s24 =	sld [smem:$0x3FFE];
	[sflag:s23] =	ssyncadd.s32 $0xFFFFFFFF  }
0xa5: {  	s26 =	simm.s32 $execute0_lowered;
	[smem:$0x3FD2] =	sst s25  }
0xa6: {  	s5 =	sshll.u32 s26, $0x1;
	_ =	strace $0x80000046;
	[dreg:$0x1] =	wrdreg $0xFFFFFFFF  }
0xa7: {  	s28 =	simm.s32 $_size_execute0_lowered;
	s3 =	sadd.s32 s3, s5;
	[dreg:$0x0] =	wrdreg $0x0  }
0xa8: {  	s5 =	sshll.u32 s28, $0x1;
	[dreg:$0x2] =	wrdreg s3  }
0xa9: {  	[dreg:$0x3] =	wrdreg s5  }
0xaa: {  	[dreg:$0x4] =	wrdreg $0xC0  }
0xab: {  	_ =	task [dreg:s7], $0x5FFFF  }
0xac: {  	[dreg:$0x1] =	wrdreg $0xFFFFFFFF  }
0xad: {  	[dreg:$0x0] =	wrdreg $0x60  }
0xae: {  	[dreg:$0x2] =	wrdreg s2  }
0xaf: {  	[dreg:$0x3] =	wrdreg s24  }
0xb0: {  	[dreg:$0x4] =	wrdreg $0x91000  }
0xb1: {  	[dreg:$0x5] =	wrdreg $0x9  }
0xb2: {  	_ =	task.clear_ibuf [dreg:s7], $0x6FFFF;
	_ =	strace $0x90000046  }
0xb3: {  	s29 =	simm.s32 $0x9;
	_ =	strace $0x80000048  }
0xb4: {  	_ =	swait.ge [sflag:s29], $0x1  }
0xb5: {  	[sflag:s29] =	ssyncadd.s32 $0xFFFFFFFF  }
0xb6: {  	_ =	strace $0x90000048  }
0xb7: {  	_ =	sfence  }
0xb8: {  	s30 =	sld [smem:$0x0];
	_ =	sdelay $0x2  }
0xb9: {  	s31 =	sshll.u32 s1, $0xD;
	s1 =	sshrl.u32 s1, $0x2  }
0xba: {  	s3 =	sand.u32 $0x4000, s31;
	s1 =	sadd.s32 s1, s30  }
0xbb: {  	s0 =	sor.u32 s3, s0;
	s1 =	sshll.u32 s1, $0x11  }
0xbc: {  	s0 =	sor.u32 s1, s0  }
0xbd: {  	s0 =	sadd.s32 $0x8F2B, s0  }
0xbe: {  	[sflag:s0] =	ssyncadd.remote.s32 $0x1  }
0xbf: {  	_ =	sfence.sel $0xFFFF  }
0xc0: {  	[dreg:$0x0] =	wrdreg $0xFFFFFFFF;
	(pc) =	sbr.abs _section_cstart, $3  }
0xc1: {  	[dreg:$0x1] =	wrdreg $0xFFFFFFFF  }
0xc2: {  	_ =	task.clear_ibuf [dreg:s7], $0x2FFFF;
	_ =	strace $0x9FFFFFFF  }
0xc3: {  	(tm) =	ssettm $0x7FFFFFFF  }
tec
execute0_lowered:
.L_overlay_start_1:
0x0: {  	(tag) =	ssettag $0x1  }
0x1: {  	s0 =	rddreg [dreg:$0x1]  }
0x2: {  	s30 =	rddreg [dreg:$0x2];
	s11 =	simm.s32 $0x0  }
0x3: {  	s1 =	srdreg.scid;
	s10 =	stileid.u32;
	s29 =	simm.s32 $0x40  }
0x4: {  	s18 =	simm.s32 $0x6;
	[smem:$0x7FF] =	sst s11;
	s5 =	sadd.s32 $0x1A400, s0  }
0x5: {  	s1 =	sand.u32 $0x1, s1;
	s2 =	smul.u32 $0x16800, s10;
	s6 =	sadd.s32 $0x15400, s0  }
0x6: {  	s7 =	sadd.s32 $0x1400, s0;
	s8 =	sadd.s32 $0x24400, s0;
	s9 =	sadd.s32 $0x1F400, s0  }
0x7: {  	s12 =	sadd.s32 $0x47400, s0;
	s13 =	sadd.s32 $0x33400, s0;
	s16 =	sadd.s32 $0x51400, s0  }
0x8: {  	s14 =	sadd.s32 $0x3D400, s0;
	_ =	strace $0x80000047;
	[dreg:$0x9] =	wrdreg s16  }
0x9: {  	s15 =	sadd.s32 $0x29400, s0;
	s17 =	smul.u32 $0x5000, s10;
	[dreg:$0x5] =	wrdreg s12  }
0xa: {  	s23 =	sshll.u32 s10, $0x6;
	s3 =	smul.u32 $0x168000, s1;
	[dreg:$0x6] =	wrdreg s13  }
0xb: {  	s4 =	ssub.s32 $0x2, s1;
	p0 =	seq.s32 s1, $0x1;
	[dreg:$0x7] =	wrdreg s14  }
0xc: {  	[dreg:$0x8] =	wrdreg s15;
	s20 =	sshrl.u32 s4, $0x1;
	s21 =	sshrl.u32 s2, $0x3  }
0xd: {  	[dreg:$0xa] =	wrdreg s17;
	s24 =	sshrl.u32 s17, $0x3;
	s17 =	simm.s32 $0x3  }
0xe: {  	s3 =	sadd.s32 s2, s3;
	s2 =	sadd.s32 s2, s30;
	s22 =	sadd.s32 s16, s21  }
0xf: {  	s25 =	sadd.s32 s12, s24;
	s26 =	sadd.s32 s13, s24;
	[dreg:$0xb] =	wrdreg s2  }
0x10: {  	s28 =	sadd.s32 s14, s24;
	s1 =	sadd.s32 s15, s24;
	[dreg:$0xc] =	wrdreg s22  }
0x11: {  	s16 =	simm.s32 $0x2;
	s24 =	simm.s32 $0x4;
	[dreg:$0xe] =	wrdreg s25  }
0x12: {  	s14 =	simm.s32 $0x8;
	s3 =	sshrl.u32 s3, $0x3;
	[dreg:$0xf] =	wrdreg s26  }
.Ltmp0:
0x13: {  	s2 =	sor.u32 $0x1C0B, s23;
	[dreg:$0x10] =	wrdreg s28;
	(pc) =	sbr.rel .LBB2_1-.Ltmp0, $4  }
0x14: {  	[dreg:$0x11] =	wrdreg s1;
	s1 =	simm.s32 $0xB;
	s0 =	sadd.s32 s3, s0  }
0x15: {  	v0 =	vimm.s32 $0x0;
	v1 =	vimm.s32 $0x1;
	s3 =	ssub.s32 s4, s20;
	[dreg:$0xd] =	wrdreg s2;
	s0 =	sadd.s32 $0x7E400, s0  }
0x16: {  	v2 =	vimm.s32 $0x2;
	v3 =	vimm.s32 $0x3;
	v4 =	vimm.s32 $0x4;
	s22 =	simm.s32 $0x1;
	s31 =	smax.u32 s3, $0x1;
	[dreg:$0x12] =	wrdreg s0  }
0x17: {  	v5 =	vimm.s32 $0x5;
	v6 =	vimm.s32 $0x6;
	v7 =	vimm.s32 $0x7;
	s23 =	simm.s32 $0x7;
	s26 =	simm.s32 $0x5;
	[dreg:$0x13] =	wrdreg s31  }
.LBB2_22:
0x18: {  	_ =	swait.ge [sflag:s23], $0x2400  }
0x19: {  	[sflag:s23] =	ssyncset.done $0x0  }
0x1a: {  	[sflag:s23] =	ssyncadd.s32 $0xFFFFDC00  }
0x1b: {  	_ =	swait.ge [sflag:s14], $0x2400  }
0x1c: {  	[sflag:s14] =	ssyncset.done $0x0  }
0x1d: {  	[sflag:s14] =	ssyncadd.s32 $0xFFFFDC00  }
0x1e: {  	[bflag:$0x0] =	sbarrier.arrive $0xFFFF  }
0x1f: {  	s2 =	rddreg [dreg:$0xd]  }
0x20: {  	s0 =	rddreg [dreg:$0x12]  }
0x21: {  	s1 =	rddreg [dreg:$0x14]  }
0x22: {  	[hbm:s0], [sflag:s2] =	dma.local [spmem:s1], $0x2D00  }
0x23: {  	s1 =	simm.s32 $0xB  }
0x24: {  	_ =	swait.ge [sflag:s1], $0x2D00  }
0x25: {  	s11 =	rddreg [dreg:$0x4]  }
0x26: {  	s31 =	rddreg [dreg:$0x13];
	s11 =	sadd.s32 $0x1, s11  }
0x27: {  	p1 =	sne.s32 s11, s31  }
.Ltmp1:
0x28: {  	_ = 	snop;
	(pc) =	sbr.rel @!p1 .LBB2_23-.Ltmp1, $3  }
0x29: {  	_ =	sdelay $0x1  }
0x2a: {  	[sflag:s1] =	ssyncset.done $0x0  }
0x2b: {  	[sflag:s1] =	ssyncadd.s32 $0xFFFFD300  }
.LBB2_1:
0x2c: {  	[dreg:$0x4] =	wrdreg s11  }
0x2d: {  	s0 =	rddreg [dreg:$0xb]  }
0x2e: {  	s31 =	rddreg [dreg:$0xc];
	s3 =	sshrl.u32 s0, $0x3  }
0x2f: {  	[dreg:$0x14] =	wrdreg s3  }
0x30: {  	[spmem:s3], [sflag:s2] =	dma.local [hbm:s31], $0x2D00  }
.Ltmp2:
0x31: {  	_ =	swait.ge [sflag:s1], $0x2D00;
	(pc) =	sbr.rel @!p0 .LBB2_2-.Ltmp2, $4  }
0x32: {  	[sflag:s1] =	ssyncset.done $0x0  }
0x33: {  	[sflag:s1] =	ssyncadd.s32 $0xFFFFD300  }
0x34: {  	[bflag:$0x0] =	sbarrier.arrive $0xFFFF  }
0x35: {  	s4 =	simm.s32 $0x0  }
0x36: {  	s0 =	rddreg [dreg:$0x10]  }
0x37: {  	[tilespmem:s4], [sflag:$0xB] =	stream.linear.gather [hbm4b:s0+s4], $0x500, $0x38;
	[tilespmem:$0x1F900] =	vst v63  }
0x38: {  	_ =	swait.ge [sflag:s1], $0x500  }
0x39: {  	[sflag:s1] =	ssyncset.done $0x0  }
0x3a: {  	s2 =	simm.s32 $0xA00;
	s13 =	rddreg [dreg:$0x11];
	[sflag:s1] =	ssyncadd.s32 $0xFFFFFB00  }
0x3b: {  	[tilespmem:s2], [sflag:$0xB] =	stream.linear.gather [hbm4b:s13+s4], $0x500, $0x38;
	[tilespmem:$0x1F900] =	vst v63  }
0x3c: {  	_ =	swait.ge [sflag:s1], $0x500  }
0x3d: {  	[sflag:s1] =	ssyncset.done $0x0  }
0x3e: {  	s3 =	simm.s32 $0x4900;
	s15 =	rddreg [dreg:$0x9];
	[sflag:s1] =	ssyncadd.s32 $0xFFFFFB00  }
0x3f: {  	[tilespmem:s3], [sflag:$0xB] =	stream.linear.gather [hbm4b:s15+s4], $0x2400, $0x38;
	[tilespmem:$0x1F900] =	vst v63  }
0x40: {  	_ =	swait.ge [sflag:s1], $0x2400  }
0x41: {  	[sflag:s1] =	ssyncset.done $0x0  }
0x42: {  	[sflag:s1] =	ssyncadd.s32 $0xFFFFDC00  }
0x43: {  	[spmem:s30] =	stream.indirect.scatter.add.f32 [tilespmem:s3], [sflag:$0x7], $0x90, s2, s29, $0xb8;
	[tilespmem:$0x1F900] =	vst v63  }
0x44: {  	s19 =	simm.s32 $0x6D00  }
0x45: {  	[tilespmem:s19], [sflag:$0xB] =	stream.linear.gather [hbm4b:s15+s4], $0x2400, $0x38;
	[tilespmem:$0x1F900] =	vst v63  }
0x46: {  	_ =	swait.ge [sflag:s1], $0x2400  }
0x47: {  	[sflag:s1] =	ssyncset.done $0x0  }
0x48: {  	s0 =	simm.s32 $0xA40;
	[sflag:s1] =	ssyncadd.s32 $0xFFFFDC00  }
0x49: {  	[spmem:s30] =	stream.indirect.scatter.add.f32 [tilespmem:s19], [sflag:$0x8], $0x90, s0, s29, $0xb8;
	[tilespmem:$0x1F900] =	vst v63  }
0x4a: {  	s20 =	simm.s32 $0x1900  }
0x4b: {  	[tilespmem:s20], [sflag:$0x1] =	stream.indirect.gather [hbm4b:s7+s29], $0x40, s4, s29, $0xb8;
	[tilespmem:$0x1F900] =	vst v63  }
0x4c: {  	s21 =	simm.s32 $0x3900  }
0x4d: {  	[tilespmem:s21], [sflag:$0x2] =	stream.indirect.gather [hbm4b:s8+s29], $0x10, s4, s29, $0xb8;
	[tilespmem:$0x1F900] =	vst v63  }
0x4e: {  	s25 =	simm.s32 $0x4100  }
0x4f: {  	[tilespmem:s25], [sflag:$0x3] =	stream.indirect.gather [hbm4b:s9+s29], $0x10, s2, s29, $0xb8;
	[tilespmem:$0x1F900] =	vst v63  }
0x50: {  	s28 =	simm.s32 $0x2900  }
0x51: {  	[tilespmem:s28], [sflag:$0x4] =	stream.indirect.gather [hbm4b:s7+s29], $0x40, s29, s29, $0xb8;
	[tilespmem:$0x1F900] =	vst v63  }
0x52: {  	s31 =	simm.s32 $0x3D00  }
0x53: {  	[tilespmem:s31], [sflag:$0x5] =	stream.indirect.gather [hbm4b:s8+s29], $0x10, s29, s29, $0xb8;
	[tilespmem:$0x1F900] =	vst v63  }
.LBB2_13:
0x54: {  	s2 =	smul.u32 $0xAB, s4;
	s3 =	simm.s32 $0x4500;
	s10 =	sadd.s32 $0x1, s4  }
0x55: {  	[tilespmem:s3], [sflag:$0x6] =	stream.indirect.gather [hbm4b:s9+s29], $0x10, s0, s29, $0xb8;
	[tilespmem:$0x1F900] =	vst v63  }
0x56: {  	p1 =	seq.s32 s4, $0xF;
	s25 =	sadd.s32 $0xAB, s2;
	s2 =	sshrl.u32 s2, $0x9  }
0x57: {  	s3 =	smul.u32 @!p1 $0x500, s10;
	s0 =	sshrl.u32 s25, $0x9;
	s2 =	sand.u32 $0x7F, s2  }
0x58: {  	s1 =	smov.u32 s4;
	s0 =	sand.u32 $0x7F, s0;
	s2 =	smul.u32 $0x3, s2  }
0x59: {  	s4 =	sand.u32 $0x1, s10;
	[dreg:$0x16] =	wrdreg s10;
	s0 =	smul.u32 $0x3, s0  }
0x5a: {  	[dreg:$0x18] =	wrdreg s4;
	s4 =	smul.u32 @!p1 $0x1400, s4;
	s28 =	ssub.s32 s1, s2  }
0x5b: {  	s1 =	sand.u32 $0x1, s1;
	s0 =	ssub.s32 s10, s0;
	s10 =	rddreg [dreg:$0xa]  }
0x5c: {  	s3 =	sadd.s32 @!p1 s10, s3;
	s11 =	sand.u32 $0xFF, s0;
	s0 =	sshrl.u32 @!p1 s4, $0x2  }
0x5d: {  	s4 =	rddreg [dreg:$0x7];
	s10 =	simm.s32 @!p1 $0x0;
	s3 =	sshrl.u32 @!p1 s3, $0x3  }
0x5e: {  	[dreg:$0x1a] =	wrdreg s11;
	s11 =	smul.u32 @!p1 $0x1400, s11;
	s4 =	sadd.s32 @!p1 s4, s3  }
0x5f: {  	[tilespmem:s0], [sflag:$0x9] =	stream.linear.gather @!p1 [hbm4b:s4+s10], $0x500, $0x38;
	[tilespmem:$0x1F900] =	vst v63  }
0x60: {  	s2 =	sshrl.u32 @!p1 s11, $0x2;
	s0 =	sand.u32 $0xFF, s28;
	s4 =	rddreg [dreg:$0x8]  }
0x61: {  	s2 =	sadd.s32 @!p1 $0xA00, s2;
	s3 =	sadd.s32 @!p1 s4, s3;
	s0 =	smul.u32 $0x1400, s0  }
0x62: {  	[tilespmem:s2], [sflag:$0xA] =	stream.linear.gather @!p1 [hbm4b:s3+s10], $0x500, $0x38;
	[tilespmem:$0x1F900] =	vst v63  }
0x63: {  	s13 =	simm.s32 $0x500;
	p2 =	seq.s32 s1, $0x1;
	s0 =	sshrl.u32 s0, $0x2  }
0x64: {  	s13 =	simm.s32 @!p2 $0x0;
	s31 =	sadd.s32 $0xA00, s0;
	s0 =	simm.s32 $0x0  }
.LBB2_14:
0x65: {  	_ =	swait.ge [sflag:s22], $0x1000  }
0x66: {  	[sflag:s22] =	ssyncset.done $0x0  }
0x67: {  	[sflag:s22] =	ssyncadd.s32 $0xFFFFF000  }
0x68: {  	_ =	swait.ge [sflag:s16], $0x400  }
0x69: {  	[sflag:s16] =	ssyncset.done $0x0  }
0x6a: {  	[sflag:s16] =	ssyncadd.s32 $0xFFFFFC00  }
0x6b: {  	_ =	swait.ge [sflag:s17], $0x400  }
0x6c: {  	[sflag:s17] =	ssyncset.done $0x0  }
0x6d: {  	[sflag:s17] =	ssyncadd.s32 $0xFFFFFC00  }
0x6e: {  	_ =	swait.ge [sflag:s23], $0x2400  }
0x6f: {  	[sflag:s23] =	ssyncset.done $0x0  }
0x70: {  	s1 =	simm.s32 $0x3910;
	[sflag:s23] =	ssyncadd.s32 $0xFFFFDC00  }
0x71: {  	s2 =	simm.s32 $0x4110;
	v8 =	vld [tilespmem:s1+$0x0]  }
0x72: {  	v9 =	vld [tilespmem:s2+$0x0];
	_ =	sdelay $0x4  }
0x73: {  	v8 =	vadd.f32 v9, v8;
	_ =	sdelay $0x1  }
0x74: {  	v9 =	vmul.f32 $2.000000030e-01, v8;
	_ =	sdelay $0x1  }
0x75: {  	v10 =	vld [tilespmem:s1+$0xFFFFFFF0];
	v8 =	vmax.f32 v8, v9  }
0x76: {  	v9 =	vld [tilespmem:s2+$0xFFFFFFF0];
	v8 =	vmul.f32 $1.442695020e+00, v8;
	_ =	sdelay $0x1  }
0x77: {  	(erf) = vpow2.f32 v8;
	_ =	sdelay $0x2  }
0x78: {  	s3 =	simm.s32 $0x4130;
	v8 =	vadd.f32 v9, v10  }
0x79: {  	s19 =	simm.s32 $0x3930;
	v11 =	vld [tilespmem:s3+$0x0]  }
0x7a: {  	v9 =	vld [tilespmem:s19+$0x0];
	v10 =	vmul.f32 $2.000000030e-01, v8;
	_ =	sdelay $0x1  }
0x7b: {  	v8 =	vmax.f32 v8, v10  }
0x7c: {  	v8 =	vmul.f32 $1.442695020e+00, v8  }
0x7d: {  	s4 =	simm.s32 $0x4990;
	v10 =	vld [tilespmem:s3+$0xFFFFFFF0];
	v15 =	vpop (erf)  }
0x7e: {  	s1 =	simm.s32 $0x1940;
	(erf) = vpow2.f32 v8;
	v8 =	vadd.f32 v11, v9;
	v11 =	vld [tilespmem:s19+$0xFFFFFFF0];
	[tilespmem:s4+$0x80] =	vst v15  }
0x7f: {  	v9 =	vld [tilespmem:s1+$0x0]  }
0x80: {  	v12 =	vmul.f32 $2.000000030e-01, v8;
	_ =	sdelay $0x1  }
0x81: {  	v8 =	vmax.f32 v8, v12  }
0x82: {  	v12 =	vperm.xlane v15, v0;
	v8 =	vmul.f32 $1.442695020e+00, v8  }
0x83: {  	v14 =	vperm.xlane v15, v1;
	v10 =	vadd.f32 v10, v11;
	v13 =	vunpack.i.l.bf16.f32 v9  }
0x84: {  	v9 =	vunpack.i.u.bf16.f32 v9;
	(erf) = vpow2.f32 v8;
	v11 =	vmul.f32 v12, v13  }
0x85: {  	v8 =	vmul.f32 $2.000000030e-01, v10;
	v9 =	vmul.f32 v14, v9  }
0x86: {  	[tilespmem:s4+$0x0] =	vst v11  }
0x87: {  	v8 =	vmax.f32 v10, v8;
	[tilespmem:s4+$0x10] =	vst v9  }
0x88: {  	s20 =	simm.s32 $0x3950;
	v8 =	vmul.f32 $1.442695020e+00, v8;
	v9 =	vld [tilespmem:s1+$0x10]  }
0x89: {  	s21 =	simm.s32 $0x4150;
	v18 =	vperm.xlane v15, v6;
	v12 =	vld [tilespmem:s20+$0x0]  }
0x8a: {  	v16 =	vperm.xlane v15, v2;
	v11 =	vpop (erf);
	(erf) = vpow2.f32 v8;
	v8 =	vld [tilespmem:s21+$0x0]  }
0x8b: {  	v17 =	vld [tilespmem:s21+$0xFFFFFFF0];
	v22 =	vperm.xlane v15, v3;
	[tilespmem:s4+$0xFFFFFFF0] =	vst v11;
	v14 =	vperm.xlane v11, v0  }
0x8c: {  	v19 =	vperm.xlane v11, v1;
	v23 =	vperm.xlane v11, v2;
	v10 =	vld [tilespmem:s1+$0xFFFFFFC0]  }
0x8d: {  	v21 =	vld [tilespmem:s20+$0xFFFFFFF0];
	v24 =	vperm.xlane v11, v3;
	v20 =	vunpack.i.l.bf16.f32 v9;
	v9 =	vunpack.i.u.bf16.f32 v9  }
0x8e: {  	v13 =	vpop (erf);
	v16 =	vmul.f32 v16, v20;
	v9 =	vmul.f32 v22, v9  }
0x8f: {  	s3 =	simm.s32 $0x4AB0;
	v8 =	vadd.f32 v8, v12;
	v12 =	vperm.xlane v11, v5;
	v27 =	vperm.xlane v13, v1  }
0x90: {  	[tilespmem:s3+$0x80] =	vst v13;
	v35 =	vperm.xlane v13, v3;
	v51 =	vperm.xlane v13, v5  }
0x91: {  	s15 =	simm.s32 $0x19C0;
	v56 =	vperm.xlane v13, v7;
	v20 =	vunpack.i.u.bf16.f32 v10;
	v10 =	vunpack.i.l.bf16.f32 v10;
	[tilespmem:s4+$0x20] =	vst v16  }
0x92: {  	v16 =	vld [tilespmem:s15+$0x0];
	[tilespmem:s4+$0x30] =	vst v9;
	v9 =	vadd.f32 v17, v21;
	v17 =	vmul.f32 $2.000000030e-01, v8;
	v19 =	vmul.f32 v19, v20  }
0x93: {  	v20 =	vmul.f32 v14, v10;
	v14 =	vperm.xlane v11, v4  }
0x94: {  	v10 =	vperm.xlane v11, v6;
	v11 =	vperm.xlane v11, v7;
	v8 =	vmax.f32 v8, v17  }
0x95: {  	v21 =	vld [tilespmem:s1+$0x20];
	v25 =	vpop (erf);
	v26 =	vmul.f32 $2.000000030e-01, v9;
	v8 =	vmul.f32 $1.442695020e+00, v8  }
0x96: {  	v17 =	vperm.xlane v13, v0;
	[tilespmem:s3+$0xFFFFFFF0] =	vst v25;
	v31 =	vperm.xlane v25, v3  }
0x97: {  	[tilespmem:s4+$0xFFFFFF80] =	vst v19;
	v9 =	vmax.f32 v9, v26;
	v22 =	vunpack.i.l.bf16.f32 v16;
	(erf) = vpow2.f32 v8  }
0x98: {  	[tilespmem:s4+$0xFFFFFF70] =	vst v20;
	v19 =	vld [tilespmem:s15+$0xFFFFFFC0];
	v16 =	vunpack.i.u.bf16.f32 v16;
	v9 =	vmul.f32 $1.442695020e+00, v9;
	v17 =	vmul.f32 v17, v22  }
0x99: {  	v28 =	vld [tilespmem:s1+$0xFFFFFFD0];
	v22 =	vperm.xlane v15, v4;
	v16 =	vmul.f32 v27, v16  }
0x9a: {  	v20 =	vunpack.i.l.bf16.f32 v21;
	v27 =	vperm.xlane v15, v5;
	v15 =	vperm.xlane v15, v7  }
0x9b: {  	(erf) = vpow2.f32 v9;
	[tilespmem:s3+$0x0] =	vst v17;
	v17 =	vmul.f32 v22, v20  }
0x9c: {  	v8 =	vunpack.i.u.bf16.f32 v21;
	v22 =	vperm.xlane v13, v6;
	[tilespmem:s3+$0x10] =	vst v16;
	v16 =	vperm.xlane v25, v1  }
0x9d: {  	s10 =	simm.s32 $0x4170;
	v8 =	vmul.f32 v27, v8;
	v20 =	vperm.xlane v25, v2;
	v21 =	vunpack.i.u.bf16.f32 v19;
	v26 =	vld [tilespmem:s15+$0x10]  }
0x9e: {  	s25 =	simm.s32 $0x3970;
	v32 =	vld [tilespmem:s10+$0xFFFFFFF0];
	v9 =	vunpack.i.u.bf16.f32 v28;
	[tilespmem:s4+$0x40] =	vst v17;
	v17 =	vperm.xlane v25, v0;
	v27 =	vmul.f32 v16, v21  }
0x9f: {  	[tilespmem:s4+$0x50] =	vst v8;
	v8 =	vunpack.i.l.bf16.f32 v19;
	v21 =	vld [tilespmem:s25+$0x0];
	v24 =	vmul.f32 v24, v9;
	v16 =	vperm.xlane v25, v5  }
0xa0: {  	v9 =	vperm.xlane v25, v6;
	v29 =	vld [tilespmem:s1+$0x30];
	v30 =	vmul.f32 v17, v8;
	v8 =	vunpack.i.l.bf16.f32 v28  }
0xa1: {  	v28 =	vld [tilespmem:s10+$0x0];
	v23 =	vmul.f32 v23, v8;
	v8 =	vperm.xlane v13, v2  }
0xa2: {  	v33 =	vld [tilespmem:s25+$0xFFFFFFF0];
	v17 =	vperm.xlane v25, v4;
	v34 =	vunpack.i.l.bf16.f32 v26;
	[tilespmem:s3+$0xFFFFFF70] =	vst v30;
	v30 =	vperm.xlane v13, v4  }
0xa3: {  	v19 =	vpop (erf);
	v26 =	vunpack.i.u.bf16.f32 v26;
	v34 =	vmul.f32 v8, v34;
	v8 =	vperm.xlane v25, v7  }
0xa4: {  	s11 =	simm.s32 $0x4BD0;
	v25 =	vmul.f32 v35, v26;
	v37 =	vperm.xlane v19, v0  }
0xa5: {  	s12 =	simm.s32 $0x1A40;
	[tilespmem:s11+$0x80] =	vst v19;
	v38 =	vperm.xlane v19, v1;
	v55 =	vperm.xlane v19, v3  }
0xa6: {  	v63 =	vperm.xlane v19, v5;
	v36 =	vunpack.i.u.bf16.f32 v29;
	v26 =	vadd.f32 v28, v21;
	v28 =	vld [tilespmem:s12+$0x0];
	[tilespmem:s3+$0x20] =	vst v34  }
0xa7: {  	v29 =	vunpack.i.l.bf16.f32 v29;
	v15 =	vmul.f32 v15, v36;
	[tilespmem:s3+$0x30] =	vst v25;
	v25 =	vadd.f32 v32, v33  }
0xa8: {  	v46 =	vpop (erf);
	v21 =	vperm.xlane v19, v6;
	v18 =	vmul.f32 v18, v29;
	v48 =	vld [tilespmem:s15+$0x20]  }
0xa9: {  	[tilespmem:s11+$0xFFFFFFF0] =	vst v46;
	v29 =	vmul.f32 $2.000000030e-01, v26;
	v50 =	vmul.f32 $2.000000030e-01, v25  }
0xaa: {  	[tilespmem:s3+$0xFFFFFF80] =	vst v27;
	v47 =	vperm.xlane v46, v0;
	v49 =	vperm.xlane v46, v1;
	v27 =	vld [tilespmem:s12+$0xFFFFFFC0]  }
0xab: {  	[tilespmem:s4+$0xFFFFFF90] =	vst v23;
	v23 =	vld [tilespmem:s15+$0xFFFFFFD0];
	v26 =	vmax.f32 v26, v29;
	v25 =	vmax.f32 v25, v50;
	v29 =	vunpack.i.l.bf16.f32 v28  }
0xac: {  	v26 =	vmul.f32 $1.442695020e+00, v26;
	v28 =	vunpack.i.u.bf16.f32 v28;
	v29 =	vmul.f32 v37, v29  }
0xad: {  	[tilespmem:s4+$0xFFFFFFA0] =	vst v24;
	v25 =	vmul.f32 $1.442695020e+00, v25;
	v28 =	vmul.f32 v38, v28;
	v24 =	vunpack.i.l.bf16.f32 v48  }
0xae: {  	s28 =	simm.s32 $0x3990;
	(erf) = vpow2.f32 v26;
	v26 =	vld [tilespmem:s1+$0xFFFFFFE0];
	v24 =	vmul.f32 v30, v24;
	[tilespmem:s11+$0x0] =	vst v29;
	v29 =	vunpack.i.u.bf16.f32 v48  }
0xaf: {  	v54 =	vld [tilespmem:s28+$0xFFFFFFF0];
	v30 =	vunpack.i.u.bf16.f32 v27;
	v27 =	vunpack.i.l.bf16.f32 v27;
	[tilespmem:s11+$0x10] =	vst v28;
	v28 =	vmul.f32 v51, v29  }
0xb0: {  	v29 =	vmul.f32 v49, v30;
	[tilespmem:s3+$0x40] =	vst v24;
	v24 =	vmul.f32 v47, v27;
	v27 =	vld [tilespmem:s12+$0x10];
	v30 =	vunpack.i.l.bf16.f32 v23  }
0xb1: {  	s20 =	simm.s32 $0x4190;
	v52 =	vperm.xlane v46, v2;
	v20 =	vmul.f32 v20, v30;
	v30 =	vld [tilespmem:s28+$0x0];
	[tilespmem:s3+$0x50] =	vst v28  }
0xb2: {  	v53 =	vperm.xlane v46, v3;
	(erf) = vpow2.f32 v25;
	[tilespmem:s11+$0xFFFFFF80] =	vst v29;
	v29 =	vld [tilespmem:s20+$0xFFFFFFF0]  }
0xb3: {  	v13 =	vperm.xlane v46, v7;
	[tilespmem:s4+$0x70] =	vst v15;
	v25 =	vunpack.i.u.bf16.f32 v23;
	v28 =	vld [tilespmem:s15+$0x30];
	v15 =	vunpack.i.l.bf16.f32 v26  }
0xb4: {  	[tilespmem:s4+$0x60] =	vst v18;
	v25 =	vmul.f32 v31, v25;
	v31 =	vmul.f32 v14, v15;
	v14 =	vld [tilespmem:s20+$0x0]  }
0xb5: {  	v18 =	vperm.xlane v46, v5;
	[tilespmem:s11+$0xFFFFFF70] =	vst v24;
	v15 =	vperm.xlane v19, v2  }
0xb6: {  	v23 =	vperm.xlane v46, v4;
	[tilespmem:s3+$0xFFFFFFA0] =	vst v25;
	v26 =	vunpack.i.u.bf16.f32 v26;
	v24 =	vunpack.i.l.bf16.f32 v27  }
0xb7: {  	s25 =	simm.s32 $0x4CF0;
	[tilespmem:s3+$0xFFFFFF90] =	vst v20;
	v57 =	vld [tilespmem:s12+$0xFFFFFFD0];
	v26 =	vmul.f32 v12, v26;
	v15 =	vmul.f32 v15, v24;
	v24 =	vunpack.i.u.bf16.f32 v27;
	v20 =	vpop (erf)  }
0xb8: {  	s19 =	simm.s32 $0x1AC0;
	v12 =	vperm.xlane v46, v6;
	v24 =	vmul.f32 v55, v24;
	[tilespmem:s25+$0x80] =	vst v20  }
0xb9: {  	v25 =	vadd.f32 v29, v54;
	v27 =	vunpack.i.u.bf16.f32 v28;
	[tilespmem:s11+$0x20] =	vst v15;
	v30 =	vadd.f32 v14, v30;
	v58 =	vld [tilespmem:s19+$0x0]  }
0xba: {  	v28 =	vunpack.i.l.bf16.f32 v28;
	v15 =	vperm.xlane v20, v6;
	v40 =	vperm.xlane v20, v1;
	[tilespmem:s11+$0x30] =	vst v24  }
0xbb: {  	v14 =	vpop (erf);
	v24 =	vmul.f32 v22, v28;
	v59 =	vld [tilespmem:s12+$0x20];
	v28 =	vmul.f32 $2.000000030e-01, v30  }
0xbc: {  	v61 =	vunpack.i.u.bf16.f32 v57;
	v27 =	vmul.f32 v56, v27;
	v39 =	vmul.f32 $2.000000030e-01, v25;
	[tilespmem:s25+$0xFFFFFFF0] =	vst v14  }
0xbd: {  	[tilespmem:s4+$0xFFFFFFB0] =	vst v31;
	v32 =	vmul.f32 v53, v61;
	v31 =	vld [tilespmem:s19+$0xFFFFFFC0];
	v28 =	vmax.f32 v30, v28;
	v30 =	vperm.xlane v20, v0  }
0xbe: {  	[tilespmem:s4+$0xFFFFFFC0] =	vst v26;
	v29 =	vperm.xlane v14, v0;
	v26 =	vmul.f32 $1.442695020e+00, v28;
	v28 =	vunpack.i.l.bf16.f32 v58  }
0xbf: {  	[tilespmem:s3+$0x70] =	vst v27;
	v27 =	vunpack.i.u.bf16.f32 v58;
	v28 =	vmul.f32 v30, v28;
	v30 =	vperm.xlane v19, v4  }
0xc0: {  	v62 =	vld [tilespmem:s15+$0xFFFFFFE0];
	v60 =	vperm.xlane v14, v1;
	[tilespmem:s3+$0x60] =	vst v24;
	v24 =	vmul.f32 v40, v27;
	v27 =	vunpack.i.l.bf16.f32 v59  }
0xc1: {  	(erf) = vpow2.f32 v26;
	v26 =	vunpack.i.u.bf16.f32 v59;
	[tilespmem:s25+$0x0] =	vst v28;
	v27 =	vmul.f32 v30, v27  }
0xc2: {  	v25 =	vmax.f32 v25, v39;
	v28 =	vunpack.i.u.bf16.f32 v31;
	[tilespmem:s25+$0x10] =	vst v24;
	v30 =	vmul.f32 v63, v26;
	v26 =	vld [tilespmem:s1+$0xFFFFFFF0]  }
0xc3: {  	v25 =	vmul.f32 $1.442695020e+00, v25;
	v24 =	vunpack.i.l.bf16.f32 v31;
	v28 =	vmul.f32 v60, v28;
	[tilespmem:s11+$0x40] =	vst v27  }
0xc4: {  	v22 =	vperm.xlane v14, v2;
	v31 =	vunpack.i.l.bf16.f32 v57;
	v27 =	vmul.f32 v29, v24;
	[tilespmem:s11+$0x50] =	vst v30;
	v29 =	vld [tilespmem:s19+$0x10]  }
0xc5: {  	s2 =	simm.s32 $0x39B0;
	v33 =	vunpack.i.l.bf16.f32 v62;
	(erf) = vpow2.f32 v25;
	v31 =	vmul.f32 v52, v31;
	[tilespmem:s25+$0xFFFFFF80] =	vst v28;
	v28 =	vld [tilespmem:s12+$0x30]  }
0xc6: {  	s21 =	simm.s32 $0x8;
	s10 =	simm.s32 $0x1AC0;
	v25 =	vperm.xlane v14, v4;
	s1 =	simm.s32 $0x4CF0;
	v24 =	vperm.xlane v14, v3;
	v30 =	vunpack.i.u.bf16.f32 v62;
	[tilespmem:s25+$0xFFFFFF70] =	vst v27  }
.LBB2_15:
0xc7: {  	v27 =	vld [tilespmem:s2+$0x0];
	s20 =	sadd.s32 $0x20, s20;
	v38 =	vperm.xlane v14, v5;
	[tilespmem:s11+$0xFFFFFF90] =	vst v31;
	v31 =	vmul.f32 v17, v33;
	v33 =	vunpack.i.u.bf16.f32 v26;
	v17 =	vmovc v23  }
0xc8: {  	v35 =	vperm.xlane v20, v2;
	v30 =	vmul.f32 v16, v30;
	v26 =	vunpack.i.l.bf16.f32 v26;
	v16 =	vmovc v18;
	v23 =	vld [tilespmem:s20+$0x0];
	[tilespmem:s11+$0xFFFFFFA0] =	vst v32  }
0xc9: {  	v36 =	vperm.xlane v14, v6;
	v40 =	vperm.xlane v19, v7;
	v32 =	vld [tilespmem:s20+$0xFFFFFFF0];
	v37 =	vunpack.i.l.bf16.f32 v29;
	[tilespmem:s3+$0xFFFFFFB0] =	vst v31;
	v18 =	vmovc v38  }
0xca: {  	s25 =	sadd.s32 $0x120, s25;
	v31 =	vld [tilespmem:s2+$0xFFFFFFF0];
	v34 =	vpop (erf);
	v35 =	vmul.f32 v35, v37;
	v37 =	vperm.xlane v20, v3;
	v38 =	vunpack.i.u.bf16.f32 v28;
	[tilespmem:s3+$0xFFFFFFC0] =	vst v30  }
0xcb: {  	v39 =	vperm.xlane v14, v7;
	v19 =	vmovc v20;
	v14 =	vunpack.i.u.bf16.f32 v29;
	[tilespmem:s25+$0x80] =	vst v34;
	v30 =	vld [tilespmem:s19+$0xFFFFFFD0];
	v29 =	vmul.f32 v40, v38  }
0xcc: {  	v28 =	vunpack.i.l.bf16.f32 v28;
	v38 =	vperm.xlane v34, v6;
	s19 =	sadd.s32 $0x80, s19;
	v20 =	vmovc v34;
	[tilespmem:s1+$0x20] =	vst v35;
	v35 =	vmul.f32 v37, v14;
	v37 =	vld [tilespmem:s12+$0xFFFFFFE0]  }
0xcd: {  	v33 =	vmul.f32 v11, v33;
	v23 =	vadd.f32 v23, v27;
	v27 =	vld [tilespmem:s19+$0x0];
	[tilespmem:s11+$0x70] =	vst v29;
	v29 =	vmul.f32 v10, v26  }
0xce: {  	v21 =	vmul.f32 v21, v28;
	v10 =	vmov v9;
	v9 =	vmov v12;
	v14 =	vpop (erf);
	[tilespmem:s1+$0x30] =	vst v35;
	v26 =	vld [tilespmem:s15+$0xFFFFFFF0];
	s15 =	smov.u32 s12;
	s12 =	smov.u32 s10;
	s10 =	smov.u32 s19  }
0xcf: {  	s21 =	sadd.s32 $0x2, s21;
	v12 =	vmovc v36;
	v28 =	vadd.f32 v32, v31;
	v31 =	vmul.f32 $2.000000030e-01, v23;
	[tilespmem:s25+$0xFFFFFFF0] =	vst v14;
	v32 =	vperm.xlane v14, v0;
	v34 =	vld [tilespmem:s12+$0x20]  }
0xd0: {  	p2 =	slt.u32 s21, $0x3E;
	v11 =	vmovc v8;
	v36 =	vperm.xlane v14, v1;
	v40 =	vperm.xlane v14, v2;
	v35 =	vld [tilespmem:s19+$0xFFFFFFC0];
	v41 =	vunpack.i.u.bf16.f32 v30;
	[tilespmem:s4+$0xFFFFFFD0] =	vst v29  }
0xd1: {  	v8 =	vmovc v13;
	v29 =	vmul.f32 $2.000000030e-01, v28;
	v44 =	vmax.f32 v23, v31;
	v31 =	vperm.xlane v20, v0;
	[tilespmem:s4+$0xFFFFFFE0] =	vst v33;
	s4 =	smov.u32 s3;
	s3 =	smov.u32 s11;
	s11 =	smov.u32 s1  }
0xd2: {  	v13 =	vmovc v39;
	v42 =	vperm.xlane v20, v1;
	s1 =	smov.u32 s25;
	v33 =	vmul.f32 $1.442695020e+00, v44;
	v43 =	vunpack.i.l.bf16.f32 v27;
	[tilespmem:s3+$0x60] =	vst v21;
	v21 =	vmovc v15  }
0xd3: {  	v39 =	vperm.xlane v19, v4;
	v23 =	vmovc v25;
	v27 =	vunpack.i.u.bf16.f32 v27;
	v15 =	vmovc v38;
	v31 =	vmul.f32 v31, v43  }
0xd4: {  	v38 =	vperm.xlane v19, v5;
	v25 =	vmul.f32 v42, v27;
	v27 =	vunpack.i.l.bf16.f32 v34  }
0xd5: {  	(erf) = vpow2.f32 v33;
	[tilespmem:s25+$0x0] =	vst v31;
	v31 =	vunpack.i.u.bf16.f32 v34;
	v27 =	vmul.f32 v39, v27  }
.Ltmp3:
0xd6: {  	v28 =	vmax.f32 v28, v29;
	v29 =	vunpack.i.u.bf16.f32 v35;
	[tilespmem:s25+$0x10] =	vst v25;
	v25 =	vmul.f32 v38, v31;
	(pc) =	sbr.rel @p2 .LBB2_15-.Ltmp3, $4  }
0xd7: {  	v28 =	vmul.f32 $1.442695020e+00, v28;
	v31 =	vunpack.i.l.bf16.f32 v35;
	v33 =	vmul.f32 v36, v29;
	[tilespmem:s11+$0x40] =	vst v27  }
0xd8: {  	v30 =	vunpack.i.l.bf16.f32 v30;
	v34 =	vperm.xlane v14, v3;
	v27 =	vmul.f32 v32, v31;
	v29 =	vld [tilespmem:s19+$0x10];
	[tilespmem:s11+$0x50] =	vst v25  }
0xd9: {  	v31 =	vmul.f32 v22, v30;
	v30 =	vunpack.i.u.bf16.f32 v37;
	v22 =	vmovc v40;
	(erf) = vpow2.f32 v28;
	[tilespmem:s25+$0xFFFFFF80] =	vst v33;
	v28 =	vld [tilespmem:s12+$0x30]  }
0xda: {  	s2 =	sadd.s32 $0x20, s2;
	v32 =	vmul.f32 v24, v41;
	v24 =	vmovc v34;
	v25 =	vperm.xlane v14, v4;
	v33 =	vunpack.i.l.bf16.f32 v37;
	[tilespmem:s25+$0xFFFFFF70] =	vst v27  }
0xdb: {  	_ =	sdelay $0x2  }
0xdc: {  	s20 =	sadd.s32 $0x120, s25;
	v27 =	vpop (erf)  }
0xdd: {  	s2 =	sadd.s32 $0x80, s19;
	[tilespmem:s20+$0x80] =	vst v27  }
0xde: {  	v34 =	vld [tilespmem:s2+$0x0];
	_ =	sdelay $0x2  }
0xdf: {  	[tilespmem:s11+$0xFFFFFF90] =	vst v31  }
0xe0: {  	v31 =	vmul.f32 v17, v33;
	[tilespmem:s11+$0xFFFFFFA0] =	vst v32;
	v61 =	vperm.xlane v27, v0;
	v17 =	vpop (erf)  }
0xe1: {  	v16 =	vmul.f32 v16, v30;
	v62 =	vperm.xlane v27, v1;
	[tilespmem:s20+$0xFFFFFFF0] =	vst v17;
	v30 =	vunpack.i.l.bf16.f32 v34  }
0xe2: {  	v35 =	vperm.xlane v20, v2;
	[tilespmem:s3+$0xFFFFFFB0] =	vst v31;
	v31 =	vld [tilespmem:s2+$0xFFFFFFC0];
	v34 =	vunpack.i.u.bf16.f32 v34;
	v30 =	vmul.f32 v61, v30  }
0xe3: {  	v36 =	vperm.xlane v20, v3;
	v63 =	vunpack.i.l.bf16.f32 v29;
	[tilespmem:s3+$0xFFFFFFC0] =	vst v16;
	v16 =	vmul.f32 v62, v34  }
0xe4: {  	v19 =	vperm.xlane v19, v7;
	v29 =	vunpack.i.u.bf16.f32 v29;
	v32 =	vmul.f32 v35, v63;
	[tilespmem:s20+$0x0] =	vst v30  }
0xe5: {  	v29 =	vmul.f32 v36, v29;
	v30 =	vunpack.i.u.bf16.f32 v28;
	[tilespmem:s20+$0x10] =	vst v16  }
0xe6: {  	[tilespmem:s1+$0x20] =	vst v32;
	v16 =	vunpack.i.l.bf16.f32 v26;
	v19 =	vmul.f32 v19, v30;
	v30 =	vperm.xlane v17, v1;
	v40 =	vld [tilespmem:s2+$0x10]  }
0xe7: {  	[tilespmem:s1+$0x30] =	vst v29;
	v10 =	vmul.f32 v10, v16;
	v16 =	vperm.xlane v17, v0;
	v29 =	vunpack.i.u.bf16.f32 v31  }
0xe8: {  	v31 =	vunpack.i.l.bf16.f32 v31;
	[tilespmem:s11+$0x70] =	vst v19;
	v19 =	vld [tilespmem:s10+$0x20];
	v29 =	vmul.f32 v30, v29  }
0xe9: {  	v26 =	vunpack.i.u.bf16.f32 v26;
	[tilespmem:s4+$0xFFFFFFD0] =	vst v10;
	v10 =	vmul.f32 v16, v31  }
0xea: {  	v28 =	vunpack.i.l.bf16.f32 v28;
	v11 =	vmul.f32 v11, v26;
	v26 =	vperm.xlane v27, v2;
	v16 =	vld [tilespmem:s19+$0xFFFFFFD0];
	[tilespmem:s20+$0xFFFFFF80] =	vst v29  }
0xeb: {  	v21 =	vmul.f32 v21, v28;
	v28 =	vperm.xlane v27, v3;
	[tilespmem:s20+$0xFFFFFF70] =	vst v10;
	v10 =	vunpack.i.l.bf16.f32 v40  }
0xec: {  	[tilespmem:s4+$0xFFFFFFE0] =	vst v11;
	v11 =	vperm.xlane v20, v4;
	v29 =	vunpack.i.u.bf16.f32 v40;
	v10 =	vmul.f32 v26, v10;
	v26 =	vld [tilespmem:s2+$0xFFFFFFD0]  }
0xed: {  	[tilespmem:s11+$0x60] =	vst v21;
	v30 =	vperm.xlane v20, v5;
	v28 =	vmul.f32 v28, v29;
	v21 =	vunpack.i.l.bf16.f32 v19  }
0xee: {  	v29 =	vld [tilespmem:s12+$0xFFFFFFE0];
	v19 =	vunpack.i.u.bf16.f32 v19;
	v11 =	vmul.f32 v11, v21;
	[tilespmem:s20+$0x20] =	vst v10  }
0xef: {  	v10 =	vmul.f32 v30, v19;
	v19 =	vunpack.i.l.bf16.f32 v16;
	[tilespmem:s20+$0x30] =	vst v28  }
0xf0: {  	v21 =	vperm.xlane v17, v2;
	v16 =	vunpack.i.u.bf16.f32 v16;
	[tilespmem:s1+$0x40] =	vst v11;
	v11 =	vmul.f32 v22, v19;
	v19 =	vld [tilespmem:s2+$0x20]  }
0xf1: {  	v22 =	vperm.xlane v17, v3;
	[tilespmem:s1+$0x50] =	vst v10;
	v10 =	vmul.f32 v24, v16;
	v16 =	vunpack.i.l.bf16.f32 v26  }
0xf2: {  	v24 =	vld [tilespmem:s10+$0x30];
	[tilespmem:s1+$0xFFFFFF90] =	vst v11;
	v11 =	vunpack.i.u.bf16.f32 v26;
	v16 =	vmul.f32 v21, v16  }
0xf3: {  	v21 =	vld [tilespmem:s15+$0xFFFFFFF0];
	v26 =	vunpack.i.l.bf16.f32 v29;
	[tilespmem:s1+$0xFFFFFFA0] =	vst v10;
	v10 =	vmul.f32 v22, v11  }
0xf4: {  	v11 =	vunpack.i.u.bf16.f32 v29;
	v22 =	vmul.f32 v23, v26;
	v23 =	vld [tilespmem:s10+$0xFFFFFFE0];
	v26 =	vperm.xlane v27, v4;
	[tilespmem:s20+$0xFFFFFF90] =	vst v16  }
0xf5: {  	v11 =	vmul.f32 v18, v11;
	v18 =	vperm.xlane v27, v5;
	v16 =	vunpack.i.l.bf16.f32 v19;
	[tilespmem:s20+$0xFFFFFFA0] =	vst v10  }
0xf6: {  	v10 =	vperm.xlane v20, v7;
	[tilespmem:s11+$0xFFFFFFB0] =	vst v22;
	v19 =	vunpack.i.u.bf16.f32 v19;
	v16 =	vmul.f32 v26, v16;
	v20 =	vld [tilespmem:s2+$0xFFFFFFE0]  }
0xf7: {  	v22 =	vunpack.i.u.bf16.f32 v24;
	[tilespmem:s11+$0xFFFFFFC0] =	vst v11;
	v11 =	vmul.f32 v18, v19  }
0xf8: {  	v18 =	vunpack.i.l.bf16.f32 v21;
	v10 =	vmul.f32 v10, v22;
	[tilespmem:s20+$0x40] =	vst v16  }
0xf9: {  	v16 =	vperm.xlane v14, v5;
	v9 =	vmul.f32 v9, v18;
	[tilespmem:s20+$0x50] =	vst v11;
	v11 =	vunpack.i.l.bf16.f32 v23  }
0xfa: {  	v18 =	vperm.xlane v17, v4;
	v19 =	vunpack.i.u.bf16.f32 v23;
	[tilespmem:s1+$0x70] =	vst v10;
	v10 =	vld [tilespmem:s2+$0x30];
	v11 =	vmul.f32 v25, v11  }
0xfb: {  	v22 =	vperm.xlane v17, v5;
	v23 =	vld [tilespmem:s12+$0xFFFFFFF0];
	[tilespmem:s3+$0xFFFFFFD0] =	vst v9;
	v9 =	vmul.f32 v16, v19;
	v16 =	vunpack.i.l.bf16.f32 v20  }
0xfc: {  	[tilespmem:s1+$0xFFFFFFB0] =	vst v11;
	v11 =	vunpack.i.u.bf16.f32 v20;
	v16 =	vmul.f32 v18, v16  }
0xfd: {  	v18 =	vunpack.i.u.bf16.f32 v21;
	[tilespmem:s1+$0xFFFFFFC0] =	vst v9;
	v9 =	vmul.f32 v22, v11  }
0xfe: {  	v11 =	vunpack.i.l.bf16.f32 v24;
	v8 =	vmul.f32 v8, v18;
	v18 =	vperm.xlane v27, v7;
	v19 =	vld [tilespmem:s10+$0xFFFFFFF0];
	[tilespmem:s20+$0xFFFFFFB0] =	vst v16  }
0xff: {  	v11 =	vmul.f32 v15, v11;
	v15 =	vunpack.i.u.bf16.f32 v10;
	[tilespmem:s20+$0xFFFFFFC0] =	vst v9  }
0x100: {  	[tilespmem:s3+$0xFFFFFFE0] =	vst v8;
	v8 =	vunpack.i.l.bf16.f32 v23;
	v9 =	vmul.f32 v18, v15;
	v15 =	vld [tilespmem:s2+$0xFFFFFFF0]  }
0x101: {  	v16 =	vperm.xlane v27, v6;
	[tilespmem:s1+$0x60] =	vst v11;
	v11 =	vunpack.i.u.bf16.f32 v23;
	v8 =	vmul.f32 v12, v8  }
0x102: {  	v10 =	vunpack.i.l.bf16.f32 v10;
	v12 =	vperm.xlane v14, v6;
	[tilespmem:s20+$0x70] =	vst v9;
	v9 =	vmul.f32 v13, v11  }
0x103: {  	v10 =	vmul.f32 v16, v10;
	v11 =	vperm.xlane v14, v7;
	[tilespmem:s11+$0xFFFFFFD0] =	vst v8;
	v8 =	vunpack.i.l.bf16.f32 v19  }
0x104: {  	v13 =	vperm.xlane v17, v6;
	[tilespmem:s11+$0xFFFFFFE0] =	vst v9;
	v9 =	vunpack.i.u.bf16.f32 v19;
	v8 =	vmul.f32 v12, v8  }
0x105: {  	[tilespmem:s20+$0x60] =	vst v10;
	v12 =	vperm.xlane v17, v7;
	v9 =	vmul.f32 v11, v9;
	v10 =	vunpack.i.l.bf16.f32 v15  }
0x106: {  	[tilespmem:s1+$0xFFFFFFD0] =	vst v8;
	v8 =	vunpack.i.u.bf16.f32 v15;
	v10 =	vmul.f32 v13, v10  }
0x107: {  	s3 =	sshll.u32 s0, $0x7;
	[tilespmem:s1+$0xFFFFFFE0] =	vst v9;
	v8 =	vmul.f32 v12, v8  }
0x108: {  	p2 =	seq.s32 s0, $0x9;
	s11 =	sand.u32 $0x3FFFFF80, s3;
	[tilespmem:s20+$0xFFFFFFD0] =	vst v10  }
0x109: {  	s12 =	simm.s32 $0x4900;
	s15 =	sadd.s32 s11, s31;
	s1 =	sadd.s32 @!p2 $0x80, s3;
	[tilespmem:s20+$0xFFFFFFE0] =	vst v8  }
0x10a: {  	[spmem:s30] =	stream.indirect.scatter.add.f32 [tilespmem:s12], [sflag:$0x7], $0x90, s15, s29, $0xb8;
	[tilespmem:$0x1F900] =	vst v63  }
0x10b: {  	s4 =	simm.s32 @!p2 $0x40;
	s10 =	simm.s32 @!p2 $0x1900;
	s2 =	sadd.s32 @!p2 s1, s13  }
0x10c: {  	[tilespmem:s10], [sflag:$0x1] =	stream.indirect.gather @!p2 [hbm4b:s7+s4], $0x40, s2, s4, $0xb8;
	[tilespmem:$0x1F900] =	vst v63  }
0x10d: {  	s10 =	simm.s32 @!p2 $0x3900  }
0x10e: {  	[tilespmem:s10], [sflag:$0x2] =	stream.indirect.gather @!p2 [hbm4b:s8+s4], $0x10, s2, s4, $0xb8;
	[tilespmem:$0x1F900] =	vst v63  }
0x10f: {  	s1 =	sadd.s32 @!p2 s1, s31;
	s2 =	simm.s32 @!p2 $0x4100  }
0x110: {  	[tilespmem:s2], [sflag:$0x3] =	stream.indirect.gather @!p2 [hbm4b:s9+s4], $0x10, s1, s4, $0xb8;
	[tilespmem:$0x1F900] =	vst v63  }
0x111: {  	_ =	swait.ge [sflag:s24], $0x1000  }
0x112: {  	[sflag:s24] =	ssyncset.done $0x0  }
0x113: {  	[sflag:s24] =	ssyncadd.s32 $0xFFFFF000  }
0x114: {  	_ =	swait.ge [sflag:s26], $0x400  }
0x115: {  	[sflag:s26] =	ssyncset.done $0x0  }
0x116: {  	[sflag:s26] =	ssyncadd.s32 $0xFFFFFC00  }
0x117: {  	_ =	swait.ge [sflag:s18], $0x400  }
0x118: {  	[sflag:s18] =	ssyncset.done $0x0  }
0x119: {  	[sflag:s18] =	ssyncadd.s32 $0xFFFFFC00  }
0x11a: {  	_ =	swait.ge [sflag:s14], $0x2400  }
0x11b: {  	[sflag:s14] =	ssyncset.done $0x0  }
0x11c: {  	s19 =	simm.s32 $0x3D10;
	[sflag:s14] =	ssyncadd.s32 $0xFFFFDC00  }
0x11d: {  	s20 =	simm.s32 $0x4510;
	v8 =	vld [tilespmem:s19+$0x0]  }
0x11e: {  	v9 =	vld [tilespmem:s20+$0x0];
	_ =	sdelay $0x4  }
0x11f: {  	v8 =	vadd.f32 v9, v8;
	_ =	sdelay $0x1  }
0x120: {  	v9 =	vmul.f32 $2.000000030e-01, v8;
	_ =	sdelay $0x1  }
0x121: {  	v10 =	vld [tilespmem:s19+$0xFFFFFFF0];
	v8 =	vmax.f32 v8, v9  }
0x122: {  	v9 =	vld [tilespmem:s20+$0xFFFFFFF0];
	v8 =	vmul.f32 $1.442695020e+00, v8;
	_ =	sdelay $0x1  }
0x123: {  	(erf) = vpow2.f32 v8;
	_ =	sdelay $0x2  }
0x124: {  	s10 =	simm.s32 $0x4530;
	v8 =	vadd.f32 v9, v10  }
0x125: {  	s21 =	simm.s32 $0x3D30;
	v11 =	vld [tilespmem:s10+$0x0]  }
0x126: {  	v9 =	vld [tilespmem:s21+$0x0];
	v10 =	vmul.f32 $2.000000030e-01, v8;
	_ =	sdelay $0x1  }
0x127: {  	v8 =	vmax.f32 v8, v10  }
0x128: {  	v8 =	vmul.f32 $1.442695020e+00, v8  }
0x129: {  	s25 =	simm.s32 $0x6E10;
	v10 =	vld [tilespmem:s10+$0xFFFFFFF0];
	v15 =	vpop (erf)  }
0x12a: {  	s1 =	simm.s32 $0x2970;
	(erf) = vpow2.f32 v8;
	v8 =	vadd.f32 v11, v9;
	v11 =	vld [tilespmem:s21+$0xFFFFFFF0];
	[tilespmem:s25+$0x0] =	vst v15  }
0x12b: {  	v9 =	vld [tilespmem:s1+$0xFFFFFFD0]  }
0x12c: {  	v12 =	vmul.f32 $2.000000030e-01, v8;
	_ =	sdelay $0x1  }
0x12d: {  	v8 =	vmax.f32 v8, v12  }
0x12e: {  	v12 =	vperm.xlane v15, v0;
	v8 =	vmul.f32 $1.442695020e+00, v8  }
0x12f: {  	v14 =	vperm.xlane v15, v1;
	v10 =	vadd.f32 v10, v11;
	v13 =	vunpack.i.l.bf16.f32 v9  }
0x130: {  	v9 =	vunpack.i.u.bf16.f32 v9;
	(erf) = vpow2.f32 v8;
	v11 =	vmul.f32 v12, v13  }
0x131: {  	v8 =	vmul.f32 $2.000000030e-01, v10;
	v9 =	vmul.f32 v14, v9  }
0x132: {  	[tilespmem:s25+$0xFFFFFF80] =	vst v11  }
0x133: {  	v8 =	vmax.f32 v10, v8;
	[tilespmem:s25+$0xFFFFFF90] =	vst v9  }
0x134: {  	s11 =	simm.s32 $0x3D50;
	v8 =	vmul.f32 $1.442695020e+00, v8;
	v9 =	vld [tilespmem:s1+$0xFFFFFFE0]  }
0x135: {  	s12 =	simm.s32 $0x4550;
	v18 =	vperm.xlane v15, v6;
	v12 =	vld [tilespmem:s11+$0x0]  }
0x136: {  	v16 =	vperm.xlane v15, v2;
	v11 =	vpop (erf);
	(erf) = vpow2.f32 v8;
	v8 =	vld [tilespmem:s12+$0x0]  }
0x137: {  	v17 =	vld [tilespmem:s12+$0xFFFFFFF0];
	v22 =	vperm.xlane v15, v3;
	[tilespmem:s25+$0xFFFFFF70] =	vst v11;
	v14 =	vperm.xlane v11, v0  }
0x138: {  	v19 =	vperm.xlane v11, v1;
	v23 =	vperm.xlane v11, v2;
	v10 =	vld [tilespmem:s1+$0xFFFFFF90]  }
0x139: {  	v21 =	vld [tilespmem:s11+$0xFFFFFFF0];
	v24 =	vperm.xlane v11, v3;
	v20 =	vunpack.i.l.bf16.f32 v9;
	v9 =	vunpack.i.u.bf16.f32 v9  }
0x13a: {  	v13 =	vpop (erf);
	v16 =	vmul.f32 v16, v20;
	v9 =	vmul.f32 v22, v9  }
0x13b: {  	s4 =	simm.s32 $0x6F30;
	v8 =	vadd.f32 v8, v12;
	v12 =	vperm.xlane v11, v5;
	v27 =	vperm.xlane v13, v1  }
0x13c: {  	[tilespmem:s4+$0x0] =	vst v13;
	v44 =	vperm.xlane v13, v3;
	v51 =	vperm.xlane v13, v5  }
0x13d: {  	s11 =	simm.s32 $0x29F0;
	v56 =	vperm.xlane v13, v7;
	v20 =	vunpack.i.u.bf16.f32 v10;
	v10 =	vunpack.i.l.bf16.f32 v10;
	[tilespmem:s25+$0xFFFFFFA0] =	vst v16  }
0x13e: {  	v16 =	vld [tilespmem:s11+$0xFFFFFFD0];
	[tilespmem:s25+$0xFFFFFFB0] =	vst v9;
	v9 =	vadd.f32 v17, v21;
	v17 =	vmul.f32 $2.000000030e-01, v8;
	v19 =	vmul.f32 v19, v20  }
0x13f: {  	v20 =	vmul.f32 v14, v10;
	v14 =	vperm.xlane v11, v4  }
0x140: {  	v10 =	vperm.xlane v11, v6;
	v11 =	vperm.xlane v11, v7;
	v8 =	vmax.f32 v8, v17  }
0x141: {  	v21 =	vld [tilespmem:s1+$0xFFFFFFF0];
	v25 =	vpop (erf);
	v26 =	vmul.f32 $2.000000030e-01, v9;
	v8 =	vmul.f32 $1.442695020e+00, v8  }
0x142: {  	v17 =	vperm.xlane v13, v0;
	[tilespmem:s4+$0xFFFFFF70] =	vst v25;
	v31 =	vperm.xlane v25, v3  }
0x143: {  	[tilespmem:s25+$0xFFFFFF00] =	vst v19;
	v9 =	vmax.f32 v9, v26;
	v22 =	vunpack.i.l.bf16.f32 v16;
	(erf) = vpow2.f32 v8  }
0x144: {  	[tilespmem:s25+$0xFFFFFEF0] =	vst v20;
	v19 =	vld [tilespmem:s11+$0xFFFFFF90];
	v16 =	vunpack.i.u.bf16.f32 v16;
	v9 =	vmul.f32 $1.442695020e+00, v9;
	v17 =	vmul.f32 v17, v22  }
0x145: {  	v28 =	vld [tilespmem:s1+$0xFFFFFFA0];
	v22 =	vperm.xlane v15, v4;
	v16 =	vmul.f32 v27, v16  }
0x146: {  	v20 =	vunpack.i.l.bf16.f32 v21;
	v27 =	vperm.xlane v15, v5;
	v15 =	vperm.xlane v15, v7  }
0x147: {  	(erf) = vpow2.f32 v9;
	[tilespmem:s4+$0xFFFFFF80] =	vst v17;
	v17 =	vmul.f32 v22, v20  }
0x148: {  	v8 =	vunpack.i.u.bf16.f32 v21;
	v22 =	vperm.xlane v13, v6;
	[tilespmem:s4+$0xFFFFFF90] =	vst v16;
	v16 =	vperm.xlane v25, v1  }
0x149: {  	s19 =	simm.s32 $0x3D70;
	v8 =	vmul.f32 v27, v8;
	v20 =	vperm.xlane v25, v2;
	v21 =	vunpack.i.u.bf16.f32 v19;
	v26 =	vld [tilespmem:s11+$0xFFFFFFE0]  }
0x14a: {  	v42 =	vld [tilespmem:s19+$0xFFFFFFF0];
	v9 =	vunpack.i.u.bf16.f32 v28;
	[tilespmem:s25+$0xFFFFFFC0] =	vst v17;
	v17 =	vperm.xlane v25, v0;
	v27 =	vmul.f32 v16, v21  }
0x14b: {  	[tilespmem:s25+$0xFFFFFFD0] =	vst v8;
	v8 =	vunpack.i.l.bf16.f32 v19;
	v21 =	vld [tilespmem:s19+$0x0];
	v24 =	vmul.f32 v24, v9;
	v16 =	vperm.xlane v25, v5  }
0x14c: {  	s20 =	simm.s32 $0x4570;
	v9 =	vperm.xlane v25, v6;
	v29 =	vld [tilespmem:s1+$0x0];
	v30 =	vmul.f32 v17, v8;
	v8 =	vunpack.i.l.bf16.f32 v28  }
0x14d: {  	v28 =	vld [tilespmem:s20+$0x0];
	v23 =	vmul.f32 v23, v8;
	v8 =	vperm.xlane v13, v2  }
0x14e: {  	v41 =	vld [tilespmem:s20+$0xFFFFFFF0];
	v17 =	vperm.xlane v25, v4;
	v43 =	vunpack.i.l.bf16.f32 v26;
	[tilespmem:s4+$0xFFFFFEF0] =	vst v30;
	v30 =	vperm.xlane v13, v4  }
0x14f: {  	v19 =	vpop (erf);
	v26 =	vunpack.i.u.bf16.f32 v26;
	v34 =	vmul.f32 v8, v43;
	v8 =	vperm.xlane v25, v7  }
0x150: {  	s12 =	simm.s32 $0x7050;
	v25 =	vmul.f32 v44, v26;
	v37 =	vperm.xlane v19, v0  }
0x151: {  	s10 =	simm.s32 $0x2A70;
	[tilespmem:s12+$0x0] =	vst v19;
	v38 =	vperm.xlane v19, v1;
	v55 =	vperm.xlane v19, v3  }
0x152: {  	v63 =	vperm.xlane v19, v5;
	v45 =	vunpack.i.u.bf16.f32 v29;
	v26 =	vadd.f32 v28, v21;
	v28 =	vld [tilespmem:s10+$0xFFFFFFD0];
	[tilespmem:s4+$0xFFFFFFA0] =	vst v34  }
0x153: {  	v29 =	vunpack.i.l.bf16.f32 v29;
	v15 =	vmul.f32 v15, v45;
	[tilespmem:s4+$0xFFFFFFB0] =	vst v25;
	v25 =	vadd.f32 v41, v42  }
0x154: {  	v46 =	vpop (erf);
	v21 =	vperm.xlane v19, v6;
	v18 =	vmul.f32 v18, v29;
	v48 =	vld [tilespmem:s11+$0xFFFFFFF0]  }
0x155: {  	[tilespmem:s12+$0xFFFFFF70] =	vst v46;
	v29 =	vmul.f32 $2.000000030e-01, v26;
	v50 =	vmul.f32 $2.000000030e-01, v25  }
0x156: {  	[tilespmem:s4+$0xFFFFFF00] =	vst v27;
	v47 =	vperm.xlane v46, v0;
	v49 =	vperm.xlane v46, v1;
	v27 =	vld [tilespmem:s10+$0xFFFFFF90]  }
0x157: {  	[tilespmem:s25+$0xFFFFFF10] =	vst v23;
	v23 =	vld [tilespmem:s11+$0xFFFFFFA0];
	v26 =	vmax.f32 v26, v29;
	v25 =	vmax.f32 v25, v50;
	v29 =	vunpack.i.l.bf16.f32 v28  }
0x158: {  	v26 =	vmul.f32 $1.442695020e+00, v26;
	v28 =	vunpack.i.u.bf16.f32 v28;
	v29 =	vmul.f32 v37, v29  }
0x159: {  	[tilespmem:s25+$0xFFFFFF20] =	vst v24;
	v25 =	vmul.f32 $1.442695020e+00, v25;
	v28 =	vmul.f32 v38, v28;
	v24 =	vunpack.i.l.bf16.f32 v48  }
0x15a: {  	s21 =	simm.s32 $0x3D90;
	(erf) = vpow2.f32 v26;
	v26 =	vld [tilespmem:s1+$0xFFFFFFB0];
	v24 =	vmul.f32 v30, v24;
	[tilespmem:s12+$0xFFFFFF80] =	vst v29;
	v29 =	vunpack.i.u.bf16.f32 v48  }
0x15b: {  	v54 =	vld [tilespmem:s21+$0xFFFFFFF0];
	v30 =	vunpack.i.u.bf16.f32 v27;
	v27 =	vunpack.i.l.bf16.f32 v27;
	[tilespmem:s12+$0xFFFFFF90] =	vst v28;
	v28 =	vmul.f32 v51, v29  }
0x15c: {  	v29 =	vmul.f32 v49, v30;
	[tilespmem:s4+$0xFFFFFFC0] =	vst v24;
	v24 =	vmul.f32 v47, v27;
	v27 =	vld [tilespmem:s10+$0xFFFFFFE0];
	v30 =	vunpack.i.l.bf16.f32 v23  }
0x15d: {  	s20 =	simm.s32 $0x4590;
	v52 =	vperm.xlane v46, v2;
	v20 =	vmul.f32 v20, v30;
	v30 =	vld [tilespmem:s21+$0x0];
	[tilespmem:s4+$0xFFFFFFD0] =	vst v28  }
0x15e: {  	v53 =	vperm.xlane v46, v3;
	(erf) = vpow2.f32 v25;
	[tilespmem:s12+$0xFFFFFF00] =	vst v29;
	v29 =	vld [tilespmem:s20+$0xFFFFFFF0]  }
0x15f: {  	v13 =	vperm.xlane v46, v7;
	[tilespmem:s25+$0xFFFFFFF0] =	vst v15;
	v25 =	vunpack.i.u.bf16.f32 v23;
	v28 =	vld [tilespmem:s11+$0x0];
	v15 =	vunpack.i.l.bf16.f32 v26  }
0x160: {  	[tilespmem:s25+$0xFFFFFFE0] =	vst v18;
	v25 =	vmul.f32 v31, v25;
	v31 =	vmul.f32 v14, v15;
	v14 =	vld [tilespmem:s20+$0x0]  }
0x161: {  	v18 =	vperm.xlane v46, v5;
	[tilespmem:s12+$0xFFFFFEF0] =	vst v24;
	v15 =	vperm.xlane v19, v2  }
0x162: {  	v23 =	vperm.xlane v46, v4;
	[tilespmem:s4+$0xFFFFFF20] =	vst v25;
	v26 =	vunpack.i.u.bf16.f32 v26;
	v24 =	vunpack.i.l.bf16.f32 v27  }
0x163: {  	s30 =	simm.s32 $0x7170;
	[tilespmem:s4+$0xFFFFFF10] =	vst v20;
	v57 =	vld [tilespmem:s10+$0xFFFFFFA0];
	v26 =	vmul.f32 v12, v26;
	v15 =	vmul.f32 v15, v24;
	v24 =	vunpack.i.u.bf16.f32 v27;
	v20 =	vpop (erf)  }
0x164: {  	s19 =	simm.s32 $0x2AF0;
	v12 =	vperm.xlane v46, v6;
	v24 =	vmul.f32 v55, v24;
	[tilespmem:s30+$0x0] =	vst v20  }
0x165: {  	v25 =	vadd.f32 v29, v54;
	v27 =	vunpack.i.u.bf16.f32 v28;
	[tilespmem:s12+$0xFFFFFFA0] =	vst v15;
	v30 =	vadd.f32 v14, v30;
	v58 =	vld [tilespmem:s19+$0xFFFFFFD0]  }
0x166: {  	v28 =	vunpack.i.l.bf16.f32 v28;
	v15 =	vperm.xlane v20, v6;
	v40 =	vperm.xlane v20, v1;
	[tilespmem:s12+$0xFFFFFFB0] =	vst v24  }
0x167: {  	v14 =	vpop (erf);
	v24 =	vmul.f32 v22, v28;
	v59 =	vld [tilespmem:s10+$0xFFFFFFF0];
	v28 =	vmul.f32 $2.000000030e-01, v30  }
0x168: {  	v61 =	vunpack.i.u.bf16.f32 v57;
	v27 =	vmul.f32 v56, v27;
	v39 =	vmul.f32 $2.000000030e-01, v25;
	[tilespmem:s30+$0xFFFFFF70] =	vst v14  }
0x169: {  	[tilespmem:s25+$0xFFFFFF30] =	vst v31;
	v32 =	vmul.f32 v53, v61;
	v31 =	vld [tilespmem:s19+$0xFFFFFF90];
	v28 =	vmax.f32 v30, v28;
	v30 =	vperm.xlane v20, v0  }
0x16a: {  	[tilespmem:s25+$0xFFFFFF40] =	vst v26;
	v29 =	vperm.xlane v14, v0;
	v26 =	vmul.f32 $1.442695020e+00, v28;
	v28 =	vunpack.i.l.bf16.f32 v58  }
0x16b: {  	[tilespmem:s4+$0xFFFFFFF0] =	vst v27;
	v27 =	vunpack.i.u.bf16.f32 v58;
	v28 =	vmul.f32 v30, v28;
	v30 =	vperm.xlane v19, v4  }
0x16c: {  	v62 =	vld [tilespmem:s11+$0xFFFFFFB0];
	v60 =	vperm.xlane v14, v1;
	[tilespmem:s4+$0xFFFFFFE0] =	vst v24;
	v24 =	vmul.f32 v40, v27;
	v27 =	vunpack.i.l.bf16.f32 v59  }
0x16d: {  	(erf) = vpow2.f32 v26;
	v26 =	vunpack.i.u.bf16.f32 v59;
	[tilespmem:s30+$0xFFFFFF80] =	vst v28;
	v27 =	vmul.f32 v30, v27  }
0x16e: {  	v25 =	vmax.f32 v25, v39;
	v28 =	vunpack.i.u.bf16.f32 v31;
	[tilespmem:s30+$0xFFFFFF90] =	vst v24;
	v30 =	vmul.f32 v63, v26;
	v26 =	vld [tilespmem:s1+$0xFFFFFFC0]  }
0x16f: {  	v25 =	vmul.f32 $1.442695020e+00, v25;
	v24 =	vunpack.i.l.bf16.f32 v31;
	v28 =	vmul.f32 v60, v28;
	[tilespmem:s12+$0xFFFFFFC0] =	vst v27  }
0x170: {  	v22 =	vperm.xlane v14, v2;
	v31 =	vunpack.i.l.bf16.f32 v57;
	v27 =	vmul.f32 v29, v24;
	[tilespmem:s12+$0xFFFFFFD0] =	vst v30;
	v29 =	vld [tilespmem:s19+$0xFFFFFFE0]  }
0x171: {  	s28 =	simm.s32 $0x2AF0;
	v33 =	vunpack.i.l.bf16.f32 v62;
	(erf) = vpow2.f32 v25;
	v31 =	vmul.f32 v52, v31;
	[tilespmem:s30+$0xFFFFFF00] =	vst v28;
	v28 =	vld [tilespmem:s10+$0x0]  }
0x172: {  	s2 =	simm.s32 $0x3DB0;
	s21 =	simm.s32 $0x8;
	v25 =	vperm.xlane v14, v4;
	s1 =	simm.s32 $0x7170;
	v24 =	vperm.xlane v14, v3;
	v30 =	vunpack.i.u.bf16.f32 v62;
	[tilespmem:s30+$0xFFFFFEF0] =	vst v27  }
.LBB2_17:
0x173: {  	v27 =	vld [tilespmem:s2+$0x0];
	s20 =	sadd.s32 $0x20, s20;
	v38 =	vperm.xlane v14, v5;
	[tilespmem:s12+$0xFFFFFF10] =	vst v31;
	v31 =	vmul.f32 v17, v33;
	v33 =	vunpack.i.u.bf16.f32 v26;
	v17 =	vmovc v23  }
0x174: {  	v35 =	vperm.xlane v20, v2;
	v30 =	vmul.f32 v16, v30;
	v26 =	vunpack.i.l.bf16.f32 v26;
	v16 =	vmovc v18;
	v23 =	vld [tilespmem:s20+$0x0];
	[tilespmem:s12+$0xFFFFFF20] =	vst v32  }
0x175: {  	v36 =	vperm.xlane v14, v6;
	v40 =	vperm.xlane v19, v7;
	v32 =	vld [tilespmem:s20+$0xFFFFFFF0];
	v37 =	vunpack.i.l.bf16.f32 v29;
	[tilespmem:s4+$0xFFFFFF30] =	vst v31;
	v18 =	vmovc v38  }
0x176: {  	s30 =	sadd.s32 $0x120, s30;
	v31 =	vld [tilespmem:s2+$0xFFFFFFF0];
	v34 =	vpop (erf);
	v35 =	vmul.f32 v35, v37;
	v37 =	vperm.xlane v20, v3;
	v38 =	vunpack.i.u.bf16.f32 v28;
	[tilespmem:s4+$0xFFFFFF40] =	vst v30  }
0x177: {  	v39 =	vperm.xlane v14, v7;
	v19 =	vmovc v20;
	v14 =	vunpack.i.u.bf16.f32 v29;
	[tilespmem:s30+$0x0] =	vst v34;
	v30 =	vld [tilespmem:s19+$0xFFFFFFA0];
	v29 =	vmul.f32 v40, v38  }
0x178: {  	v28 =	vunpack.i.l.bf16.f32 v28;
	v38 =	vperm.xlane v34, v6;
	s19 =	sadd.s32 $0x80, s19;
	v20 =	vmovc v34;
	[tilespmem:s1+$0xFFFFFFA0] =	vst v35;
	v35 =	vmul.f32 v37, v14;
	v37 =	vld [tilespmem:s10+$0xFFFFFFB0]  }
0x179: {  	v33 =	vmul.f32 v11, v33;
	v23 =	vadd.f32 v23, v27;
	v27 =	vld [tilespmem:s19+$0xFFFFFFD0];
	[tilespmem:s12+$0xFFFFFFF0] =	vst v29;
	v29 =	vmul.f32 v10, v26  }
0x17a: {  	v21 =	vmul.f32 v21, v28;
	v10 =	vmov v9;
	v9 =	vmov v12;
	v14 =	vpop (erf);
	[tilespmem:s1+$0xFFFFFFB0] =	vst v35;
	v26 =	vld [tilespmem:s11+$0xFFFFFFC0];
	s11 =	smov.u32 s10;
	s10 =	smov.u32 s28;
	s28 =	smov.u32 s19  }
0x17b: {  	s21 =	sadd.s32 $0x2, s21;
	v12 =	vmovc v36;
	v28 =	vadd.f32 v32, v31;
	v31 =	vmul.f32 $2.000000030e-01, v23;
	[tilespmem:s30+$0xFFFFFF70] =	vst v14;
	v32 =	vperm.xlane v14, v0;
	v34 =	vld [tilespmem:s10+$0xFFFFFFF0]  }
0x17c: {  	p3 =	slt.u32 s21, $0x3E;
	v11 =	vmovc v8;
	v36 =	vperm.xlane v14, v1;
	v40 =	vperm.xlane v14, v2;
	v35 =	vld [tilespmem:s19+$0xFFFFFF90];
	v41 =	vunpack.i.u.bf16.f32 v30;
	[tilespmem:s25+$0xFFFFFF50] =	vst v29  }
0x17d: {  	v8 =	vmovc v13;
	v29 =	vmul.f32 $2.000000030e-01, v28;
	v44 =	vmax.f32 v23, v31;
	v31 =	vperm.xlane v20, v0;
	[tilespmem:s25+$0xFFFFFF60] =	vst v33;
	s25 =	smov.u32 s4;
	s4 =	smov.u32 s12;
	s12 =	smov.u32 s1  }
0x17e: {  	v13 =	vmovc v39;
	v42 =	vperm.xlane v20, v1;
	s1 =	smov.u32 s30;
	v33 =	vmul.f32 $1.442695020e+00, v44;
	v43 =	vunpack.i.l.bf16.f32 v27;
	[tilespmem:s4+$0xFFFFFFE0] =	vst v21;
	v21 =	vmovc v15  }
0x17f: {  	v39 =	vperm.xlane v19, v4;
	v23 =	vmovc v25;
	v27 =	vunpack.i.u.bf16.f32 v27;
	v15 =	vmovc v38;
	v31 =	vmul.f32 v31, v43  }
0x180: {  	v38 =	vperm.xlane v19, v5;
	v25 =	vmul.f32 v42, v27;
	v27 =	vunpack.i.l.bf16.f32 v34  }
0x181: {  	(erf) = vpow2.f32 v33;
	[tilespmem:s30+$0xFFFFFF80] =	vst v31;
	v31 =	vunpack.i.u.bf16.f32 v34;
	v27 =	vmul.f32 v39, v27  }
.Ltmp4:
0x182: {  	v28 =	vmax.f32 v28, v29;
	v29 =	vunpack.i.u.bf16.f32 v35;
	[tilespmem:s30+$0xFFFFFF90] =	vst v25;
	v25 =	vmul.f32 v38, v31;
	(pc) =	sbr.rel @p3 .LBB2_17-.Ltmp4, $4  }
0x183: {  	v28 =	vmul.f32 $1.442695020e+00, v28;
	v31 =	vunpack.i.l.bf16.f32 v35;
	v33 =	vmul.f32 v36, v29;
	[tilespmem:s12+$0xFFFFFFC0] =	vst v27  }
0x184: {  	v30 =	vunpack.i.l.bf16.f32 v30;
	v34 =	vperm.xlane v14, v3;
	v27 =	vmul.f32 v32, v31;
	v29 =	vld [tilespmem:s19+$0xFFFFFFE0];
	[tilespmem:s12+$0xFFFFFFD0] =	vst v25  }
0x185: {  	v31 =	vmul.f32 v22, v30;
	v30 =	vunpack.i.u.bf16.f32 v37;
	v22 =	vmovc v40;
	(erf) = vpow2.f32 v28;
	[tilespmem:s30+$0xFFFFFF00] =	vst v33;
	v28 =	vld [tilespmem:s10+$0x0]  }
0x186: {  	s2 =	sadd.s32 $0x20, s2;
	v32 =	vmul.f32 v24, v41;
	v24 =	vmovc v34;
	v25 =	vperm.xlane v14, v4;
	v33 =	vunpack.i.l.bf16.f32 v37;
	[tilespmem:s30+$0xFFFFFEF0] =	vst v27  }
0x187: {  	_ =	sdelay $0x4  }
0x188: {  	s20 =	sadd.s32 $0x120, s30;
	[tilespmem:s12+$0xFFFFFF10] =	vst v31;
	v27 =	vpop (erf)  }
0x189: {  	s2 =	sadd.s32 $0x80, s19;
	[tilespmem:s20+$0x0] =	vst v27  }
0x18a: {  	v52 =	vmul.f32 v17, v33;
	[tilespmem:s12+$0xFFFFFF20] =	vst v32;
	v34 =	vld [tilespmem:s2+$0xFFFFFFD0];
	v17 =	vpop (erf)  }
0x18b: {  	v16 =	vmul.f32 v16, v30;
	v35 =	vperm.xlane v20, v2;
	v61 =	vunpack.i.l.bf16.f32 v26;
	[tilespmem:s20+$0xFFFFFF70] =	vst v17  }
0x18c: {  	v36 =	vperm.xlane v20, v3;
	v10 =	vmul.f32 v10, v61;
	[tilespmem:s4+$0xFFFFFF30] =	vst v52;
	v57 =	vunpack.i.l.bf16.f32 v29;
	v56 =	vld [tilespmem:s2+$0xFFFFFF90]  }
0x18d: {  	v19 =	vperm.xlane v19, v7;
	[tilespmem:s4+$0xFFFFFF40] =	vst v16;
	v59 =	vunpack.i.u.bf16.f32 v29;
	v32 =	vmul.f32 v35, v57  }
0x18e: {  	v60 =	vunpack.i.u.bf16.f32 v28;
	v29 =	vmul.f32 v36, v59;
	[tilespmem:s25+$0xFFFFFF50] =	vst v10;
	v53 =	vperm.xlane v27, v0  }
0x18f: {  	v55 =	vperm.xlane v27, v1;
	v19 =	vmul.f32 v19, v60;
	[tilespmem:s1+$0xFFFFFFA0] =	vst v32;
	v54 =	vunpack.i.l.bf16.f32 v34  }
0x190: {  	v38 =	vld [tilespmem:s19+$0xFFFFFFA0];
	[tilespmem:s1+$0xFFFFFFB0] =	vst v29;
	v62 =	vperm.xlane v17, v1;
	v34 =	vunpack.i.u.bf16.f32 v34;
	v30 =	vmul.f32 v53, v54  }
0x191: {  	v59 =	vld [tilespmem:s11+$0xFFFFFFC0];
	[tilespmem:s12+$0xFFFFFFF0] =	vst v19;
	v33 =	vperm.xlane v17, v0;
	v58 =	vmul.f32 v55, v34;
	v34 =	vunpack.i.u.bf16.f32 v56  }
0x192: {  	[tilespmem:s20+$0xFFFFFF80] =	vst v30;
	v31 =	vunpack.i.l.bf16.f32 v56;
	v29 =	vmul.f32 v62, v34  }
0x193: {  	v36 =	vunpack.i.u.bf16.f32 v26;
	v35 =	vld [tilespmem:s28+$0xFFFFFFF0];
	[tilespmem:s20+$0xFFFFFF90] =	vst v58;
	v37 =	vmul.f32 v33, v31  }
0x194: {  	v39 =	vunpack.i.l.bf16.f32 v28;
	v11 =	vmul.f32 v11, v36;
	v63 =	vld [tilespmem:s2+$0xFFFFFFE0];
	[tilespmem:s20+$0xFFFFFF00] =	vst v29  }
0x195: {  	v21 =	vmul.f32 v21, v39;
	v50 =	vunpack.i.l.bf16.f32 v38;
	[tilespmem:s20+$0xFFFFFEF0] =	vst v37  }
0x196: {  	[tilespmem:s25+$0xFFFFFF60] =	vst v11;
	v52 =	vmul.f32 v22, v50;
	v36 =	vunpack.i.l.bf16.f32 v59;
	v44 =	vld [tilespmem:s2+$0xFFFFFFA0]  }
0x197: {  	v43 =	vperm.xlane v20, v4;
	v16 =	vunpack.i.u.bf16.f32 v38;
	[tilespmem:s12+$0xFFFFFFE0] =	vst v21;
	v9 =	vmul.f32 v9, v36  }
0x198: {  	v42 =	vperm.xlane v27, v3;
	[tilespmem:s1+$0xFFFFFF10] =	vst v52;
	v46 =	vunpack.i.l.bf16.f32 v35;
	v55 =	vmul.f32 v24, v16  }
0x199: {  	v48 =	vld [tilespmem:s10+$0xFFFFFFB0];
	v40 =	vperm.xlane v27, v2;
	[tilespmem:s4+$0xFFFFFF50] =	vst v9;
	v11 =	vmul.f32 v43, v46;
	v45 =	vunpack.i.u.bf16.f32 v63  }
0x19a: {  	v51 =	vperm.xlane v17, v2;
	[tilespmem:s1+$0xFFFFFF20] =	vst v55;
	v41 =	vunpack.i.l.bf16.f32 v63;
	v28 =	vmul.f32 v42, v45  }
0x19b: {  	v54 =	vperm.xlane v17, v3;
	[tilespmem:s1+$0xFFFFFFC0] =	vst v11;
	v10 =	vmul.f32 v40, v41;
	v56 =	vunpack.i.l.bf16.f32 v44  }
0x19c: {  	v47 =	vperm.xlane v20, v5;
	[tilespmem:s20+$0xFFFFFFB0] =	vst v28;
	v28 =	vld [tilespmem:s28+$0xFFFFFFB0];
	v58 =	vunpack.i.u.bf16.f32 v44;
	v16 =	vmul.f32 v51, v56  }
0x19d: {  	v19 =	vunpack.i.u.bf16.f32 v35;
	[tilespmem:s20+$0xFFFFFFA0] =	vst v10;
	v61 =	vmul.f32 v54, v58  }
0x19e: {  	v49 =	vmul.f32 v47, v19;
	v62 =	vunpack.i.u.bf16.f32 v48;
	v53 =	vld [tilespmem:s2+$0xFFFFFFF0];
	[tilespmem:s20+$0xFFFFFF10] =	vst v16  }
0x19f: {  	v60 =	vunpack.i.l.bf16.f32 v48;
	v11 =	vmul.f32 v18, v62;
	[tilespmem:s20+$0xFFFFFF20] =	vst v61  }
0x1a0: {  	v47 =	vunpack.i.u.bf16.f32 v59;
	[tilespmem:s1+$0xFFFFFFD0] =	vst v49;
	v63 =	vmul.f32 v23, v60;
	v33 =	vld [tilespmem:s2+$0xFFFFFFB0]  }
0x1a1: {  	v8 =	vmul.f32 v8, v47;
	v37 =	vperm.xlane v14, v5;
	[tilespmem:s12+$0xFFFFFF40] =	vst v11;
	v38 =	vunpack.i.l.bf16.f32 v28  }
0x1a2: {  	v57 =	vld [tilespmem:s28+$0x0];
	v29 =	vperm.xlane v27, v4;
	[tilespmem:s12+$0xFFFFFF30] =	vst v63;
	v41 =	vunpack.i.u.bf16.f32 v28;
	v11 =	vmul.f32 v25, v38  }
0x1a3: {  	v31 =	vperm.xlane v27, v5;
	[tilespmem:s4+$0xFFFFFF60] =	vst v8;
	v43 =	vld [tilespmem:s10+$0xFFFFFFC0];
	v30 =	vunpack.i.l.bf16.f32 v53;
	v44 =	vmul.f32 v37, v41  }
0x1a4: {  	v39 =	vperm.xlane v17, v4;
	v19 =	vunpack.i.u.bf16.f32 v53;
	v16 =	vmul.f32 v29, v30;
	[tilespmem:s1+$0xFFFFFF30] =	vst v11  }
0x1a5: {  	v42 =	vperm.xlane v17, v5;
	v35 =	vmul.f32 v31, v19;
	[tilespmem:s1+$0xFFFFFF40] =	vst v44;
	v45 =	vunpack.i.l.bf16.f32 v33  }
0x1a6: {  	v32 =	vperm.xlane v20, v7;
	[tilespmem:s20+$0xFFFFFFC0] =	vst v16;
	v51 =	vld [tilespmem:s28+$0xFFFFFFC0];
	v46 =	vunpack.i.u.bf16.f32 v33;
	v16 =	vmul.f32 v39, v45  }
0x1a7: {  	v34 =	vunpack.i.u.bf16.f32 v57;
	[tilespmem:s20+$0xFFFFFFD0] =	vst v35;
	v48 =	vmul.f32 v42, v46  }
0x1a8: {  	v10 =	vmul.f32 v32, v34;
	v8 =	vunpack.i.l.bf16.f32 v43;
	v40 =	vld [tilespmem:s2+$0x0];
	[tilespmem:s20+$0xFFFFFF30] =	vst v16  }
0x1a9: {  	v56 =	vunpack.i.u.bf16.f32 v43;
	v8 =	vmul.f32 v12, v8;
	[tilespmem:s20+$0xFFFFFF40] =	vst v48  }
0x1aa: {  	v49 =	vunpack.i.l.bf16.f32 v57;
	v57 =	vperm.xlane v14, v6;
	[tilespmem:s1+$0xFFFFFFF0] =	vst v10;
	v58 =	vmul.f32 v13, v56;
	v54 =	vld [tilespmem:s2+$0xFFFFFFC0]  }
0x1ab: {  	v59 =	vperm.xlane v14, v7;
	v11 =	vmul.f32 v15, v49;
	[tilespmem:s12+$0xFFFFFF50] =	vst v8;
	v8 =	vunpack.i.l.bf16.f32 v51  }
0x1ac: {  	v55 =	vperm.xlane v27, v6;
	[tilespmem:s12+$0xFFFFFF60] =	vst v58;
	v61 =	vunpack.i.u.bf16.f32 v51;
	v8 =	vmul.f32 v57, v8  }
0x1ad: {  	v50 =	vperm.xlane v27, v7;
	[tilespmem:s1+$0xFFFFFFE0] =	vst v11;
	v10 =	vunpack.i.l.bf16.f32 v40;
	v9 =	vmul.f32 v59, v61  }
0x1ae: {  	v60 =	vperm.xlane v17, v6;
	v52 =	vunpack.i.u.bf16.f32 v40;
	v10 =	vmul.f32 v55, v10;
	[tilespmem:s1+$0xFFFFFF50] =	vst v8  }
0x1af: {  	v62 =	vperm.xlane v17, v7;
	v53 =	vmul.f32 v50, v52;
	[tilespmem:s1+$0xFFFFFF60] =	vst v9;
	v63 =	vunpack.i.l.bf16.f32 v54  }
.Ltmp5:
0x1b0: {  	[tilespmem:s20+$0xFFFFFFE0] =	vst v10;
	v8 =	vunpack.i.u.bf16.f32 v54;
	v10 =	vmul.f32 v60, v63;
	(pc) =	sbr.rel @p2 .LBB2_20-.Ltmp5, $4  }
0x1b1: {  	[tilespmem:s20+$0xFFFFFFF0] =	vst v53;
	v8 =	vmul.f32 v62, v8  }
0x1b2: {  	[tilespmem:s20+$0xFFFFFF50] =	vst v10  }
0x1b3: {  	s30 =	rddreg [dreg:$0x2];
	s25 =	sadd.s32 $0x40, s15;
	s28 =	simm.s32 $0x6D00;
	[tilespmem:s20+$0xFFFFFF60] =	vst v8  }
0x1b4: {  	[spmem:s30] =	stream.indirect.scatter.add.f32 [tilespmem:s28], [sflag:$0x8], $0x90, s25, s29, $0xb8;
	[tilespmem:$0x1F900] =	vst v63  }
0x1b5: {  	s1 =	sadd.s32 $0xC0, s3  }
0x1b6: {  	s21 =	simm.s32 $0x2900;
	s2 =	sadd.s32 s1, s13  }
0x1b7: {  	[tilespmem:s21], [sflag:$0x4] =	stream.indirect.gather [hbm4b:s7+s29], $0x40, s2, s29, $0xb8;
	[tilespmem:$0x1F900] =	vst v63  }
.Ltmp6:
0x1b8: {  	_ = 	snop;
	(pc) =	sbr.rel .LBB2_14-.Ltmp6, $4  }
0x1b9: {  	s25 =	simm.s32 $0x3D00  }
0x1ba: {  	[tilespmem:s25], [sflag:$0x5] =	stream.indirect.gather [hbm4b:s8+s29], $0x10, s2, s29, $0xb8;
	[tilespmem:$0x1F900] =	vst v63  }
0x1bb: {  	s28 =	simm.s32 $0x4500;
	s0 =	sadd.s32 $0x1, s0;
	s1 =	sadd.s32 s1, s31  }
0x1bc: {  	[tilespmem:s28], [sflag:$0x6] =	stream.indirect.gather [hbm4b:s9+s29], $0x10, s1, s29, $0xb8;
	[tilespmem:$0x1F900] =	vst v63  }
.LBB2_20:
.Ltmp7:
0x1bd: {  	(pc) =	sbr.rel @p1 .LBB2_22-.Ltmp7, $1  }
0x1be: {  	_ =	sdelay $0x3  }
0x1bf: {  	s0 =	simm.s32 $0x9  }
0x1c0: {  	_ =	swait.ge [sflag:s0], $0x500  }
0x1c1: {  	[sflag:s0] =	ssyncset.done $0x0  }
0x1c2: {  	s1 =	simm.s32 $0xA;
	[sflag:s0] =	ssyncadd.s32 $0xFFFFFB00  }
0x1c3: {  	_ =	swait.ge [sflag:s1], $0x500  }
0x1c4: {  	s19 =	rddreg [dreg:$0x18]  }
0x1c5: {  	s0 =	smul.u32 $0x1400, s19  }
0x1c6: {  	s20 =	simm.s32 $0x1900;
	[sflag:s1] =	ssyncset.done $0x0;
	s21 =	rddreg [dreg:$0x1a]  }
0x1c7: {  	[sflag:s1] =	ssyncadd.s32 $0xFFFFFB00;
	s1 =	smul.u32 $0x1400, s21;
	s0 =	sshrl.u32 s0, $0x2  }
0x1c8: {  	[tilespmem:s20], [sflag:$0x1] =	stream.indirect.gather [hbm4b:s7+s29], $0x40, s0, s29, $0xb8;
	[tilespmem:$0x1F900] =	vst v63  }
0x1c9: {  	s2 =	simm.s32 $0x3900;
	s1 =	sshrl.u32 s1, $0x2  }
0x1ca: {  	[tilespmem:s2], [sflag:$0x2] =	stream.indirect.gather [hbm4b:s8+s29], $0x10, s0, s29, $0xb8;
	[tilespmem:$0x1F900] =	vst v63  }
0x1cb: {  	s3 =	simm.s32 $0x4100;
	s25 =	sadd.s32 $0xA00, s1  }
0x1cc: {  	[tilespmem:s3], [sflag:$0x3] =	stream.indirect.gather [hbm4b:s9+s29], $0x10, s25, s29, $0xb8;
	[tilespmem:$0x1F900] =	vst v63  }
.Ltmp8:
0x1cd: {  	s28 =	simm.s32 $0x2900;
	s0 =	sor.u32 $0x40, s0;
	(pc) =	sbr.rel .LBB2_13-.Ltmp8, $4  }
0x1ce: {  	[tilespmem:s28], [sflag:$0x4] =	stream.indirect.gather [hbm4b:s7+s29], $0x40, s0, s29, $0xb8;
	[tilespmem:$0x1F900] =	vst v63  }
0x1cf: {  	s31 =	simm.s32 $0x3D00  }
0x1d0: {  	[tilespmem:s31], [sflag:$0x5] =	stream.indirect.gather [hbm4b:s8+s29], $0x10, s0, s29, $0xb8;
	[tilespmem:$0x1F900] =	vst v63  }
0x1d1: {  	s4 =	rddreg [dreg:$0x16];
	s0 =	sadd.s32 $0xA40, s1  }
.LBB2_2:
0x1d2: {  	s0 =	rddreg [dreg:$0xe]  }
0x1d3: {  	[tilespmem:s4], [sflag:$0xB] =	stream.linear.gather [hbm4b:s0+s4], $0x500, $0x38;
	[tilespmem:$0x1F900] =	vst v63  }
0x1d4: {  	_ =	swait.ge [sflag:s1], $0x500  }
0x1d5: {  	[sflag:s1] =	ssyncset.done $0x0  }
0x1d6: {  	s2 =	simm.s32 $0xA00;
	s13 =	rddreg [dreg:$0xf];
	[sflag:s1] =	ssyncadd.s32 $0xFFFFFB00  }
0x1d7: {  	[tilespmem:s2], [sflag:$0xB] =	stream.linear.gather [hbm4b:s13+s4], $0x500, $0x38;
	[tilespmem:$0x1F900] =	vst v63  }
0x1d8: {  	_ =	swait.ge [sflag:s1], $0x500  }
0x1d9: {  	[sflag:s1] =	ssyncset.done $0x0  }
0x1da: {  	s3 =	simm.s32 $0x4900;
	s15 =	rddreg [dreg:$0x9];
	[sflag:s1] =	ssyncadd.s32 $0xFFFFFB00  }
0x1db: {  	[tilespmem:s3], [sflag:$0xB] =	stream.linear.gather [hbm4b:s15+s4], $0x2400, $0x38;
	[tilespmem:$0x1F900] =	vst v63  }
0x1dc: {  	_ =	swait.ge [sflag:s1], $0x2400  }
0x1dd: {  	[sflag:s1] =	ssyncset.done $0x0  }
0x1de: {  	[sflag:s1] =	ssyncadd.s32 $0xFFFFDC00  }
0x1df: {  	[spmem:s30] =	stream.indirect.scatter.add.f32 [tilespmem:s3], [sflag:$0x7], $0x90, s2, s29, $0xb8;
	[tilespmem:$0x1F900] =	vst v63  }
0x1e0: {  	s19 =	simm.s32 $0x6D00  }
0x1e1: {  	[tilespmem:s19], [sflag:$0xB] =	stream.linear.gather [hbm4b:s15+s4], $0x2400, $0x38;
	[tilespmem:$0x1F900] =	vst v63  }
0x1e2: {  	_ =	swait.ge [sflag:s1], $0x2400  }
0x1e3: {  	[sflag:s1] =	ssyncset.done $0x0  }
0x1e4: {  	s0 =	simm.s32 $0xA40;
	[sflag:s1] =	ssyncadd.s32 $0xFFFFDC00  }
0x1e5: {  	[spmem:s30] =	stream.indirect.scatter.add.f32 [tilespmem:s19], [sflag:$0x8], $0x90, s0, s29, $0xb8;
	[tilespmem:$0x1F900] =	vst v63  }
0x1e6: {  	s20 =	simm.s32 $0x1900;
	s1 =	rddreg [dreg:$0x0]  }
0x1e7: {  	[tilespmem:s20], [sflag:$0x1] =	stream.indirect.gather [hbm4b:s1+s29], $0x40, s4, s29, $0xb8;
	[tilespmem:$0x1F900] =	vst v63  }
0x1e8: {  	s21 =	simm.s32 $0x3900  }
0x1e9: {  	[tilespmem:s21], [sflag:$0x2] =	stream.indirect.gather [hbm4b:s5+s29], $0x10, s4, s29, $0xb8;
	[tilespmem:$0x1F900] =	vst v63  }
0x1ea: {  	s25 =	simm.s32 $0x4100  }
0x1eb: {  	[tilespmem:s25], [sflag:$0x3] =	stream.indirect.gather [hbm4b:s6+s29], $0x10, s2, s29, $0xb8;
	[tilespmem:$0x1F900] =	vst v63  }
0x1ec: {  	s28 =	simm.s32 $0x2900  }
0x1ed: {  	[tilespmem:s28], [sflag:$0x4] =	stream.indirect.gather [hbm4b:s1+s29], $0x40, s29, s29, $0xb8;
	[tilespmem:$0x1F900] =	vst v63  }
0x1ee: {  	s31 =	simm.s32 $0x3D00  }
0x1ef: {  	[tilespmem:s31], [sflag:$0x5] =	stream.indirect.gather [hbm4b:s5+s29], $0x10, s29, s29, $0xb8;
	[tilespmem:$0x1F900] =	vst v63  }
.LBB2_3:
0x1f0: {  	s2 =	smul.u32 $0xAB, s4;
	s3 =	simm.s32 $0x4500;
	s10 =	sadd.s32 $0x1, s4  }
0x1f1: {  	[tilespmem:s3], [sflag:$0x6] =	stream.indirect.gather [hbm4b:s6+s29], $0x10, s0, s29, $0xb8;
	[tilespmem:$0x1F900] =	vst v63  }
0x1f2: {  	p1 =	seq.s32 s4, $0xF;
	s25 =	sadd.s32 $0xAB, s2;
	s2 =	sshrl.u32 s2, $0x9  }
0x1f3: {  	s3 =	smul.u32 @!p1 $0x500, s10;
	s0 =	sshrl.u32 s25, $0x9;
	s2 =	sand.u32 $0x7F, s2  }
0x1f4: {  	s1 =	smov.u32 s4;
	s0 =	sand.u32 $0x7F, s0;
	s2 =	smul.u32 $0x3, s2  }
0x1f5: {  	s4 =	sand.u32 $0x1, s10;
	[dreg:$0x15] =	wrdreg s10;
	s0 =	smul.u32 $0x3, s0  }
0x1f6: {  	[dreg:$0x17] =	wrdreg s4;
	s4 =	smul.u32 @!p1 $0x1400, s4;
	s28 =	ssub.s32 s1, s2  }
0x1f7: {  	s1 =	sand.u32 $0x1, s1;
	s0 =	ssub.s32 s10, s0;
	s10 =	rddreg [dreg:$0xa]  }
0x1f8: {  	s3 =	sadd.s32 @!p1 s10, s3;
	s11 =	sand.u32 $0xFF, s0;
	s0 =	sshrl.u32 @!p1 s4, $0x2  }
0x1f9: {  	s4 =	rddreg [dreg:$0x5];
	s10 =	simm.s32 @!p1 $0x0;
	s3 =	sshrl.u32 @!p1 s3, $0x3  }
0x1fa: {  	[dreg:$0x19] =	wrdreg s11;
	s11 =	smul.u32 @!p1 $0x1400, s11;
	s4 =	sadd.s32 @!p1 s4, s3  }
0x1fb: {  	[tilespmem:s0], [sflag:$0x9] =	stream.linear.gather @!p1 [hbm4b:s4+s10], $0x500, $0x38;
	[tilespmem:$0x1F900] =	vst v63  }
0x1fc: {  	s2 =	sshrl.u32 @!p1 s11, $0x2;
	s0 =	sand.u32 $0xFF, s28;
	s4 =	rddreg [dreg:$0x6]  }
0x1fd: {  	s2 =	sadd.s32 @!p1 $0xA00, s2;
	s3 =	sadd.s32 @!p1 s4, s3;
	s0 =	smul.u32 $0x1400, s0  }
0x1fe: {  	[tilespmem:s2], [sflag:$0xA] =	stream.linear.gather @!p1 [hbm4b:s3+s10], $0x500, $0x38;
	[tilespmem:$0x1F900] =	vst v63  }
0x1ff: {  	s13 =	simm.s32 $0x500;
	p2 =	seq.s32 s1, $0x1;
	s0 =	sshrl.u32 s0, $0x2  }
0x200: {  	s13 =	simm.s32 @!p2 $0x0;
	s31 =	sadd.s32 $0xA00, s0;
	s0 =	simm.s32 $0x0  }
.LBB2_4:
0x201: {  	_ =	swait.ge [sflag:s22], $0x1000  }
0x202: {  	[sflag:s22] =	ssyncset.done $0x0  }
0x203: {  	[sflag:s22] =	ssyncadd.s32 $0xFFFFF000  }
0x204: {  	_ =	swait.ge [sflag:s16], $0x400  }
0x205: {  	[sflag:s16] =	ssyncset.done $0x0  }
0x206: {  	[sflag:s16] =	ssyncadd.s32 $0xFFFFFC00  }
0x207: {  	_ =	swait.ge [sflag:s17], $0x400  }
0x208: {  	[sflag:s17] =	ssyncset.done $0x0  }
0x209: {  	[sflag:s17] =	ssyncadd.s32 $0xFFFFFC00  }
0x20a: {  	_ =	swait.ge [sflag:s23], $0x2400  }
0x20b: {  	[sflag:s23] =	ssyncset.done $0x0  }
0x20c: {  	s1 =	simm.s32 $0x3910;
	[sflag:s23] =	ssyncadd.s32 $0xFFFFDC00  }
0x20d: {  	s2 =	simm.s32 $0x4110;
	v8 =	vld [tilespmem:s1+$0x0]  }
0x20e: {  	v9 =	vld [tilespmem:s2+$0x0];
	_ =	sdelay $0x4  }
0x20f: {  	v8 =	vadd.f32 v9, v8;
	_ =	sdelay $0x1  }
0x210: {  	v9 =	vmul.f32 $2.000000030e-01, v8;
	_ =	sdelay $0x1  }
0x211: {  	v10 =	vld [tilespmem:s1+$0xFFFFFFF0];
	v8 =	vmax.f32 v8, v9  }
0x212: {  	v9 =	vld [tilespmem:s2+$0xFFFFFFF0];
	v8 =	vmul.f32 $1.442695020e+00, v8;
	_ =	sdelay $0x1  }
0x213: {  	(erf) = vpow2.f32 v8;
	_ =	sdelay $0x2  }
0x214: {  	s3 =	simm.s32 $0x4130;
	v8 =	vadd.f32 v9, v10  }
0x215: {  	s15 =	simm.s32 $0x3930;
	v11 =	vld [tilespmem:s3+$0x0]  }
0x216: {  	v9 =	vld [tilespmem:s15+$0x0];
	v10 =	vmul.f32 $2.000000030e-01, v8;
	_ =	sdelay $0x1  }
0x217: {  	v8 =	vmax.f32 v8, v10  }
0x218: {  	v8 =	vmul.f32 $1.442695020e+00, v8  }
0x219: {  	s4 =	simm.s32 $0x4990;
	v10 =	vld [tilespmem:s3+$0xFFFFFFF0];
	v15 =	vpop (erf)  }
0x21a: {  	s1 =	simm.s32 $0x1940;
	(erf) = vpow2.f32 v8;
	v8 =	vadd.f32 v11, v9;
	v11 =	vld [tilespmem:s15+$0xFFFFFFF0];
	[tilespmem:s4+$0x80] =	vst v15  }
0x21b: {  	v9 =	vld [tilespmem:s1+$0x0]  }
0x21c: {  	v12 =	vmul.f32 $2.000000030e-01, v8;
	_ =	sdelay $0x1  }
0x21d: {  	v8 =	vmax.f32 v8, v12  }
0x21e: {  	v12 =	vperm.xlane v15, v0;
	v8 =	vmul.f32 $1.442695020e+00, v8  }
0x21f: {  	v14 =	vperm.xlane v15, v1;
	v10 =	vadd.f32 v10, v11;
	v13 =	vunpack.i.l.bf16.f32 v9  }
0x220: {  	v9 =	vunpack.i.u.bf16.f32 v9;
	(erf) = vpow2.f32 v8;
	v11 =	vmul.f32 v12, v13  }
0x221: {  	v8 =	vmul.f32 $2.000000030e-01, v10;
	v9 =	vmul.f32 v14, v9  }
0x222: {  	[tilespmem:s4+$0x0] =	vst v11  }
0x223: {  	v8 =	vmax.f32 v10, v8;
	[tilespmem:s4+$0x10] =	vst v9  }
0x224: {  	s19 =	simm.s32 $0x3950;
	v8 =	vmul.f32 $1.442695020e+00, v8;
	v9 =	vld [tilespmem:s1+$0x10]  }
0x225: {  	s20 =	simm.s32 $0x4150;
	v18 =	vperm.xlane v15, v6;
	v12 =	vld [tilespmem:s19+$0x0]  }
0x226: {  	v16 =	vperm.xlane v15, v2;
	v11 =	vpop (erf);
	(erf) = vpow2.f32 v8;
	v8 =	vld [tilespmem:s20+$0x0]  }
0x227: {  	v17 =	vld [tilespmem:s20+$0xFFFFFFF0];
	v22 =	vperm.xlane v15, v3;
	[tilespmem:s4+$0xFFFFFFF0] =	vst v11;
	v14 =	vperm.xlane v11, v0  }
0x228: {  	v19 =	vperm.xlane v11, v1;
	v23 =	vperm.xlane v11, v2;
	v10 =	vld [tilespmem:s1+$0xFFFFFFC0]  }
0x229: {  	v21 =	vld [tilespmem:s19+$0xFFFFFFF0];
	v24 =	vperm.xlane v11, v3;
	v20 =	vunpack.i.l.bf16.f32 v9;
	v9 =	vunpack.i.u.bf16.f32 v9  }
0x22a: {  	v13 =	vpop (erf);
	v16 =	vmul.f32 v16, v20;
	v9 =	vmul.f32 v22, v9  }
0x22b: {  	s3 =	simm.s32 $0x4AB0;
	v8 =	vadd.f32 v8, v12;
	v12 =	vperm.xlane v11, v5;
	v27 =	vperm.xlane v13, v1  }
0x22c: {  	[tilespmem:s3+$0x80] =	vst v13;
	v35 =	vperm.xlane v13, v3;
	v51 =	vperm.xlane v13, v5  }
0x22d: {  	s15 =	simm.s32 $0x19C0;
	v56 =	vperm.xlane v13, v7;
	v20 =	vunpack.i.u.bf16.f32 v10;
	v10 =	vunpack.i.l.bf16.f32 v10;
	[tilespmem:s4+$0x20] =	vst v16  }
0x22e: {  	v16 =	vld [tilespmem:s15+$0x0];
	[tilespmem:s4+$0x30] =	vst v9;
	v9 =	vadd.f32 v17, v21;
	v17 =	vmul.f32 $2.000000030e-01, v8;
	v19 =	vmul.f32 v19, v20  }
0x22f: {  	v20 =	vmul.f32 v14, v10;
	v14 =	vperm.xlane v11, v4  }
0x230: {  	v10 =	vperm.xlane v11, v6;
	v11 =	vperm.xlane v11, v7;
	v8 =	vmax.f32 v8, v17  }
0x231: {  	v21 =	vld [tilespmem:s1+$0x20];
	v25 =	vpop (erf);
	v26 =	vmul.f32 $2.000000030e-01, v9;
	v8 =	vmul.f32 $1.442695020e+00, v8  }
0x232: {  	v17 =	vperm.xlane v13, v0;
	[tilespmem:s3+$0xFFFFFFF0] =	vst v25;
	v31 =	vperm.xlane v25, v3  }
0x233: {  	[tilespmem:s4+$0xFFFFFF80] =	vst v19;
	v9 =	vmax.f32 v9, v26;
	v22 =	vunpack.i.l.bf16.f32 v16;
	(erf) = vpow2.f32 v8  }
0x234: {  	[tilespmem:s4+$0xFFFFFF70] =	vst v20;
	v19 =	vld [tilespmem:s15+$0xFFFFFFC0];
	v16 =	vunpack.i.u.bf16.f32 v16;
	v9 =	vmul.f32 $1.442695020e+00, v9;
	v17 =	vmul.f32 v17, v22  }
0x235: {  	v28 =	vld [tilespmem:s1+$0xFFFFFFD0];
	v22 =	vperm.xlane v15, v4;
	v16 =	vmul.f32 v27, v16  }
0x236: {  	v20 =	vunpack.i.l.bf16.f32 v21;
	v27 =	vperm.xlane v15, v5;
	v15 =	vperm.xlane v15, v7  }
0x237: {  	(erf) = vpow2.f32 v9;
	[tilespmem:s3+$0x0] =	vst v17;
	v17 =	vmul.f32 v22, v20  }
0x238: {  	v8 =	vunpack.i.u.bf16.f32 v21;
	v22 =	vperm.xlane v13, v6;
	[tilespmem:s3+$0x10] =	vst v16;
	v16 =	vperm.xlane v25, v1  }
0x239: {  	s10 =	simm.s32 $0x4170;
	v8 =	vmul.f32 v27, v8;
	v20 =	vperm.xlane v25, v2;
	v21 =	vunpack.i.u.bf16.f32 v19;
	v26 =	vld [tilespmem:s15+$0x10]  }
0x23a: {  	s21 =	simm.s32 $0x3970;
	v32 =	vld [tilespmem:s10+$0xFFFFFFF0];
	v9 =	vunpack.i.u.bf16.f32 v28;
	[tilespmem:s4+$0x40] =	vst v17;
	v17 =	vperm.xlane v25, v0;
	v27 =	vmul.f32 v16, v21  }
0x23b: {  	[tilespmem:s4+$0x50] =	vst v8;
	v8 =	vunpack.i.l.bf16.f32 v19;
	v21 =	vld [tilespmem:s21+$0x0];
	v24 =	vmul.f32 v24, v9;
	v16 =	vperm.xlane v25, v5  }
0x23c: {  	v9 =	vperm.xlane v25, v6;
	v29 =	vld [tilespmem:s1+$0x30];
	v30 =	vmul.f32 v17, v8;
	v8 =	vunpack.i.l.bf16.f32 v28  }
0x23d: {  	v28 =	vld [tilespmem:s10+$0x0];
	v23 =	vmul.f32 v23, v8;
	v8 =	vperm.xlane v13, v2  }
0x23e: {  	v33 =	vld [tilespmem:s21+$0xFFFFFFF0];
	v17 =	vperm.xlane v25, v4;
	v34 =	vunpack.i.l.bf16.f32 v26;
	[tilespmem:s3+$0xFFFFFF70] =	vst v30;
	v30 =	vperm.xlane v13, v4  }
0x23f: {  	v19 =	vpop (erf);
	v26 =	vunpack.i.u.bf16.f32 v26;
	v34 =	vmul.f32 v8, v34;
	v8 =	vperm.xlane v25, v7  }
0x240: {  	s11 =	simm.s32 $0x4BD0;
	v25 =	vmul.f32 v35, v26;
	v37 =	vperm.xlane v19, v0  }
0x241: {  	s12 =	simm.s32 $0x1A40;
	[tilespmem:s11+$0x80] =	vst v19;
	v38 =	vperm.xlane v19, v1;
	v55 =	vperm.xlane v19, v3  }
0x242: {  	v63 =	vperm.xlane v19, v5;
	v36 =	vunpack.i.u.bf16.f32 v29;
	v26 =	vadd.f32 v28, v21;
	v28 =	vld [tilespmem:s12+$0x0];
	[tilespmem:s3+$0x20] =	vst v34  }
0x243: {  	v29 =	vunpack.i.l.bf16.f32 v29;
	v15 =	vmul.f32 v15, v36;
	[tilespmem:s3+$0x30] =	vst v25;
	v25 =	vadd.f32 v32, v33  }
0x244: {  	v46 =	vpop (erf);
	v21 =	vperm.xlane v19, v6;
	v18 =	vmul.f32 v18, v29;
	v48 =	vld [tilespmem:s15+$0x20]  }
0x245: {  	[tilespmem:s11+$0xFFFFFFF0] =	vst v46;
	v29 =	vmul.f32 $2.000000030e-01, v26;
	v50 =	vmul.f32 $2.000000030e-01, v25  }
0x246: {  	[tilespmem:s3+$0xFFFFFF80] =	vst v27;
	v47 =	vperm.xlane v46, v0;
	v49 =	vperm.xlane v46, v1;
	v27 =	vld [tilespmem:s12+$0xFFFFFFC0]  }
0x247: {  	[tilespmem:s4+$0xFFFFFF90] =	vst v23;
	v23 =	vld [tilespmem:s15+$0xFFFFFFD0];
	v26 =	vmax.f32 v26, v29;
	v25 =	vmax.f32 v25, v50;
	v29 =	vunpack.i.l.bf16.f32 v28  }
0x248: {  	v26 =	vmul.f32 $1.442695020e+00, v26;
	v28 =	vunpack.i.u.bf16.f32 v28;
	v29 =	vmul.f32 v37, v29  }
0x249: {  	[tilespmem:s4+$0xFFFFFFA0] =	vst v24;
	v25 =	vmul.f32 $1.442695020e+00, v25;
	v28 =	vmul.f32 v38, v28;
	v24 =	vunpack.i.l.bf16.f32 v48  }
0x24a: {  	s25 =	simm.s32 $0x3990;
	(erf) = vpow2.f32 v26;
	v26 =	vld [tilespmem:s1+$0xFFFFFFE0];
	v24 =	vmul.f32 v30, v24;
	[tilespmem:s11+$0x0] =	vst v29;
	v29 =	vunpack.i.u.bf16.f32 v48  }
0x24b: {  	v54 =	vld [tilespmem:s25+$0xFFFFFFF0];
	v30 =	vunpack.i.u.bf16.f32 v27;
	v27 =	vunpack.i.l.bf16.f32 v27;
	[tilespmem:s11+$0x10] =	vst v28;
	v28 =	vmul.f32 v51, v29  }
0x24c: {  	v29 =	vmul.f32 v49, v30;
	[tilespmem:s3+$0x40] =	vst v24;
	v24 =	vmul.f32 v47, v27;
	v27 =	vld [tilespmem:s12+$0x10];
	v30 =	vunpack.i.l.bf16.f32 v23  }
0x24d: {  	s19 =	simm.s32 $0x4190;
	v52 =	vperm.xlane v46, v2;
	v20 =	vmul.f32 v20, v30;
	v30 =	vld [tilespmem:s25+$0x0];
	[tilespmem:s3+$0x50] =	vst v28  }
0x24e: {  	v53 =	vperm.xlane v46, v3;
	(erf) = vpow2.f32 v25;
	[tilespmem:s11+$0xFFFFFF80] =	vst v29;
	v29 =	vld [tilespmem:s19+$0xFFFFFFF0]  }
0x24f: {  	v13 =	vperm.xlane v46, v7;
	[tilespmem:s4+$0x70] =	vst v15;
	v25 =	vunpack.i.u.bf16.f32 v23;
	v28 =	vld [tilespmem:s15+$0x30];
	v15 =	vunpack.i.l.bf16.f32 v26  }
0x250: {  	[tilespmem:s4+$0x60] =	vst v18;
	v25 =	vmul.f32 v31, v25;
	v31 =	vmul.f32 v14, v15;
	v14 =	vld [tilespmem:s19+$0x0]  }
0x251: {  	v18 =	vperm.xlane v46, v5;
	[tilespmem:s11+$0xFFFFFF70] =	vst v24;
	v15 =	vperm.xlane v19, v2  }
0x252: {  	v23 =	vperm.xlane v46, v4;
	[tilespmem:s3+$0xFFFFFFA0] =	vst v25;
	v26 =	vunpack.i.u.bf16.f32 v26;
	v24 =	vunpack.i.l.bf16.f32 v27  }
0x253: {  	s20 =	simm.s32 $0x4CF0;
	[tilespmem:s3+$0xFFFFFF90] =	vst v20;
	v57 =	vld [tilespmem:s12+$0xFFFFFFD0];
	v26 =	vmul.f32 v12, v26;
	v15 =	vmul.f32 v15, v24;
	v24 =	vunpack.i.u.bf16.f32 v27;
	v20 =	vpop (erf)  }
0x254: {  	s25 =	simm.s32 $0x1AC0;
	v12 =	vperm.xlane v46, v6;
	v24 =	vmul.f32 v55, v24;
	[tilespmem:s20+$0x80] =	vst v20  }
0x255: {  	v25 =	vadd.f32 v29, v54;
	v27 =	vunpack.i.u.bf16.f32 v28;
	[tilespmem:s11+$0x20] =	vst v15;
	v30 =	vadd.f32 v14, v30;
	v58 =	vld [tilespmem:s25+$0x0]  }
0x256: {  	v28 =	vunpack.i.l.bf16.f32 v28;
	v15 =	vperm.xlane v20, v6;
	v40 =	vperm.xlane v20, v1;
	[tilespmem:s11+$0x30] =	vst v24  }
0x257: {  	v14 =	vpop (erf);
	v24 =	vmul.f32 v22, v28;
	v59 =	vld [tilespmem:s12+$0x20];
	v28 =	vmul.f32 $2.000000030e-01, v30  }
0x258: {  	v61 =	vunpack.i.u.bf16.f32 v57;
	v27 =	vmul.f32 v56, v27;
	v39 =	vmul.f32 $2.000000030e-01, v25;
	[tilespmem:s20+$0xFFFFFFF0] =	vst v14  }
0x259: {  	[tilespmem:s4+$0xFFFFFFB0] =	vst v31;
	v32 =	vmul.f32 v53, v61;
	v31 =	vld [tilespmem:s25+$0xFFFFFFC0];
	v28 =	vmax.f32 v30, v28;
	v30 =	vperm.xlane v20, v0  }
0x25a: {  	[tilespmem:s4+$0xFFFFFFC0] =	vst v26;
	v29 =	vperm.xlane v14, v0;
	v26 =	vmul.f32 $1.442695020e+00, v28;
	v28 =	vunpack.i.l.bf16.f32 v58  }
0x25b: {  	[tilespmem:s3+$0x70] =	vst v27;
	v27 =	vunpack.i.u.bf16.f32 v58;
	v28 =	vmul.f32 v30, v28;
	v30 =	vperm.xlane v19, v4  }
0x25c: {  	v62 =	vld [tilespmem:s15+$0xFFFFFFE0];
	v60 =	vperm.xlane v14, v1;
	[tilespmem:s3+$0x60] =	vst v24;
	v24 =	vmul.f32 v40, v27;
	v27 =	vunpack.i.l.bf16.f32 v59  }
0x25d: {  	(erf) = vpow2.f32 v26;
	v26 =	vunpack.i.u.bf16.f32 v59;
	[tilespmem:s20+$0x0] =	vst v28;
	v27 =	vmul.f32 v30, v27  }
0x25e: {  	v25 =	vmax.f32 v25, v39;
	v28 =	vunpack.i.u.bf16.f32 v31;
	[tilespmem:s20+$0x10] =	vst v24;
	v30 =	vmul.f32 v63, v26;
	v26 =	vld [tilespmem:s1+$0xFFFFFFF0]  }
0x25f: {  	v25 =	vmul.f32 $1.442695020e+00, v25;
	v24 =	vunpack.i.l.bf16.f32 v31;
	v28 =	vmul.f32 v60, v28;
	[tilespmem:s11+$0x40] =	vst v27  }
0x260: {  	v22 =	vperm.xlane v14, v2;
	v31 =	vunpack.i.l.bf16.f32 v57;
	v27 =	vmul.f32 v29, v24;
	[tilespmem:s11+$0x50] =	vst v30;
	v29 =	vld [tilespmem:s25+$0x10]  }
0x261: {  	s28 =	simm.s32 $0x8;
	v33 =	vunpack.i.l.bf16.f32 v62;
	(erf) = vpow2.f32 v25;
	v31 =	vmul.f32 v52, v31;
	[tilespmem:s20+$0xFFFFFF80] =	vst v28;
	v28 =	vld [tilespmem:s12+$0x30]  }
0x262: {  	s21 =	simm.s32 $0x39B0;
	s10 =	simm.s32 $0x4CF0;
	v25 =	vperm.xlane v14, v4;
	s1 =	simm.s32 $0x1AC0;
	v24 =	vperm.xlane v14, v3;
	v30 =	vunpack.i.u.bf16.f32 v62;
	[tilespmem:s20+$0xFFFFFF70] =	vst v27  }
.LBB2_5:
0x263: {  	v27 =	vld [tilespmem:s21+$0x0];
	s19 =	sadd.s32 $0x20, s19;
	v38 =	vperm.xlane v14, v5;
	[tilespmem:s11+$0xFFFFFF90] =	vst v31;
	v31 =	vmul.f32 v17, v33;
	v33 =	vunpack.i.u.bf16.f32 v26;
	v17 =	vmovc v23  }
0x264: {  	v35 =	vperm.xlane v20, v2;
	v30 =	vmul.f32 v16, v30;
	v26 =	vunpack.i.l.bf16.f32 v26;
	v16 =	vmovc v18;
	v23 =	vld [tilespmem:s19+$0x0];
	[tilespmem:s11+$0xFFFFFFA0] =	vst v32  }
0x265: {  	v36 =	vperm.xlane v14, v6;
	v40 =	vperm.xlane v19, v7;
	v32 =	vld [tilespmem:s19+$0xFFFFFFF0];
	v37 =	vunpack.i.l.bf16.f32 v29;
	[tilespmem:s3+$0xFFFFFFB0] =	vst v31;
	v18 =	vmovc v38  }
0x266: {  	s20 =	sadd.s32 $0x120, s20;
	v31 =	vld [tilespmem:s21+$0xFFFFFFF0];
	v34 =	vpop (erf);
	v35 =	vmul.f32 v35, v37;
	v37 =	vperm.xlane v20, v3;
	v38 =	vunpack.i.u.bf16.f32 v28;
	[tilespmem:s3+$0xFFFFFFC0] =	vst v30  }
0x267: {  	v39 =	vperm.xlane v14, v7;
	v19 =	vmovc v20;
	v14 =	vunpack.i.u.bf16.f32 v29;
	[tilespmem:s20+$0x80] =	vst v34;
	v30 =	vld [tilespmem:s25+$0xFFFFFFD0];
	v29 =	vmul.f32 v40, v38  }
0x268: {  	v28 =	vunpack.i.l.bf16.f32 v28;
	v38 =	vperm.xlane v34, v6;
	s25 =	sadd.s32 $0x80, s25;
	v20 =	vmovc v34;
	[tilespmem:s10+$0x20] =	vst v35;
	v35 =	vmul.f32 v37, v14;
	v37 =	vld [tilespmem:s12+$0xFFFFFFE0]  }
0x269: {  	v33 =	vmul.f32 v11, v33;
	v23 =	vadd.f32 v23, v27;
	v27 =	vld [tilespmem:s25+$0x0];
	[tilespmem:s11+$0x70] =	vst v29;
	v29 =	vmul.f32 v10, v26  }
0x26a: {  	v21 =	vmul.f32 v21, v28;
	v10 =	vmov v9;
	v9 =	vmov v12;
	v14 =	vpop (erf);
	[tilespmem:s10+$0x30] =	vst v35;
	v26 =	vld [tilespmem:s15+$0xFFFFFFF0];
	s15 =	smov.u32 s12;
	s12 =	smov.u32 s1;
	s1 =	smov.u32 s25  }
0x26b: {  	s28 =	sadd.s32 $0x2, s28;
	v12 =	vmovc v36;
	v28 =	vadd.f32 v32, v31;
	v31 =	vmul.f32 $2.000000030e-01, v23;
	[tilespmem:s20+$0xFFFFFFF0] =	vst v14;
	v32 =	vperm.xlane v14, v0;
	v34 =	vld [tilespmem:s12+$0x20]  }
0x26c: {  	p2 =	slt.u32 s28, $0x3E;
	v11 =	vmovc v8;
	v36 =	vperm.xlane v14, v1;
	v40 =	vperm.xlane v14, v2;
	v35 =	vld [tilespmem:s25+$0xFFFFFFC0];
	v41 =	vunpack.i.u.bf16.f32 v30;
	[tilespmem:s4+$0xFFFFFFD0] =	vst v29  }
0x26d: {  	v8 =	vmovc v13;
	v29 =	vmul.f32 $2.000000030e-01, v28;
	v44 =	vmax.f32 v23, v31;
	v31 =	vperm.xlane v20, v0;
	[tilespmem:s4+$0xFFFFFFE0] =	vst v33;
	s4 =	smov.u32 s3;
	s3 =	smov.u32 s11;
	s11 =	smov.u32 s10  }
0x26e: {  	v13 =	vmovc v39;
	v42 =	vperm.xlane v20, v1;
	s10 =	smov.u32 s20;
	v33 =	vmul.f32 $1.442695020e+00, v44;
	v43 =	vunpack.i.l.bf16.f32 v27;
	[tilespmem:s3+$0x60] =	vst v21;
	v21 =	vmovc v15  }
0x26f: {  	v39 =	vperm.xlane v19, v4;
	v23 =	vmovc v25;
	v27 =	vunpack.i.u.bf16.f32 v27;
	v15 =	vmovc v38;
	v31 =	vmul.f32 v31, v43  }
0x270: {  	v38 =	vperm.xlane v19, v5;
	v25 =	vmul.f32 v42, v27;
	v27 =	vunpack.i.l.bf16.f32 v34  }
0x271: {  	(erf) = vpow2.f32 v33;
	[tilespmem:s20+$0x0] =	vst v31;
	v31 =	vunpack.i.u.bf16.f32 v34;
	v27 =	vmul.f32 v39, v27  }
.Ltmp9:
0x272: {  	v28 =	vmax.f32 v28, v29;
	v29 =	vunpack.i.u.bf16.f32 v35;
	[tilespmem:s20+$0x10] =	vst v25;
	v25 =	vmul.f32 v38, v31;
	(pc) =	sbr.rel @p2 .LBB2_5-.Ltmp9, $4  }
0x273: {  	v28 =	vmul.f32 $1.442695020e+00, v28;
	v31 =	vunpack.i.l.bf16.f32 v35;
	v33 =	vmul.f32 v36, v29;
	[tilespmem:s11+$0x40] =	vst v27  }
0x274: {  	v30 =	vunpack.i.l.bf16.f32 v30;
	v34 =	vperm.xlane v14, v3;
	v27 =	vmul.f32 v32, v31;
	v29 =	vld [tilespmem:s25+$0x10];
	[tilespmem:s11+$0x50] =	vst v25  }
0x275: {  	v31 =	vmul.f32 v22, v30;
	v30 =	vunpack.i.u.bf16.f32 v37;
	v22 =	vmovc v40;
	(erf) = vpow2.f32 v28;
	[tilespmem:s20+$0xFFFFFF80] =	vst v33;
	v28 =	vld [tilespmem:s12+$0x30]  }
0x276: {  	s21 =	sadd.s32 $0x20, s21;
	v32 =	vmul.f32 v24, v41;
	v24 =	vmovc v34;
	v25 =	vperm.xlane v14, v4;
	v33 =	vunpack.i.l.bf16.f32 v37;
	[tilespmem:s20+$0xFFFFFF70] =	vst v27  }
0x277: {  	_ =	sdelay $0x2  }
0x278: {  	s19 =	sadd.s32 $0x120, s20;
	v27 =	vpop (erf)  }
0x279: {  	s2 =	sadd.s32 $0x80, s25;
	[tilespmem:s19+$0x80] =	vst v27  }
0x27a: {  	v34 =	vld [tilespmem:s2+$0x0];
	_ =	sdelay $0x2  }
0x27b: {  	[tilespmem:s11+$0xFFFFFF90] =	vst v31  }
0x27c: {  	v31 =	vmul.f32 v17, v33;
	[tilespmem:s11+$0xFFFFFFA0] =	vst v32;
	v61 =	vperm.xlane v27, v0;
	v17 =	vpop (erf)  }
0x27d: {  	v16 =	vmul.f32 v16, v30;
	v62 =	vperm.xlane v27, v1;
	[tilespmem:s19+$0xFFFFFFF0] =	vst v17;
	v30 =	vunpack.i.l.bf16.f32 v34  }
0x27e: {  	v35 =	vperm.xlane v20, v2;
	[tilespmem:s3+$0xFFFFFFB0] =	vst v31;
	v31 =	vld [tilespmem:s2+$0xFFFFFFC0];
	v34 =	vunpack.i.u.bf16.f32 v34;
	v30 =	vmul.f32 v61, v30  }
0x27f: {  	v36 =	vperm.xlane v20, v3;
	v63 =	vunpack.i.l.bf16.f32 v29;
	[tilespmem:s3+$0xFFFFFFC0] =	vst v16;
	v16 =	vmul.f32 v62, v34  }
0x280: {  	v19 =	vperm.xlane v19, v7;
	v29 =	vunpack.i.u.bf16.f32 v29;
	v32 =	vmul.f32 v35, v63;
	[tilespmem:s19+$0x0] =	vst v30  }
0x281: {  	v29 =	vmul.f32 v36, v29;
	v30 =	vunpack.i.u.bf16.f32 v28;
	[tilespmem:s19+$0x10] =	vst v16  }
0x282: {  	[tilespmem:s10+$0x20] =	vst v32;
	v16 =	vunpack.i.l.bf16.f32 v26;
	v19 =	vmul.f32 v19, v30;
	v30 =	vperm.xlane v17, v1;
	v40 =	vld [tilespmem:s2+$0x10]  }
0x283: {  	[tilespmem:s10+$0x30] =	vst v29;
	v10 =	vmul.f32 v10, v16;
	v16 =	vperm.xlane v17, v0;
	v29 =	vunpack.i.u.bf16.f32 v31  }
0x284: {  	v31 =	vunpack.i.l.bf16.f32 v31;
	[tilespmem:s11+$0x70] =	vst v19;
	v19 =	vld [tilespmem:s1+$0x20];
	v29 =	vmul.f32 v30, v29  }
0x285: {  	v26 =	vunpack.i.u.bf16.f32 v26;
	[tilespmem:s4+$0xFFFFFFD0] =	vst v10;
	v10 =	vmul.f32 v16, v31  }
0x286: {  	v28 =	vunpack.i.l.bf16.f32 v28;
	v11 =	vmul.f32 v11, v26;
	v26 =	vperm.xlane v27, v2;
	v16 =	vld [tilespmem:s25+$0xFFFFFFD0];
	[tilespmem:s19+$0xFFFFFF80] =	vst v29  }
0x287: {  	v21 =	vmul.f32 v21, v28;
	v28 =	vperm.xlane v27, v3;
	[tilespmem:s19+$0xFFFFFF70] =	vst v10;
	v10 =	vunpack.i.l.bf16.f32 v40  }
0x288: {  	[tilespmem:s4+$0xFFFFFFE0] =	vst v11;
	v11 =	vperm.xlane v20, v4;
	v29 =	vunpack.i.u.bf16.f32 v40;
	v10 =	vmul.f32 v26, v10;
	v26 =	vld [tilespmem:s2+$0xFFFFFFD0]  }
0x289: {  	[tilespmem:s11+$0x60] =	vst v21;
	v30 =	vperm.xlane v20, v5;
	v28 =	vmul.f32 v28, v29;
	v21 =	vunpack.i.l.bf16.f32 v19  }
0x28a: {  	v29 =	vld [tilespmem:s12+$0xFFFFFFE0];
	v19 =	vunpack.i.u.bf16.f32 v19;
	v11 =	vmul.f32 v11, v21;
	[tilespmem:s19+$0x20] =	vst v10  }
0x28b: {  	v10 =	vmul.f32 v30, v19;
	v19 =	vunpack.i.l.bf16.f32 v16;
	[tilespmem:s19+$0x30] =	vst v28  }
0x28c: {  	v21 =	vperm.xlane v17, v2;
	v16 =	vunpack.i.u.bf16.f32 v16;
	[tilespmem:s10+$0x40] =	vst v11;
	v11 =	vmul.f32 v22, v19;
	v19 =	vld [tilespmem:s2+$0x20]  }
0x28d: {  	v22 =	vperm.xlane v17, v3;
	[tilespmem:s10+$0x50] =	vst v10;
	v10 =	vmul.f32 v24, v16;
	v16 =	vunpack.i.l.bf16.f32 v26  }
0x28e: {  	v24 =	vld [tilespmem:s1+$0x30];
	[tilespmem:s10+$0xFFFFFF90] =	vst v11;
	v11 =	vunpack.i.u.bf16.f32 v26;
	v16 =	vmul.f32 v21, v16  }
0x28f: {  	v21 =	vld [tilespmem:s15+$0xFFFFFFF0];
	v26 =	vunpack.i.l.bf16.f32 v29;
	[tilespmem:s10+$0xFFFFFFA0] =	vst v10;
	v10 =	vmul.f32 v22, v11  }
0x290: {  	v11 =	vunpack.i.u.bf16.f32 v29;
	v22 =	vmul.f32 v23, v26;
	v23 =	vld [tilespmem:s1+$0xFFFFFFE0];
	v26 =	vperm.xlane v27, v4;
	[tilespmem:s19+$0xFFFFFF90] =	vst v16  }
0x291: {  	v11 =	vmul.f32 v18, v11;
	v18 =	vperm.xlane v27, v5;
	v16 =	vunpack.i.l.bf16.f32 v19;
	[tilespmem:s19+$0xFFFFFFA0] =	vst v10  }
0x292: {  	v10 =	vperm.xlane v20, v7;
	[tilespmem:s11+$0xFFFFFFB0] =	vst v22;
	v19 =	vunpack.i.u.bf16.f32 v19;
	v16 =	vmul.f32 v26, v16;
	v20 =	vld [tilespmem:s2+$0xFFFFFFE0]  }
0x293: {  	v22 =	vunpack.i.u.bf16.f32 v24;
	[tilespmem:s11+$0xFFFFFFC0] =	vst v11;
	v11 =	vmul.f32 v18, v19  }
0x294: {  	v18 =	vunpack.i.l.bf16.f32 v21;
	v10 =	vmul.f32 v10, v22;
	[tilespmem:s19+$0x40] =	vst v16  }
0x295: {  	v16 =	vperm.xlane v14, v5;
	v9 =	vmul.f32 v9, v18;
	[tilespmem:s19+$0x50] =	vst v11;
	v11 =	vunpack.i.l.bf16.f32 v23  }
0x296: {  	v18 =	vperm.xlane v17, v4;
	v19 =	vunpack.i.u.bf16.f32 v23;
	[tilespmem:s10+$0x70] =	vst v10;
	v10 =	vld [tilespmem:s2+$0x30];
	v11 =	vmul.f32 v25, v11  }
0x297: {  	v22 =	vperm.xlane v17, v5;
	v23 =	vld [tilespmem:s12+$0xFFFFFFF0];
	[tilespmem:s3+$0xFFFFFFD0] =	vst v9;
	v9 =	vmul.f32 v16, v19;
	v16 =	vunpack.i.l.bf16.f32 v20  }
0x298: {  	[tilespmem:s10+$0xFFFFFFB0] =	vst v11;
	v11 =	vunpack.i.u.bf16.f32 v20;
	v16 =	vmul.f32 v18, v16  }
0x299: {  	v18 =	vunpack.i.u.bf16.f32 v21;
	[tilespmem:s10+$0xFFFFFFC0] =	vst v9;
	v9 =	vmul.f32 v22, v11  }
0x29a: {  	v11 =	vunpack.i.l.bf16.f32 v24;
	v8 =	vmul.f32 v8, v18;
	v18 =	vperm.xlane v27, v7;
	v19 =	vld [tilespmem:s1+$0xFFFFFFF0];
	[tilespmem:s19+$0xFFFFFFB0] =	vst v16  }
0x29b: {  	v11 =	vmul.f32 v15, v11;
	v15 =	vunpack.i.u.bf16.f32 v10;
	[tilespmem:s19+$0xFFFFFFC0] =	vst v9  }
0x29c: {  	[tilespmem:s3+$0xFFFFFFE0] =	vst v8;
	v8 =	vunpack.i.l.bf16.f32 v23;
	v9 =	vmul.f32 v18, v15;
	v15 =	vld [tilespmem:s2+$0xFFFFFFF0]  }
0x29d: {  	v16 =	vperm.xlane v27, v6;
	[tilespmem:s10+$0x60] =	vst v11;
	v11 =	vunpack.i.u.bf16.f32 v23;
	v8 =	vmul.f32 v12, v8  }
0x29e: {  	v10 =	vunpack.i.l.bf16.f32 v10;
	v12 =	vperm.xlane v14, v6;
	[tilespmem:s19+$0x70] =	vst v9;
	v9 =	vmul.f32 v13, v11  }
0x29f: {  	v10 =	vmul.f32 v16, v10;
	v11 =	vperm.xlane v14, v7;
	[tilespmem:s11+$0xFFFFFFD0] =	vst v8;
	v8 =	vunpack.i.l.bf16.f32 v19  }
0x2a0: {  	v13 =	vperm.xlane v17, v6;
	[tilespmem:s11+$0xFFFFFFE0] =	vst v9;
	v9 =	vunpack.i.u.bf16.f32 v19;
	v8 =	vmul.f32 v12, v8  }
0x2a1: {  	[tilespmem:s19+$0x60] =	vst v10;
	v12 =	vperm.xlane v17, v7;
	v9 =	vmul.f32 v11, v9;
	v10 =	vunpack.i.l.bf16.f32 v15  }
0x2a2: {  	[tilespmem:s10+$0xFFFFFFD0] =	vst v8;
	v8 =	vunpack.i.u.bf16.f32 v15;
	v10 =	vmul.f32 v13, v10  }
0x2a3: {  	p2 =	seq.s32 s0, $0x9;
	s3 =	sshll.u32 s0, $0x7;
	[tilespmem:s10+$0xFFFFFFE0] =	vst v9;
	v8 =	vmul.f32 v12, v8  }
0x2a4: {  	s4 =	simm.s32 @!p2 $0x40;
	s11 =	sand.u32 $0x3FFFFF80, s3;
	[tilespmem:s19+$0xFFFFFFD0] =	vst v10  }
0x2a5: {  	s12 =	simm.s32 $0x4900;
	s1 =	sadd.s32 @!p2 $0x80, s3;
	s15 =	sadd.s32 s11, s31;
	[tilespmem:s19+$0xFFFFFFE0] =	vst v8  }
0x2a6: {  	[spmem:s30] =	stream.indirect.scatter.add.f32 [tilespmem:s12], [sflag:$0x7], $0x90, s15, s29, $0xb8;
	[tilespmem:$0x1F900] =	vst v63  }
0x2a7: {  	s2 =	sadd.s32 @!p2 s1, s13;
	s11 =	rddreg [dreg:$0x0];
	s10 =	simm.s32 @!p2 $0x1900  }
0x2a8: {  	[tilespmem:s10], [sflag:$0x1] =	stream.indirect.gather @!p2 [hbm4b:s11+s4], $0x40, s2, s4, $0xb8;
	[tilespmem:$0x1F900] =	vst v63  }
0x2a9: {  	s10 =	simm.s32 @!p2 $0x3900  }
0x2aa: {  	[tilespmem:s10], [sflag:$0x2] =	stream.indirect.gather @!p2 [hbm4b:s5+s4], $0x10, s2, s4, $0xb8;
	[tilespmem:$0x1F900] =	vst v63  }
0x2ab: {  	s1 =	sadd.s32 @!p2 s1, s31;
	s2 =	simm.s32 @!p2 $0x4100  }
0x2ac: {  	[tilespmem:s2], [sflag:$0x3] =	stream.indirect.gather @!p2 [hbm4b:s6+s4], $0x10, s1, s4, $0xb8;
	[tilespmem:$0x1F900] =	vst v63  }
0x2ad: {  	_ =	swait.ge [sflag:s24], $0x1000  }
0x2ae: {  	[sflag:s24] =	ssyncset.done $0x0  }
0x2af: {  	[sflag:s24] =	ssyncadd.s32 $0xFFFFF000  }
0x2b0: {  	_ =	swait.ge [sflag:s26], $0x400  }
0x2b1: {  	[sflag:s26] =	ssyncset.done $0x0  }
0x2b2: {  	[sflag:s26] =	ssyncadd.s32 $0xFFFFFC00  }
0x2b3: {  	_ =	swait.ge [sflag:s18], $0x400  }
0x2b4: {  	[sflag:s18] =	ssyncset.done $0x0  }
0x2b5: {  	[sflag:s18] =	ssyncadd.s32 $0xFFFFFC00  }
0x2b6: {  	_ =	swait.ge [sflag:s14], $0x2400  }
0x2b7: {  	[sflag:s14] =	ssyncset.done $0x0  }
0x2b8: {  	s19 =	simm.s32 $0x3D10;
	[sflag:s14] =	ssyncadd.s32 $0xFFFFDC00  }
0x2b9: {  	s20 =	simm.s32 $0x4510;
	v8 =	vld [tilespmem:s19+$0x0]  }
0x2ba: {  	v9 =	vld [tilespmem:s20+$0x0];
	_ =	sdelay $0x4  }
0x2bb: {  	v8 =	vadd.f32 v9, v8;
	_ =	sdelay $0x1  }
0x2bc: {  	v9 =	vmul.f32 $2.000000030e-01, v8;
	_ =	sdelay $0x1  }
0x2bd: {  	v10 =	vld [tilespmem:s19+$0xFFFFFFF0];
	v8 =	vmax.f32 v8, v9  }
0x2be: {  	v9 =	vld [tilespmem:s20+$0xFFFFFFF0];
	v8 =	vmul.f32 $1.442695020e+00, v8;
	_ =	sdelay $0x1  }
0x2bf: {  	(erf) = vpow2.f32 v8;
	_ =	sdelay $0x2  }
0x2c0: {  	s10 =	simm.s32 $0x4530;
	v8 =	vadd.f32 v9, v10  }
0x2c1: {  	s21 =	simm.s32 $0x3D30;
	v11 =	vld [tilespmem:s10+$0x0]  }
0x2c2: {  	v9 =	vld [tilespmem:s21+$0x0];
	v10 =	vmul.f32 $2.000000030e-01, v8;
	_ =	sdelay $0x1  }
0x2c3: {  	v8 =	vmax.f32 v8, v10  }
0x2c4: {  	v8 =	vmul.f32 $1.442695020e+00, v8  }
0x2c5: {  	s25 =	simm.s32 $0x6E10;
	v10 =	vld [tilespmem:s10+$0xFFFFFFF0];
	v15 =	vpop (erf)  }
0x2c6: {  	s1 =	simm.s32 $0x2970;
	(erf) = vpow2.f32 v8;
	v8 =	vadd.f32 v11, v9;
	v11 =	vld [tilespmem:s21+$0xFFFFFFF0];
	[tilespmem:s25+$0x0] =	vst v15  }
0x2c7: {  	v9 =	vld [tilespmem:s1+$0xFFFFFFD0]  }
0x2c8: {  	v12 =	vmul.f32 $2.000000030e-01, v8;
	_ =	sdelay $0x1  }
0x2c9: {  	v8 =	vmax.f32 v8, v12  }
0x2ca: {  	v12 =	vperm.xlane v15, v0;
	v8 =	vmul.f32 $1.442695020e+00, v8  }
0x2cb: {  	v14 =	vperm.xlane v15, v1;
	v10 =	vadd.f32 v10, v11;
	v13 =	vunpack.i.l.bf16.f32 v9  }
0x2cc: {  	v9 =	vunpack.i.u.bf16.f32 v9;
	(erf) = vpow2.f32 v8;
	v11 =	vmul.f32 v12, v13  }
0x2cd: {  	v8 =	vmul.f32 $2.000000030e-01, v10;
	v9 =	vmul.f32 v14, v9  }
0x2ce: {  	[tilespmem:s25+$0xFFFFFF80] =	vst v11  }
0x2cf: {  	v8 =	vmax.f32 v10, v8;
	[tilespmem:s25+$0xFFFFFF90] =	vst v9  }
0x2d0: {  	s11 =	simm.s32 $0x3D50;
	v8 =	vmul.f32 $1.442695020e+00, v8;
	v9 =	vld [tilespmem:s1+$0xFFFFFFE0]  }
0x2d1: {  	s12 =	simm.s32 $0x4550;
	v18 =	vperm.xlane v15, v6;
	v12 =	vld [tilespmem:s11+$0x0]  }
0x2d2: {  	v16 =	vperm.xlane v15, v2;
	v11 =	vpop (erf);
	(erf) = vpow2.f32 v8;
	v8 =	vld [tilespmem:s12+$0x0]  }
0x2d3: {  	v17 =	vld [tilespmem:s12+$0xFFFFFFF0];
	v22 =	vperm.xlane v15, v3;
	[tilespmem:s25+$0xFFFFFF70] =	vst v11;
	v14 =	vperm.xlane v11, v0  }
0x2d4: {  	v19 =	vperm.xlane v11, v1;
	v23 =	vperm.xlane v11, v2;
	v10 =	vld [tilespmem:s1+$0xFFFFFF90]  }
0x2d5: {  	v21 =	vld [tilespmem:s11+$0xFFFFFFF0];
	v24 =	vperm.xlane v11, v3;
	v20 =	vunpack.i.l.bf16.f32 v9;
	v9 =	vunpack.i.u.bf16.f32 v9  }
0x2d6: {  	v13 =	vpop (erf);
	v16 =	vmul.f32 v16, v20;
	v9 =	vmul.f32 v22, v9  }
0x2d7: {  	s4 =	simm.s32 $0x6F30;
	v8 =	vadd.f32 v8, v12;
	v12 =	vperm.xlane v11, v5;
	v27 =	vperm.xlane v13, v1  }
0x2d8: {  	[tilespmem:s4+$0x0] =	vst v13;
	v44 =	vperm.xlane v13, v3;
	v51 =	vperm.xlane v13, v5  }
0x2d9: {  	s11 =	simm.s32 $0x29F0;
	v56 =	vperm.xlane v13, v7;
	v20 =	vunpack.i.u.bf16.f32 v10;
	v10 =	vunpack.i.l.bf16.f32 v10;
	[tilespmem:s25+$0xFFFFFFA0] =	vst v16  }
0x2da: {  	v16 =	vld [tilespmem:s11+$0xFFFFFFD0];
	[tilespmem:s25+$0xFFFFFFB0] =	vst v9;
	v9 =	vadd.f32 v17, v21;
	v17 =	vmul.f32 $2.000000030e-01, v8;
	v19 =	vmul.f32 v19, v20  }
0x2db: {  	v20 =	vmul.f32 v14, v10;
	v14 =	vperm.xlane v11, v4  }
0x2dc: {  	v10 =	vperm.xlane v11, v6;
	v11 =	vperm.xlane v11, v7;
	v8 =	vmax.f32 v8, v17  }
0x2dd: {  	v21 =	vld [tilespmem:s1+$0xFFFFFFF0];
	v25 =	vpop (erf);
	v26 =	vmul.f32 $2.000000030e-01, v9;
	v8 =	vmul.f32 $1.442695020e+00, v8  }
0x2de: {  	v17 =	vperm.xlane v13, v0;
	[tilespmem:s4+$0xFFFFFF70] =	vst v25;
	v31 =	vperm.xlane v25, v3  }
0x2df: {  	[tilespmem:s25+$0xFFFFFF00] =	vst v19;
	v9 =	vmax.f32 v9, v26;
	v22 =	vunpack.i.l.bf16.f32 v16;
	(erf) = vpow2.f32 v8  }
0x2e0: {  	[tilespmem:s25+$0xFFFFFEF0] =	vst v20;
	v19 =	vld [tilespmem:s11+$0xFFFFFF90];
	v16 =	vunpack.i.u.bf16.f32 v16;
	v9 =	vmul.f32 $1.442695020e+00, v9;
	v17 =	vmul.f32 v17, v22  }
0x2e1: {  	v28 =	vld [tilespmem:s1+$0xFFFFFFA0];
	v22 =	vperm.xlane v15, v4;
	v16 =	vmul.f32 v27, v16  }
0x2e2: {  	v20 =	vunpack.i.l.bf16.f32 v21;
	v27 =	vperm.xlane v15, v5;
	v15 =	vperm.xlane v15, v7  }
0x2e3: {  	(erf) = vpow2.f32 v9;
	[tilespmem:s4+$0xFFFFFF80] =	vst v17;
	v17 =	vmul.f32 v22, v20  }
0x2e4: {  	v8 =	vunpack.i.u.bf16.f32 v21;
	v22 =	vperm.xlane v13, v6;
	[tilespmem:s4+$0xFFFFFF90] =	vst v16;
	v16 =	vperm.xlane v25, v1  }
0x2e5: {  	s19 =	simm.s32 $0x3D70;
	v8 =	vmul.f32 v27, v8;
	v20 =	vperm.xlane v25, v2;
	v21 =	vunpack.i.u.bf16.f32 v19;
	v26 =	vld [tilespmem:s11+$0xFFFFFFE0]  }
0x2e6: {  	v42 =	vld [tilespmem:s19+$0xFFFFFFF0];
	v9 =	vunpack.i.u.bf16.f32 v28;
	[tilespmem:s25+$0xFFFFFFC0] =	vst v17;
	v17 =	vperm.xlane v25, v0;
	v27 =	vmul.f32 v16, v21  }
0x2e7: {  	[tilespmem:s25+$0xFFFFFFD0] =	vst v8;
	v8 =	vunpack.i.l.bf16.f32 v19;
	v21 =	vld [tilespmem:s19+$0x0];
	v24 =	vmul.f32 v24, v9;
	v16 =	vperm.xlane v25, v5  }
0x2e8: {  	s20 =	simm.s32 $0x4570;
	v9 =	vperm.xlane v25, v6;
	v29 =	vld [tilespmem:s1+$0x0];
	v30 =	vmul.f32 v17, v8;
	v8 =	vunpack.i.l.bf16.f32 v28  }
0x2e9: {  	v28 =	vld [tilespmem:s20+$0x0];
	v23 =	vmul.f32 v23, v8;
	v8 =	vperm.xlane v13, v2  }
0x2ea: {  	v41 =	vld [tilespmem:s20+$0xFFFFFFF0];
	v17 =	vperm.xlane v25, v4;
	v43 =	vunpack.i.l.bf16.f32 v26;
	[tilespmem:s4+$0xFFFFFEF0] =	vst v30;
	v30 =	vperm.xlane v13, v4  }
0x2eb: {  	v19 =	vpop (erf);
	v26 =	vunpack.i.u.bf16.f32 v26;
	v34 =	vmul.f32 v8, v43;
	v8 =	vperm.xlane v25, v7  }
0x2ec: {  	s12 =	simm.s32 $0x7050;
	v25 =	vmul.f32 v44, v26;
	v37 =	vperm.xlane v19, v0  }
0x2ed: {  	s10 =	simm.s32 $0x2A70;
	[tilespmem:s12+$0x0] =	vst v19;
	v38 =	vperm.xlane v19, v1;
	v55 =	vperm.xlane v19, v3  }
0x2ee: {  	v63 =	vperm.xlane v19, v5;
	v45 =	vunpack.i.u.bf16.f32 v29;
	v26 =	vadd.f32 v28, v21;
	v28 =	vld [tilespmem:s10+$0xFFFFFFD0];
	[tilespmem:s4+$0xFFFFFFA0] =	vst v34  }
0x2ef: {  	v29 =	vunpack.i.l.bf16.f32 v29;
	v15 =	vmul.f32 v15, v45;
	[tilespmem:s4+$0xFFFFFFB0] =	vst v25;
	v25 =	vadd.f32 v41, v42  }
0x2f0: {  	v46 =	vpop (erf);
	v21 =	vperm.xlane v19, v6;
	v18 =	vmul.f32 v18, v29;
	v48 =	vld [tilespmem:s11+$0xFFFFFFF0]  }
0x2f1: {  	[tilespmem:s12+$0xFFFFFF70] =	vst v46;
	v29 =	vmul.f32 $2.000000030e-01, v26;
	v50 =	vmul.f32 $2.000000030e-01, v25  }
0x2f2: {  	[tilespmem:s4+$0xFFFFFF00] =	vst v27;
	v47 =	vperm.xlane v46, v0;
	v49 =	vperm.xlane v46, v1;
	v27 =	vld [tilespmem:s10+$0xFFFFFF90]  }
0x2f3: {  	[tilespmem:s25+$0xFFFFFF10] =	vst v23;
	v23 =	vld [tilespmem:s11+$0xFFFFFFA0];
	v26 =	vmax.f32 v26, v29;
	v25 =	vmax.f32 v25, v50;
	v29 =	vunpack.i.l.bf16.f32 v28  }
0x2f4: {  	v26 =	vmul.f32 $1.442695020e+00, v26;
	v28 =	vunpack.i.u.bf16.f32 v28;
	v29 =	vmul.f32 v37, v29  }
0x2f5: {  	[tilespmem:s25+$0xFFFFFF20] =	vst v24;
	v25 =	vmul.f32 $1.442695020e+00, v25;
	v28 =	vmul.f32 v38, v28;
	v24 =	vunpack.i.l.bf16.f32 v48  }
0x2f6: {  	s21 =	simm.s32 $0x3D90;
	(erf) = vpow2.f32 v26;
	v26 =	vld [tilespmem:s1+$0xFFFFFFB0];
	v24 =	vmul.f32 v30, v24;
	[tilespmem:s12+$0xFFFFFF80] =	vst v29;
	v29 =	vunpack.i.u.bf16.f32 v48  }
0x2f7: {  	v54 =	vld [tilespmem:s21+$0xFFFFFFF0];
	v30 =	vunpack.i.u.bf16.f32 v27;
	v27 =	vunpack.i.l.bf16.f32 v27;
	[tilespmem:s12+$0xFFFFFF90] =	vst v28;
	v28 =	vmul.f32 v51, v29  }
0x2f8: {  	v29 =	vmul.f32 v49, v30;
	[tilespmem:s4+$0xFFFFFFC0] =	vst v24;
	v24 =	vmul.f32 v47, v27;
	v27 =	vld [tilespmem:s10+$0xFFFFFFE0];
	v30 =	vunpack.i.l.bf16.f32 v23  }
0x2f9: {  	s20 =	simm.s32 $0x4590;
	v52 =	vperm.xlane v46, v2;
	v20 =	vmul.f32 v20, v30;
	v30 =	vld [tilespmem:s21+$0x0];
	[tilespmem:s4+$0xFFFFFFD0] =	vst v28  }
0x2fa: {  	v53 =	vperm.xlane v46, v3;
	(erf) = vpow2.f32 v25;
	[tilespmem:s12+$0xFFFFFF00] =	vst v29;
	v29 =	vld [tilespmem:s20+$0xFFFFFFF0]  }
0x2fb: {  	v13 =	vperm.xlane v46, v7;
	[tilespmem:s25+$0xFFFFFFF0] =	vst v15;
	v25 =	vunpack.i.u.bf16.f32 v23;
	v28 =	vld [tilespmem:s11+$0x0];
	v15 =	vunpack.i.l.bf16.f32 v26  }
0x2fc: {  	[tilespmem:s25+$0xFFFFFFE0] =	vst v18;
	v25 =	vmul.f32 v31, v25;
	v31 =	vmul.f32 v14, v15;
	v14 =	vld [tilespmem:s20+$0x0]  }
0x2fd: {  	v18 =	vperm.xlane v46, v5;
	[tilespmem:s12+$0xFFFFFEF0] =	vst v24;
	v15 =	vperm.xlane v19, v2  }
0x2fe: {  	v23 =	vperm.xlane v46, v4;
	[tilespmem:s4+$0xFFFFFF20] =	vst v25;
	v26 =	vunpack.i.u.bf16.f32 v26;
	v24 =	vunpack.i.l.bf16.f32 v27  }
0x2ff: {  	s30 =	simm.s32 $0x7170;
	[tilespmem:s4+$0xFFFFFF10] =	vst v20;
	v57 =	vld [tilespmem:s10+$0xFFFFFFA0];
	v26 =	vmul.f32 v12, v26;
	v15 =	vmul.f32 v15, v24;
	v24 =	vunpack.i.u.bf16.f32 v27;
	v20 =	vpop (erf)  }
0x300: {  	s19 =	simm.s32 $0x2AF0;
	v12 =	vperm.xlane v46, v6;
	v24 =	vmul.f32 v55, v24;
	[tilespmem:s30+$0x0] =	vst v20  }
0x301: {  	v25 =	vadd.f32 v29, v54;
	v27 =	vunpack.i.u.bf16.f32 v28;
	[tilespmem:s12+$0xFFFFFFA0] =	vst v15;
	v30 =	vadd.f32 v14, v30;
	v58 =	vld [tilespmem:s19+$0xFFFFFFD0]  }
0x302: {  	v28 =	vunpack.i.l.bf16.f32 v28;
	v15 =	vperm.xlane v20, v6;
	v40 =	vperm.xlane v20, v1;
	[tilespmem:s12+$0xFFFFFFB0] =	vst v24  }
0x303: {  	v14 =	vpop (erf);
	v24 =	vmul.f32 v22, v28;
	v59 =	vld [tilespmem:s10+$0xFFFFFFF0];
	v28 =	vmul.f32 $2.000000030e-01, v30  }
0x304: {  	v61 =	vunpack.i.u.bf16.f32 v57;
	v27 =	vmul.f32 v56, v27;
	v39 =	vmul.f32 $2.000000030e-01, v25;
	[tilespmem:s30+$0xFFFFFF70] =	vst v14  }
0x305: {  	[tilespmem:s25+$0xFFFFFF30] =	vst v31;
	v32 =	vmul.f32 v53, v61;
	v31 =	vld [tilespmem:s19+$0xFFFFFF90];
	v28 =	vmax.f32 v30, v28;
	v30 =	vperm.xlane v20, v0  }
0x306: {  	[tilespmem:s25+$0xFFFFFF40] =	vst v26;
	v29 =	vperm.xlane v14, v0;
	v26 =	vmul.f32 $1.442695020e+00, v28;
	v28 =	vunpack.i.l.bf16.f32 v58  }
0x307: {  	[tilespmem:s4+$0xFFFFFFF0] =	vst v27;
	v27 =	vunpack.i.u.bf16.f32 v58;
	v28 =	vmul.f32 v30, v28;
	v30 =	vperm.xlane v19, v4  }
0x308: {  	v62 =	vld [tilespmem:s11+$0xFFFFFFB0];
	v60 =	vperm.xlane v14, v1;
	[tilespmem:s4+$0xFFFFFFE0] =	vst v24;
	v24 =	vmul.f32 v40, v27;
	v27 =	vunpack.i.l.bf16.f32 v59  }
0x309: {  	(erf) = vpow2.f32 v26;
	v26 =	vunpack.i.u.bf16.f32 v59;
	[tilespmem:s30+$0xFFFFFF80] =	vst v28;
	v27 =	vmul.f32 v30, v27  }
0x30a: {  	v25 =	vmax.f32 v25, v39;
	v28 =	vunpack.i.u.bf16.f32 v31;
	[tilespmem:s30+$0xFFFFFF90] =	vst v24;
	v30 =	vmul.f32 v63, v26;
	v26 =	vld [tilespmem:s1+$0xFFFFFFC0]  }
0x30b: {  	v25 =	vmul.f32 $1.442695020e+00, v25;
	v24 =	vunpack.i.l.bf16.f32 v31;
	v28 =	vmul.f32 v60, v28;
	[tilespmem:s12+$0xFFFFFFC0] =	vst v27  }
0x30c: {  	v22 =	vperm.xlane v14, v2;
	v31 =	vunpack.i.l.bf16.f32 v57;
	v27 =	vmul.f32 v29, v24;
	[tilespmem:s12+$0xFFFFFFD0] =	vst v30;
	v29 =	vld [tilespmem:s19+$0xFFFFFFE0]  }
0x30d: {  	s28 =	simm.s32 $0x2AF0;
	v33 =	vunpack.i.l.bf16.f32 v62;
	(erf) = vpow2.f32 v25;
	v31 =	vmul.f32 v52, v31;
	[tilespmem:s30+$0xFFFFFF00] =	vst v28;
	v28 =	vld [tilespmem:s10+$0x0]  }
0x30e: {  	s2 =	simm.s32 $0x3DB0;
	s21 =	simm.s32 $0x8;
	v25 =	vperm.xlane v14, v4;
	s1 =	simm.s32 $0x7170;
	v24 =	vperm.xlane v14, v3;
	v30 =	vunpack.i.u.bf16.f32 v62;
	[tilespmem:s30+$0xFFFFFEF0] =	vst v27  }
.LBB2_7:
0x30f: {  	v27 =	vld [tilespmem:s2+$0x0];
	s20 =	sadd.s32 $0x20, s20;
	v38 =	vperm.xlane v14, v5;
	[tilespmem:s12+$0xFFFFFF10] =	vst v31;
	v31 =	vmul.f32 v17, v33;
	v33 =	vunpack.i.u.bf16.f32 v26;
	v17 =	vmovc v23  }
0x310: {  	v35 =	vperm.xlane v20, v2;
	v30 =	vmul.f32 v16, v30;
	v26 =	vunpack.i.l.bf16.f32 v26;
	v16 =	vmovc v18;
	v23 =	vld [tilespmem:s20+$0x0];
	[tilespmem:s12+$0xFFFFFF20] =	vst v32  }
0x311: {  	v36 =	vperm.xlane v14, v6;
	v40 =	vperm.xlane v19, v7;
	v32 =	vld [tilespmem:s20+$0xFFFFFFF0];
	v37 =	vunpack.i.l.bf16.f32 v29;
	[tilespmem:s4+$0xFFFFFF30] =	vst v31;
	v18 =	vmovc v38  }
0x312: {  	s30 =	sadd.s32 $0x120, s30;
	v31 =	vld [tilespmem:s2+$0xFFFFFFF0];
	v34 =	vpop (erf);
	v35 =	vmul.f32 v35, v37;
	v37 =	vperm.xlane v20, v3;
	v38 =	vunpack.i.u.bf16.f32 v28;
	[tilespmem:s4+$0xFFFFFF40] =	vst v30  }
0x313: {  	v39 =	vperm.xlane v14, v7;
	v19 =	vmovc v20;
	v14 =	vunpack.i.u.bf16.f32 v29;
	[tilespmem:s30+$0x0] =	vst v34;
	v30 =	vld [tilespmem:s19+$0xFFFFFFA0];
	v29 =	vmul.f32 v40, v38  }
0x314: {  	v28 =	vunpack.i.l.bf16.f32 v28;
	v38 =	vperm.xlane v34, v6;
	s19 =	sadd.s32 $0x80, s19;
	v20 =	vmovc v34;
	[tilespmem:s1+$0xFFFFFFA0] =	vst v35;
	v35 =	vmul.f32 v37, v14;
	v37 =	vld [tilespmem:s10+$0xFFFFFFB0]  }
0x315: {  	v33 =	vmul.f32 v11, v33;
	v23 =	vadd.f32 v23, v27;
	v27 =	vld [tilespmem:s19+$0xFFFFFFD0];
	[tilespmem:s12+$0xFFFFFFF0] =	vst v29;
	v29 =	vmul.f32 v10, v26  }
0x316: {  	v21 =	vmul.f32 v21, v28;
	v10 =	vmov v9;
	v9 =	vmov v12;
	v14 =	vpop (erf);
	[tilespmem:s1+$0xFFFFFFB0] =	vst v35;
	v26 =	vld [tilespmem:s11+$0xFFFFFFC0];
	s11 =	smov.u32 s10;
	s10 =	smov.u32 s28;
	s28 =	smov.u32 s19  }
0x317: {  	s21 =	sadd.s32 $0x2, s21;
	v12 =	vmovc v36;
	v28 =	vadd.f32 v32, v31;
	v31 =	vmul.f32 $2.000000030e-01, v23;
	[tilespmem:s30+$0xFFFFFF70] =	vst v14;
	v32 =	vperm.xlane v14, v0;
	v34 =	vld [tilespmem:s10+$0xFFFFFFF0]  }
0x318: {  	p3 =	slt.u32 s21, $0x3E;
	v11 =	vmovc v8;
	v36 =	vperm.xlane v14, v1;
	v40 =	vperm.xlane v14, v2;
	v35 =	vld [tilespmem:s19+$0xFFFFFF90];
	v41 =	vunpack.i.u.bf16.f32 v30;
	[tilespmem:s25+$0xFFFFFF50] =	vst v29  }
0x319: {  	v8 =	vmovc v13;
	v29 =	vmul.f32 $2.000000030e-01, v28;
	v44 =	vmax.f32 v23, v31;
	v31 =	vperm.xlane v20, v0;
	[tilespmem:s25+$0xFFFFFF60] =	vst v33;
	s25 =	smov.u32 s4;
	s4 =	smov.u32 s12;
	s12 =	smov.u32 s1  }
0x31a: {  	v13 =	vmovc v39;
	v42 =	vperm.xlane v20, v1;
	s1 =	smov.u32 s30;
	v33 =	vmul.f32 $1.442695020e+00, v44;
	v43 =	vunpack.i.l.bf16.f32 v27;
	[tilespmem:s4+$0xFFFFFFE0] =	vst v21;
	v21 =	vmovc v15  }
0x31b: {  	v39 =	vperm.xlane v19, v4;
	v23 =	vmovc v25;
	v27 =	vunpack.i.u.bf16.f32 v27;
	v15 =	vmovc v38;
	v31 =	vmul.f32 v31, v43  }
0x31c: {  	v38 =	vperm.xlane v19, v5;
	v25 =	vmul.f32 v42, v27;
	v27 =	vunpack.i.l.bf16.f32 v34  }
0x31d: {  	(erf) = vpow2.f32 v33;
	[tilespmem:s30+$0xFFFFFF80] =	vst v31;
	v31 =	vunpack.i.u.bf16.f32 v34;
	v27 =	vmul.f32 v39, v27  }
.Ltmp10:
0x31e: {  	v28 =	vmax.f32 v28, v29;
	v29 =	vunpack.i.u.bf16.f32 v35;
	[tilespmem:s30+$0xFFFFFF90] =	vst v25;
	v25 =	vmul.f32 v38, v31;
	(pc) =	sbr.rel @p3 .LBB2_7-.Ltmp10, $4  }
0x31f: {  	v28 =	vmul.f32 $1.442695020e+00, v28;
	v31 =	vunpack.i.l.bf16.f32 v35;
	v33 =	vmul.f32 v36, v29;
	[tilespmem:s12+$0xFFFFFFC0] =	vst v27  }
0x320: {  	v30 =	vunpack.i.l.bf16.f32 v30;
	v34 =	vperm.xlane v14, v3;
	v27 =	vmul.f32 v32, v31;
	v29 =	vld [tilespmem:s19+$0xFFFFFFE0];
	[tilespmem:s12+$0xFFFFFFD0] =	vst v25  }
0x321: {  	v31 =	vmul.f32 v22, v30;
	v30 =	vunpack.i.u.bf16.f32 v37;
	v22 =	vmovc v40;
	(erf) = vpow2.f32 v28;
	[tilespmem:s30+$0xFFFFFF00] =	vst v33;
	v28 =	vld [tilespmem:s10+$0x0]  }
0x322: {  	s2 =	sadd.s32 $0x20, s2;
	v32 =	vmul.f32 v24, v41;
	v24 =	vmovc v34;
	v25 =	vperm.xlane v14, v4;
	v33 =	vunpack.i.l.bf16.f32 v37;
	[tilespmem:s30+$0xFFFFFEF0] =	vst v27  }
0x323: {  	_ =	sdelay $0x4  }
0x324: {  	s20 =	sadd.s32 $0x120, s30;
	[tilespmem:s12+$0xFFFFFF10] =	vst v31;
	v27 =	vpop (erf)  }
0x325: {  	s2 =	sadd.s32 $0x80, s19;
	[tilespmem:s20+$0x0] =	vst v27  }
0x326: {  	v52 =	vmul.f32 v17, v33;
	[tilespmem:s12+$0xFFFFFF20] =	vst v32;
	v34 =	vld [tilespmem:s2+$0xFFFFFFD0];
	v17 =	vpop (erf)  }
0x327: {  	v16 =	vmul.f32 v16, v30;
	v35 =	vperm.xlane v20, v2;
	v61 =	vunpack.i.l.bf16.f32 v26;
	[tilespmem:s20+$0xFFFFFF70] =	vst v17  }
0x328: {  	v36 =	vperm.xlane v20, v3;
	v10 =	vmul.f32 v10, v61;
	[tilespmem:s4+$0xFFFFFF30] =	vst v52;
	v57 =	vunpack.i.l.bf16.f32 v29;
	v56 =	vld [tilespmem:s2+$0xFFFFFF90]  }
0x329: {  	v19 =	vperm.xlane v19, v7;
	[tilespmem:s4+$0xFFFFFF40] =	vst v16;
	v59 =	vunpack.i.u.bf16.f32 v29;
	v32 =	vmul.f32 v35, v57  }
0x32a: {  	v60 =	vunpack.i.u.bf16.f32 v28;
	v29 =	vmul.f32 v36, v59;
	[tilespmem:s25+$0xFFFFFF50] =	vst v10;
	v53 =	vperm.xlane v27, v0  }
0x32b: {  	v55 =	vperm.xlane v27, v1;
	v19 =	vmul.f32 v19, v60;
	[tilespmem:s1+$0xFFFFFFA0] =	vst v32;
	v54 =	vunpack.i.l.bf16.f32 v34  }
0x32c: {  	v38 =	vld [tilespmem:s19+$0xFFFFFFA0];
	[tilespmem:s1+$0xFFFFFFB0] =	vst v29;
	v62 =	vperm.xlane v17, v1;
	v34 =	vunpack.i.u.bf16.f32 v34;
	v30 =	vmul.f32 v53, v54  }
0x32d: {  	v59 =	vld [tilespmem:s11+$0xFFFFFFC0];
	[tilespmem:s12+$0xFFFFFFF0] =	vst v19;
	v33 =	vperm.xlane v17, v0;
	v58 =	vmul.f32 v55, v34;
	v34 =	vunpack.i.u.bf16.f32 v56  }
0x32e: {  	[tilespmem:s20+$0xFFFFFF80] =	vst v30;
	v31 =	vunpack.i.l.bf16.f32 v56;
	v29 =	vmul.f32 v62, v34  }
0x32f: {  	v36 =	vunpack.i.u.bf16.f32 v26;
	v35 =	vld [tilespmem:s28+$0xFFFFFFF0];
	[tilespmem:s20+$0xFFFFFF90] =	vst v58;
	v37 =	vmul.f32 v33, v31  }
0x330: {  	v39 =	vunpack.i.l.bf16.f32 v28;
	v11 =	vmul.f32 v11, v36;
	v63 =	vld [tilespmem:s2+$0xFFFFFFE0];
	[tilespmem:s20+$0xFFFFFF00] =	vst v29  }
0x331: {  	v21 =	vmul.f32 v21, v39;
	v50 =	vunpack.i.l.bf16.f32 v38;
	[tilespmem:s20+$0xFFFFFEF0] =	vst v37  }
0x332: {  	[tilespmem:s25+$0xFFFFFF60] =	vst v11;
	v52 =	vmul.f32 v22, v50;
	v36 =	vunpack.i.l.bf16.f32 v59;
	v44 =	vld [tilespmem:s2+$0xFFFFFFA0]  }
0x333: {  	v43 =	vperm.xlane v20, v4;
	v16 =	vunpack.i.u.bf16.f32 v38;
	[tilespmem:s12+$0xFFFFFFE0] =	vst v21;
	v9 =	vmul.f32 v9, v36  }
0x334: {  	v42 =	vperm.xlane v27, v3;
	[tilespmem:s1+$0xFFFFFF10] =	vst v52;
	v46 =	vunpack.i.l.bf16.f32 v35;
	v55 =	vmul.f32 v24, v16  }
0x335: {  	v48 =	vld [tilespmem:s10+$0xFFFFFFB0];
	v40 =	vperm.xlane v27, v2;
	[tilespmem:s4+$0xFFFFFF50] =	vst v9;
	v11 =	vmul.f32 v43, v46;
	v45 =	vunpack.i.u.bf16.f32 v63  }
0x336: {  	v51 =	vperm.xlane v17, v2;
	[tilespmem:s1+$0xFFFFFF20] =	vst v55;
	v41 =	vunpack.i.l.bf16.f32 v63;
	v28 =	vmul.f32 v42, v45  }
0x337: {  	v54 =	vperm.xlane v17, v3;
	[tilespmem:s1+$0xFFFFFFC0] =	vst v11;
	v10 =	vmul.f32 v40, v41;
	v56 =	vunpack.i.l.bf16.f32 v44  }
0x338: {  	v47 =	vperm.xlane v20, v5;
	[tilespmem:s20+$0xFFFFFFB0] =	vst v28;
	v28 =	vld [tilespmem:s28+$0xFFFFFFB0];
	v58 =	vunpack.i.u.bf16.f32 v44;
	v16 =	vmul.f32 v51, v56  }
0x339: {  	v19 =	vunpack.i.u.bf16.f32 v35;
	[tilespmem:s20+$0xFFFFFFA0] =	vst v10;
	v61 =	vmul.f32 v54, v58  }
0x33a: {  	v49 =	vmul.f32 v47, v19;
	v62 =	vunpack.i.u.bf16.f32 v48;
	v53 =	vld [tilespmem:s2+$0xFFFFFFF0];
	[tilespmem:s20+$0xFFFFFF10] =	vst v16  }
0x33b: {  	v60 =	vunpack.i.l.bf16.f32 v48;
	v11 =	vmul.f32 v18, v62;
	[tilespmem:s20+$0xFFFFFF20] =	vst v61  }
0x33c: {  	v47 =	vunpack.i.u.bf16.f32 v59;
	[tilespmem:s1+$0xFFFFFFD0] =	vst v49;
	v63 =	vmul.f32 v23, v60;
	v33 =	vld [tilespmem:s2+$0xFFFFFFB0]  }
0x33d: {  	v8 =	vmul.f32 v8, v47;
	v37 =	vperm.xlane v14, v5;
	[tilespmem:s12+$0xFFFFFF40] =	vst v11;
	v38 =	vunpack.i.l.bf16.f32 v28  }
0x33e: {  	v57 =	vld [tilespmem:s28+$0x0];
	v29 =	vperm.xlane v27, v4;
	[tilespmem:s12+$0xFFFFFF30] =	vst v63;
	v41 =	vunpack.i.u.bf16.f32 v28;
	v11 =	vmul.f32 v25, v38  }
0x33f: {  	v31 =	vperm.xlane v27, v5;
	[tilespmem:s4+$0xFFFFFF60] =	vst v8;
	v43 =	vld [tilespmem:s10+$0xFFFFFFC0];
	v30 =	vunpack.i.l.bf16.f32 v53;
	v44 =	vmul.f32 v37, v41  }
0x340: {  	v39 =	vperm.xlane v17, v4;
	v19 =	vunpack.i.u.bf16.f32 v53;
	v16 =	vmul.f32 v29, v30;
	[tilespmem:s1+$0xFFFFFF30] =	vst v11  }
0x341: {  	v42 =	vperm.xlane v17, v5;
	v35 =	vmul.f32 v31, v19;
	[tilespmem:s1+$0xFFFFFF40] =	vst v44;
	v45 =	vunpack.i.l.bf16.f32 v33  }
0x342: {  	v32 =	vperm.xlane v20, v7;
	[tilespmem:s20+$0xFFFFFFC0] =	vst v16;
	v51 =	vld [tilespmem:s28+$0xFFFFFFC0];
	v46 =	vunpack.i.u.bf16.f32 v33;
	v16 =	vmul.f32 v39, v45  }
0x343: {  	v34 =	vunpack.i.u.bf16.f32 v57;
	[tilespmem:s20+$0xFFFFFFD0] =	vst v35;
	v48 =	vmul.f32 v42, v46  }
0x344: {  	v10 =	vmul.f32 v32, v34;
	v8 =	vunpack.i.l.bf16.f32 v43;
	v40 =	vld [tilespmem:s2+$0x0];
	[tilespmem:s20+$0xFFFFFF30] =	vst v16  }
0x345: {  	v56 =	vunpack.i.u.bf16.f32 v43;
	v8 =	vmul.f32 v12, v8;
	[tilespmem:s20+$0xFFFFFF40] =	vst v48  }
0x346: {  	v49 =	vunpack.i.l.bf16.f32 v57;
	v57 =	vperm.xlane v14, v6;
	[tilespmem:s1+$0xFFFFFFF0] =	vst v10;
	v58 =	vmul.f32 v13, v56;
	v54 =	vld [tilespmem:s2+$0xFFFFFFC0]  }
0x347: {  	v59 =	vperm.xlane v14, v7;
	v11 =	vmul.f32 v15, v49;
	[tilespmem:s12+$0xFFFFFF50] =	vst v8;
	v8 =	vunpack.i.l.bf16.f32 v51  }
0x348: {  	v55 =	vperm.xlane v27, v6;
	[tilespmem:s12+$0xFFFFFF60] =	vst v58;
	v61 =	vunpack.i.u.bf16.f32 v51;
	v8 =	vmul.f32 v57, v8  }
0x349: {  	v50 =	vperm.xlane v27, v7;
	[tilespmem:s1+$0xFFFFFFE0] =	vst v11;
	v10 =	vunpack.i.l.bf16.f32 v40;
	v9 =	vmul.f32 v59, v61  }
0x34a: {  	v60 =	vperm.xlane v17, v6;
	v52 =	vunpack.i.u.bf16.f32 v40;
	v10 =	vmul.f32 v55, v10;
	[tilespmem:s1+$0xFFFFFF50] =	vst v8  }
0x34b: {  	v62 =	vperm.xlane v17, v7;
	v53 =	vmul.f32 v50, v52;
	[tilespmem:s1+$0xFFFFFF60] =	vst v9;
	v63 =	vunpack.i.l.bf16.f32 v54  }
.Ltmp11:
0x34c: {  	[tilespmem:s20+$0xFFFFFFE0] =	vst v10;
	v8 =	vunpack.i.u.bf16.f32 v54;
	v10 =	vmul.f32 v60, v63;
	(pc) =	sbr.rel @p2 .LBB2_10-.Ltmp11, $4  }
0x34d: {  	[tilespmem:s20+$0xFFFFFFF0] =	vst v53;
	v8 =	vmul.f32 v62, v8  }
0x34e: {  	[tilespmem:s20+$0xFFFFFF50] =	vst v10  }
0x34f: {  	s30 =	rddreg [dreg:$0x2];
	s25 =	sadd.s32 $0x40, s15;
	s28 =	simm.s32 $0x6D00;
	[tilespmem:s20+$0xFFFFFF60] =	vst v8  }
0x350: {  	[spmem:s30] =	stream.indirect.scatter.add.f32 [tilespmem:s28], [sflag:$0x8], $0x90, s25, s29, $0xb8;
	[tilespmem:$0x1F900] =	vst v63  }
0x351: {  	s1 =	sadd.s32 $0xC0, s3  }
0x352: {  	s21 =	rddreg [dreg:$0x0];
	s4 =	simm.s32 $0x2900;
	s2 =	sadd.s32 s1, s13  }
0x353: {  	[tilespmem:s4], [sflag:$0x4] =	stream.indirect.gather [hbm4b:s21+s29], $0x40, s2, s29, $0xb8;
	[tilespmem:$0x1F900] =	vst v63  }
.Ltmp12:
0x354: {  	_ = 	snop;
	(pc) =	sbr.rel .LBB2_4-.Ltmp12, $4  }
0x355: {  	s25 =	simm.s32 $0x3D00  }
0x356: {  	[tilespmem:s25], [sflag:$0x5] =	stream.indirect.gather [hbm4b:s5+s29], $0x10, s2, s29, $0xb8;
	[tilespmem:$0x1F900] =	vst v63  }
0x357: {  	s28 =	simm.s32 $0x4500;
	s0 =	sadd.s32 $0x1, s0;
	s1 =	sadd.s32 s1, s31  }
0x358: {  	[tilespmem:s28], [sflag:$0x6] =	stream.indirect.gather [hbm4b:s6+s29], $0x10, s1, s29, $0xb8;
	[tilespmem:$0x1F900] =	vst v63  }
.LBB2_10:
.Ltmp13:
0x359: {  	(pc) =	sbr.rel @p1 .LBB2_22-.Ltmp13, $1  }
0x35a: {  	_ =	sdelay $0x3  }
0x35b: {  	s0 =	simm.s32 $0x9  }
0x35c: {  	_ =	swait.ge [sflag:s0], $0x500  }
0x35d: {  	[sflag:s0] =	ssyncset.done $0x0  }
0x35e: {  	s1 =	simm.s32 $0xA;
	[sflag:s0] =	ssyncadd.s32 $0xFFFFFB00  }
0x35f: {  	_ =	swait.ge [sflag:s1], $0x500  }
0x360: {  	s19 =	rddreg [dreg:$0x17]  }
0x361: {  	[sflag:s1] =	ssyncset.done $0x0;
	s0 =	smul.u32 $0x1400, s19  }
0x362: {  	s20 =	simm.s32 $0x1900;
	s21 =	rddreg [dreg:$0x19];
	[sflag:s1] =	ssyncadd.s32 $0xFFFFFB00  }
0x363: {  	s1 =	smul.u32 $0x1400, s21;
	s3 =	rddreg [dreg:$0x0];
	s0 =	sshrl.u32 s0, $0x2  }
0x364: {  	[tilespmem:s20], [sflag:$0x1] =	stream.indirect.gather [hbm4b:s3+s29], $0x40, s0, s29, $0xb8;
	[tilespmem:$0x1F900] =	vst v63  }
0x365: {  	s2 =	simm.s32 $0x3900;
	s1 =	sshrl.u32 s1, $0x2  }
0x366: {  	[tilespmem:s2], [sflag:$0x2] =	stream.indirect.gather [hbm4b:s5+s29], $0x10, s0, s29, $0xb8;
	[tilespmem:$0x1F900] =	vst v63  }
0x367: {  	s4 =	simm.s32 $0x4100;
	s25 =	sadd.s32 $0xA00, s1  }
0x368: {  	[tilespmem:s4], [sflag:$0x3] =	stream.indirect.gather [hbm4b:s6+s29], $0x10, s25, s29, $0xb8;
	[tilespmem:$0x1F900] =	vst v63  }
.Ltmp14:
0x369: {  	s28 =	simm.s32 $0x2900;
	s0 =	sor.u32 $0x40, s0;
	(pc) =	sbr.rel .LBB2_3-.Ltmp14, $4  }
0x36a: {  	[tilespmem:s28], [sflag:$0x4] =	stream.indirect.gather [hbm4b:s3+s29], $0x40, s0, s29, $0xb8;
	[tilespmem:$0x1F900] =	vst v63  }
0x36b: {  	s31 =	simm.s32 $0x3D00  }
0x36c: {  	[tilespmem:s31], [sflag:$0x5] =	stream.indirect.gather [hbm4b:s5+s29], $0x10, s0, s29, $0xb8;
	[tilespmem:$0x1F900] =	vst v63  }
0x36d: {  	s4 =	rddreg [dreg:$0x15];
	s0 =	sadd.s32 $0xA40, s1  }
.LBB2_23:
0x36e: {  	_ =	sfence.sel $0x180000  }
0x36f: {  	[bflag:$0x0] =	sbarrier.arrive $0xFFFF  }
0x370: {  	_ =	strace $0x90000047  }
0x371: {  	s0 =	stileid.u32;
	[bflag:$0x2] =	sbarrier.arrive $0xFFFF  }
0x372: {  	p0 =	sne.s32 s0, $0x0;
	s0 =	rddreg [dreg:$0x3]  }
0x373: {  	s0 =	sadd.s32 @!p0 $0x100000, s0  }
0x374: {  	[sflag:s0] =	ssyncadd.tile.s32 @!p0 $0x1;
	_ =	shalt  }
.Lfunc_end2:
_tile_overlayer_lowered:
.L_overlay_start_2:
0x375: {  	(tag) =	ssettag $0x2  }
0x376: {  	s0 =	rddreg [dreg:$0x0];
	s2 =	stileid.u32  }
0x377: {  	s1 =	rddreg [dreg:$0x1];
	p0 =	sne.s32 s2, $0x0  }
0x378: {  	s3 =	rddreg [dreg:$0x2];
	[bflag:$0x3] =	sbarrier.arrive $0xFFFF;
	s2 =	simm.s32 @!p0 $0x1C0B  }
0x379: {  	[timem:s3], [sflag:s2] =	dma.local @!p0 [hbm:s0], s1  }
0x37a: {  	s0 =	simm.s32 @!p0 $0xB  }
0x37b: {  	_ =	swait.ge @!p0 [sflag:s0], s1  }
0x37c: {  	s1 =	ssub.s32 @!p0 $0x0, s1;
	[sflag:s0] =	ssyncset.done @!p0 $0x0  }
0x37d: {  	[sflag:s0] =	ssyncadd.s32 @!p0 s1  }
0x37e: {  	[bflag:$0x3] =	sbarrier.arrive $0xFFFF  }
0x37f: {  	_ =	shalt  }

</sc_bundles>
